<compile_context>
chip_gen: v7x
topology: tpu7x:2x2x1
jax: 0.10.2.dev20260603
libtpu: 0.0.44.dev20260713+nightly
codegen_flags: <defaults>
</compile_context>

<pallas_src>
import functools

import jax
import jax.numpy as jnp
from jax import lax
from jax.experimental import pallas as pl
from jax.experimental.pallas import tpu as pltpu
from jax.experimental.pallas import tpu_sc as plsc

_N = 10000
_E = 640000
_D = 128
_HOPS = 3
_NC = 2
_NS = 16
_NW = _NC * _NS
_C = 128
_SB = 8
_NSUP = 60
_CPW = _SB * _NSUP
_NCHUNK = _NW * _CPW
_EPAD = _NCHUNK * _C
_TOTAL_E = _HOPS * _E
_MB = 2000


def _matmul_body(x_ref, w_ref, out_ref):
    out_ref[0] = jnp.dot(x_ref[...], w_ref[0],
                         preferred_element_type=jnp.float32)


def _feats(x, W):
    return pl.pallas_call(
        _matmul_body,
        grid=(_HOPS, _N // _MB),
        in_specs=[
            pl.BlockSpec((_MB, _D), lambda h, i: (i, 0)),
            pl.BlockSpec((1, _D, _D), lambda h, i: (h, 0, 0)),
        ],
        out_specs=pl.BlockSpec((1, _MB, _D), lambda h, i: (h, i, 0)),
        out_shape=jax.ShapeDtypeStruct((_HOPS, _N, _D), jnp.float32),
    )(x, W)


def _combine_body(p_ref, o_ref):
    o_ref[...] = jnp.maximum(p_ref[0] + p_ref[1], 0.0)


def _combine(p):
    return pl.pallas_call(
        _combine_body,
        grid=(_N // _MB,),
        in_specs=[pl.BlockSpec((_NC, _MB, _D), lambda i: (0, i, 0))],
        out_specs=pl.BlockSpec((_MB, _D), lambda i: (i, 0)),
        out_shape=jax.ShapeDtypeStruct((_N, _D), jnp.float32),
    )(p)


@functools.partial(
    pl.kernel,
    out_type=jax.ShapeDtypeStruct((_NC, _N, _D), jnp.float32),
    mesh=plsc.VectorSubcoreMesh(core_axis_name="c", subcore_axis_name="s"),
    scratch_types=[
        pltpu.VMEM((2, _SB, 2, _C), jnp.int32),
        pltpu.VMEM((2, _SB, _C), jnp.float32),
        pltpu.VMEM((2, _C), jnp.int32),
        pltpu.VMEM((2, _C, _D), jnp.float32),
        pltpu.VMEM_SHARED((_N, _D), jnp.float32),
        pltpu.SemaphoreType.DMA,
        pltpu.SemaphoreType.DMA,
        pltpu.SemaphoreType.DMA,
        pltpu.SemaphoreType.DMA,
        pltpu.SemaphoreType.DMA,
        pltpu.SemaphoreType.DMA,
    ],
)
def _propagate(feat_hbm, crv_hbm, vals_hbm, out_hbm,
               crv, vals, ridx, rows, accum,
               semi0, semi1, semg0, semg1, sema0, sema1):
    semi = (semi0, semi1)
    semg = (semg0, semg1)
    sema = (sema0, sema1)

    c = lax.axis_index("c")
    s = lax.axis_index("s")
    w = s * _NC + c
    base = w * _NSUP

    def _zrow(e, carry):
        for k in range(_D // 16):
            rows[0, e, pl.ds(k * 16, 16)] = jnp.zeros((16,), jnp.float32)
        return carry

    lax.fori_loop(0, _C, _zrow, 0)

    nspan = _N // _C
    tail = _N - nspan * _C
    for j in range((nspan + _NS - 1) // _NS):
        idx = s + _NS * j

        @pl.when(idx < nspan)
        def _zero_span():
            off = pl.multiple_of(idx * _C, 8)
            pltpu.sync_copy(rows.at[0], accum.at[pl.ds(off, _C)])

    @pl.when(s == _NS - 1)
    def _zero_tail():
        pltpu.sync_copy(rows.at[0, pl.ds(0, tail)],
                        accum.at[pl.ds(nspan * _C, tail)])

    plsc.subcore_barrier()

    def _start_idx_load(sp, p):
        g = pl.multiple_of((base + sp) * _SB, 8)
        pltpu.async_copy(crv_hbm.at[pl.ds(g, _SB)], crv.at[p], semi[p])
        pltpu.async_copy(vals_hbm.at[pl.ds(g, _SB)], vals.at[p], semi[p])

    def _wait_idx_load(p):
        pltpu.make_async_copy(crv_hbm.at[pl.ds(0, _SB)], crv.at[p],
                              semi[p]).wait()
        pltpu.make_async_copy(vals_hbm.at[pl.ds(0, _SB)], vals.at[p],
                              semi[p]).wait()

    def _start_gather(p, k, b):
        pltpu.async_copy(feat_hbm.at[crv.at[p, k, 0]], rows.at[b],
                         semg[b])

    def _wait_gather(b):
        pltpu.make_async_copy(feat_hbm.at[crv.at[0, 0, 0]], rows.at[b],
                              semg[b]).wait()

    def _start_scatter(b):
        pltpu.async_copy(rows.at[b], accum.at[ridx.at[b]], sema[b],
                         add=True)

    def _wait_scatter(b):
        pltpu.make_async_copy(rows.at[b], accum.at[ridx.at[b]],
                              sema[b]).wait()

    def _for_parity(v, fn):
        @pl.when(v == 0)
        def _():
            fn(0)

        @pl.when(v != 0)
        def _():
            fn(1)

    _start_idx_load(0, 0)
    _wait_idx_load(0)
    _start_gather(0, 0, 0)

    def _chunk(i, carry):
        k = jnp.bitwise_and(i, _SB - 1)
        sp = lax.shift_right_logical(i, 3)
        p = jnp.bitwise_and(sp, 1)
        b = jnp.bitwise_and(i, 1)

        @pl.when(jnp.logical_and(k == 0, sp + 1 < _NSUP))
        def _():
            _for_parity(p, lambda q: _start_idx_load(sp + 1, 1 - q))

        _for_parity(b, _wait_gather)

        def _copy_ridx(e16, inner):
            sl = pl.ds(e16 * 16, 16)
            ridx[b, sl] = crv[p, k, 1, sl]
            return inner

        lax.fori_loop(0, _C // 16, _copy_ridx, 0)

        def _grp(g, inner):
            v16 = vals[p, k, pl.ds(g * 16, 16)]
            for j in range(16):
                e = g * 16 + j
                v = v16[j]
                for q in range(_D // 16):
                    sl = pl.ds(q * 16, 16)
                    rows[b, e, sl] = rows[b, e, sl] * v
            return inner

        lax.fori_loop(0, _C // 16, _grp, 0)
        _for_parity(b, _start_scatter)

        @pl.when(jnp.logical_and(k == _SB - 1, sp + 1 < _NSUP))
        def _():
            _for_parity(p, lambda q: _wait_idx_load(1 - q))

        j = i + 1

        @pl.when(j < _CPW)
        def _():
            kj = jnp.bitwise_and(j, _SB - 1)
            pj = jnp.bitwise_and(lax.shift_right_logical(j, 3), 1)
            bj = jnp.bitwise_and(j, 1)

            @pl.when(j >= 2)
            def _():
                _for_parity(bj, _wait_scatter)

            def _issue(q):
                def _issue2(bb):
                    pltpu.async_copy(feat_hbm.at[crv.at[q, kj, 0]],
                                     rows.at[bb], semg[bb])

                _for_parity(bj, _issue2)

            _for_parity(pj, _issue)
        return carry

    lax.fori_loop(0, _CPW, _chunk, 0)
    _wait_scatter(0)
    _wait_scatter(1)

    plsc.subcore_barrier()

    for j in range((nspan + _NS - 1) // _NS):
        idx = s + _NS * j

        @pl.when(idx < nspan)
        def _write_span():
            off = pl.multiple_of(idx * _C, 8)
            pltpu.sync_copy(accum.at[pl.ds(off, _C)],
                            out_hbm.at[c, pl.ds(off, _C)])

    @pl.when(s == _NS - 1)
    def _write_tail():
        pltpu.sync_copy(accum.at[pl.ds(nspan * _C, tail)],
                        out_hbm.at[c, pl.ds(nspan * _C, tail)])


def kernel(x, edge_index, edge_vals, W):
    feat = _feats(x, W).reshape(_HOPS * _N, _D)
    hop_off = (jnp.arange(_HOPS, dtype=jnp.int32) * _N)[:, None]
    col = (edge_index[:, 1, :] + hop_off).reshape(-1)
    row = edge_index[:, 0, :].reshape(-1)
    val = edge_vals.reshape(-1)
    pad = _EPAD - _TOTAL_E
    pad_ar = jnp.arange(pad, dtype=jnp.int32)
    col = jnp.concatenate([col, pad_ar % (_HOPS * _N)])
    row = jnp.concatenate([row, pad_ar % _N])
    val = jnp.concatenate([val, jnp.zeros((pad,), jnp.float32)])
    crv = jnp.stack([col.reshape(_NCHUNK, _C),
                     row.reshape(_NCHUNK, _C)], axis=1)
    partial = _propagate(feat, crv, val.reshape(_NCHUNK, _C))
    return _combine(partial)

# --- scband reference (transcript-rebuilt; emitter-appended) ---
"""Pipeline reference for scband-transductive-layer-43250320671016 (READ-ONLY COPY).

The authoritative reference and input builder live on the scoring server;
editing this copy changes nothing except your own understanding.
"""

import jax, jax.numpy as jnp
import numpy as np

N = 10000
E = 640000
D_IN = 128
D_OUT = 128
K = 2


def setup_inputs(seed: int = 0) -> dict:
    key = jax.random.key(seed)
    k1, k2, k3, k4 = jax.random.split(key, 4)
    x = jax.random.normal(k1, (N, D_IN), dtype=jnp.float32)
    # (K+1) sparse adjacency matrices, each as COO edge list: row=dst, col=src
    edge_index = jax.random.randint(k2, (K + 1, 2, E), 0, N, dtype=jnp.int32)
    edge_vals = jax.random.uniform(k3, (K + 1, E), dtype=jnp.float32)
    # (K+1) Dense kernels (no bias), one per hop: [in_dim, out_dim]
    W = jax.random.normal(k4, (K + 1, D_IN, D_OUT), dtype=jnp.float32) * 0.05
    return {"x": x, "edge_index": edge_index, "edge_vals": edge_vals, "W": W}


def reference(x, edge_index, edge_vals, W):
    # Eval mode: dropout is identity.
    out = jnp.zeros((N, D_OUT), dtype=x.dtype)
    for hop in range(K + 1):
        # features_by_hop = Dense_hop(node_features), no bias
        feat = x @ W[hop]
        # sparse_dense_matmul(adj, feat): out[i] += v_ij * feat[j]
        row = edge_index[hop, 0]
        col = edge_index[hop, 1]
        msgs = edge_vals[hop][:, None] * jnp.take(feat, col, axis=0)
        spatial = jnp.zeros((N, D_OUT), dtype=x.dtype).at[row].add(msgs)
        out = out + spatial
    out = jax.nn.relu(out)
    return out

if __name__ == "__main__":
    import jax
    _d = setup_inputs()
    print(jax.jit(kernel)(*tuple(_d.values())))

</pallas_src>

<mosaic_0001>
#map = affine_map<(d0, d1) -> (0, 0)>
#map1 = affine_map<(d0, d1) -> (0, 0, 0)>
module attributes {stable_mosaic.version = 14 : i64} {
  func.func @_propagate(%arg0: i32, %arg1: i32, %arg2: memref<30000x128xf32, #tpu.memory_space<hbm>>, %arg3: memref<15360x2x128xi32, #tpu.memory_space<hbm>>, %arg4: memref<15360x128xf32, #tpu.memory_space<hbm>>, %arg5: memref<2x10000x128xf32, #tpu.memory_space<hbm>>, %arg6: memref<2x8x2x128xi32, #tpu.memory_space<vmem>>, %arg7: memref<2x8x128xf32, #tpu.memory_space<vmem>>, %arg8: memref<2x128xi32, #tpu.memory_space<vmem>>, %arg9: memref<2x128x128xf32, #tpu.memory_space<vmem>>, %arg10: memref<10000x128xf32, #tpu.memory_space<vmem_shared>>, %arg11: memref<!tpu.dma_semaphore, #tpu.memory_space<semaphore_mem>>, %arg12: memref<!tpu.dma_semaphore, #tpu.memory_space<semaphore_mem>>, %arg13: memref<!tpu.dma_semaphore, #tpu.memory_space<semaphore_mem>>, %arg14: memref<!tpu.dma_semaphore, #tpu.memory_space<semaphore_mem>>, %arg15: memref<!tpu.dma_semaphore, #tpu.memory_space<semaphore_mem>>, %arg16: memref<!tpu.dma_semaphore, #tpu.memory_space<semaphore_mem>>) attributes {dimension_semantics = [#tpu.dimension_semantics<core_parallel>, #tpu.dimension_semantics<subcore_parallel>], iteration_bounds = array<i64: 2, 16>, scalar_prefetch = 0 : i64, scratch_operands = 11 : i64, tpu.core_type = #tpu.core_type<sc_vector_subcore>, window_params = [{transform_indices = #map}, {transform_indices = #map1}, {transform_indices = #map}, {transform_indices = #map1}]} {
    %mul3A = arith.constant 2 : i32
    %mul3A_0 = arith.muli %arg1, %mul3A : i32
    %add3A = arith.addi %mul3A_0, %arg0 : i32
    %mul3A_1 = arith.constant 60 : i32
    %mul3A_2 = arith.muli %add3A, %mul3A_1 : i32
    %scan3A = arith.constant 0 : i32
    %scan3A_3 = arith.constant 0 : i32
    %scan3A_4 = arith.constant 128 : i32
    %scan3A_5 = arith.addi %scan3A_3, %scan3A_4 : i32
    %scan3A_6 = arith.constant 1 : i32
    scf.for %scan3A_195 = %scan3A_3 to %scan3A_5 step %scan3A_6  : i32 {
      %broadcast_in_dim3A = arith.constant 0.000000e+00 : f32
      %broadcast_in_dim3A_196 = vector.broadcast %broadcast_in_dim3A : f32 to vector<16xf32>
      %swap3A = arith.constant 0 : i32
      %swap3A_197 = arith.index_cast %swap3A : i32 to index
      %swap3A_198 = arith.index_cast %scan3A_195 : i32 to index
      %swap3A_199 = arith.constant 0 : index
      %swap3A_200 = tpu.vector_load %arg9[%swap3A_197, %swap3A_198, %swap3A_199] {strides = array<i32>} : memref<2x128x128xf32, #tpu.memory_space<vmem>>, vector<1x1x16xf32>,
      %swap3A_201 = vector.shape_cast %swap3A_200 : vector<1x1x16xf32> to vector<16xf32>
      %swap3A_202 = vector.shape_cast %broadcast_in_dim3A_196 : vector<16xf32> to vector<1x1x16xf32>
      tpu.vector_store %arg9[%swap3A_197, %swap3A_198, %swap3A_199], %swap3A_202 {strides = array<i32>} : memref<2x128x128xf32, #tpu.memory_space<vmem>>, vector<1x1x16xf32>,
      %broadcast_in_dim3A_203 = arith.constant 0.000000e+00 : f32
      %broadcast_in_dim3A_204 = vector.broadcast %broadcast_in_dim3A_203 : f32 to vector<16xf32>
      %swap3A_205 = arith.constant 0 : i32
      %swap3A_206 = arith.index_cast %swap3A_205 : i32 to index
      %swap3A_207 = arith.index_cast %scan3A_195 : i32 to index
      %swap3A_208 = arith.constant 16 : index
      %swap3A_209 = tpu.vector_load %arg9[%swap3A_206, %swap3A_207, %swap3A_208] {strides = array<i32>} : memref<2x128x128xf32, #tpu.memory_space<vmem>>, vector<1x1x16xf32>,
      %swap3A_210 = vector.shape_cast %swap3A_209 : vector<1x1x16xf32> to vector<16xf32>
      %swap3A_211 = vector.shape_cast %broadcast_in_dim3A_204 : vector<16xf32> to vector<1x1x16xf32>
      tpu.vector_store %arg9[%swap3A_206, %swap3A_207, %swap3A_208], %swap3A_211 {strides = array<i32>} : memref<2x128x128xf32, #tpu.memory_space<vmem>>, vector<1x1x16xf32>,
      %broadcast_in_dim3A_212 = arith.constant 0.000000e+00 : f32
      %broadcast_in_dim3A_213 = vector.broadcast %broadcast_in_dim3A_212 : f32 to vector<16xf32>
      %swap3A_214 = arith.constant 0 : i32
      %swap3A_215 = arith.index_cast %swap3A_214 : i32 to index
      %swap3A_216 = arith.index_cast %scan3A_195 : i32 to index
      %swap3A_217 = arith.constant 32 : index
      %swap3A_218 = tpu.vector_load %arg9[%swap3A_215, %swap3A_216, %swap3A_217] {strides = array<i32>} : memref<2x128x128xf32, #tpu.memory_space<vmem>>, vector<1x1x16xf32>,
      %swap3A_219 = vector.shape_cast %swap3A_218 : vector<1x1x16xf32> to vector<16xf32>
      %swap3A_220 = vector.shape_cast %broadcast_in_dim3A_213 : vector<16xf32> to vector<1x1x16xf32>
      tpu.vector_store %arg9[%swap3A_215, %swap3A_216, %swap3A_217], %swap3A_220 {strides = array<i32>} : memref<2x128x128xf32, #tpu.memory_space<vmem>>, vector<1x1x16xf32>,
      %broadcast_in_dim3A_221 = arith.constant 0.000000e+00 : f32
      %broadcast_in_dim3A_222 = vector.broadcast %broadcast_in_dim3A_221 : f32 to vector<16xf32>
      %swap3A_223 = arith.constant 0 : i32
      %swap3A_224 = arith.index_cast %swap3A_223 : i32 to index
      %swap3A_225 = arith.index_cast %scan3A_195 : i32 to index
      %swap3A_226 = arith.constant 48 : index
      %swap3A_227 = tpu.vector_load %arg9[%swap3A_224, %swap3A_225, %swap3A_226] {strides = array<i32>} : memref<2x128x128xf32, #tpu.memory_space<vmem>>, vector<1x1x16xf32>,
      %swap3A_228 = vector.shape_cast %swap3A_227 : vector<1x1x16xf32> to vector<16xf32>
      %swap3A_229 = vector.shape_cast %broadcast_in_dim3A_222 : vector<16xf32> to vector<1x1x16xf32>
      tpu.vector_store %arg9[%swap3A_224, %swap3A_225, %swap3A_226], %swap3A_229 {strides = array<i32>} : memref<2x128x128xf32, #tpu.memory_space<vmem>>, vector<1x1x16xf32>,
      %broadcast_in_dim3A_230 = arith.constant 0.000000e+00 : f32
      %broadcast_in_dim3A_231 = vector.broadcast %broadcast_in_dim3A_230 : f32 to vector<16xf32>
      %swap3A_232 = arith.constant 0 : i32
      %swap3A_233 = arith.index_cast %swap3A_232 : i32 to index
      %swap3A_234 = arith.index_cast %scan3A_195 : i32 to index
      %swap3A_235 = arith.constant 64 : index
      %swap3A_236 = tpu.vector_load %arg9[%swap3A_233, %swap3A_234, %swap3A_235] {strides = array<i32>} : memref<2x128x128xf32, #tpu.memory_space<vmem>>, vector<1x1x16xf32>,
      %swap3A_237 = vector.shape_cast %swap3A_236 : vector<1x1x16xf32> to vector<16xf32>
      %swap3A_238 = vector.shape_cast %broadcast_in_dim3A_231 : vector<16xf32> to vector<1x1x16xf32>
      tpu.vector_store %arg9[%swap3A_233, %swap3A_234, %swap3A_235], %swap3A_238 {strides = array<i32>} : memref<2x128x128xf32, #tpu.memory_space<vmem>>, vector<1x1x16xf32>,
      %broadcast_in_dim3A_239 = arith.constant 0.000000e+00 : f32
      %broadcast_in_dim3A_240 = vector.broadcast %broadcast_in_dim3A_239 : f32 to vector<16xf32>
      %swap3A_241 = arith.constant 0 : i32
      %swap3A_242 = arith.index_cast %swap3A_241 : i32 to index
      %swap3A_243 = arith.index_cast %scan3A_195 : i32 to index
      %swap3A_244 = arith.constant 80 : index
      %swap3A_245 = tpu.vector_load %arg9[%swap3A_242, %swap3A_243, %swap3A_244] {strides = array<i32>} : memref<2x128x128xf32, #tpu.memory_space<vmem>>, vector<1x1x16xf32>,
      %swap3A_246 = vector.shape_cast %swap3A_245 : vector<1x1x16xf32> to vector<16xf32>
      %swap3A_247 = vector.shape_cast %broadcast_in_dim3A_240 : vector<16xf32> to vector<1x1x16xf32>
      tpu.vector_store %arg9[%swap3A_242, %swap3A_243, %swap3A_244], %swap3A_247 {strides = array<i32>} : memref<2x128x128xf32, #tpu.memory_space<vmem>>, vector<1x1x16xf32>,
      %broadcast_in_dim3A_248 = arith.constant 0.000000e+00 : f32
      %broadcast_in_dim3A_249 = vector.broadcast %broadcast_in_dim3A_248 : f32 to vector<16xf32>
      %swap3A_250 = arith.constant 0 : i32
      %swap3A_251 = arith.index_cast %swap3A_250 : i32 to index
      %swap3A_252 = arith.index_cast %scan3A_195 : i32 to index
      %swap3A_253 = arith.constant 96 : index
      %swap3A_254 = tpu.vector_load %arg9[%swap3A_251, %swap3A_252, %swap3A_253] {strides = array<i32>} : memref<2x128x128xf32, #tpu.memory_space<vmem>>, vector<1x1x16xf32>,
      %swap3A_255 = vector.shape_cast %swap3A_254 : vector<1x1x16xf32> to vector<16xf32>
      %swap3A_256 = vector.shape_cast %broadcast_in_dim3A_249 : vector<16xf32> to vector<1x1x16xf32>
      tpu.vector_store %arg9[%swap3A_251, %swap3A_252, %swap3A_253], %swap3A_256 {strides = array<i32>} : memref<2x128x128xf32, #tpu.memory_space<vmem>>, vector<1x1x16xf32>,
      %broadcast_in_dim3A_257 = arith.constant 0.000000e+00 : f32
      %broadcast_in_dim3A_258 = vector.broadcast %broadcast_in_dim3A_257 : f32 to vector<16xf32>
      %swap3A_259 = arith.constant 0 : i32
      %swap3A_260 = arith.index_cast %swap3A_259 : i32 to index
      %swap3A_261 = arith.index_cast %scan3A_195 : i32 to index
      %swap3A_262 = arith.constant 112 : index
      %swap3A_263 = tpu.vector_load %arg9[%swap3A_260, %swap3A_261, %swap3A_262] {strides = array<i32>} : memref<2x128x128xf32, #tpu.memory_space<vmem>>, vector<1x1x16xf32>,
      %swap3A_264 = vector.shape_cast %swap3A_263 : vector<1x1x16xf32> to vector<16xf32>
      %swap3A_265 = vector.shape_cast %broadcast_in_dim3A_258 : vector<16xf32> to vector<1x1x16xf32>
      tpu.vector_store %arg9[%swap3A_260, %swap3A_261, %swap3A_262], %swap3A_265 {strides = array<i32>} : memref<2x128x128xf32, #tpu.memory_space<vmem>>, vector<1x1x16xf32>,
    }
    %scan3A_7 = arith.constant 128 : i32
    %add3A_8 = arith.constant 0 : i32
    %add3A_9 = arith.addi %arg1, %add3A_8 : i32
    %lt3A = arith.constant 78 : i32
    %lt3A_10 = arith.cmpi slt, %add3A_9, %lt3A : i32
    %convert_element_type3A = arith.extui %lt3A_10 : i1 to i32
    %cond3A = arith.constant 0 : i32
    %cond3A_11 = arith.cmpi ne, %convert_element_type3A, %cond3A : i32
    scf.if %cond3A_11 {
      %mul3A_195 = arith.constant 128 : i32
      %mul3A_196 = arith.muli %add3A_9, %mul3A_195 : i32
      %multiple_of3A_197 = tpu.assume_multiple %mul3A_196, 8 : i32
      %run_scoped3A = arith.constant 0 : i32
      "tpu.region"() ({
        %run_scoped3A_198 = tpu.sem_alloc : memref<!tpu.dma_semaphore, #tpu.memory_space<semaphore_mem>>
        %dma_start3A_199 = arith.constant 0 : i32
        %dma_start3A_200 = arith.constant 0 : i32
        %dma_start3A_201 = tpu.memref_slice %arg9[%run_scoped3A, %dma_start3A_199, %dma_start3A_200] : memref<2x128x128xf32, #tpu.memory_space<vmem>> -> memref<1x128x128xf32, #tpu.memory_space<vmem>>
        %dma_start3A_202 = tpu.memref_squeeze %dma_start3A_201 : memref<1x128x128xf32, #tpu.memory_space<vmem>> -> memref<128x128xf32, #tpu.memory_space<vmem>>
        %dma_start3A_203 = arith.constant 0 : i32
        %dma_start3A_204 = tpu.memref_slice %arg10[%multiple_of3A_197, %dma_start3A_203] : memref<10000x128xf32, #tpu.memory_space<vmem_shared>> -> memref<128x128xf32, #tpu.memory_space<vmem_shared>>
        %dma_start3A_205 = arith.constant 0 : i32
        %dma_start3A_206 = tpu.memref_slice %arg10[%multiple_of3A_197, %dma_start3A_205] : memref<10000x128xf32, #tpu.memory_space<vmem_shared>> -> memref<128x128xf32, #tpu.memory_space<vmem_shared>>
        %dma_start3A_207 = arith.constant 0 : i32
        %dma_start3A_208 = arith.constant 0 : i32
        %dma_start3A_209 = tpu.memref_slice %arg9[%run_scoped3A, %dma_start3A_207, %dma_start3A_208] : memref<2x128x128xf32, #tpu.memory_space<vmem>> -> memref<1x128x128xf32, #tpu.memory_space<vmem>>
        %dma_start3A_210 = tpu.memref_squeeze %dma_start3A_209 : memref<1x128x128xf32, #tpu.memory_space<vmem>> -> memref<128x128xf32, #tpu.memory_space<vmem>>
        tpu.enqueue_dma source(%dma_start3A_210 : memref<128x128xf32, #tpu.memory_space<vmem>>) target(%dma_start3A_206 : memref<128x128xf32, #tpu.memory_space<vmem_shared>>) target_semaphore(%run_scoped3A_198 : memref<!tpu.dma_semaphore, #tpu.memory_space<semaphore_mem>>)
        %dma_wait3A_211 = arith.constant 0 : i32
        %dma_wait3A_212 = arith.constant 0 : i32
        %dma_wait3A_213 = tpu.memref_slice %arg9[%run_scoped3A, %dma_wait3A_211, %dma_wait3A_212] : memref<2x128x128xf32, #tpu.memory_space<vmem>> -> memref<1x128x128xf32, #tpu.memory_space<vmem>>
        %dma_wait3A_214 = tpu.memref_squeeze %dma_wait3A_213 : memref<1x128x128xf32, #tpu.memory_space<vmem>> -> memref<128x128xf32, #tpu.memory_space<vmem>>
        %dma_wait3A_215 = arith.constant 0 : i32
        %dma_wait3A_216 = tpu.memref_slice %arg10[%multiple_of3A_197, %dma_wait3A_215] : memref<10000x128xf32, #tpu.memory_space<vmem_shared>> -> memref<128x128xf32, #tpu.memory_space<vmem_shared>>
        %dma_wait3A_217 = arith.constant 0 : i32
        %dma_wait3A_218 = tpu.memref_slice %arg10[%multiple_of3A_197, %dma_wait3A_217] : memref<10000x128xf32, #tpu.memory_space<vmem_shared>> -> memref<128x128xf32, #tpu.memory_space<vmem_shared>>
        %dma_wait3A_219 = arith.constant 0 : i32
        %dma_wait3A_220 = arith.constant 0 : i32
        %dma_wait3A_221 = tpu.memref_slice %arg9[%run_scoped3A, %dma_wait3A_219, %dma_wait3A_220] : memref<2x128x128xf32, #tpu.memory_space<vmem>> -> memref<1x128x128xf32, #tpu.memory_space<vmem>>
        %dma_wait3A_222 = tpu.memref_squeeze %dma_wait3A_221 : memref<1x128x128xf32, #tpu.memory_space<vmem>> -> memref<128x128xf32, #tpu.memory_space<vmem>>
        tpu.wait_dma2 semaphore(%run_scoped3A_198 : memref<!tpu.dma_semaphore, #tpu.memory_space<semaphore_mem>>) src(%dma_wait3A_222 : memref<128x128xf32, #tpu.memory_space<vmem>>) dst(%dma_wait3A_218 : memref<128x128xf32, #tpu.memory_space<vmem_shared>>)
        tpu.yield
      }) : () -> ()
    } else {
    }
    %add3A_12 = arith.constant 16 : i32
    %add3A_13 = arith.addi %arg1, %add3A_12 : i32
    %lt3A_14 = arith.constant 78 : i32
    %lt3A_15 = arith.cmpi slt, %add3A_13, %lt3A_14 : i32
    %convert_element_type3A_16 = arith.extui %lt3A_15 : i1 to i32
    %cond3A_17 = arith.constant 0 : i32
    %cond3A_18 = arith.cmpi ne, %convert_element_type3A_16, %cond3A_17 : i32
    scf.if %cond3A_18 {
      %mul3A_195 = arith.constant 128 : i32
      %mul3A_196 = arith.muli %add3A_13, %mul3A_195 : i32
      %multiple_of3A_197 = tpu.assume_multiple %mul3A_196, 8 : i32
      %run_scoped3A = arith.constant 0 : i32
      "tpu.region"() ({
        %run_scoped3A_198 = tpu.sem_alloc : memref<!tpu.dma_semaphore, #tpu.memory_space<semaphore_mem>>
        %dma_start3A_199 = arith.constant 0 : i32
        %dma_start3A_200 = arith.constant 0 : i32
        %dma_start3A_201 = tpu.memref_slice %arg9[%run_scoped3A, %dma_start3A_199, %dma_start3A_200] : memref<2x128x128xf32, #tpu.memory_space<vmem>> -> memref<1x128x128xf32, #tpu.memory_space<vmem>>
        %dma_start3A_202 = tpu.memref_squeeze %dma_start3A_201 : memref<1x128x128xf32, #tpu.memory_space<vmem>> -> memref<128x128xf32, #tpu.memory_space<vmem>>
        %dma_start3A_203 = arith.constant 0 : i32
        %dma_start3A_204 = tpu.memref_slice %arg10[%multiple_of3A_197, %dma_start3A_203] : memref<10000x128xf32, #tpu.memory_space<vmem_shared>> -> memref<128x128xf32, #tpu.memory_space<vmem_shared>>
        %dma_start3A_205 = arith.constant 0 : i32
        %dma_start3A_206 = tpu.memref_slice %arg10[%multiple_of3A_197, %dma_start3A_205] : memref<10000x128xf32, #tpu.memory_space<vmem_shared>> -> memref<128x128xf32, #tpu.memory_space<vmem_shared>>
        %dma_start3A_207 = arith.constant 0 : i32
        %dma_start3A_208 = arith.constant 0 : i32
        %dma_start3A_209 = tpu.memref_slice %arg9[%run_scoped3A, %dma_start3A_207, %dma_start3A_208] : memref<2x128x128xf32, #tpu.memory_space<vmem>> -> memref<1x128x128xf32, #tpu.memory_space<vmem>>
        %dma_start3A_210 = tpu.memref_squeeze %dma_start3A_209 : memref<1x128x128xf32, #tpu.memory_space<vmem>> -> memref<128x128xf32, #tpu.memory_space<vmem>>
        tpu.enqueue_dma source(%dma_start3A_210 : memref<128x128xf32, #tpu.memory_space<vmem>>) target(%dma_start3A_206 : memref<128x128xf32, #tpu.memory_space<vmem_shared>>) target_semaphore(%run_scoped3A_198 : memref<!tpu.dma_semaphore, #tpu.memory_space<semaphore_mem>>)
        %dma_wait3A_211 = arith.constant 0 : i32
        %dma_wait3A_212 = arith.constant 0 : i32
        %dma_wait3A_213 = tpu.memref_slice %arg9[%run_scoped3A, %dma_wait3A_211, %dma_wait3A_212] : memref<2x128x128xf32, #tpu.memory_space<vmem>> -> memref<1x128x128xf32, #tpu.memory_space<vmem>>
        %dma_wait3A_214 = tpu.memref_squeeze %dma_wait3A_213 : memref<1x128x128xf32, #tpu.memory_space<vmem>> -> memref<128x128xf32, #tpu.memory_space<vmem>>
        %dma_wait3A_215 = arith.constant 0 : i32
        %dma_wait3A_216 = tpu.memref_slice %arg10[%multiple_of3A_197, %dma_wait3A_215] : memref<10000x128xf32, #tpu.memory_space<vmem_shared>> -> memref<128x128xf32, #tpu.memory_space<vmem_shared>>
        %dma_wait3A_217 = arith.constant 0 : i32
        %dma_wait3A_218 = tpu.memref_slice %arg10[%multiple_of3A_197, %dma_wait3A_217] : memref<10000x128xf32, #tpu.memory_space<vmem_shared>> -> memref<128x128xf32, #tpu.memory_space<vmem_shared>>
        %dma_wait3A_219 = arith.constant 0 : i32
        %dma_wait3A_220 = arith.constant 0 : i32
        %dma_wait3A_221 = tpu.memref_slice %arg9[%run_scoped3A, %dma_wait3A_219, %dma_wait3A_220] : memref<2x128x128xf32, #tpu.memory_space<vmem>> -> memref<1x128x128xf32, #tpu.memory_space<vmem>>
        %dma_wait3A_222 = tpu.memref_squeeze %dma_wait3A_221 : memref<1x128x128xf32, #tpu.memory_space<vmem>> -> memref<128x128xf32, #tpu.memory_space<vmem>>
        tpu.wait_dma2 semaphore(%run_scoped3A_198 : memref<!tpu.dma_semaphore, #tpu.memory_space<semaphore_mem>>) src(%dma_wait3A_222 : memref<128x128xf32, #tpu.memory_space<vmem>>) dst(%dma_wait3A_218 : memref<128x128xf32, #tpu.memory_space<vmem_shared>>)
        tpu.yield
      }) : () -> ()
    } else {
    }
    %add3A_19 = arith.constant 32 : i32
    %add3A_20 = arith.addi %arg1, %add3A_19 : i32
    %lt3A_21 = arith.constant 78 : i32
    %lt3A_22 = arith.cmpi slt, %add3A_20, %lt3A_21 : i32
    %convert_element_type3A_23 = arith.extui %lt3A_22 : i1 to i32
    %cond3A_24 = arith.constant 0 : i32
    %cond3A_25 = arith.cmpi ne, %convert_element_type3A_23, %cond3A_24 : i32
    scf.if %cond3A_25 {
      %mul3A_195 = arith.constant 128 : i32
      %mul3A_196 = arith.muli %add3A_20, %mul3A_195 : i32
      %multiple_of3A_197 = tpu.assume_multiple %mul3A_196, 8 : i32
      %run_scoped3A = arith.constant 0 : i32
      "tpu.region"() ({
        %run_scoped3A_198 = tpu.sem_alloc : memref<!tpu.dma_semaphore, #tpu.memory_space<semaphore_mem>>
        %dma_start3A_199 = arith.constant 0 : i32
        %dma_start3A_200 = arith.constant 0 : i32
        %dma_start3A_201 = tpu.memref_slice %arg9[%run_scoped3A, %dma_start3A_199, %dma_start3A_200] : memref<2x128x128xf32, #tpu.memory_space<vmem>> -> memref<1x128x128xf32, #tpu.memory_space<vmem>>
        %dma_start3A_202 = tpu.memref_squeeze %dma_start3A_201 : memref<1x128x128xf32, #tpu.memory_space<vmem>> -> memref<128x128xf32, #tpu.memory_space<vmem>>
        %dma_start3A_203 = arith.constant 0 : i32
        %dma_start3A_204 = tpu.memref_slice %arg10[%multiple_of3A_197, %dma_start3A_203] : memref<10000x128xf32, #tpu.memory_space<vmem_shared>> -> memref<128x128xf32, #tpu.memory_space<vmem_shared>>
        %dma_start3A_205 = arith.constant 0 : i32
        %dma_start3A_206 = tpu.memref_slice %arg10[%multiple_of3A_197, %dma_start3A_205] : memref<10000x128xf32, #tpu.memory_space<vmem_shared>> -> memref<128x128xf32, #tpu.memory_space<vmem_shared>>
        %dma_start3A_207 = arith.constant 0 : i32
        %dma_start3A_208 = arith.constant 0 : i32
        %dma_start3A_209 = tpu.memref_slice %arg9[%run_scoped3A, %dma_start3A_207, %dma_start3A_208] : memref<2x128x128xf32, #tpu.memory_space<vmem>> -> memref<1x128x128xf32, #tpu.memory_space<vmem>>
        %dma_start3A_210 = tpu.memref_squeeze %dma_start3A_209 : memref<1x128x128xf32, #tpu.memory_space<vmem>> -> memref<128x128xf32, #tpu.memory_space<vmem>>
        tpu.enqueue_dma source(%dma_start3A_210 : memref<128x128xf32, #tpu.memory_space<vmem>>) target(%dma_start3A_206 : memref<128x128xf32, #tpu.memory_space<vmem_shared>>) target_semaphore(%run_scoped3A_198 : memref<!tpu.dma_semaphore, #tpu.memory_space<semaphore_mem>>)
        %dma_wait3A_211 = arith.constant 0 : i32
        %dma_wait3A_212 = arith.constant 0 : i32
        %dma_wait3A_213 = tpu.memref_slice %arg9[%run_scoped3A, %dma_wait3A_211, %dma_wait3A_212] : memref<2x128x128xf32, #tpu.memory_space<vmem>> -> memref<1x128x128xf32, #tpu.memory_space<vmem>>
        %dma_wait3A_214 = tpu.memref_squeeze %dma_wait3A_213 : memref<1x128x128xf32, #tpu.memory_space<vmem>> -> memref<128x128xf32, #tpu.memory_space<vmem>>
        %dma_wait3A_215 = arith.constant 0 : i32
        %dma_wait3A_216 = tpu.memref_slice %arg10[%multiple_of3A_197, %dma_wait3A_215] : memref<10000x128xf32, #tpu.memory_space<vmem_shared>> -> memref<128x128xf32, #tpu.memory_space<vmem_shared>>
        %dma_wait3A_217 = arith.constant 0 : i32
        %dma_wait3A_218 = tpu.memref_slice %arg10[%multiple_of3A_197, %dma_wait3A_217] : memref<10000x128xf32, #tpu.memory_space<vmem_shared>> -> memref<128x128xf32, #tpu.memory_space<vmem_shared>>
        %dma_wait3A_219 = arith.constant 0 : i32
        %dma_wait3A_220 = arith.constant 0 : i32
        %dma_wait3A_221 = tpu.memref_slice %arg9[%run_scoped3A, %dma_wait3A_219, %dma_wait3A_220] : memref<2x128x128xf32, #tpu.memory_space<vmem>> -> memref<1x128x128xf32, #tpu.memory_space<vmem>>
        %dma_wait3A_222 = tpu.memref_squeeze %dma_wait3A_221 : memref<1x128x128xf32, #tpu.memory_space<vmem>> -> memref<128x128xf32, #tpu.memory_space<vmem>>
        tpu.wait_dma2 semaphore(%run_scoped3A_198 : memref<!tpu.dma_semaphore, #tpu.memory_space<semaphore_mem>>) src(%dma_wait3A_222 : memref<128x128xf32, #tpu.memory_space<vmem>>) dst(%dma_wait3A_218 : memref<128x128xf32, #tpu.memory_space<vmem_shared>>)
        tpu.yield
      }) : () -> ()
    } else {
    }
    %add3A_26 = arith.constant 48 : i32
    %add3A_27 = arith.addi %arg1, %add3A_26 : i32
    %lt3A_28 = arith.constant 78 : i32
    %lt3A_29 = arith.cmpi slt, %add3A_27, %lt3A_28 : i32
    %convert_element_type3A_30 = arith.extui %lt3A_29 : i1 to i32
    %cond3A_31 = arith.constant 0 : i32
    %cond3A_32 = arith.cmpi ne, %convert_element_type3A_30, %cond3A_31 : i32
    scf.if %cond3A_32 {
      %mul3A_195 = arith.constant 128 : i32
      %mul3A_196 = arith.muli %add3A_27, %mul3A_195 : i32
      %multiple_of3A_197 = tpu.assume_multiple %mul3A_196, 8 : i32
      %run_scoped3A = arith.constant 0 : i32
      "tpu.region"() ({
        %run_scoped3A_198 = tpu.sem_alloc : memref<!tpu.dma_semaphore, #tpu.memory_space<semaphore_mem>>
        %dma_start3A_199 = arith.constant 0 : i32
        %dma_start3A_200 = arith.constant 0 : i32
        %dma_start3A_201 = tpu.memref_slice %arg9[%run_scoped3A, %dma_start3A_199, %dma_start3A_200] : memref<2x128x128xf32, #tpu.memory_space<vmem>> -> memref<1x128x128xf32, #tpu.memory_space<vmem>>
        %dma_start3A_202 = tpu.memref_squeeze %dma_start3A_201 : memref<1x128x128xf32, #tpu.memory_space<vmem>> -> memref<128x128xf32, #tpu.memory_space<vmem>>
        %dma_start3A_203 = arith.constant 0 : i32
        %dma_start3A_204 = tpu.memref_slice %arg10[%multiple_of3A_197, %dma_start3A_203] : memref<10000x128xf32, #tpu.memory_space<vmem_shared>> -> memref<128x128xf32, #tpu.memory_space<vmem_shared>>
        %dma_start3A_205 = arith.constant 0 : i32
        %dma_start3A_206 = tpu.memref_slice %arg10[%multiple_of3A_197, %dma_start3A_205] : memref<10000x128xf32, #tpu.memory_space<vmem_shared>> -> memref<128x128xf32, #tpu.memory_space<vmem_shared>>
        %dma_start3A_207 = arith.constant 0 : i32
        %dma_start3A_208 = arith.constant 0 : i32
        %dma_start3A_209 = tpu.memref_slice %arg9[%run_scoped3A, %dma_start3A_207, %dma_start3A_208] : memref<2x128x128xf32, #tpu.memory_space<vmem>> -> memref<1x128x128xf32, #tpu.memory_space<vmem>>
        %dma_start3A_210 = tpu.memref_squeeze %dma_start3A_209 : memref<1x128x128xf32, #tpu.memory_space<vmem>> -> memref<128x128xf32, #tpu.memory_space<vmem>>
        tpu.enqueue_dma source(%dma_start3A_210 : memref<128x128xf32, #tpu.memory_space<vmem>>) target(%dma_start3A_206 : memref<128x128xf32, #tpu.memory_space<vmem_shared>>) target_semaphore(%run_scoped3A_198 : memref<!tpu.dma_semaphore, #tpu.memory_space<semaphore_mem>>)
        %dma_wait3A_211 = arith.constant 0 : i32
        %dma_wait3A_212 = arith.constant 0 : i32
        %dma_wait3A_213 = tpu.memref_slice %arg9[%run_scoped3A, %dma_wait3A_211, %dma_wait3A_212] : memref<2x128x128xf32, #tpu.memory_space<vmem>> -> memref<1x128x128xf32, #tpu.memory_space<vmem>>
        %dma_wait3A_214 = tpu.memref_squeeze %dma_wait3A_213 : memref<1x128x128xf32, #tpu.memory_space<vmem>> -> memref<128x128xf32, #tpu.memory_space<vmem>>
        %dma_wait3A_215 = arith.constant 0 : i32
        %dma_wait3A_216 = tpu.memref_slice %arg10[%multiple_of3A_197, %dma_wait3A_215] : memref<10000x128xf32, #tpu.memory_space<vmem_shared>> -> memref<128x128xf32, #tpu.memory_space<vmem_shared>>
        %dma_wait3A_217 = arith.constant 0 : i32
        %dma_wait3A_218 = tpu.memref_slice %arg10[%multiple_of3A_197, %dma_wait3A_217] : memref<10000x128xf32, #tpu.memory_space<vmem_shared>> -> memref<128x128xf32, #tpu.memory_space<vmem_shared>>
        %dma_wait3A_219 = arith.constant 0 : i32
        %dma_wait3A_220 = arith.constant 0 : i32
        %dma_wait3A_221 = tpu.memref_slice %arg9[%run_scoped3A, %dma_wait3A_219, %dma_wait3A_220] : memref<2x128x128xf32, #tpu.memory_space<vmem>> -> memref<1x128x128xf32, #tpu.memory_space<vmem>>
        %dma_wait3A_222 = tpu.memref_squeeze %dma_wait3A_221 : memref<1x128x128xf32, #tpu.memory_space<vmem>> -> memref<128x128xf32, #tpu.memory_space<vmem>>
        tpu.wait_dma2 semaphore(%run_scoped3A_198 : memref<!tpu.dma_semaphore, #tpu.memory_space<semaphore_mem>>) src(%dma_wait3A_222 : memref<128x128xf32, #tpu.memory_space<vmem>>) dst(%dma_wait3A_218 : memref<128x128xf32, #tpu.memory_space<vmem_shared>>)
        tpu.yield
      }) : () -> ()
    } else {
    }
    %add3A_33 = arith.constant 64 : i32
    %add3A_34 = arith.addi %arg1, %add3A_33 : i32
    %lt3A_35 = arith.constant 78 : i32
    %lt3A_36 = arith.cmpi slt, %add3A_34, %lt3A_35 : i32
    %convert_element_type3A_37 = arith.extui %lt3A_36 : i1 to i32
    %cond3A_38 = arith.constant 0 : i32
    %cond3A_39 = arith.cmpi ne, %convert_element_type3A_37, %cond3A_38 : i32
    scf.if %cond3A_39 {
      %mul3A_195 = arith.constant 128 : i32
      %mul3A_196 = arith.muli %add3A_34, %mul3A_195 : i32
      %multiple_of3A_197 = tpu.assume_multiple %mul3A_196, 8 : i32
      %run_scoped3A = arith.constant 0 : i32
      "tpu.region"() ({
        %run_scoped3A_198 = tpu.sem_alloc : memref<!tpu.dma_semaphore, #tpu.memory_space<semaphore_mem>>
        %dma_start3A_199 = arith.constant 0 : i32
        %dma_start3A_200 = arith.constant 0 : i32
        %dma_start3A_201 = tpu.memref_slice %arg9[%run_scoped3A, %dma_start3A_199, %dma_start3A_200] : memref<2x128x128xf32, #tpu.memory_space<vmem>> -> memref<1x128x128xf32, #tpu.memory_space<vmem>>
        %dma_start3A_202 = tpu.memref_squeeze %dma_start3A_201 : memref<1x128x128xf32, #tpu.memory_space<vmem>> -> memref<128x128xf32, #tpu.memory_space<vmem>>
        %dma_start3A_203 = arith.constant 0 : i32
        %dma_start3A_204 = tpu.memref_slice %arg10[%multiple_of3A_197, %dma_start3A_203] : memref<10000x128xf32, #tpu.memory_space<vmem_shared>> -> memref<128x128xf32, #tpu.memory_space<vmem_shared>>
        %dma_start3A_205 = arith.constant 0 : i32
        %dma_start3A_206 = tpu.memref_slice %arg10[%multiple_of3A_197, %dma_start3A_205] : memref<10000x128xf32, #tpu.memory_space<vmem_shared>> -> memref<128x128xf32, #tpu.memory_space<vmem_shared>>
        %dma_start3A_207 = arith.constant 0 : i32
        %dma_start3A_208 = arith.constant 0 : i32
        %dma_start3A_209 = tpu.memref_slice %arg9[%run_scoped3A, %dma_start3A_207, %dma_start3A_208] : memref<2x128x128xf32, #tpu.memory_space<vmem>> -> memref<1x128x128xf32, #tpu.memory_space<vmem>>
        %dma_start3A_210 = tpu.memref_squeeze %dma_start3A_209 : memref<1x128x128xf32, #tpu.memory_space<vmem>> -> memref<128x128xf32, #tpu.memory_space<vmem>>
        tpu.enqueue_dma source(%dma_start3A_210 : memref<128x128xf32, #tpu.memory_space<vmem>>) target(%dma_start3A_206 : memref<128x128xf32, #tpu.memory_space<vmem_shared>>) target_semaphore(%run_scoped3A_198 : memref<!tpu.dma_semaphore, #tpu.memory_space<semaphore_mem>>)
        %dma_wait3A_211 = arith.constant 0 : i32
        %dma_wait3A_212 = arith.constant 0 : i32
        %dma_wait3A_213 = tpu.memref_slice %arg9[%run_scoped3A, %dma_wait3A_211, %dma_wait3A_212] : memref<2x128x128xf32, #tpu.memory_space<vmem>> -> memref<1x128x128xf32, #tpu.memory_space<vmem>>
        %dma_wait3A_214 = tpu.memref_squeeze %dma_wait3A_213 : memref<1x128x128xf32, #tpu.memory_space<vmem>> -> memref<128x128xf32, #tpu.memory_space<vmem>>
        %dma_wait3A_215 = arith.constant 0 : i32
        %dma_wait3A_216 = tpu.memref_slice %arg10[%multiple_of3A_197, %dma_wait3A_215] : memref<10000x128xf32, #tpu.memory_space<vmem_shared>> -> memref<128x128xf32, #tpu.memory_space<vmem_shared>>
        %dma_wait3A_217 = arith.constant 0 : i32
        %dma_wait3A_218 = tpu.memref_slice %arg10[%multiple_of3A_197, %dma_wait3A_217] : memref<10000x128xf32, #tpu.memory_space<vmem_shared>> -> memref<128x128xf32, #tpu.memory_space<vmem_shared>>
        %dma_wait3A_219 = arith.constant 0 : i32
        %dma_wait3A_220 = arith.constant 0 : i32
        %dma_wait3A_221 = tpu.memref_slice %arg9[%run_scoped3A, %dma_wait3A_219, %dma_wait3A_220] : memref<2x128x128xf32, #tpu.memory_space<vmem>> -> memref<1x128x128xf32, #tpu.memory_space<vmem>>
        %dma_wait3A_222 = tpu.memref_squeeze %dma_wait3A_221 : memref<1x128x128xf32, #tpu.memory_space<vmem>> -> memref<128x128xf32, #tpu.memory_space<vmem>>
        tpu.wait_dma2 semaphore(%run_scoped3A_198 : memref<!tpu.dma_semaphore, #tpu.memory_space<semaphore_mem>>) src(%dma_wait3A_222 : memref<128x128xf32, #tpu.memory_space<vmem>>) dst(%dma_wait3A_218 : memref<128x128xf32, #tpu.memory_space<vmem_shared>>)
        tpu.yield
      }) : () -> ()
    } else {
    }
    %eq3A = arith.constant 15 : i32
    %eq3A_40 = arith.cmpi eq, %arg1, %eq3A : i32
    %convert_element_type3A_41 = arith.extui %eq3A_40 : i1 to i32
    %cond3A_42 = arith.constant 0 : i32
    %cond3A_43 = arith.cmpi ne, %convert_element_type3A_41, %cond3A_42 : i32
    scf.if %cond3A_43 {
      %run_scoped3A = arith.constant 0 : i32
      "tpu.region"() ({
        %run_scoped3A_195 = tpu.sem_alloc : memref<!tpu.dma_semaphore, #tpu.memory_space<semaphore_mem>>
        %dma_start3A_196 = arith.constant 0 : i32
        %dma_start3A_197 = arith.constant 0 : i32
        %dma_start3A_198 = tpu.memref_slice %arg9[%run_scoped3A, %dma_start3A_196, %dma_start3A_197] : memref<2x128x128xf32, #tpu.memory_space<vmem>> -> memref<1x16x128xf32, #tpu.memory_space<vmem>>
        %dma_start3A_199 = tpu.memref_squeeze %dma_start3A_198 : memref<1x16x128xf32, #tpu.memory_space<vmem>> -> memref<16x128xf32, #tpu.memory_space<vmem>>
        %dma_start3A_200 = arith.constant 9984 : i32
        %dma_start3A_201 = arith.constant 0 : i32
        %dma_start3A_202 = tpu.memref_slice %arg10[%dma_start3A_200, %dma_start3A_201] : memref<10000x128xf32, #tpu.memory_space<vmem_shared>> -> memref<16x128xf32, #tpu.memory_space<vmem_shared>>
        %dma_start3A_203 = arith.constant 9984 : i32
        %dma_start3A_204 = arith.constant 0 : i32
        %dma_start3A_205 = tpu.memref_slice %arg10[%dma_start3A_203, %dma_start3A_204] : memref<10000x128xf32, #tpu.memory_space<vmem_shared>> -> memref<16x128xf32, #tpu.memory_space<vmem_shared>>
        %dma_start3A_206 = arith.constant 0 : i32
        %dma_start3A_207 = arith.constant 0 : i32
        %dma_start3A_208 = tpu.memref_slice %arg9[%run_scoped3A, %dma_start3A_206, %dma_start3A_207] : memref<2x128x128xf32, #tpu.memory_space<vmem>> -> memref<1x16x128xf32, #tpu.memory_space<vmem>>
        %dma_start3A_209 = tpu.memref_squeeze %dma_start3A_208 : memref<1x16x128xf32, #tpu.memory_space<vmem>> -> memref<16x128xf32, #tpu.memory_space<vmem>>
        tpu.enqueue_dma source(%dma_start3A_209 : memref<16x128xf32, #tpu.memory_space<vmem>>) target(%dma_start3A_205 : memref<16x128xf32, #tpu.memory_space<vmem_shared>>) target_semaphore(%run_scoped3A_195 : memref<!tpu.dma_semaphore, #tpu.memory_space<semaphore_mem>>)
        %dma_wait3A_210 = arith.constant 0 : i32
        %dma_wait3A_211 = arith.constant 0 : i32
        %dma_wait3A_212 = tpu.memref_slice %arg9[%run_scoped3A, %dma_wait3A_210, %dma_wait3A_211] : memref<2x128x128xf32, #tpu.memory_space<vmem>> -> memref<1x16x128xf32, #tpu.memory_space<vmem>>
        %dma_wait3A_213 = tpu.memref_squeeze %dma_wait3A_212 : memref<1x16x128xf32, #tpu.memory_space<vmem>> -> memref<16x128xf32, #tpu.memory_space<vmem>>
        %dma_wait3A_214 = arith.constant 9984 : i32
        %dma_wait3A_215 = arith.constant 0 : i32
        %dma_wait3A_216 = tpu.memref_slice %arg10[%dma_wait3A_214, %dma_wait3A_215] : memref<10000x128xf32, #tpu.memory_space<vmem_shared>> -> memref<16x128xf32, #tpu.memory_space<vmem_shared>>
        %dma_wait3A_217 = arith.constant 9984 : i32
        %dma_wait3A_218 = arith.constant 0 : i32
        %dma_wait3A_219 = tpu.memref_slice %arg10[%dma_wait3A_217, %dma_wait3A_218] : memref<10000x128xf32, #tpu.memory_space<vmem_shared>> -> memref<16x128xf32, #tpu.memory_space<vmem_shared>>
        %dma_wait3A_220 = arith.constant 0 : i32
        %dma_wait3A_221 = arith.constant 0 : i32
        %dma_wait3A_222 = tpu.memref_slice %arg9[%run_scoped3A, %dma_wait3A_220, %dma_wait3A_221] : memref<2x128x128xf32, #tpu.memory_space<vmem>> -> memref<1x16x128xf32, #tpu.memory_space<vmem>>
        %dma_wait3A_223 = tpu.memref_squeeze %dma_wait3A_222 : memref<1x16x128xf32, #tpu.memory_space<vmem>> -> memref<16x128xf32, #tpu.memory_space<vmem>>
        tpu.wait_dma2 semaphore(%run_scoped3A_195 : memref<!tpu.dma_semaphore, #tpu.memory_space<semaphore_mem>>) src(%dma_wait3A_223 : memref<16x128xf32, #tpu.memory_space<vmem>>) dst(%dma_wait3A_219 : memref<16x128xf32, #tpu.memory_space<vmem_shared>>)
        tpu.yield
      }) : () -> ()
    } else {
    }
    %barrier3A = arith.constant 0 : index
    tpu.barrier barrier_id(%barrier3A)
    %add3A_44 = arith.constant 0 : i32
    %add3A_45 = arith.addi %mul3A_2, %add3A_44 : i32
    %mul3A_46 = arith.constant 8 : i32
    %mul3A_47 = arith.muli %add3A_45, %mul3A_46 : i32
    %multiple_of3A = tpu.assume_multiple %mul3A_47, 8 : i32
    %dma_start3A = arith.constant 0 : i32
    %dma_start3A_48 = arith.constant 0 : i32
    %dma_start3A_49 = arith.constant 0 : i32
    %dma_start3A_50 = arith.constant 0 : i32
    %dma_start3A_51 = tpu.memref_slice %arg6[%dma_start3A, %dma_start3A_48, %dma_start3A_49, %dma_start3A_50] : memref<2x8x2x128xi32, #tpu.memory_space<vmem>> -> memref<1x8x2x128xi32, #tpu.memory_space<vmem>>
    %dma_start3A_52 = tpu.memref_squeeze %dma_start3A_51 : memref<1x8x2x128xi32, #tpu.memory_space<vmem>> -> memref<8x2x128xi32, #tpu.memory_space<vmem>>
    %dma_start3A_53 = arith.constant 0 : i32
    %dma_start3A_54 = arith.constant 0 : i32
    %dma_start3A_55 = tpu.memref_slice %arg3[%multiple_of3A, %dma_start3A_53, %dma_start3A_54] : memref<15360x2x128xi32, #tpu.memory_space<hbm>> -> memref<8x2x128xi32, #tpu.memory_space<hbm>>
    %dma_start3A_56 = arith.constant 0 : i32
    %dma_start3A_57 = arith.constant 0 : i32
    %dma_start3A_58 = arith.constant 0 : i32
    %dma_start3A_59 = tpu.memref_slice %arg6[%dma_start3A, %dma_start3A_56, %dma_start3A_57, %dma_start3A_58] : memref<2x8x2x128xi32, #tpu.memory_space<vmem>> -> memref<1x8x2x128xi32, #tpu.memory_space<vmem>>
    %dma_start3A_60 = tpu.memref_squeeze %dma_start3A_59 : memref<1x8x2x128xi32, #tpu.memory_space<vmem>> -> memref<8x2x128xi32, #tpu.memory_space<vmem>>
    %dma_start3A_61 = arith.constant 0 : i32
    %dma_start3A_62 = arith.constant 0 : i32
    %dma_start3A_63 = tpu.memref_slice %arg3[%multiple_of3A, %dma_start3A_61, %dma_start3A_62] : memref<15360x2x128xi32, #tpu.memory_space<hbm>> -> memref<8x2x128xi32, #tpu.memory_space<hbm>>
    tpu.enqueue_dma source(%dma_start3A_63 : memref<8x2x128xi32, #tpu.memory_space<hbm>>) target(%dma_start3A_60 : memref<8x2x128xi32, #tpu.memory_space<vmem>>) target_semaphore(%arg11 : memref<!tpu.dma_semaphore, #tpu.memory_space<semaphore_mem>>)
    %dma_start3A_64 = arith.constant 0 : i32
    %dma_start3A_65 = arith.constant 0 : i32
    %dma_start3A_66 = arith.constant 0 : i32
    %dma_start3A_67 = tpu.memref_slice %arg7[%dma_start3A_64, %dma_start3A_65, %dma_start3A_66] : memref<2x8x128xf32, #tpu.memory_space<vmem>> -> memref<1x8x128xf32, #tpu.memory_space<vmem>>
    %dma_start3A_68 = tpu.memref_squeeze %dma_start3A_67 : memref<1x8x128xf32, #tpu.memory_space<vmem>> -> memref<8x128xf32, #tpu.memory_space<vmem>>
    %dma_start3A_69 = arith.constant 0 : i32
    %dma_start3A_70 = tpu.memref_slice %arg4[%multiple_of3A, %dma_start3A_69] : memref<15360x128xf32, #tpu.memory_space<hbm>> -> memref<8x128xf32, #tpu.memory_space<hbm>>
    %dma_start3A_71 = arith.constant 0 : i32
    %dma_start3A_72 = arith.constant 0 : i32
    %dma_start3A_73 = tpu.memref_slice %arg7[%dma_start3A_64, %dma_start3A_71, %dma_start3A_72] : memref<2x8x128xf32, #tpu.memory_space<vmem>> -> memref<1x8x128xf32, #tpu.memory_space<vmem>>
    %dma_start3A_74 = tpu.memref_squeeze %dma_start3A_73 : memref<1x8x128xf32, #tpu.memory_space<vmem>> -> memref<8x128xf32, #tpu.memory_space<vmem>>
    %dma_start3A_75 = arith.constant 0 : i32
    %dma_start3A_76 = tpu.memref_slice %arg4[%multiple_of3A, %dma_start3A_75] : memref<15360x128xf32, #tpu.memory_space<hbm>> -> memref<8x128xf32, #tpu.memory_space<hbm>>
    tpu.enqueue_dma source(%dma_start3A_76 : memref<8x128xf32, #tpu.memory_space<hbm>>) target(%dma_start3A_74 : memref<8x128xf32, #tpu.memory_space<vmem>>) target_semaphore(%arg11 : memref<!tpu.dma_semaphore, #tpu.memory_space<semaphore_mem>>)
    %dma_wait3A = arith.constant 0 : i32
    %dma_wait3A_77 = arith.constant 0 : i32
    %dma_wait3A_78 = arith.constant 0 : i32
    %dma_wait3A_79 = arith.constant 0 : i32
    %dma_wait3A_80 = tpu.memref_slice %arg6[%dma_wait3A, %dma_wait3A_77, %dma_wait3A_78, %dma_wait3A_79] : memref<2x8x2x128xi32, #tpu.memory_space<vmem>> -> memref<1x8x2x128xi32, #tpu.memory_space<vmem>>
    %dma_wait3A_81 = tpu.memref_squeeze %dma_wait3A_80 : memref<1x8x2x128xi32, #tpu.memory_space<vmem>> -> memref<8x2x128xi32, #tpu.memory_space<vmem>>
    %dma_wait3A_82 = arith.constant 0 : i32
    %dma_wait3A_83 = arith.constant 0 : i32
    %dma_wait3A_84 = arith.constant 0 : i32
    %dma_wait3A_85 = tpu.memref_slice %arg3[%dma_wait3A_82, %dma_wait3A_83, %dma_wait3A_84] : memref<15360x2x128xi32, #tpu.memory_space<hbm>> -> memref<8x2x128xi32, #tpu.memory_space<hbm>>
    %dma_wait3A_86 = arith.constant 0 : i32
    %dma_wait3A_87 = arith.constant 0 : i32
    %dma_wait3A_88 = arith.constant 0 : i32
    %dma_wait3A_89 = tpu.memref_slice %arg6[%dma_wait3A, %dma_wait3A_86, %dma_wait3A_87, %dma_wait3A_88] : memref<2x8x2x128xi32, #tpu.memory_space<vmem>> -> memref<1x8x2x128xi32, #tpu.memory_space<vmem>>
    %dma_wait3A_90 = tpu.memref_squeeze %dma_wait3A_89 : memref<1x8x2x128xi32, #tpu.memory_space<vmem>> -> memref<8x2x128xi32, #tpu.memory_space<vmem>>
    %dma_wait3A_91 = arith.constant 0 : i32
    %dma_wait3A_92 = arith.constant 0 : i32
    %dma_wait3A_93 = arith.constant 0 : i32
    %dma_wait3A_94 = tpu.memref_slice %arg3[%dma_wait3A_91, %dma_wait3A_92, %dma_wait3A_93] : memref<15360x2x128xi32, #tpu.memory_space<hbm>> -> memref<8x2x128xi32, #tpu.memory_space<hbm>>
    tpu.wait_dma2 semaphore(%arg11 : memref<!tpu.dma_semaphore, #tpu.memory_space<semaphore_mem>>) src(%dma_wait3A_94 : memref<8x2x128xi32, #tpu.memory_space<hbm>>) dst(%dma_wait3A_90 : memref<8x2x128xi32, #tpu.memory_space<vmem>>)
    %dma_wait3A_95 = arith.constant 0 : i32
    %dma_wait3A_96 = arith.constant 0 : i32
    %dma_wait3A_97 = arith.constant 0 : i32
    %dma_wait3A_98 = tpu.memref_slice %arg7[%dma_wait3A_95, %dma_wait3A_96, %dma_wait3A_97] : memref<2x8x128xf32, #tpu.memory_space<vmem>> -> memref<1x8x128xf32, #tpu.memory_space<vmem>>
    %dma_wait3A_99 = tpu.memref_squeeze %dma_wait3A_98 : memref<1x8x128xf32, #tpu.memory_space<vmem>> -> memref<8x128xf32, #tpu.memory_space<vmem>>
    %dma_wait3A_100 = arith.constant 0 : i32
    %dma_wait3A_101 = arith.constant 0 : i32
    %dma_wait3A_102 = tpu.memref_slice %arg4[%dma_wait3A_100, %dma_wait3A_101] : memref<15360x128xf32, #tpu.memory_space<hbm>> -> memref<8x128xf32, #tpu.memory_space<hbm>>
    %dma_wait3A_103 = arith.constant 0 : i32
    %dma_wait3A_104 = arith.constant 0 : i32
    %dma_wait3A_105 = tpu.memref_slice %arg7[%dma_wait3A_95, %dma_wait3A_103, %dma_wait3A_104] : memref<2x8x128xf32, #tpu.memory_space<vmem>> -> memref<1x8x128xf32, #tpu.memory_space<vmem>>
    %dma_wait3A_106 = tpu.memref_squeeze %dma_wait3A_105 : memref<1x8x128xf32, #tpu.memory_space<vmem>> -> memref<8x128xf32, #tpu.memory_space<vmem>>
    %dma_wait3A_107 = arith.constant 0 : i32
    %dma_wait3A_108 = arith.constant 0 : i32
    %dma_wait3A_109 = tpu.memref_slice %arg4[%dma_wait3A_107, %dma_wait3A_108] : memref<15360x128xf32, #tpu.memory_space<hbm>> -> memref<8x128xf32, #tpu.memory_space<hbm>>
    tpu.wait_dma2 semaphore(%arg11 : memref<!tpu.dma_semaphore, #tpu.memory_space<semaphore_mem>>) src(%dma_wait3A_109 : memref<8x128xf32, #tpu.memory_space<hbm>>) dst(%dma_wait3A_106 : memref<8x128xf32, #tpu.memory_space<vmem>>)
    %dma_start3A_110 = arith.constant 0 : i32
    %dma_start3A_111 = arith.constant 0 : i32
    %dma_start3A_112 = arith.constant 0 : i32
    %dma_start3A_113 = arith.constant 0 : i32
    %dma_start3A_114 = arith.constant 0 : i32
    %dma_start3A_115 = arith.constant 0 : i32
    %dma_start3A_116 = tpu.memref_slice %arg9[%dma_start3A_113, %dma_start3A_114, %dma_start3A_115] : memref<2x128x128xf32, #tpu.memory_space<vmem>> -> memref<1x128x128xf32, #tpu.memory_space<vmem>>
    %dma_start3A_117 = tpu.memref_squeeze %dma_start3A_116 : memref<1x128x128xf32, #tpu.memory_space<vmem>> -> memref<128x128xf32, #tpu.memory_space<vmem>>
    %dma_start3A_118 = arith.constant 0 : i32
    %dma_start3A_119 = tpu.memref_slice %arg6[%dma_start3A_110, %dma_start3A_111, %dma_start3A_112, %dma_start3A_118] : memref<2x8x2x128xi32, #tpu.memory_space<vmem>> -> memref<1x1x1x128xi32, #tpu.memory_space<vmem>>
    %dma_start3A_120 = tpu.memref_squeeze %dma_start3A_119 : memref<1x1x1x128xi32, #tpu.memory_space<vmem>> -> memref<128xi32, #tpu.memory_space<vmem>>
    %dma_start3A_121 = arith.constant 0 : i32
    %dma_start3A_122 = arith.constant 0 : i32
    %dma_start3A_123 = tpu.memref_slice %arg2[%dma_start3A_121, %dma_start3A_122] : memref<30000x128xf32, #tpu.memory_space<hbm>> -> memref<30000x128xf32, #tpu.memory_space<hbm>>
    tpu.enqueue_indirect_dma source(%dma_start3A_123 : memref<30000x128xf32, #tpu.memory_space<hbm>>) target(%dma_start3A_117 : memref<128x128xf32, #tpu.memory_space<vmem>>) offsets(%dma_start3A_120 : memref<128xi32, #tpu.memory_space<vmem>>) semaphore(%arg13 : memref<!tpu.dma_semaphore, #tpu.memory_space<semaphore_mem>>)
    %scan3A_124 = arith.constant 0 : i32
    %scan3A_125 = arith.constant 0 : i32
    %scan3A_126 = arith.constant 480 : i32
    %scan3A_127 = arith.addi %scan3A_125, %scan3A_126 : i32
    %scan3A_128 = arith.constant 1 : i32
    scf.for %scan3A_195 = %scan3A_125 to %scan3A_127 step %scan3A_128  : i32 {
      %and3A = arith.constant 7 : i32
      %and3A_196 = arith.andi %scan3A_195, %and3A : i32
      %shift_right_logical3A = arith.constant 3 : i32
      %shift_right_logical3A_197 = arith.shrui %scan3A_195, %shift_right_logical3A : i32
      %and3A_198 = arith.constant 1 : i32
      %and3A_199 = arith.andi %shift_right_logical3A_197, %and3A_198 : i32
      %and3A_200 = arith.constant 1 : i32
      %and3A_201 = arith.andi %scan3A_195, %and3A_200 : i32
      %eq3A_202 = arith.constant 0 : i32
      %eq3A_203 = arith.cmpi eq, %and3A_196, %eq3A_202 : i32
      %add3A_204 = arith.constant 1 : i32
      %add3A_205 = arith.addi %shift_right_logical3A_197, %add3A_204 : i32
      %lt3A_206 = arith.constant 60 : i32
      %lt3A_207 = arith.cmpi slt, %add3A_205, %lt3A_206 : i32
      %and3A_208 = arith.andi %eq3A_203, %lt3A_207 : i1
      %convert_element_type3A_209 = arith.extui %and3A_208 : i1 to i32
      %cond3A_210 = arith.constant 0 : i32
      %cond3A_211 = arith.cmpi ne, %convert_element_type3A_209, %cond3A_210 : i32
      scf.if %cond3A_211 {
        %eq3A_260 = arith.constant 0 : i32
        %eq3A_261 = arith.cmpi eq, %and3A_199, %eq3A_260 : i32
        %convert_element_type3A_262 = arith.extui %eq3A_261 : i1 to i32
        %cond3A_263 = arith.constant 0 : i32
        %cond3A_264 = arith.cmpi ne, %convert_element_type3A_262, %cond3A_263 : i32
        scf.if %cond3A_264 {
          %add3A_270 = arith.constant 1 : i32
          %add3A_271 = arith.addi %shift_right_logical3A_197, %add3A_270 : i32
          %add3A_272 = arith.addi %mul3A_2, %add3A_271 : i32
          %mul3A_273 = arith.constant 8 : i32
          %mul3A_274 = arith.muli %add3A_272, %mul3A_273 : i32
          %multiple_of3A_275 = tpu.assume_multiple %mul3A_274, 8 : i32
          %dma_start3A_276 = arith.constant 1 : i32
          %dma_start3A_277 = arith.constant 0 : i32
          %dma_start3A_278 = arith.constant 0 : i32
          %dma_start3A_279 = arith.constant 0 : i32
          %dma_start3A_280 = tpu.memref_slice %arg6[%dma_start3A_276, %dma_start3A_277, %dma_start3A_278, %dma_start3A_279] : memref<2x8x2x128xi32, #tpu.memory_space<vmem>> -> memref<1x8x2x128xi32, #tpu.memory_space<vmem>>
          %dma_start3A_281 = tpu.memref_squeeze %dma_start3A_280 : memref<1x8x2x128xi32, #tpu.memory_space<vmem>> -> memref<8x2x128xi32, #tpu.memory_space<vmem>>
          %dma_start3A_282 = arith.constant 0 : i32
          %dma_start3A_283 = arith.constant 0 : i32
          %dma_start3A_284 = tpu.memref_slice %arg3[%multiple_of3A_275, %dma_start3A_282, %dma_start3A_283] : memref<15360x2x128xi32, #tpu.memory_space<hbm>> -> memref<8x2x128xi32, #tpu.memory_space<hbm>>
          %dma_start3A_285 = arith.constant 0 : i32
          %dma_start3A_286 = arith.constant 0 : i32
          %dma_start3A_287 = arith.constant 0 : i32
          %dma_start3A_288 = tpu.memref_slice %arg6[%dma_start3A_276, %dma_start3A_285, %dma_start3A_286, %dma_start3A_287] : memref<2x8x2x128xi32, #tpu.memory_space<vmem>> -> memref<1x8x2x128xi32, #tpu.memory_space<vmem>>
          %dma_start3A_289 = tpu.memref_squeeze %dma_start3A_288 : memref<1x8x2x128xi32, #tpu.memory_space<vmem>> -> memref<8x2x128xi32, #tpu.memory_space<vmem>>
          %dma_start3A_290 = arith.constant 0 : i32
          %dma_start3A_291 = arith.constant 0 : i32
          %dma_start3A_292 = tpu.memref_slice %arg3[%multiple_of3A_275, %dma_start3A_290, %dma_start3A_291] : memref<15360x2x128xi32, #tpu.memory_space<hbm>> -> memref<8x2x128xi32, #tpu.memory_space<hbm>>
          tpu.enqueue_dma source(%dma_start3A_292 : memref<8x2x128xi32, #tpu.memory_space<hbm>>) target(%dma_start3A_289 : memref<8x2x128xi32, #tpu.memory_space<vmem>>) target_semaphore(%arg12 : memref<!tpu.dma_semaphore, #tpu.memory_space<semaphore_mem>>)
          %dma_start3A_293 = arith.constant 1 : i32
          %dma_start3A_294 = arith.constant 0 : i32
          %dma_start3A_295 = arith.constant 0 : i32
          %dma_start3A_296 = tpu.memref_slice %arg7[%dma_start3A_293, %dma_start3A_294, %dma_start3A_295] : memref<2x8x128xf32, #tpu.memory_space<vmem>> -> memref<1x8x128xf32, #tpu.memory_space<vmem>>
          %dma_start3A_297 = tpu.memref_squeeze %dma_start3A_296 : memref<1x8x128xf32, #tpu.memory_space<vmem>> -> memref<8x128xf32, #tpu.memory_space<vmem>>
          %dma_start3A_298 = arith.constant 0 : i32
          %dma_start3A_299 = tpu.memref_slice %arg4[%multiple_of3A_275, %dma_start3A_298] : memref<15360x128xf32, #tpu.memory_space<hbm>> -> memref<8x128xf32, #tpu.memory_space<hbm>>
          %dma_start3A_300 = arith.constant 0 : i32
          %dma_start3A_301 = arith.constant 0 : i32
          %dma_start3A_302 = tpu.memref_slice %arg7[%dma_start3A_293, %dma_start3A_300, %dma_start3A_301] : memref<2x8x128xf32, #tpu.memory_space<vmem>> -> memref<1x8x128xf32, #tpu.memory_space<vmem>>
          %dma_start3A_303 = tpu.memref_squeeze %dma_start3A_302 : memref<1x8x128xf32, #tpu.memory_space<vmem>> -> memref<8x128xf32, #tpu.memory_space<vmem>>
          %dma_start3A_304 = arith.constant 0 : i32
          %dma_start3A_305 = tpu.memref_slice %arg4[%multiple_of3A_275, %dma_start3A_304] : memref<15360x128xf32, #tpu.memory_space<hbm>> -> memref<8x128xf32, #tpu.memory_space<hbm>>
          tpu.enqueue_dma source(%dma_start3A_305 : memref<8x128xf32, #tpu.memory_space<hbm>>) target(%dma_start3A_303 : memref<8x128xf32, #tpu.memory_space<vmem>>) target_semaphore(%arg12 : memref<!tpu.dma_semaphore, #tpu.memory_space<semaphore_mem>>)
        } else {
        }
        %ne3A_265 = arith.constant 0 : i32
        %ne3A_266 = arith.cmpi ne, %and3A_199, %ne3A_265 : i32
        %convert_element_type3A_267 = arith.extui %ne3A_266 : i1 to i32
        %cond3A_268 = arith.constant 0 : i32
        %cond3A_269 = arith.cmpi ne, %convert_element_type3A_267, %cond3A_268 : i32
        scf.if %cond3A_269 {
          %add3A_270 = arith.constant 1 : i32
          %add3A_271 = arith.addi %shift_right_logical3A_197, %add3A_270 : i32
          %add3A_272 = arith.addi %mul3A_2, %add3A_271 : i32
          %mul3A_273 = arith.constant 8 : i32
          %mul3A_274 = arith.muli %add3A_272, %mul3A_273 : i32
          %multiple_of3A_275 = tpu.assume_multiple %mul3A_274, 8 : i32
          %dma_start3A_276 = arith.constant 0 : i32
          %dma_start3A_277 = arith.constant 0 : i32
          %dma_start3A_278 = arith.constant 0 : i32
          %dma_start3A_279 = arith.constant 0 : i32
          %dma_start3A_280 = tpu.memref_slice %arg6[%dma_start3A_276, %dma_start3A_277, %dma_start3A_278, %dma_start3A_279] : memref<2x8x2x128xi32, #tpu.memory_space<vmem>> -> memref<1x8x2x128xi32, #tpu.memory_space<vmem>>
          %dma_start3A_281 = tpu.memref_squeeze %dma_start3A_280 : memref<1x8x2x128xi32, #tpu.memory_space<vmem>> -> memref<8x2x128xi32, #tpu.memory_space<vmem>>
          %dma_start3A_282 = arith.constant 0 : i32
          %dma_start3A_283 = arith.constant 0 : i32
          %dma_start3A_284 = tpu.memref_slice %arg3[%multiple_of3A_275, %dma_start3A_282, %dma_start3A_283] : memref<15360x2x128xi32, #tpu.memory_space<hbm>> -> memref<8x2x128xi32, #tpu.memory_space<hbm>>
          %dma_start3A_285 = arith.constant 0 : i32
          %dma_start3A_286 = arith.constant 0 : i32
          %dma_start3A_287 = arith.constant 0 : i32
          %dma_start3A_288 = tpu.memref_slice %arg6[%dma_start3A_276, %dma_start3A_285, %dma_start3A_286, %dma_start3A_287] : memref<2x8x2x128xi32, #tpu.memory_space<vmem>> -> memref<1x8x2x128xi32, #tpu.memory_space<vmem>>
          %dma_start3A_289 = tpu.memref_squeeze %dma_start3A_288 : memref<1x8x2x128xi32, #tpu.memory_space<vmem>> -> memref<8x2x128xi32, #tpu.memory_space<vmem>>
          %dma_start3A_290 = arith.constant 0 : i32
          %dma_start3A_291 = arith.constant 0 : i32
          %dma_start3A_292 = tpu.memref_slice %arg3[%multiple_of3A_275, %dma_start3A_290, %dma_start3A_291] : memref<15360x2x128xi32, #tpu.memory_space<hbm>> -> memref<8x2x128xi32, #tpu.memory_space<hbm>>
          tpu.enqueue_dma source(%dma_start3A_292 : memref<8x2x128xi32, #tpu.memory_space<hbm>>) target(%dma_start3A_289 : memref<8x2x128xi32, #tpu.memory_space<vmem>>) target_semaphore(%arg11 : memref<!tpu.dma_semaphore, #tpu.memory_space<semaphore_mem>>)
          %dma_start3A_293 = arith.constant 0 : i32
          %dma_start3A_294 = arith.constant 0 : i32
          %dma_start3A_295 = arith.constant 0 : i32
          %dma_start3A_296 = tpu.memref_slice %arg7[%dma_start3A_293, %dma_start3A_294, %dma_start3A_295] : memref<2x8x128xf32, #tpu.memory_space<vmem>> -> memref<1x8x128xf32, #tpu.memory_space<vmem>>
          %dma_start3A_297 = tpu.memref_squeeze %dma_start3A_296 : memref<1x8x128xf32, #tpu.memory_space<vmem>> -> memref<8x128xf32, #tpu.memory_space<vmem>>
          %dma_start3A_298 = arith.constant 0 : i32
          %dma_start3A_299 = tpu.memref_slice %arg4[%multiple_of3A_275, %dma_start3A_298] : memref<15360x128xf32, #tpu.memory_space<hbm>> -> memref<8x128xf32, #tpu.memory_space<hbm>>
          %dma_start3A_300 = arith.constant 0 : i32
          %dma_start3A_301 = arith.constant 0 : i32
          %dma_start3A_302 = tpu.memref_slice %arg7[%dma_start3A_293, %dma_start3A_300, %dma_start3A_301] : memref<2x8x128xf32, #tpu.memory_space<vmem>> -> memref<1x8x128xf32, #tpu.memory_space<vmem>>
          %dma_start3A_303 = tpu.memref_squeeze %dma_start3A_302 : memref<1x8x128xf32, #tpu.memory_space<vmem>> -> memref<8x128xf32, #tpu.memory_space<vmem>>
          %dma_start3A_304 = arith.constant 0 : i32
          %dma_start3A_305 = tpu.memref_slice %arg4[%multiple_of3A_275, %dma_start3A_304] : memref<15360x128xf32, #tpu.memory_space<hbm>> -> memref<8x128xf32, #tpu.memory_space<hbm>>
          tpu.enqueue_dma source(%dma_start3A_305 : memref<8x128xf32, #tpu.memory_space<hbm>>) target(%dma_start3A_303 : memref<8x128xf32, #tpu.memory_space<vmem>>) target_semaphore(%arg11 : memref<!tpu.dma_semaphore, #tpu.memory_space<semaphore_mem>>)
        } else {
        }
      } else {
      }
      %eq3A_212 = arith.constant 0 : i32
      %eq3A_213 = arith.cmpi eq, %and3A_201, %eq3A_212 : i32
      %convert_element_type3A_214 = arith.extui %eq3A_213 : i1 to i32
      %cond3A_215 = arith.constant 0 : i32
      %cond3A_216 = arith.cmpi ne, %convert_element_type3A_214, %cond3A_215 : i32
      scf.if %cond3A_216 {
        %dma_wait3A_260 = arith.constant 0 : i32
        %dma_wait3A_261 = arith.constant 0 : i32
        %dma_wait3A_262 = arith.constant 0 : i32
        %dma_wait3A_263 = arith.constant 0 : i32
        %dma_wait3A_264 = arith.constant 0 : i32
        %dma_wait3A_265 = arith.constant 0 : i32
        %dma_wait3A_266 = tpu.memref_slice %arg9[%dma_wait3A_263, %dma_wait3A_264, %dma_wait3A_265] : memref<2x128x128xf32, #tpu.memory_space<vmem>> -> memref<1x128x128xf32, #tpu.memory_space<vmem>>
        %dma_wait3A_267 = tpu.memref_squeeze %dma_wait3A_266 : memref<1x128x128xf32, #tpu.memory_space<vmem>> -> memref<128x128xf32, #tpu.memory_space<vmem>>
        %dma_wait3A_268 = arith.constant 0 : i32
        %dma_wait3A_269 = tpu.memref_slice %arg6[%dma_wait3A_260, %dma_wait3A_261, %dma_wait3A_262, %dma_wait3A_268] : memref<2x8x2x128xi32, #tpu.memory_space<vmem>> -> memref<1x1x1x128xi32, #tpu.memory_space<vmem>>
        %dma_wait3A_270 = tpu.memref_squeeze %dma_wait3A_269 : memref<1x1x1x128xi32, #tpu.memory_space<vmem>> -> memref<128xi32, #tpu.memory_space<vmem>>
        %dma_wait3A_271 = arith.constant 0 : i32
        %dma_wait3A_272 = arith.constant 0 : i32
        %dma_wait3A_273 = tpu.memref_slice %arg2[%dma_wait3A_271, %dma_wait3A_272] : memref<30000x128xf32, #tpu.memory_space<hbm>> -> memref<30000x128xf32, #tpu.memory_space<hbm>>
        tpu.wait_indirect_dma semaphore(%arg13 : memref<!tpu.dma_semaphore, #tpu.memory_space<semaphore_mem>>) src(%dma_wait3A_273 : memref<30000x128xf32, #tpu.memory_space<hbm>>) dst(%dma_wait3A_267 : memref<128x128xf32, #tpu.memory_space<vmem>>)
      } else {
      }
      %ne3A = arith.constant 0 : i32
      %ne3A_217 = arith.cmpi ne, %and3A_201, %ne3A : i32
      %convert_element_type3A_218 = arith.extui %ne3A_217 : i1 to i32
      %cond3A_219 = arith.constant 0 : i32
      %cond3A_220 = arith.cmpi ne, %convert_element_type3A_218, %cond3A_219 : i32
      scf.if %cond3A_220 {
        %dma_wait3A_260 = arith.constant 0 : i32
        %dma_wait3A_261 = arith.constant 0 : i32
        %dma_wait3A_262 = arith.constant 0 : i32
        %dma_wait3A_263 = arith.constant 1 : i32
        %dma_wait3A_264 = arith.constant 0 : i32
        %dma_wait3A_265 = arith.constant 0 : i32
        %dma_wait3A_266 = tpu.memref_slice %arg9[%dma_wait3A_263, %dma_wait3A_264, %dma_wait3A_265] : memref<2x128x128xf32, #tpu.memory_space<vmem>> -> memref<1x128x128xf32, #tpu.memory_space<vmem>>
        %dma_wait3A_267 = tpu.memref_squeeze %dma_wait3A_266 : memref<1x128x128xf32, #tpu.memory_space<vmem>> -> memref<128x128xf32, #tpu.memory_space<vmem>>
        %dma_wait3A_268 = arith.constant 0 : i32
        %dma_wait3A_269 = tpu.memref_slice %arg6[%dma_wait3A_260, %dma_wait3A_261, %dma_wait3A_262, %dma_wait3A_268] : memref<2x8x2x128xi32, #tpu.memory_space<vmem>> -> memref<1x1x1x128xi32, #tpu.memory_space<vmem>>
        %dma_wait3A_270 = tpu.memref_squeeze %dma_wait3A_269 : memref<1x1x1x128xi32, #tpu.memory_space<vmem>> -> memref<128xi32, #tpu.memory_space<vmem>>
        %dma_wait3A_271 = arith.constant 0 : i32
        %dma_wait3A_272 = arith.constant 0 : i32
        %dma_wait3A_273 = tpu.memref_slice %arg2[%dma_wait3A_271, %dma_wait3A_272] : memref<30000x128xf32, #tpu.memory_space<hbm>> -> memref<30000x128xf32, #tpu.memory_space<hbm>>
        tpu.wait_indirect_dma semaphore(%arg14 : memref<!tpu.dma_semaphore, #tpu.memory_space<semaphore_mem>>) src(%dma_wait3A_273 : memref<30000x128xf32, #tpu.memory_space<hbm>>) dst(%dma_wait3A_267 : memref<128x128xf32, #tpu.memory_space<vmem>>)
      } else {
      }
      %scan3A_221 = arith.constant 0 : i32
      %scan3A_222 = arith.constant 0 : i32
      %scan3A_223 = arith.constant 8 : i32
      %scan3A_224 = arith.addi %scan3A_222, %scan3A_223 : i32
      %scan3A_225 = arith.constant 1 : i32
      scf.for %scan3A_260 = %scan3A_222 to %scan3A_224 step %scan3A_225  : i32 {
        %mul3A_261 = arith.constant 16 : i32
        %mul3A_262 = arith.muli %scan3A_260, %mul3A_261 : i32
        %get3A = arith.constant 1 : i32
        %get3A_263 = arith.index_cast %and3A_199 : i32 to index
        %get3A_264 = arith.index_cast %and3A_196 : i32 to index
        %get3A_265 = arith.index_cast %get3A : i32 to index
        %get3A_266 = arith.index_cast %mul3A_262 : i32 to index
        %get3A_267 = tpu.vector_load %arg6[%get3A_263, %get3A_264, %get3A_265, %get3A_266] {strides = array<i32>} : memref<2x8x2x128xi32, #tpu.memory_space<vmem>>, vector<1x1x1x16xi32>,
        %get3A_268 = vector.shape_cast %get3A_267 : vector<1x1x1x16xi32> to vector<16xi32>
        %swap3A = arith.index_cast %and3A_201 : i32 to index
        %swap3A_269 = arith.index_cast %mul3A_262 : i32 to index
        %swap3A_270 = tpu.vector_load %arg8[%swap3A, %swap3A_269] {strides = array<i32>} : memref<2x128xi32, #tpu.memory_space<vmem>>, vector<1x16xi32>,
        %swap3A_271 = vector.shape_cast %swap3A_270 : vector<1x16xi32> to vector<16xi32>
        %swap3A_272 = vector.shape_cast %get3A_268 : vector<16xi32> to vector<1x16xi32>
        tpu.vector_store %arg8[%swap3A, %swap3A_269], %swap3A_272 {strides = array<i32>} : memref<2x128xi32, #tpu.memory_space<vmem>>, vector<1x16xi32>,
      }
      %scan3A_226 = arith.constant 8 : i32
      %scan3A_227 = arith.constant 0 : i32
      %scan3A_228 = arith.constant 0 : i32
      %scan3A_229 = arith.constant 8 : i32
      %scan3A_230 = arith.addi %scan3A_228, %scan3A_229 : i32
      %scan3A_231 = arith.constant 1 : i32
      scf.for %scan3A_260 = %scan3A_228 to %scan3A_230 step %scan3A_231  : i32 {
        %mul3A_261 = arith.constant 16 : i32
        %mul3A_262 = arith.muli %scan3A_260, %mul3A_261 : i32
        %get3A = arith.index_cast %and3A_199 : i32 to index
        %get3A_263 = arith.index_cast %and3A_196 : i32 to index
        %get3A_264 = arith.index_cast %mul3A_262 : i32 to index
        %get3A_265 = tpu.vector_load %arg7[%get3A, %get3A_263, %get3A_264] {strides = array<i32>} : memref<2x8x128xf32, #tpu.memory_space<vmem>>, vector<1x1x16xf32>,
        %get3A_266 = vector.shape_cast %get3A_265 : vector<1x1x16xf32> to vector<16xf32>
        %mul3A_267 = arith.constant 16 : i32
        %mul3A_268 = arith.muli %scan3A_260, %mul3A_267 : i32
        %add3A_269 = arith.constant 0 : i32
        %add3A_270 = arith.addi %mul3A_268, %add3A_269 : i32
        %slice3A = vector.extract_strided_slice %get3A_266 {offsets = [0], sizes = [1], strides = [1]} : vector<16xf32> to vector<1xf32>
        %squeeze3A = vector.extract %slice3A[0] : f32 from vector<1xf32>
        %get3A_271 = arith.index_cast %and3A_201 : i32 to index
        %get3A_272 = arith.index_cast %add3A_270 : i32 to index
        %get3A_273 = arith.constant 0 : index
        %get3A_274 = tpu.vector_load %arg9[%get3A_271, %get3A_272, %get3A_273] {strides = array<i32>} : memref<2x128x128xf32, #tpu.memory_space<vmem>>, vector<1x1x16xf32>,
        %get3A_275 = vector.shape_cast %get3A_274 : vector<1x1x16xf32> to vector<16xf32>
        %mul3A_276 = vector.broadcast %squeeze3A : f32 to vector<16xf32>
        %mul3A_277 = arith.mulf %get3A_275, %mul3A_276 : vector<16xf32>
        %swap3A = arith.index_cast %and3A_201 : i32 to index
        %swap3A_278 = arith.index_cast %add3A_270 : i32 to index
        %swap3A_279 = arith.constant 0 : index
        %swap3A_280 = tpu.vector_load %arg9[%swap3A, %swap3A_278, %swap3A_279] {strides = array<i32>} : memref<2x128x128xf32, #tpu.memory_space<vmem>>, vector<1x1x16xf32>,
        %swap3A_281 = vector.shape_cast %swap3A_280 : vector<1x1x16xf32> to vector<16xf32>
        %swap3A_282 = vector.shape_cast %mul3A_277 : vector<16xf32> to vector<1x1x16xf32>
        tpu.vector_store %arg9[%swap3A, %swap3A_278, %swap3A_279], %swap3A_282 {strides = array<i32>} : memref<2x128x128xf32, #tpu.memory_space<vmem>>, vector<1x1x16xf32>,
        %get3A_283 = arith.index_cast %and3A_201 : i32 to index
        %get3A_284 = arith.index_cast %add3A_270 : i32 to index
        %get3A_285 = arith.constant 16 : index
        %get3A_286 = tpu.vector_load %arg9[%get3A_283, %get3A_284, %get3A_285] {strides = array<i32>} : memref<2x128x128xf32, #tpu.memory_space<vmem>>, vector<1x1x16xf32>,
        %get3A_287 = vector.shape_cast %get3A_286 : vector<1x1x16xf32> to vector<16xf32>
        %mul3A_288 = vector.broadcast %squeeze3A : f32 to vector<16xf32>
        %mul3A_289 = arith.mulf %get3A_287, %mul3A_288 : vector<16xf32>
        %swap3A_290 = arith.index_cast %and3A_201 : i32 to index
        %swap3A_291 = arith.index_cast %add3A_270 : i32 to index
        %swap3A_292 = arith.constant 16 : index
        %swap3A_293 = tpu.vector_load %arg9[%swap3A_290, %swap3A_291, %swap3A_292] {strides = array<i32>} : memref<2x128x128xf32, #tpu.memory_space<vmem>>, vector<1x1x16xf32>,
        %swap3A_294 = vector.shape_cast %swap3A_293 : vector<1x1x16xf32> to vector<16xf32>
        %swap3A_295 = vector.shape_cast %mul3A_289 : vector<16xf32> to vector<1x1x16xf32>
        tpu.vector_store %arg9[%swap3A_290, %swap3A_291, %swap3A_292], %swap3A_295 {strides = array<i32>} : memref<2x128x128xf32, #tpu.memory_space<vmem>>, vector<1x1x16xf32>,
        %get3A_296 = arith.index_cast %and3A_201 : i32 to index
        %get3A_297 = arith.index_cast %add3A_270 : i32 to index
        %get3A_298 = arith.constant 32 : index
        %get3A_299 = tpu.vector_load %arg9[%get3A_296, %get3A_297, %get3A_298] {strides = array<i32>} : memref<2x128x128xf32, #tpu.memory_space<vmem>>, vector<1x1x16xf32>,
        %get3A_300 = vector.shape_cast %get3A_299 : vector<1x1x16xf32> to vector<16xf32>
        %mul3A_301 = vector.broadcast %squeeze3A : f32 to vector<16xf32>
        %mul3A_302 = arith.mulf %get3A_300, %mul3A_301 : vector<16xf32>
        %swap3A_303 = arith.index_cast %and3A_201 : i32 to index
        %swap3A_304 = arith.index_cast %add3A_270 : i32 to index
        %swap3A_305 = arith.constant 32 : index
        %swap3A_306 = tpu.vector_load %arg9[%swap3A_303, %swap3A_304, %swap3A_305] {strides = array<i32>} : memref<2x128x128xf32, #tpu.memory_space<vmem>>, vector<1x1x16xf32>,
        %swap3A_307 = vector.shape_cast %swap3A_306 : vector<1x1x16xf32> to vector<16xf32>
        %swap3A_308 = vector.shape_cast %mul3A_302 : vector<16xf32> to vector<1x1x16xf32>
        tpu.vector_store %arg9[%swap3A_303, %swap3A_304, %swap3A_305], %swap3A_308 {strides = array<i32>} : memref<2x128x128xf32, #tpu.memory_space<vmem>>, vector<1x1x16xf32>,
        %get3A_309 = arith.index_cast %and3A_201 : i32 to index
        %get3A_310 = arith.index_cast %add3A_270 : i32 to index
        %get3A_311 = arith.constant 48 : index
        %get3A_312 = tpu.vector_load %arg9[%get3A_309, %get3A_310, %get3A_311] {strides = array<i32>} : memref<2x128x128xf32, #tpu.memory_space<vmem>>, vector<1x1x16xf32>,
        %get3A_313 = vector.shape_cast %get3A_312 : vector<1x1x16xf32> to vector<16xf32>
        %mul3A_314 = vector.broadcast %squeeze3A : f32 to vector<16xf32>
        %mul3A_315 = arith.mulf %get3A_313, %mul3A_314 : vector<16xf32>
        %swap3A_316 = arith.index_cast %and3A_201 : i32 to index
        %swap3A_317 = arith.index_cast %add3A_270 : i32 to index
        %swap3A_318 = arith.constant 48 : index
        %swap3A_319 = tpu.vector_load %arg9[%swap3A_316, %swap3A_317, %swap3A_318] {strides = array<i32>} : memref<2x128x128xf32, #tpu.memory_space<vmem>>, vector<1x1x16xf32>,
        %swap3A_320 = vector.shape_cast %swap3A_319 : vector<1x1x16xf32> to vector<16xf32>
        %swap3A_321 = vector.shape_cast %mul3A_315 : vector<16xf32> to vector<1x1x16xf32>
        tpu.vector_store %arg9[%swap3A_316, %swap3A_317, %swap3A_318], %swap3A_321 {strides = array<i32>} : memref<2x128x128xf32, #tpu.memory_space<vmem>>, vector<1x1x16xf32>,
        %get3A_322 = arith.index_cast %and3A_201 : i32 to index
        %get3A_323 = arith.index_cast %add3A_270 : i32 to index
        %get3A_324 = arith.constant 64 : index
        %get3A_325 = tpu.vector_load %arg9[%get3A_322, %get3A_323, %get3A_324] {strides = array<i32>} : memref<2x128x128xf32, #tpu.memory_space<vmem>>, vector<1x1x16xf32>,
        %get3A_326 = vector.shape_cast %get3A_325 : vector<1x1x16xf32> to vector<16xf32>
        %mul3A_327 = vector.broadcast %squeeze3A : f32 to vector<16xf32>
        %mul3A_328 = arith.mulf %get3A_326, %mul3A_327 : vector<16xf32>
        %swap3A_329 = arith.index_cast %and3A_201 : i32 to index
        %swap3A_330 = arith.index_cast %add3A_270 : i32 to index
        %swap3A_331 = arith.constant 64 : index
        %swap3A_332 = tpu.vector_load %arg9[%swap3A_329, %swap3A_330, %swap3A_331] {strides = array<i32>} : memref<2x128x128xf32, #tpu.memory_space<vmem>>, vector<1x1x16xf32>,
        %swap3A_333 = vector.shape_cast %swap3A_332 : vector<1x1x16xf32> to vector<16xf32>
        %swap3A_334 = vector.shape_cast %mul3A_328 : vector<16xf32> to vector<1x1x16xf32>
        tpu.vector_store %arg9[%swap3A_329, %swap3A_330, %swap3A_331], %swap3A_334 {strides = array<i32>} : memref<2x128x128xf32, #tpu.memory_space<vmem>>, vector<1x1x16xf32>,
        %get3A_335 = arith.index_cast %and3A_201 : i32 to index
        %get3A_336 = arith.index_cast %add3A_270 : i32 to index
        %get3A_337 = arith.constant 80 : index
        %get3A_338 = tpu.vector_load %arg9[%get3A_335, %get3A_336, %get3A_337] {strides = array<i32>} : memref<2x128x128xf32, #tpu.memory_space<vmem>>, vector<1x1x16xf32>,
        %get3A_339 = vector.shape_cast %get3A_338 : vector<1x1x16xf32> to vector<16xf32>
        %mul3A_340 = vector.broadcast %squeeze3A : f32 to vector<16xf32>
        %mul3A_341 = arith.mulf %get3A_339, %mul3A_340 : vector<16xf32>
        %swap3A_342 = arith.index_cast %and3A_201 : i32 to index
        %swap3A_343 = arith.index_cast %add3A_270 : i32 to index
        %swap3A_344 = arith.constant 80 : index
        %swap3A_345 = tpu.vector_load %arg9[%swap3A_342, %swap3A_343, %swap3A_344] {strides = array<i32>} : memref<2x128x128xf32, #tpu.memory_space<vmem>>, vector<1x1x16xf32>,
        %swap3A_346 = vector.shape_cast %swap3A_345 : vector<1x1x16xf32> to vector<16xf32>
        %swap3A_347 = vector.shape_cast %mul3A_341 : vector<16xf32> to vector<1x1x16xf32>
        tpu.vector_store %arg9[%swap3A_342, %swap3A_343, %swap3A_344], %swap3A_347 {strides = array<i32>} : memref<2x128x128xf32, #tpu.memory_space<vmem>>, vector<1x1x16xf32>,
        %get3A_348 = arith.index_cast %and3A_201 : i32 to index
        %get3A_349 = arith.index_cast %add3A_270 : i32 to index
        %get3A_350 = arith.constant 96 : index
        %get3A_351 = tpu.vector_load %arg9[%get3A_348, %get3A_349, %get3A_350] {strides = array<i32>} : memref<2x128x128xf32, #tpu.memory_space<vmem>>, vector<1x1x16xf32>,
        %get3A_352 = vector.shape_cast %get3A_351 : vector<1x1x16xf32> to vector<16xf32>
        %mul3A_353 = vector.broadcast %squeeze3A : f32 to vector<16xf32>
        %mul3A_354 = arith.mulf %get3A_352, %mul3A_353 : vector<16xf32>
        %swap3A_355 = arith.index_cast %and3A_201 : i32 to index
        %swap3A_356 = arith.index_cast %add3A_270 : i32 to index
        %swap3A_357 = arith.constant 96 : index
        %swap3A_358 = tpu.vector_load %arg9[%swap3A_355, %swap3A_356, %swap3A_357] {strides = array<i32>} : memref<2x128x128xf32, #tpu.memory_space<vmem>>, vector<1x1x16xf32>,
        %swap3A_359 = vector.shape_cast %swap3A_358 : vector<1x1x16xf32> to vector<16xf32>
        %swap3A_360 = vector.shape_cast %mul3A_354 : vector<16xf32> to vector<1x1x16xf32>
        tpu.vector_store %arg9[%swap3A_355, %swap3A_356, %swap3A_357], %swap3A_360 {strides = array<i32>} : memref<2x128x128xf32, #tpu.memory_space<vmem>>, vector<1x1x16xf32>,
        %get3A_361 = arith.index_cast %and3A_201 : i32 to index
        %get3A_362 = arith.index_cast %add3A_270 : i32 to index
        %get3A_363 = arith.constant 112 : index
        %get3A_364 = tpu.vector_load %arg9[%get3A_361, %get3A_362, %get3A_363] {strides = array<i32>} : memref<2x128x128xf32, #tpu.memory_space<vmem>>, vector<1x1x16xf32>,
        %get3A_365 = vector.shape_cast %get3A_364 : vector<1x1x16xf32> to vector<16xf32>
        %mul3A_366 = vector.broadcast %squeeze3A : f32 to vector<16xf32>
        %mul3A_367 = arith.mulf %get3A_365, %mul3A_366 : vector<16xf32>
        %swap3A_368 = arith.index_cast %and3A_201 : i32 to index
        %swap3A_369 = arith.index_cast %add3A_270 : i32 to index
        %swap3A_370 = arith.constant 112 : index
        %swap3A_371 = tpu.vector_load %arg9[%swap3A_368, %swap3A_369, %swap3A_370] {strides = array<i32>} : memref<2x128x128xf32, #tpu.memory_space<vmem>>, vector<1x1x16xf32>,
        %swap3A_372 = vector.shape_cast %swap3A_371 : vector<1x1x16xf32> to vector<16xf32>
        %swap3A_373 = vector.shape_cast %mul3A_367 : vector<16xf32> to vector<1x1x16xf32>
        tpu.vector_store %arg9[%swap3A_368, %swap3A_369, %swap3A_370], %swap3A_373 {strides = array<i32>} : memref<2x128x128xf32, #tpu.memory_space<vmem>>, vector<1x1x16xf32>,
        %mul3A_374 = arith.constant 16 : i32
        %mul3A_375 = arith.muli %scan3A_260, %mul3A_374 : i32
        %add3A_376 = arith.constant 1 : i32
        %add3A_377 = arith.addi %mul3A_375, %add3A_376 : i32
        %slice3A_378 = vector.extract_strided_slice %get3A_266 {offsets = [1], sizes = [1], strides = [1]} : vector<16xf32> to vector<1xf32>
        %squeeze3A_379 = vector.extract %slice3A_378[0] : f32 from vector<1xf32>
        %get3A_380 = arith.index_cast %and3A_201 : i32 to index
        %get3A_381 = arith.index_cast %add3A_377 : i32 to index
        %get3A_382 = arith.constant 0 : index
        %get3A_383 = tpu.vector_load %arg9[%get3A_380, %get3A_381, %get3A_382] {strides = array<i32>} : memref<2x128x128xf32, #tpu.memory_space<vmem>>, vector<1x1x16xf32>,
        %get3A_384 = vector.shape_cast %get3A_383 : vector<1x1x16xf32> to vector<16xf32>
        %mul3A_385 = vector.broadcast %squeeze3A_379 : f32 to vector<16xf32>
        %mul3A_386 = arith.mulf %get3A_384, %mul3A_385 : vector<16xf32>
        %swap3A_387 = arith.index_cast %and3A_201 : i32 to index
        %swap3A_388 = arith.index_cast %add3A_377 : i32 to index
        %swap3A_389 = arith.constant 0 : index
        %swap3A_390 = tpu.vector_load %arg9[%swap3A_387, %swap3A_388, %swap3A_389] {strides = array<i32>} : memref<2x128x128xf32, #tpu.memory_space<vmem>>, vector<1x1x16xf32>,
        %swap3A_391 = vector.shape_cast %swap3A_390 : vector<1x1x16xf32> to vector<16xf32>
        %swap3A_392 = vector.shape_cast %mul3A_386 : vector<16xf32> to vector<1x1x16xf32>
        tpu.vector_store %arg9[%swap3A_387, %swap3A_388, %swap3A_389], %swap3A_392 {strides = array<i32>} : memref<2x128x128xf32, #tpu.memory_space<vmem>>, vector<1x1x16xf32>,
        %get3A_393 = arith.index_cast %and3A_201 : i32 to index
        %get3A_394 = arith.index_cast %add3A_377 : i32 to index
        %get3A_395 = arith.constant 16 : index
        %get3A_396 = tpu.vector_load %arg9[%get3A_393, %get3A_394, %get3A_395] {strides = array<i32>} : memref<2x128x128xf32, #tpu.memory_space<vmem>>, vector<1x1x16xf32>,
        %get3A_397 = vector.shape_cast %get3A_396 : vector<1x1x16xf32> to vector<16xf32>
        %mul3A_398 = vector.broadcast %squeeze3A_379 : f32 to vector<16xf32>
        %mul3A_399 = arith.mulf %get3A_397, %mul3A_398 : vector<16xf32>
        %swap3A_400 = arith.index_cast %and3A_201 : i32 to index
        %swap3A_401 = arith.index_cast %add3A_377 : i32 to index
        %swap3A_402 = arith.constant 16 : index
        %swap3A_403 = tpu.vector_load %arg9[%swap3A_400, %swap3A_401, %swap3A_402] {strides = array<i32>} : memref<2x128x128xf32, #tpu.memory_space<vmem>>, vector<1x1x16xf32>,
        %swap3A_404 = vector.shape_cast %swap3A_403 : vector<1x1x16xf32> to vector<16xf32>
        %swap3A_405 = vector.shape_cast %mul3A_399 : vector<16xf32> to vector<1x1x16xf32>
        tpu.vector_store %arg9[%swap3A_400, %swap3A_401, %swap3A_402], %swap3A_405 {strides = array<i32>} : memref<2x128x128xf32, #tpu.memory_space<vmem>>, vector<1x1x16xf32>,
        %get3A_406 = arith.index_cast %and3A_201 : i32 to index
        %get3A_407 = arith.index_cast %add3A_377 : i32 to index
        %get3A_408 = arith.constant 32 : index
        %get3A_409 = tpu.vector_load %arg9[%get3A_406, %get3A_407, %get3A_408] {strides = array<i32>} : memref<2x128x128xf32, #tpu.memory_space<vmem>>, vector<1x1x16xf32>,
        %get3A_410 = vector.shape_cast %get3A_409 : vector<1x1x16xf32> to vector<16xf32>
        %mul3A_411 = vector.broadcast %squeeze3A_379 : f32 to vector<16xf32>
        %mul3A_412 = arith.mulf %get3A_410, %mul3A_411 : vector<16xf32>
        %swap3A_413 = arith.index_cast %and3A_201 : i32 to index
        %swap3A_414 = arith.index_cast %add3A_377 : i32 to index
        %swap3A_415 = arith.constant 32 : index
        %swap3A_416 = tpu.vector_load %arg9[%swap3A_413, %swap3A_414, %swap3A_415] {strides = array<i32>} : memref<2x128x128xf32, #tpu.memory_space<vmem>>, vector<1x1x16xf32>,
        %swap3A_417 = vector.shape_cast %swap3A_416 : vector<1x1x16xf32> to vector<16xf32>
        %swap3A_418 = vector.shape_cast %mul3A_412 : vector<16xf32> to vector<1x1x16xf32>
        tpu.vector_store %arg9[%swap3A_413, %swap3A_414, %swap3A_415], %swap3A_418 {strides = array<i32>} : memref<2x128x128xf32, #tpu.memory_space<vmem>>, vector<1x1x16xf32>,
        %get3A_419 = arith.index_cast %and3A_201 : i32 to index
        %get3A_420 = arith.index_cast %add3A_377 : i32 to index
        %get3A_421 = arith.constant 48 : index
        %get3A_422 = tpu.vector_load %arg9[%get3A_419, %get3A_420, %get3A_421] {strides = array<i32>} : memref<2x128x128xf32, #tpu.memory_space<vmem>>, vector<1x1x16xf32>,
        %get3A_423 = vector.shape_cast %get3A_422 : vector<1x1x16xf32> to vector<16xf32>
        %mul3A_424 = vector.broadcast %squeeze3A_379 : f32 to vector<16xf32>
        %mul3A_425 = arith.mulf %get3A_423, %mul3A_424 : vector<16xf32>
        %swap3A_426 = arith.index_cast %and3A_201 : i32 to index
        %swap3A_427 = arith.index_cast %add3A_377 : i32 to index
        %swap3A_428 = arith.constant 48 : index
        %swap3A_429 = tpu.vector_load %arg9[%swap3A_426, %swap3A_427, %swap3A_428] {strides = array<i32>} : memref<2x128x128xf32, #tpu.memory_space<vmem>>, vector<1x1x16xf32>,
        %swap3A_430 = vector.shape_cast %swap3A_429 : vector<1x1x16xf32> to vector<16xf32>
        %swap3A_431 = vector.shape_cast %mul3A_425 : vector<16xf32> to vector<1x1x16xf32>
        tpu.vector_store %arg9[%swap3A_426, %swap3A_427, %swap3A_428], %swap3A_431 {strides = array<i32>} : memref<2x128x128xf32, #tpu.memory_space<vmem>>, vector<1x1x16xf32>,
        %get3A_432 = arith.index_cast %and3A_201 : i32 to index
        %get3A_433 = arith.index_cast %add3A_377 : i32 to index
        %get3A_434 = arith.constant 64 : index
        %get3A_435 = tpu.vector_load %arg9[%get3A_432, %get3A_433, %get3A_434] {strides = array<i32>} : memref<2x128x128xf32, #tpu.memory_space<vmem>>, vector<1x1x16xf32>,
        %get3A_436 = vector.shape_cast %get3A_435 : vector<1x1x16xf32> to vector<16xf32>
        %mul3A_437 = vector.broadcast %squeeze3A_379 : f32 to vector<16xf32>
        %mul3A_438 = arith.mulf %get3A_436, %mul3A_437 : vector<16xf32>
        %swap3A_439 = arith.index_cast %and3A_201 : i32 to index
        %swap3A_440 = arith.index_cast %add3A_377 : i32 to index
        %swap3A_441 = arith.constant 64 : index
        %swap3A_442 = tpu.vector_load %arg9[%swap3A_439, %swap3A_440, %swap3A_441] {strides = array<i32>} : memref<2x128x128xf32, #tpu.memory_space<vmem>>, vector<1x1x16xf32>,
        %swap3A_443 = vector.shape_cast %swap3A_442 : vector<1x1x16xf32> to vector<16xf32>
        %swap3A_444 = vector.shape_cast %mul3A_438 : vector<16xf32> to vector<1x1x16xf32>
        tpu.vector_store %arg9[%swap3A_439, %swap3A_440, %swap3A_441], %swap3A_444 {strides = array<i32>} : memref<2x128x128xf32, #tpu.memory_space<vmem>>, vector<1x1x16xf32>,
        %get3A_445 = arith.index_cast %and3A_201 : i32 to index
        %get3A_446 = arith.index_cast %add3A_377 : i32 to index
        %get3A_447 = arith.constant 80 : index
        %get3A_448 = tpu.vector_load %arg9[%get3A_445, %get3A_446, %get3A_447] {strides = array<i32>} : memref<2x128x128xf32, #tpu.memory_space<vmem>>, vector<1x1x16xf32>,
        %get3A_449 = vector.shape_cast %get3A_448 : vector<1x1x16xf32> to vector<16xf32>
        %mul3A_450 = vector.broadcast %squeeze3A_379 : f32 to vector<16xf32>
        %mul3A_451 = arith.mulf %get3A_449, %mul3A_450 : vector<16xf32>
        %swap3A_452 = arith.index_cast %and3A_201 : i32 to index
        %swap3A_453 = arith.index_cast %add3A_377 : i32 to index
        %swap3A_454 = arith.constant 80 : index
        %swap3A_455 = tpu.vector_load %arg9[%swap3A_452, %swap3A_453, %swap3A_454] {strides = array<i32>} : memref<2x128x128xf32, #tpu.memory_space<vmem>>, vector<1x1x16xf32>,
        %swap3A_456 = vector.shape_cast %swap3A_455 : vector<1x1x16xf32> to vector<16xf32>
        %swap3A_457 = vector.shape_cast %mul3A_451 : vector<16xf32> to vector<1x1x16xf32>
        tpu.vector_store %arg9[%swap3A_452, %swap3A_453, %swap3A_454], %swap3A_457 {strides = array<i32>} : memref<2x128x128xf32, #tpu.memory_space<vmem>>, vector<1x1x16xf32>,
        %get3A_458 = arith.index_cast %and3A_201 : i32 to index
        %get3A_459 = arith.index_cast %add3A_377 : i32 to index
        %get3A_460 = arith.constant 96 : index
        %get3A_461 = tpu.vector_load %arg9[%get3A_458, %get3A_459, %get3A_460] {strides = array<i32>} : memref<2x128x128xf32, #tpu.memory_space<vmem>>, vector<1x1x16xf32>,
        %get3A_462 = vector.shape_cast %get3A_461 : vector<1x1x16xf32> to vector<16xf32>
        %mul3A_463 = vector.broadcast %squeeze3A_379 : f32 to vector<16xf32>
        %mul3A_464 = arith.mulf %get3A_462, %mul3A_463 : vector<16xf32>
        %swap3A_465 = arith.index_cast %and3A_201 : i32 to index
        %swap3A_466 = arith.index_cast %add3A_377 : i32 to index
        %swap3A_467 = arith.constant 96 : index
        %swap3A_468 = tpu.vector_load %arg9[%swap3A_465, %swap3A_466, %swap3A_467] {strides = array<i32>} : memref<2x128x128xf32, #tpu.memory_space<vmem>>, vector<1x1x16xf32>,
        %swap3A_469 = vector.shape_cast %swap3A_468 : vector<1x1x16xf32> to vector<16xf32>
        %swap3A_470 = vector.shape_cast %mul3A_464 : vector<16xf32> to vector<1x1x16xf32>
        tpu.vector_store %arg9[%swap3A_465, %swap3A_466, %swap3A_467], %swap3A_470 {strides = array<i32>} : memref<2x128x128xf32, #tpu.memory_space<vmem>>, vector<1x1x16xf32>,
        %get3A_471 = arith.index_cast %and3A_201 : i32 to index
        %get3A_472 = arith.index_cast %add3A_377 : i32 to index
        %get3A_473 = arith.constant 112 : index
        %get3A_474 = tpu.vector_load %arg9[%get3A_471, %get3A_472, %get3A_473] {strides = array<i32>} : memref<2x128x128xf32, #tpu.memory_space<vmem>>, vector<1x1x16xf32>,
        %get3A_475 = vector.shape_cast %get3A_474 : vector<1x1x16xf32> to vector<16xf32>
        %mul3A_476 = vector.broadcast %squeeze3A_379 : f32 to vector<16xf32>
        %mul3A_477 = arith.mulf %get3A_475, %mul3A_476 : vector<16xf32>
        %swap3A_478 = arith.index_cast %and3A_201 : i32 to index
        %swap3A_479 = arith.index_cast %add3A_377 : i32 to index
        %swap3A_480 = arith.constant 112 : index
        %swap3A_481 = tpu.vector_load %arg9[%swap3A_478, %swap3A_479, %swap3A_480] {strides = array<i32>} : memref<2x128x128xf32, #tpu.memory_space<vmem>>, vector<1x1x16xf32>,
        %swap3A_482 = vector.shape_cast %swap3A_481 : vector<1x1x16xf32> to vector<16xf32>
        %swap3A_483 = vector.shape_cast %mul3A_477 : vector<16xf32> to vector<1x1x16xf32>
        tpu.vector_store %arg9[%swap3A_478, %swap3A_479, %swap3A_480], %swap3A_483 {strides = array<i32>} : memref<2x128x128xf32, #tpu.memory_space<vmem>>, vector<1x1x16xf32>,
        %mul3A_484 = arith.constant 16 : i32
        %mul3A_485 = arith.muli %scan3A_260, %mul3A_484 : i32
        %add3A_486 = arith.constant 2 : i32
        %add3A_487 = arith.addi %mul3A_485, %add3A_486 : i32
        %slice3A_488 = vector.extract_strided_slice %get3A_266 {offsets = [2], sizes = [1], strides = [1]} : vector<16xf32> to vector<1xf32>
        %squeeze3A_489 = vector.extract %slice3A_488[0] : f32 from vector<1xf32>
        %get3A_490 = arith.index_cast %and3A_201 : i32 to index
        %get3A_491 = arith.index_cast %add3A_487 : i32 to index
        %get3A_492 = arith.constant 0 : index
        %get3A_493 = tpu.vector_load %arg9[%get3A_490, %get3A_491, %get3A_492] {strides = array<i32>} : memref<2x128x128xf32, #tpu.memory_space<vmem>>, vector<1x1x16xf32>,
        %get3A_494 = vector.shape_cast %get3A_493 : vector<1x1x16xf32> to vector<16xf32>
        %mul3A_495 = vector.broadcast %squeeze3A_489 : f32 to vector<16xf32>
        %mul3A_496 = arith.mulf %get3A_494, %mul3A_495 : vector<16xf32>
        %swap3A_497 = arith.index_cast %and3A_201 : i32 to index
        %swap3A_498 = arith.index_cast %add3A_487 : i32 to index
        %swap3A_499 = arith.constant 0 : index
        %swap3A_500 = tpu.vector_load %arg9[%swap3A_497, %swap3A_498, %swap3A_499] {strides = array<i32>} : memref<2x128x128xf32, #tpu.memory_space<vmem>>, vector<1x1x16xf32>,
        %swap3A_501 = vector.shape_cast %swap3A_500 : vector<1x1x16xf32> to vector<16xf32>
        %swap3A_502 = vector.shape_cast %mul3A_496 : vector<16xf32> to vector<1x1x16xf32>
        tpu.vector_store %arg9[%swap3A_497, %swap3A_498, %swap3A_499], %swap3A_502 {strides = array<i32>} : memref<2x128x128xf32, #tpu.memory_space<vmem>>, vector<1x1x16xf32>,
        %get3A_503 = arith.index_cast %and3A_201 : i32 to index
        %get3A_504 = arith.index_cast %add3A_487 : i32 to index
        %get3A_505 = arith.constant 16 : index
        %get3A_506 = tpu.vector_load %arg9[%get3A_503, %get3A_504, %get3A_505] {strides = array<i32>} : memref<2x128x128xf32, #tpu.memory_space<vmem>>, vector<1x1x16xf32>,
        %get3A_507 = vector.shape_cast %get3A_506 : vector<1x1x16xf32> to vector<16xf32>
        %mul3A_508 = vector.broadcast %squeeze3A_489 : f32 to vector<16xf32>
        %mul3A_509 = arith.mulf %get3A_507, %mul3A_508 : vector<16xf32>
        %swap3A_510 = arith.index_cast %and3A_201 : i32 to index
        %swap3A_511 = arith.index_cast %add3A_487 : i32 to index
        %swap3A_512 = arith.constant 16 : index
        %swap3A_513 = tpu.vector_load %arg9[%swap3A_510, %swap3A_511, %swap3A_512] {strides = array<i32>} : memref<2x128x128xf32, #tpu.memory_space<vmem>>, vector<1x1x16xf32>,
        %swap3A_514 = vector.shape_cast %swap3A_513 : vector<1x1x16xf32> to vector<16xf32>
        %swap3A_515 = vector.shape_cast %mul3A_509 : vector<16xf32> to vector<1x1x16xf32>
        tpu.vector_store %arg9[%swap3A_510, %swap3A_511, %swap3A_512], %swap3A_515 {strides = array<i32>} : memref<2x128x128xf32, #tpu.memory_space<vmem>>, vector<1x1x16xf32>,
        %get3A_516 = arith.index_cast %and3A_201 : i32 to index
        %get3A_517 = arith.index_cast %add3A_487 : i32 to index
        %get3A_518 = arith.constant 32 : index
        %get3A_519 = tpu.vector_load %arg9[%get3A_516, %get3A_517, %get3A_518] {strides = array<i32>} : memref<2x128x128xf32, #tpu.memory_space<vmem>>, vector<1x1x16xf32>,
        %get3A_520 = vector.shape_cast %get3A_519 : vector<1x1x16xf32> to vector<16xf32>
        %mul3A_521 = vector.broadcast %squeeze3A_489 : f32 to vector<16xf32>
        %mul3A_522 = arith.mulf %get3A_520, %mul3A_521 : vector<16xf32>
        %swap3A_523 = arith.index_cast %and3A_201 : i32 to index
        %swap3A_524 = arith.index_cast %add3A_487 : i32 to index
        %swap3A_525 = arith.constant 32 : index
        %swap3A_526 = tpu.vector_load %arg9[%swap3A_523, %swap3A_524, %swap3A_525] {strides = array<i32>} : memref<2x128x128xf32, #tpu.memory_space<vmem>>, vector<1x1x16xf32>,
        %swap3A_527 = vector.shape_cast %swap3A_526 : vector<1x1x16xf32> to vector<16xf32>
        %swap3A_528 = vector.shape_cast %mul3A_522 : vector<16xf32> to vector<1x1x16xf32>
        tpu.vector_store %arg9[%swap3A_523, %swap3A_524, %swap3A_525], %swap3A_528 {strides = array<i32>} : memref<2x128x128xf32, #tpu.memory_space<vmem>>, vector<1x1x16xf32>,
        %get3A_529 = arith.index_cast %and3A_201 : i32 to index
        %get3A_530 = arith.index_cast %add3A_487 : i32 to index
        %get3A_531 = arith.constant 48 : index
        %get3A_532 = tpu.vector_load %arg9[%get3A_529, %get3A_530, %get3A_531] {strides = array<i32>} : memref<2x128x128xf32, #tpu.memory_space<vmem>>, vector<1x1x16xf32>,
        %get3A_533 = vector.shape_cast %get3A_532 : vector<1x1x16xf32> to vector<16xf32>
        %mul3A_534 = vector.broadcast %squeeze3A_489 : f32 to vector<16xf32>
        %mul3A_535 = arith.mulf %get3A_533, %mul3A_534 : vector<16xf32>
        %swap3A_536 = arith.index_cast %and3A_201 : i32 to index
        %swap3A_537 = arith.index_cast %add3A_487 : i32 to index
        %swap3A_538 = arith.constant 48 : index
        %swap3A_539 = tpu.vector_load %arg9[%swap3A_536, %swap3A_537, %swap3A_538] {strides = array<i32>} : memref<2x128x128xf32, #tpu.memory_space<vmem>>, vector<1x1x16xf32>,
        %swap3A_540 = vector.shape_cast %swap3A_539 : vector<1x1x16xf32> to vector<16xf32>
        %swap3A_541 = vector.shape_cast %mul3A_535 : vector<16xf32> to vector<1x1x16xf32>
        tpu.vector_store %arg9[%swap3A_536, %swap3A_537, %swap3A_538], %swap3A_541 {strides = array<i32>} : memref<2x128x128xf32, #tpu.memory_space<vmem>>, vector<1x1x16xf32>,
        %get3A_542 = arith.index_cast %and3A_201 : i32 to index
        %get3A_543 = arith.index_cast %add3A_487 : i32 to index
        %get3A_544 = arith.constant 64 : index
        %get3A_545 = tpu.vector_load %arg9[%get3A_542, %get3A_543, %get3A_544] {strides = array<i32>} : memref<2x128x128xf32, #tpu.memory_space<vmem>>, vector<1x1x16xf32>,
        %get3A_546 = vector.shape_cast %get3A_545 : vector<1x1x16xf32> to vector<16xf32>
        %mul3A_547 = vector.broadcast %squeeze3A_489 : f32 to vector<16xf32>
        %mul3A_548 = arith.mulf %get3A_546, %mul3A_547 : vector<16xf32>
        %swap3A_549 = arith.index_cast %and3A_201 : i32 to index
        %swap3A_550 = arith.index_cast %add3A_487 : i32 to index
        %swap3A_551 = arith.constant 64 : index
        %swap3A_552 = tpu.vector_load %arg9[%swap3A_549, %swap3A_550, %swap3A_551] {strides = array<i32>} : memref<2x128x128xf32, #tpu.memory_space<vmem>>, vector<1x1x16xf32>,
        %swap3A_553 = vector.shape_cast %swap3A_552 : vector<1x1x16xf32> to vector<16xf32>
        %swap3A_554 = vector.shape_cast %mul3A_548 : vector<16xf32> to vector<1x1x16xf32>
        tpu.vector_store %arg9[%swap3A_549, %swap3A_550, %swap3A_551], %swap3A_554 {strides = array<i32>} : memref<2x128x128xf32, #tpu.memory_space<vmem>>, vector<1x1x16xf32>,
        %get3A_555 = arith.index_cast %and3A_201 : i32 to index
        %get3A_556 = arith.index_cast %add3A_487 : i32 to index
        %get3A_557 = arith.constant 80 : index
        %get3A_558 = tpu.vector_load %arg9[%get3A_555, %get3A_556, %get3A_557] {strides = array<i32>} : memref<2x128x128xf32, #tpu.memory_space<vmem>>, vector<1x1x16xf32>,
        %get3A_559 = vector.shape_cast %get3A_558 : vector<1x1x16xf32> to vector<16xf32>
        %mul3A_560 = vector.broadcast %squeeze3A_489 : f32 to vector<16xf32>
        %mul3A_561 = arith.mulf %get3A_559, %mul3A_560 : vector<16xf32>
        %swap3A_562 = arith.index_cast %and3A_201 : i32 to index
        %swap3A_563 = arith.index_cast %add3A_487 : i32 to index
        %swap3A_564 = arith.constant 80 : index
        %swap3A_565 = tpu.vector_load %arg9[%swap3A_562, %swap3A_563, %swap3A_564] {strides = array<i32>} : memref<2x128x128xf32, #tpu.memory_space<vmem>>, vector<1x1x16xf32>,
        %swap3A_566 = vector.shape_cast %swap3A_565 : vector<1x1x16xf32> to vector<16xf32>
        %swap3A_567 = vector.shape_cast %mul3A_561 : vector<16xf32> to vector<1x1x16xf32>
        tpu.vector_store %arg9[%swap3A_562, %swap3A_563, %swap3A_564], %swap3A_567 {strides = array<i32>} : memref<2x128x128xf32, #tpu.memory_space<vmem>>, vector<1x1x16xf32>,
        %get3A_568 = arith.index_cast %and3A_201 : i32 to index
        %get3A_569 = arith.index_cast %add3A_487 : i32 to index
        %get3A_570 = arith.constant 96 : index
        %get3A_571 = tpu.vector_load %arg9[%get3A_568, %get3A_569, %get3A_570] {strides = array<i32>} : memref<2x128x128xf32, #tpu.memory_space<vmem>>, vector<1x1x16xf32>,
        %get3A_572 = vector.shape_cast %get3A_571 : vector<1x1x16xf32> to vector<16xf32>
        %mul3A_573 = vector.broadcast %squeeze3A_489 : f32 to vector<16xf32>
        %mul3A_574 = arith.mulf %get3A_572, %mul3A_573 : vector<16xf32>
        %swap3A_575 = arith.index_cast %and3A_201 : i32 to index
        %swap3A_576 = arith.index_cast %add3A_487 : i32 to index
        %swap3A_577 = arith.constant 96 : index
        %swap3A_578 = tpu.vector_load %arg9[%swap3A_575, %swap3A_576, %swap3A_577] {strides = array<i32>} : memref<2x128x128xf32, #tpu.memory_space<vmem>>, vector<1x1x16xf32>,
        %swap3A_579 = vector.shape_cast %swap3A_578 : vector<1x1x16xf32> to vector<16xf32>
        %swap3A_580 = vector.shape_cast %mul3A_574 : vector<16xf32> to vector<1x1x16xf32>
        tpu.vector_store %arg9[%swap3A_575, %swap3A_576, %swap3A_577], %swap3A_580 {strides = array<i32>} : memref<2x128x128xf32, #tpu.memory_space<vmem>>, vector<1x1x16xf32>,
        %get3A_581 = arith.index_cast %and3A_201 : i32 to index
        %get3A_582 = arith.index_cast %add3A_487 : i32 to index
        %get3A_583 = arith.constant 112 : index
        %get3A_584 = tpu.vector_load %arg9[%get3A_581, %get3A_582, %get3A_583] {strides = array<i32>} : memref<2x128x128xf32, #tpu.memory_space<vmem>>, vector<1x1x16xf32>,
        %get3A_585 = vector.shape_cast %get3A_584 : vector<1x1x16xf32> to vector<16xf32>
        %mul3A_586 = vector.broadcast %squeeze3A_489 : f32 to vector<16xf32>
        %mul3A_587 = arith.mulf %get3A_585, %mul3A_586 : vector<16xf32>
        %swap3A_588 = arith.index_cast %and3A_201 : i32 to index
        %swap3A_589 = arith.index_cast %add3A_487 : i32 to index
        %swap3A_590 = arith.constant 112 : index
        %swap3A_591 = tpu.vector_load %arg9[%swap3A_588, %swap3A_589, %swap3A_590] {strides = array<i32>} : memref<2x128x128xf32, #tpu.memory_space<vmem>>, vector<1x1x16xf32>,
        %swap3A_592 = vector.shape_cast %swap3A_591 : vector<1x1x16xf32> to vector<16xf32>
        %swap3A_593 = vector.shape_cast %mul3A_587 : vector<16xf32> to vector<1x1x16xf32>
        tpu.vector_store %arg9[%swap3A_588, %swap3A_589, %swap3A_590], %swap3A_593 {strides = array<i32>} : memref<2x128x128xf32, #tpu.memory_space<vmem>>, vector<1x1x16xf32>,
        %mul3A_594 = arith.constant 16 : i32
        %mul3A_595 = arith.muli %scan3A_260, %mul3A_594 : i32
        %add3A_596 = arith.constant 3 : i32
        %add3A_597 = arith.addi %mul3A_595, %add3A_596 : i32
        %slice3A_598 = vector.extract_strided_slice %get3A_266 {offsets = [3], sizes = [1], strides = [1]} : vector<16xf32> to vector<1xf32>
        %squeeze3A_599 = vector.extract %slice3A_598[0] : f32 from vector<1xf32>
        %get3A_600 = arith.index_cast %and3A_201 : i32 to index
        %get3A_601 = arith.index_cast %add3A_597 : i32 to index
        %get3A_602 = arith.constant 0 : index
        %get3A_603 = tpu.vector_load %arg9[%get3A_600, %get3A_601, %get3A_602] {strides = array<i32>} : memref<2x128x128xf32, #tpu.memory_space<vmem>>, vector<1x1x16xf32>,
        %get3A_604 = vector.shape_cast %get3A_603 : vector<1x1x16xf32> to vector<16xf32>
        %mul3A_605 = vector.broadcast %squeeze3A_599 : f32 to vector<16xf32>
        %mul3A_606 = arith.mulf %get3A_604, %mul3A_605 : vector<16xf32>
        %swap3A_607 = arith.index_cast %and3A_201 : i32 to index
        %swap3A_608 = arith.index_cast %add3A_597 : i32 to index
        %swap3A_609 = arith.constant 0 : index
        %swap3A_610 = tpu.vector_load %arg9[%swap3A_607, %swap3A_608, %swap3A_609] {strides = array<i32>} : memref<2x128x128xf32, #tpu.memory_space<vmem>>, vector<1x1x16xf32>,
        %swap3A_611 = vector.shape_cast %swap3A_610 : vector<1x1x16xf32> to vector<16xf32>
        %swap3A_612 = vector.shape_cast %mul3A_606 : vector<16xf32> to vector<1x1x16xf32>
        tpu.vector_store %arg9[%swap3A_607, %swap3A_608, %swap3A_609], %swap3A_612 {strides = array<i32>} : memref<2x128x128xf32, #tpu.memory_space<vmem>>, vector<1x1x16xf32>,
        %get3A_613 = arith.index_cast %and3A_201 : i32 to index
        %get3A_614 = arith.index_cast %add3A_597 : i32 to index
        %get3A_615 = arith.constant 16 : index
        %get3A_616 = tpu.vector_load %arg9[%get3A_613, %get3A_614, %get3A_615] {strides = array<i32>} : memref<2x128x128xf32, #tpu.memory_space<vmem>>, vector<1x1x16xf32>,
        %get3A_617 = vector.shape_cast %get3A_616 : vector<1x1x16xf32> to vector<16xf32>
        %mul3A_618 = vector.broadcast %squeeze3A_599 : f32 to vector<16xf32>
        %mul3A_619 = arith.mulf %get3A_617, %mul3A_618 : vector<16xf32>
        %swap3A_620 = arith.index_cast %and3A_201 : i32 to index
        %swap3A_621 = arith.index_cast %add3A_597 : i32 to index
        %swap3A_622 = arith.constant 16 : index
        %swap3A_623 = tpu.vector_load %arg9[%swap3A_620, %swap3A_621, %swap3A_622] {strides = array<i32>} : memref<2x128x128xf32, #tpu.memory_space<vmem>>, vector<1x1x16xf32>,
        %swap3A_624 = vector.shape_cast %swap3A_623 : vector<1x1x16xf32> to vector<16xf32>
        %swap3A_625 = vector.shape_cast %mul3A_619 : vector<16xf32> to vector<1x1x16xf32>
        tpu.vector_store %arg9[%swap3A_620, %swap3A_621, %swap3A_622], %swap3A_625 {strides = array<i32>} : memref<2x128x128xf32, #tpu.memory_space<vmem>>, vector<1x1x16xf32>,
        %get3A_626 = arith.index_cast %and3A_201 : i32 to index
        %get3A_627 = arith.index_cast %add3A_597 : i32 to index
        %get3A_628 = arith.constant 32 : index
        %get3A_629 = tpu.vector_load %arg9[%get3A_626, %get3A_627, %get3A_628] {strides = array<i32>} : memref<2x128x128xf32, #tpu.memory_space<vmem>>, vector<1x1x16xf32>,
        %get3A_630 = vector.shape_cast %get3A_629 : vector<1x1x16xf32> to vector<16xf32>
        %mul3A_631 = vector.broadcast %squeeze3A_599 : f32 to vector<16xf32>
        %mul3A_632 = arith.mulf %get3A_630, %mul3A_631 : vector<16xf32>
        %swap3A_633 = arith.index_cast %and3A_201 : i32 to index
        %swap3A_634 = arith.index_cast %add3A_597 : i32 to index
        %swap3A_635 = arith.constant 32 : index
        %swap3A_636 = tpu.vector_load %arg9[%swap3A_633, %swap3A_634, %swap3A_635] {strides = array<i32>} : memref<2x128x128xf32, #tpu.memory_space<vmem>>, vector<1x1x16xf32>,
        %swap3A_637 = vector.shape_cast %swap3A_636 : vector<1x1x16xf32> to vector<16xf32>
        %swap3A_638 = vector.shape_cast %mul3A_632 : vector<16xf32> to vector<1x1x16xf32>
        tpu.vector_store %arg9[%swap3A_633, %swap3A_634, %swap3A_635], %swap3A_638 {strides = array<i32>} : memref<2x128x128xf32, #tpu.memory_space<vmem>>, vector<1x1x16xf32>,
        %get3A_639 = arith.index_cast %and3A_201 : i32 to index
        %get3A_640 = arith.index_cast %add3A_597 : i32 to index
        %get3A_641 = arith.constant 48 : index
        %get3A_642 = tpu.vector_load %arg9[%get3A_639, %get3A_640, %get3A_641] {strides = array<i32>} : memref<2x128x128xf32, #tpu.memory_space<vmem>>, vector<1x1x16xf32>,
        %get3A_643 = vector.shape_cast %get3A_642 : vector<1x1x16xf32> to vector<16xf32>
        %mul3A_644 = vector.broadcast %squeeze3A_599 : f32 to vector<16xf32>
        %mul3A_645 = arith.mulf %get3A_643, %mul3A_644 : vector<16xf32>
        %swap3A_646 = arith.index_cast %and3A_201 : i32 to index
        %swap3A_647 = arith.index_cast %add3A_597 : i32 to index
        %swap3A_648 = arith.constant 48 : index
        %swap3A_649 = tpu.vector_load %arg9[%swap3A_646, %swap3A_647, %swap3A_648] {strides = array<i32>} : memref<2x128x128xf32, #tpu.memory_space<vmem>>, vector<1x1x16xf32>,
        %swap3A_650 = vector.shape_cast %swap3A_649 : vector<1x1x16xf32> to vector<16xf32>
        %swap3A_651 = vector.shape_cast %mul3A_645 : vector<16xf32> to vector<1x1x16xf32>
        tpu.vector_store %arg9[%swap3A_646, %swap3A_647, %swap3A_648], %swap3A_651 {strides = array<i32>} : memref<2x128x128xf32, #tpu.memory_space<vmem>>, vector<1x1x16xf32>,
        %get3A_652 = arith.index_cast %and3A_201 : i32 to index
        %get3A_653 = arith.index_cast %add3A_597 : i32 to index
        %get3A_654 = arith.constant 64 : index
        %get3A_655 = tpu.vector_load %arg9[%get3A_652, %get3A_653, %get3A_654] {strides = array<i32>} : memref<2x128x128xf32, #tpu.memory_space<vmem>>, vector<1x1x16xf32>,
        %get3A_656 = vector.shape_cast %get3A_655 : vector<1x1x16xf32> to vector<16xf32>
        %mul3A_657 = vector.broadcast %squeeze3A_599 : f32 to vector<16xf32>
        %mul3A_658 = arith.mulf %get3A_656, %mul3A_657 : vector<16xf32>
        %swap3A_659 = arith.index_cast %and3A_201 : i32 to index
        %swap3A_660 = arith.index_cast %add3A_597 : i32 to index
        %swap3A_661 = arith.constant 64 : index
        %swap3A_662 = tpu.vector_load %arg9[%swap3A_659, %swap3A_660, %swap3A_661] {strides = array<i32>} : memref<2x128x128xf32, #tpu.memory_space<vmem>>, vector<1x1x16xf32>,
        %swap3A_663 = vector.shape_cast %swap3A_662 : vector<1x1x16xf32> to vector<16xf32>
        %swap3A_664 = vector.shape_cast %mul3A_658 : vector<16xf32> to vector<1x1x16xf32>
        tpu.vector_store %arg9[%swap3A_659, %swap3A_660, %swap3A_661], %swap3A_664 {strides = array<i32>} : memref<2x128x128xf32, #tpu.memory_space<vmem>>, vector<1x1x16xf32>,
        %get3A_665 = arith.index_cast %and3A_201 : i32 to index
        %get3A_666 = arith.index_cast %add3A_597 : i32 to index
        %get3A_667 = arith.constant 80 : index
        %get3A_668 = tpu.vector_load %arg9[%get3A_665, %get3A_666, %get3A_667] {strides = array<i32>} : memref<2x128x128xf32, #tpu.memory_space<vmem>>, vector<1x1x16xf32>,
        %get3A_669 = vector.shape_cast %get3A_668 : vector<1x1x16xf32> to vector<16xf32>
        %mul3A_670 = vector.broadcast %squeeze3A_599 : f32 to vector<16xf32>
        %mul3A_671 = arith.mulf %get3A_669, %mul3A_670 : vector<16xf32>
        %swap3A_672 = arith.index_cast %and3A_201 : i32 to index
        %swap3A_673 = arith.index_cast %add3A_597 : i32 to index
        %swap3A_674 = arith.constant 80 : index
        %swap3A_675 = tpu.vector_load %arg9[%swap3A_672, %swap3A_673, %swap3A_674] {strides = array<i32>} : memref<2x128x128xf32, #tpu.memory_space<vmem>>, vector<1x1x16xf32>,
        %swap3A_676 = vector.shape_cast %swap3A_675 : vector<1x1x16xf32> to vector<16xf32>
        %swap3A_677 = vector.shape_cast %mul3A_671 : vector<16xf32> to vector<1x1x16xf32>
        tpu.vector_store %arg9[%swap3A_672, %swap3A_673, %swap3A_674], %swap3A_677 {strides = array<i32>} : memref<2x128x128xf32, #tpu.memory_space<vmem>>, vector<1x1x16xf32>,
        %get3A_678 = arith.index_cast %and3A_201 : i32 to index
        %get3A_679 = arith.index_cast %add3A_597 : i32 to index
        %get3A_680 = arith.constant 96 : index
        %get3A_681 = tpu.vector_load %arg9[%get3A_678, %get3A_679, %get3A_680] {strides = array<i32>} : memref<2x128x128xf32, #tpu.memory_space<vmem>>, vector<1x1x16xf32>,
        %get3A_682 = vector.shape_cast %get3A_681 : vector<1x1x16xf32> to vector<16xf32>
        %mul3A_683 = vector.broadcast %squeeze3A_599 : f32 to vector<16xf32>
        %mul3A_684 = arith.mulf %get3A_682, %mul3A_683 : vector<16xf32>
        %swap3A_685 = arith.index_cast %and3A_201 : i32 to index
        %swap3A_686 = arith.index_cast %add3A_597 : i32 to index
        %swap3A_687 = arith.constant 96 : index
        %swap3A_688 = tpu.vector_load %arg9[%swap3A_685, %swap3A_686, %swap3A_687] {strides = array<i32>} : memref<2x128x128xf32, #tpu.memory_space<vmem>>, vector<1x1x16xf32>,
        %swap3A_689 = vector.shape_cast %swap3A_688 : vector<1x1x16xf32> to vector<16xf32>
        %swap3A_690 = vector.shape_cast %mul3A_684 : vector<16xf32> to vector<1x1x16xf32>
        tpu.vector_store %arg9[%swap3A_685, %swap3A_686, %swap3A_687], %swap3A_690 {strides = array<i32>} : memref<2x128x128xf32, #tpu.memory_space<vmem>>, vector<1x1x16xf32>,
        %get3A_691 = arith.index_cast %and3A_201 : i32 to index
        %get3A_692 = arith.index_cast %add3A_597 : i32 to index
        %get3A_693 = arith.constant 112 : index
        %get3A_694 = tpu.vector_load %arg9[%get3A_691, %get3A_692, %get3A_693] {strides = array<i32>} : memref<2x128x128xf32, #tpu.memory_space<vmem>>, vector<1x1x16xf32>,
        %get3A_695 = vector.shape_cast %get3A_694 : vector<1x1x16xf32> to vector<16xf32>
        %mul3A_696 = vector.broadcast %squeeze3A_599 : f32 to vector<16xf32>
        %mul3A_697 = arith.mulf %get3A_695, %mul3A_696 : vector<16xf32>
        %swap3A_698 = arith.index_cast %and3A_201 : i32 to index
        %swap3A_699 = arith.index_cast %add3A_597 : i32 to index
        %swap3A_700 = arith.constant 112 : index
        %swap3A_701 = tpu.vector_load %arg9[%swap3A_698, %swap3A_699, %swap3A_700] {strides = array<i32>} : memref<2x128x128xf32, #tpu.memory_space<vmem>>, vector<1x1x16xf32>,
        %swap3A_702 = vector.shape_cast %swap3A_701 : vector<1x1x16xf32> to vector<16xf32>
        %swap3A_703 = vector.shape_cast %mul3A_697 : vector<16xf32> to vector<1x1x16xf32>
        tpu.vector_store %arg9[%swap3A_698, %swap3A_699, %swap3A_700], %swap3A_703 {strides = array<i32>} : memref<2x128x128xf32, #tpu.memory_space<vmem>>, vector<1x1x16xf32>,
        %mul3A_704 = arith.constant 16 : i32
        %mul3A_705 = arith.muli %scan3A_260, %mul3A_704 : i32
        %add3A_706 = arith.constant 4 : i32
        %add3A_707 = arith.addi %mul3A_705, %add3A_706 : i32
        %slice3A_708 = vector.extract_strided_slice %get3A_266 {offsets = [4], sizes = [1], strides = [1]} : vector<16xf32> to vector<1xf32>
        %squeeze3A_709 = vector.extract %slice3A_708[0] : f32 from vector<1xf32>
        %get3A_710 = arith.index_cast %and3A_201 : i32 to index
        %get3A_711 = arith.index_cast %add3A_707 : i32 to index
        %get3A_712 = arith.constant 0 : index
        %get3A_713 = tpu.vector_load %arg9[%get3A_710, %get3A_711, %get3A_712] {strides = array<i32>} : memref<2x128x128xf32, #tpu.memory_space<vmem>>, vector<1x1x16xf32>,
        %get3A_714 = vector.shape_cast %get3A_713 : vector<1x1x16xf32> to vector<16xf32>
        %mul3A_715 = vector.broadcast %squeeze3A_709 : f32 to vector<16xf32>
        %mul3A_716 = arith.mulf %get3A_714, %mul3A_715 : vector<16xf32>
        %swap3A_717 = arith.index_cast %and3A_201 : i32 to index
        %swap3A_718 = arith.index_cast %add3A_707 : i32 to index
        %swap3A_719 = arith.constant 0 : index
        %swap3A_720 = tpu.vector_load %arg9[%swap3A_717, %swap3A_718, %swap3A_719] {strides = array<i32>} : memref<2x128x128xf32, #tpu.memory_space<vmem>>, vector<1x1x16xf32>,
        %swap3A_721 = vector.shape_cast %swap3A_720 : vector<1x1x16xf32> to vector<16xf32>
        %swap3A_722 = vector.shape_cast %mul3A_716 : vector<16xf32> to vector<1x1x16xf32>
        tpu.vector_store %arg9[%swap3A_717, %swap3A_718, %swap3A_719], %swap3A_722 {strides = array<i32>} : memref<2x128x128xf32, #tpu.memory_space<vmem>>, vector<1x1x16xf32>,
        %get3A_723 = arith.index_cast %and3A_201 : i32 to index
        %get3A_724 = arith.index_cast %add3A_707 : i32 to index
        %get3A_725 = arith.constant 16 : index
        %get3A_726 = tpu.vector_load %arg9[%get3A_723, %get3A_724, %get3A_725] {strides = array<i32>} : memref<2x128x128xf32, #tpu.memory_space<vmem>>, vector<1x1x16xf32>,
        %get3A_727 = vector.shape_cast %get3A_726 : vector<1x1x16xf32> to vector<16xf32>
        %mul3A_728 = vector.broadcast %squeeze3A_709 : f32 to vector<16xf32>
        %mul3A_729 = arith.mulf %get3A_727, %mul3A_728 : vector<16xf32>
        %swap3A_730 = arith.index_cast %and3A_201 : i32 to index
        %swap3A_731 = arith.index_cast %add3A_707 : i32 to index
        %swap3A_732 = arith.constant 16 : index
        %swap3A_733 = tpu.vector_load %arg9[%swap3A_730, %swap3A_731, %swap3A_732] {strides = array<i32>} : memref<2x128x128xf32, #tpu.memory_space<vmem>>, vector<1x1x16xf32>,
        %swap3A_734 = vector.shape_cast %swap3A_733 : vector<1x1x16xf32> to vector<16xf32>
        %swap3A_735 = vector.shape_cast %mul3A_729 : vector<16xf32> to vector<1x1x16xf32>
        tpu.vector_store %arg9[%swap3A_730, %swap3A_731, %swap3A_732], %swap3A_735 {strides = array<i32>} : memref<2x128x128xf32, #tpu.memory_space<vmem>>, vector<1x1x16xf32>,
        %get3A_736 = arith.index_cast %and3A_201 : i32 to index
        %get3A_737 = arith.index_cast %add3A_707 : i32 to index
        %get3A_738 = arith.constant 32 : index
        %get3A_739 = tpu.vector_load %arg9[%get3A_736, %get3A_737, %get3A_738] {strides = array<i32>} : memref<2x128x128xf32, #tpu.memory_space<vmem>>, vector<1x1x16xf32>,
        %get3A_740 = vector.shape_cast %get3A_739 : vector<1x1x16xf32> to vector<16xf32>
        %mul3A_741 = vector.broadcast %squeeze3A_709 : f32 to vector<16xf32>
        %mul3A_742 = arith.mulf %get3A_740, %mul3A_741 : vector<16xf32>
        %swap3A_743 = arith.index_cast %and3A_201 : i32 to index
        %swap3A_744 = arith.index_cast %add3A_707 : i32 to index
        %swap3A_745 = arith.constant 32 : index
        %swap3A_746 = tpu.vector_load %arg9[%swap3A_743, %swap3A_744, %swap3A_745] {strides = array<i32>} : memref<2x128x128xf32, #tpu.memory_space<vmem>>, vector<1x1x16xf32>,
        %swap3A_747 = vector.shape_cast %swap3A_746 : vector<1x1x16xf32> to vector<16xf32>
        %swap3A_748 = vector.shape_cast %mul3A_742 : vector<16xf32> to vector<1x1x16xf32>
        tpu.vector_store %arg9[%swap3A_743, %swap3A_744, %swap3A_745], %swap3A_748 {strides = array<i32>} : memref<2x128x128xf32, #tpu.memory_space<vmem>>, vector<1x1x16xf32>,
        %get3A_749 = arith.index_cast %and3A_201 : i32 to index
        %get3A_750 = arith.index_cast %add3A_707 : i32 to index
        %get3A_751 = arith.constant 48 : index
        %get3A_752 = tpu.vector_load %arg9[%get3A_749, %get3A_750, %get3A_751] {strides = array<i32>} : memref<2x128x128xf32, #tpu.memory_space<vmem>>, vector<1x1x16xf32>,
        %get3A_753 = vector.shape_cast %get3A_752 : vector<1x1x16xf32> to vector<16xf32>
        %mul3A_754 = vector.broadcast %squeeze3A_709 : f32 to vector<16xf32>
        %mul3A_755 = arith.mulf %get3A_753, %mul3A_754 : vector<16xf32>
        %swap3A_756 = arith.index_cast %and3A_201 : i32 to index
        %swap3A_757 = arith.index_cast %add3A_707 : i32 to index
        %swap3A_758 = arith.constant 48 : index
        %swap3A_759 = tpu.vector_load %arg9[%swap3A_756, %swap3A_757, %swap3A_758] {strides = array<i32>} : memref<2x128x128xf32, #tpu.memory_space<vmem>>, vector<1x1x16xf32>,
        %swap3A_760 = vector.shape_cast %swap3A_759 : vector<1x1x16xf32> to vector<16xf32>
        %swap3A_761 = vector.shape_cast %mul3A_755 : vector<16xf32> to vector<1x1x16xf32>
        tpu.vector_store %arg9[%swap3A_756, %swap3A_757, %swap3A_758], %swap3A_761 {strides = array<i32>} : memref<2x128x128xf32, #tpu.memory_space<vmem>>, vector<1x1x16xf32>,
        %get3A_762 = arith.index_cast %and3A_201 : i32 to index
        %get3A_763 = arith.index_cast %add3A_707 : i32 to index
        %get3A_764 = arith.constant 64 : index
        %get3A_765 = tpu.vector_load %arg9[%get3A_762, %get3A_763, %get3A_764] {strides = array<i32>} : memref<2x128x128xf32, #tpu.memory_space<vmem>>, vector<1x1x16xf32>,
        %get3A_766 = vector.shape_cast %get3A_765 : vector<1x1x16xf32> to vector<16xf32>
        %mul3A_767 = vector.broadcast %squeeze3A_709 : f32 to vector<16xf32>
        %mul3A_768 = arith.mulf %get3A_766, %mul3A_767 : vector<16xf32>
        %swap3A_769 = arith.index_cast %and3A_201 : i32 to index
        %swap3A_770 = arith.index_cast %add3A_707 : i32 to index
        %swap3A_771 = arith.constant 64 : index
        %swap3A_772 = tpu.vector_load %arg9[%swap3A_769, %swap3A_770, %swap3A_771] {strides = array<i32>} : memref<2x128x128xf32, #tpu.memory_space<vmem>>, vector<1x1x16xf32>,
        %swap3A_773 = vector.shape_cast %swap3A_772 : vector<1x1x16xf32> to vector<16xf32>
        %swap3A_774 = vector.shape_cast %mul3A_768 : vector<16xf32> to vector<1x1x16xf32>
        tpu.vector_store %arg9[%swap3A_769, %swap3A_770, %swap3A_771], %swap3A_774 {strides = array<i32>} : memref<2x128x128xf32, #tpu.memory_space<vmem>>, vector<1x1x16xf32>,
        %get3A_775 = arith.index_cast %and3A_201 : i32 to index
        %get3A_776 = arith.index_cast %add3A_707 : i32 to index
        %get3A_777 = arith.constant 80 : index
        %get3A_778 = tpu.vector_load %arg9[%get3A_775, %get3A_776, %get3A_777] {strides = array<i32>} : memref<2x128x128xf32, #tpu.memory_space<vmem>>, vector<1x1x16xf32>,
        %get3A_779 = vector.shape_cast %get3A_778 : vector<1x1x16xf32> to vector<16xf32>
        %mul3A_780 = vector.broadcast %squeeze3A_709 : f32 to vector<16xf32>
        %mul3A_781 = arith.mulf %get3A_779, %mul3A_780 : vector<16xf32>
        %swap3A_782 = arith.index_cast %and3A_201 : i32 to index
        %swap3A_783 = arith.index_cast %add3A_707 : i32 to index
        %swap3A_784 = arith.constant 80 : index
        %swap3A_785 = tpu.vector_load %arg9[%swap3A_782, %swap3A_783, %swap3A_784] {strides = array<i32>} : memref<2x128x128xf32, #tpu.memory_space<vmem>>, vector<1x1x16xf32>,
        %swap3A_786 = vector.shape_cast %swap3A_785 : vector<1x1x16xf32> to vector<16xf32>
        %swap3A_787 = vector.shape_cast %mul3A_781 : vector<16xf32> to vector<1x1x16xf32>
        tpu.vector_store %arg9[%swap3A_782, %swap3A_783, %swap3A_784], %swap3A_787 {strides = array<i32>} : memref<2x128x128xf32, #tpu.memory_space<vmem>>, vector<1x1x16xf32>,
        %get3A_788 = arith.index_cast %and3A_201 : i32 to index
        %get3A_789 = arith.index_cast %add3A_707 : i32 to index
        %get3A_790 = arith.constant 96 : index
        %get3A_791 = tpu.vector_load %arg9[%get3A_788, %get3A_789, %get3A_790] {strides = array<i32>} : memref<2x128x128xf32, #tpu.memory_space<vmem>>, vector<1x1x16xf32>,
        %get3A_792 = vector.shape_cast %get3A_791 : vector<1x1x16xf32> to vector<16xf32>
        %mul3A_793 = vector.broadcast %squeeze3A_709 : f32 to vector<16xf32>
        %mul3A_794 = arith.mulf %get3A_792, %mul3A_793 : vector<16xf32>
        %swap3A_795 = arith.index_cast %and3A_201 : i32 to index
        %swap3A_796 = arith.index_cast %add3A_707 : i32 to index
        %swap3A_797 = arith.constant 96 : index
        %swap3A_798 = tpu.vector_load %arg9[%swap3A_795, %swap3A_796, %swap3A_797] {strides = array<i32>} : memref<2x128x128xf32, #tpu.memory_space<vmem>>, vector<1x1x16xf32>,
        %swap3A_799 = vector.shape_cast %swap3A_798 : vector<1x1x16xf32> to vector<16xf32>
        %swap3A_800 = vector.shape_cast %mul3A_794 : vector<16xf32> to vector<1x1x16xf32>
        tpu.vector_store %arg9[%swap3A_795, %swap3A_796, %swap3A_797], %swap3A_800 {strides = array<i32>} : memref<2x128x128xf32, #tpu.memory_space<vmem>>, vector<1x1x16xf32>,
        %get3A_801 = arith.index_cast %and3A_201 : i32 to index
        %get3A_802 = arith.index_cast %add3A_707 : i32 to index
        %get3A_803 = arith.constant 112 : index
        %get3A_804 = tpu.vector_load %arg9[%get3A_801, %get3A_802, %get3A_803] {strides = array<i32>} : memref<2x128x128xf32, #tpu.memory_space<vmem>>, vector<1x1x16xf32>,
        %get3A_805 = vector.shape_cast %get3A_804 : vector<1x1x16xf32> to vector<16xf32>
        %mul3A_806 = vector.broadcast %squeeze3A_709 : f32 to vector<16xf32>
        %mul3A_807 = arith.mulf %get3A_805, %mul3A_806 : vector<16xf32>
        %swap3A_808 = arith.index_cast %and3A_201 : i32 to index
        %swap3A_809 = arith.index_cast %add3A_707 : i32 to index
        %swap3A_810 = arith.constant 112 : index
        %swap3A_811 = tpu.vector_load %arg9[%swap3A_808, %swap3A_809, %swap3A_810] {strides = array<i32>} : memref<2x128x128xf32, #tpu.memory_space<vmem>>, vector<1x1x16xf32>,
        %swap3A_812 = vector.shape_cast %swap3A_811 : vector<1x1x16xf32> to vector<16xf32>
        %swap3A_813 = vector.shape_cast %mul3A_807 : vector<16xf32> to vector<1x1x16xf32>
        tpu.vector_store %arg9[%swap3A_808, %swap3A_809, %swap3A_810], %swap3A_813 {strides = array<i32>} : memref<2x128x128xf32, #tpu.memory_space<vmem>>, vector<1x1x16xf32>,
        %mul3A_814 = arith.constant 16 : i32
        %mul3A_815 = arith.muli %scan3A_260, %mul3A_814 : i32
        %add3A_816 = arith.constant 5 : i32
        %add3A_817 = arith.addi %mul3A_815, %add3A_816 : i32
        %slice3A_818 = vector.extract_strided_slice %get3A_266 {offsets = [5], sizes = [1], strides = [1]} : vector<16xf32> to vector<1xf32>
        %squeeze3A_819 = vector.extract %slice3A_818[0] : f32 from vector<1xf32>
        %get3A_820 = arith.index_cast %and3A_201 : i32 to index
        %get3A_821 = arith.index_cast %add3A_817 : i32 to index
        %get3A_822 = arith.constant 0 : index
        %get3A_823 = tpu.vector_load %arg9[%get3A_820, %get3A_821, %get3A_822] {strides = array<i32>} : memref<2x128x128xf32, #tpu.memory_space<vmem>>, vector<1x1x16xf32>,
        %get3A_824 = vector.shape_cast %get3A_823 : vector<1x1x16xf32> to vector<16xf32>
        %mul3A_825 = vector.broadcast %squeeze3A_819 : f32 to vector<16xf32>
        %mul3A_826 = arith.mulf %get3A_824, %mul3A_825 : vector<16xf32>
        %swap3A_827 = arith.index_cast %and3A_201 : i32 to index
        %swap3A_828 = arith.index_cast %add3A_817 : i32 to index
        %swap3A_829 = arith.constant 0 : index
        %swap3A_830 = tpu.vector_load %arg9[%swap3A_827, %swap3A_828, %swap3A_829] {strides = array<i32>} : memref<2x128x128xf32, #tpu.memory_space<vmem>>, vector<1x1x16xf32>,
        %swap3A_831 = vector.shape_cast %swap3A_830 : vector<1x1x16xf32> to vector<16xf32>
        %swap3A_832 = vector.shape_cast %mul3A_826 : vector<16xf32> to vector<1x1x16xf32>
        tpu.vector_store %arg9[%swap3A_827, %swap3A_828, %swap3A_829], %swap3A_832 {strides = array<i32>} : memref<2x128x128xf32, #tpu.memory_space<vmem>>, vector<1x1x16xf32>,
        %get3A_833 = arith.index_cast %and3A_201 : i32 to index
        %get3A_834 = arith.index_cast %add3A_817 : i32 to index
        %get3A_835 = arith.constant 16 : index
        %get3A_836 = tpu.vector_load %arg9[%get3A_833, %get3A_834, %get3A_835] {strides = array<i32>} : memref<2x128x128xf32, #tpu.memory_space<vmem>>, vector<1x1x16xf32>,
        %get3A_837 = vector.shape_cast %get3A_836 : vector<1x1x16xf32> to vector<16xf32>
        %mul3A_838 = vector.broadcast %squeeze3A_819 : f32 to vector<16xf32>
        %mul3A_839 = arith.mulf %get3A_837, %mul3A_838 : vector<16xf32>
        %swap3A_840 = arith.index_cast %and3A_201 : i32 to index
        %swap3A_841 = arith.index_cast %add3A_817 : i32 to index
        %swap3A_842 = arith.constant 16 : index
        %swap3A_843 = tpu.vector_load %arg9[%swap3A_840, %swap3A_841, %swap3A_842] {strides = array<i32>} : memref<2x128x128xf32, #tpu.memory_space<vmem>>, vector<1x1x16xf32>,
        %swap3A_844 = vector.shape_cast %swap3A_843 : vector<1x1x16xf32> to vector<16xf32>
        %swap3A_845 = vector.shape_cast %mul3A_839 : vector<16xf32> to vector<1x1x16xf32>
        tpu.vector_store %arg9[%swap3A_840, %swap3A_841, %swap3A_842], %swap3A_845 {strides = array<i32>} : memref<2x128x128xf32, #tpu.memory_space<vmem>>, vector<1x1x16xf32>,
        %get3A_846 = arith.index_cast %and3A_201 : i32 to index
        %get3A_847 = arith.index_cast %add3A_817 : i32 to index
        %get3A_848 = arith.constant 32 : index
        %get3A_849 = tpu.vector_load %arg9[%get3A_846, %get3A_847, %get3A_848] {strides = array<i32>} : memref<2x128x128xf32, #tpu.memory_space<vmem>>, vector<1x1x16xf32>,
        %get3A_850 = vector.shape_cast %get3A_849 : vector<1x1x16xf32> to vector<16xf32>
        %mul3A_851 = vector.broadcast %squeeze3A_819 : f32 to vector<16xf32>
        %mul3A_852 = arith.mulf %get3A_850, %mul3A_851 : vector<16xf32>
        %swap3A_853 = arith.index_cast %and3A_201 : i32 to index
        %swap3A_854 = arith.index_cast %add3A_817 : i32 to index
        %swap3A_855 = arith.constant 32 : index
        %swap3A_856 = tpu.vector_load %arg9[%swap3A_853, %swap3A_854, %swap3A_855] {strides = array<i32>} : memref<2x128x128xf32, #tpu.memory_space<vmem>>, vector<1x1x16xf32>,
        %swap3A_857 = vector.shape_cast %swap3A_856 : vector<1x1x16xf32> to vector<16xf32>
        %swap3A_858 = vector.shape_cast %mul3A_852 : vector<16xf32> to vector<1x1x16xf32>
        tpu.vector_store %arg9[%swap3A_853, %swap3A_854, %swap3A_855], %swap3A_858 {strides = array<i32>} : memref<2x128x128xf32, #tpu.memory_space<vmem>>, vector<1x1x16xf32>,
        %get3A_859 = arith.index_cast %and3A_201 : i32 to index
        %get3A_860 = arith.index_cast %add3A_817 : i32 to index
        %get3A_861 = arith.constant 48 : index
        %get3A_862 = tpu.vector_load %arg9[%get3A_859, %get3A_860, %get3A_861] {strides = array<i32>} : memref<2x128x128xf32, #tpu.memory_space<vmem>>, vector<1x1x16xf32>,
        %get3A_863 = vector.shape_cast %get3A_862 : vector<1x1x16xf32> to vector<16xf32>
        %mul3A_864 = vector.broadcast %squeeze3A_819 : f32 to vector<16xf32>
        %mul3A_865 = arith.mulf %get3A_863, %mul3A_864 : vector<16xf32>
        %swap3A_866 = arith.index_cast %and3A_201 : i32 to index
        %swap3A_867 = arith.index_cast %add3A_817 : i32 to index
        %swap3A_868 = arith.constant 48 : index
        %swap3A_869 = tpu.vector_load %arg9[%swap3A_866, %swap3A_867, %swap3A_868] {strides = array<i32>} : memref<2x128x128xf32, #tpu.memory_space<vmem>>, vector<1x1x16xf32>,
        %swap3A_870 = vector.shape_cast %swap3A_869 : vector<1x1x16xf32> to vector<16xf32>
        %swap3A_871 = vector.shape_cast %mul3A_865 : vector<16xf32> to vector<1x1x16xf32>
        tpu.vector_store %arg9[%swap3A_866, %swap3A_867, %swap3A_868], %swap3A_871 {strides = array<i32>} : memref<2x128x128xf32, #tpu.memory_space<vmem>>, vector<1x1x16xf32>,
        %get3A_872 = arith.index_cast %and3A_201 : i32 to index
        %get3A_873 = arith.index_cast %add3A_817 : i32 to index
        %get3A_874 = arith.constant 64 : index
        %get3A_875 = tpu.vector_load %arg9[%get3A_872, %get3A_873, %get3A_874] {strides = array<i32>} : memref<2x128x128xf32, #tpu.memory_space<vmem>>, vector<1x1x16xf32>,
        %get3A_876 = vector.shape_cast %get3A_875 : vector<1x1x16xf32> to vector<16xf32>
        %mul3A_877 = vector.broadcast %squeeze3A_819 : f32 to vector<16xf32>
        %mul3A_878 = arith.mulf %get3A_876, %mul3A_877 : vector<16xf32>
        %swap3A_879 = arith.index_cast %and3A_201 : i32 to index
        %swap3A_880 = arith.index_cast %add3A_817 : i32 to index
        %swap3A_881 = arith.constant 64 : index
        %swap3A_882 = tpu.vector_load %arg9[%swap3A_879, %swap3A_880, %swap3A_881] {strides = array<i32>} : memref<2x128x128xf32, #tpu.memory_space<vmem>>, vector<1x1x16xf32>,
        %swap3A_883 = vector.shape_cast %swap3A_882 : vector<1x1x16xf32> to vector<16xf32>
        %swap3A_884 = vector.shape_cast %mul3A_878 : vector<16xf32> to vector<1x1x16xf32>
        tpu.vector_store %arg9[%swap3A_879, %swap3A_880, %swap3A_881], %swap3A_884 {strides = array<i32>} : memref<2x128x128xf32, #tpu.memory_space<vmem>>, vector<1x1x16xf32>,
        %get3A_885 = arith.index_cast %and3A_201 : i32 to index
        %get3A_886 = arith.index_cast %add3A_817 : i32 to index
        %get3A_887 = arith.constant 80 : index
        %get3A_888 = tpu.vector_load %arg9[%get3A_885, %get3A_886, %get3A_887] {strides = array<i32>} : memref<2x128x128xf32, #tpu.memory_space<vmem>>, vector<1x1x16xf32>,
        %get3A_889 = vector.shape_cast %get3A_888 : vector<1x1x16xf32> to vector<16xf32>
        %mul3A_890 = vector.broadcast %squeeze3A_819 : f32 to vector<16xf32>
        %mul3A_891 = arith.mulf %get3A_889, %mul3A_890 : vector<16xf32>
        %swap3A_892 = arith.index_cast %and3A_201 : i32 to index
        %swap3A_893 = arith.index_cast %add3A_817 : i32 to index
        %swap3A_894 = arith.constant 80 : index
        %swap3A_895 = tpu.vector_load %arg9[%swap3A_892, %swap3A_893, %swap3A_894] {strides = array<i32>} : memref<2x128x128xf32, #tpu.memory_space<vmem>>, vector<1x1x16xf32>,
        %swap3A_896 = vector.shape_cast %swap3A_895 : vector<1x1x16xf32> to vector<16xf32>
        %swap3A_897 = vector.shape_cast %mul3A_891 : vector<16xf32> to vector<1x1x16xf32>
        tpu.vector_store %arg9[%swap3A_892, %swap3A_893, %swap3A_894], %swap3A_897 {strides = array<i32>} : memref<2x128x128xf32, #tpu.memory_space<vmem>>, vector<1x1x16xf32>,
        %get3A_898 = arith.index_cast %and3A_201 : i32 to index
        %get3A_899 = arith.index_cast %add3A_817 : i32 to index
        %get3A_900 = arith.constant 96 : index
        %get3A_901 = tpu.vector_load %arg9[%get3A_898, %get3A_899, %get3A_900] {strides = array<i32>} : memref<2x128x128xf32, #tpu.memory_space<vmem>>, vector<1x1x16xf32>,
        %get3A_902 = vector.shape_cast %get3A_901 : vector<1x1x16xf32> to vector<16xf32>
        %mul3A_903 = vector.broadcast %squeeze3A_819 : f32 to vector<16xf32>
        %mul3A_904 = arith.mulf %get3A_902, %mul3A_903 : vector<16xf32>
        %swap3A_905 = arith.index_cast %and3A_201 : i32 to index
        %swap3A_906 = arith.index_cast %add3A_817 : i32 to index
        %swap3A_907 = arith.constant 96 : index
        %swap3A_908 = tpu.vector_load %arg9[%swap3A_905, %swap3A_906, %swap3A_907] {strides = array<i32>} : memref<2x128x128xf32, #tpu.memory_space<vmem>>, vector<1x1x16xf32>,
        %swap3A_909 = vector.shape_cast %swap3A_908 : vector<1x1x16xf32> to vector<16xf32>
        %swap3A_910 = vector.shape_cast %mul3A_904 : vector<16xf32> to vector<1x1x16xf32>
        tpu.vector_store %arg9[%swap3A_905, %swap3A_906, %swap3A_907], %swap3A_910 {strides = array<i32>} : memref<2x128x128xf32, #tpu.memory_space<vmem>>, vector<1x1x16xf32>,
        %get3A_911 = arith.index_cast %and3A_201 : i32 to index
        %get3A_912 = arith.index_cast %add3A_817 : i32 to index
        %get3A_913 = arith.constant 112 : index
        %get3A_914 = tpu.vector_load %arg9[%get3A_911, %get3A_912, %get3A_913] {strides = array<i32>} : memref<2x128x128xf32, #tpu.memory_space<vmem>>, vector<1x1x16xf32>,
        %get3A_915 = vector.shape_cast %get3A_914 : vector<1x1x16xf32> to vector<16xf32>
        %mul3A_916 = vector.broadcast %squeeze3A_819 : f32 to vector<16xf32>
        %mul3A_917 = arith.mulf %get3A_915, %mul3A_916 : vector<16xf32>
        %swap3A_918 = arith.index_cast %and3A_201 : i32 to index
        %swap3A_919 = arith.index_cast %add3A_817 : i32 to index
        %swap3A_920 = arith.constant 112 : index
        %swap3A_921 = tpu.vector_load %arg9[%swap3A_918, %swap3A_919, %swap3A_920] {strides = array<i32>} : memref<2x128x128xf32, #tpu.memory_space<vmem>>, vector<1x1x16xf32>,
        %swap3A_922 = vector.shape_cast %swap3A_921 : vector<1x1x16xf32> to vector<16xf32>
        %swap3A_923 = vector.shape_cast %mul3A_917 : vector<16xf32> to vector<1x1x16xf32>
        tpu.vector_store %arg9[%swap3A_918, %swap3A_919, %swap3A_920], %swap3A_923 {strides = array<i32>} : memref<2x128x128xf32, #tpu.memory_space<vmem>>, vector<1x1x16xf32>,
        %mul3A_924 = arith.constant 16 : i32
        %mul3A_925 = arith.muli %scan3A_260, %mul3A_924 : i32
        %add3A_926 = arith.constant 6 : i32
        %add3A_927 = arith.addi %mul3A_925, %add3A_926 : i32
        %slice3A_928 = vector.extract_strided_slice %get3A_266 {offsets = [6], sizes = [1], strides = [1]} : vector<16xf32> to vector<1xf32>
        %squeeze3A_929 = vector.extract %slice3A_928[0] : f32 from vector<1xf32>
        %get3A_930 = arith.index_cast %and3A_201 : i32 to index
        %get3A_931 = arith.index_cast %add3A_927 : i32 to index
        %get3A_932 = arith.constant 0 : index
        %get3A_933 = tpu.vector_load %arg9[%get3A_930, %get3A_931, %get3A_932] {strides = array<i32>} : memref<2x128x128xf32, #tpu.memory_space<vmem>>, vector<1x1x16xf32>,
        %get3A_934 = vector.shape_cast %get3A_933 : vector<1x1x16xf32> to vector<16xf32>
        %mul3A_935 = vector.broadcast %squeeze3A_929 : f32 to vector<16xf32>
        %mul3A_936 = arith.mulf %get3A_934, %mul3A_935 : vector<16xf32>
        %swap3A_937 = arith.index_cast %and3A_201 : i32 to index
        %swap3A_938 = arith.index_cast %add3A_927 : i32 to index
        %swap3A_939 = arith.constant 0 : index
        %swap3A_940 = tpu.vector_load %arg9[%swap3A_937, %swap3A_938, %swap3A_939] {strides = array<i32>} : memref<2x128x128xf32, #tpu.memory_space<vmem>>, vector<1x1x16xf32>,
        %swap3A_941 = vector.shape_cast %swap3A_940 : vector<1x1x16xf32> to vector<16xf32>
        %swap3A_942 = vector.shape_cast %mul3A_936 : vector<16xf32> to vector<1x1x16xf32>
        tpu.vector_store %arg9[%swap3A_937, %swap3A_938, %swap3A_939], %swap3A_942 {strides = array<i32>} : memref<2x128x128xf32, #tpu.memory_space<vmem>>, vector<1x1x16xf32>,
        %get3A_943 = arith.index_cast %and3A_201 : i32 to index
        %get3A_944 = arith.index_cast %add3A_927 : i32 to index
        %get3A_945 = arith.constant 16 : index
        %get3A_946 = tpu.vector_load %arg9[%get3A_943, %get3A_944, %get3A_945] {strides = array<i32>} : memref<2x128x128xf32, #tpu.memory_space<vmem>>, vector<1x1x16xf32>,
        %get3A_947 = vector.shape_cast %get3A_946 : vector<1x1x16xf32> to vector<16xf32>
        %mul3A_948 = vector.broadcast %squeeze3A_929 : f32 to vector<16xf32>
        %mul3A_949 = arith.mulf %get3A_947, %mul3A_948 : vector<16xf32>
        %swap3A_950 = arith.index_cast %and3A_201 : i32 to index
        %swap3A_951 = arith.index_cast %add3A_927 : i32 to index
        %swap3A_952 = arith.constant 16 : index
        %swap3A_953 = tpu.vector_load %arg9[%swap3A_950, %swap3A_951, %swap3A_952] {strides = array<i32>} : memref<2x128x128xf32, #tpu.memory_space<vmem>>, vector<1x1x16xf32>,
        %swap3A_954 = vector.shape_cast %swap3A_953 : vector<1x1x16xf32> to vector<16xf32>
        %swap3A_955 = vector.shape_cast %mul3A_949 : vector<16xf32> to vector<1x1x16xf32>
        tpu.vector_store %arg9[%swap3A_950, %swap3A_951, %swap3A_952], %swap3A_955 {strides = array<i32>} : memref<2x128x128xf32, #tpu.memory_space<vmem>>, vector<1x1x16xf32>,
        %get3A_956 = arith.index_cast %and3A_201 : i32 to index
        %get3A_957 = arith.index_cast %add3A_927 : i32 to index
        %get3A_958 = arith.constant 32 : index
        %get3A_959 = tpu.vector_load %arg9[%get3A_956, %get3A_957, %get3A_958] {strides = array<i32>} : memref<2x128x128xf32, #tpu.memory_space<vmem>>, vector<1x1x16xf32>,
        %get3A_960 = vector.shape_cast %get3A_959 : vector<1x1x16xf32> to vector<16xf32>
        %mul3A_961 = vector.broadcast %squeeze3A_929 : f32 to vector<16xf32>
        %mul3A_962 = arith.mulf %get3A_960, %mul3A_961 : vector<16xf32>
        %swap3A_963 = arith.index_cast %and3A_201 : i32 to index
        %swap3A_964 = arith.index_cast %add3A_927 : i32 to index
        %swap3A_965 = arith.constant 32 : index
        %swap3A_966 = tpu.vector_load %arg9[%swap3A_963, %swap3A_964, %swap3A_965] {strides = array<i32>} : memref<2x128x128xf32, #tpu.memory_space<vmem>>, vector<1x1x16xf32>,
        %swap3A_967 = vector.shape_cast %swap3A_966 : vector<1x1x16xf32> to vector<16xf32>
        %swap3A_968 = vector.shape_cast %mul3A_962 : vector<16xf32> to vector<1x1x16xf32>
        tpu.vector_store %arg9[%swap3A_963, %swap3A_964, %swap3A_965], %swap3A_968 {strides = array<i32>} : memref<2x128x128xf32, #tpu.memory_space<vmem>>, vector<1x1x16xf32>,
        %get3A_969 = arith.index_cast %and3A_201 : i32 to index
        %get3A_970 = arith.index_cast %add3A_927 : i32 to index
        %get3A_971 = arith.constant 48 : index
        %get3A_972 = tpu.vector_load %arg9[%get3A_969, %get3A_970, %get3A_971] {strides = array<i32>} : memref<2x128x128xf32, #tpu.memory_space<vmem>>, vector<1x1x16xf32>,
        %get3A_973 = vector.shape_cast %get3A_972 : vector<1x1x16xf32> to vector<16xf32>
        %mul3A_974 = vector.broadcast %squeeze3A_929 : f32 to vector<16xf32>
        %mul3A_975 = arith.mulf %get3A_973, %mul3A_974 : vector<16xf32>
        %swap3A_976 = arith.index_cast %and3A_201 : i32 to index
        %swap3A_977 = arith.index_cast %add3A_927 : i32 to index
        %swap3A_978 = arith.constant 48 : index
        %swap3A_979 = tpu.vector_load %arg9[%swap3A_976, %swap3A_977, %swap3A_978] {strides = array<i32>} : memref<2x128x128xf32, #tpu.memory_space<vmem>>, vector<1x1x16xf32>,
        %swap3A_980 = vector.shape_cast %swap3A_979 : vector<1x1x16xf32> to vector<16xf32>
        %swap3A_981 = vector.shape_cast %mul3A_975 : vector<16xf32> to vector<1x1x16xf32>
        tpu.vector_store %arg9[%swap3A_976, %swap3A_977, %swap3A_978], %swap3A_981 {strides = array<i32>} : memref<2x128x128xf32, #tpu.memory_space<vmem>>, vector<1x1x16xf32>,
        %get3A_982 = arith.index_cast %and3A_201 : i32 to index
        %get3A_983 = arith.index_cast %add3A_927 : i32 to index
        %get3A_984 = arith.constant 64 : index
        %get3A_985 = tpu.vector_load %arg9[%get3A_982, %get3A_983, %get3A_984] {strides = array<i32>} : memref<2x128x128xf32, #tpu.memory_space<vmem>>, vector<1x1x16xf32>,
        %get3A_986 = vector.shape_cast %get3A_985 : vector<1x1x16xf32> to vector<16xf32>
        %mul3A_987 = vector.broadcast %squeeze3A_929 : f32 to vector<16xf32>
        %mul3A_988 = arith.mulf %get3A_986, %mul3A_987 : vector<16xf32>
        %swap3A_989 = arith.index_cast %and3A_201 : i32 to index
        %swap3A_990 = arith.index_cast %add3A_927 : i32 to index
        %swap3A_991 = arith.constant 64 : index
        %swap3A_992 = tpu.vector_load %arg9[%swap3A_989, %swap3A_990, %swap3A_991] {strides = array<i32>} : memref<2x128x128xf32, #tpu.memory_space<vmem>>, vector<1x1x16xf32>,
        %swap3A_993 = vector.shape_cast %swap3A_992 : vector<1x1x16xf32> to vector<16xf32>
        %swap3A_994 = vector.shape_cast %mul3A_988 : vector<16xf32> to vector<1x1x16xf32>
        tpu.vector_store %arg9[%swap3A_989, %swap3A_990, %swap3A_991], %swap3A_994 {strides = array<i32>} : memref<2x128x128xf32, #tpu.memory_space<vmem>>, vector<1x1x16xf32>,
        %get3A_995 = arith.index_cast %and3A_201 : i32 to index
        %get3A_996 = arith.index_cast %add3A_927 : i32 to index
        %get3A_997 = arith.constant 80 : index
        %get3A_998 = tpu.vector_load %arg9[%get3A_995, %get3A_996, %get3A_997] {strides = array<i32>} : memref<2x128x128xf32, #tpu.memory_space<vmem>>, vector<1x1x16xf32>,
        %get3A_999 = vector.shape_cast %get3A_998 : vector<1x1x16xf32> to vector<16xf32>
        %mul3A_1000 = vector.broadcast %squeeze3A_929 : f32 to vector<16xf32>
        %mul3A_1001 = arith.mulf %get3A_999, %mul3A_1000 : vector<16xf32>
        %swap3A_1002 = arith.index_cast %and3A_201 : i32 to index
        %swap3A_1003 = arith.index_cast %add3A_927 : i32 to index
        %swap3A_1004 = arith.constant 80 : index
        %swap3A_1005 = tpu.vector_load %arg9[%swap3A_1002, %swap3A_1003, %swap3A_1004] {strides = array<i32>} : memref<2x128x128xf32, #tpu.memory_space<vmem>>, vector<1x1x16xf32>,
        %swap3A_1006 = vector.shape_cast %swap3A_1005 : vector<1x1x16xf32> to vector<16xf32>
        %swap3A_1007 = vector.shape_cast %mul3A_1001 : vector<16xf32> to vector<1x1x16xf32>
        tpu.vector_store %arg9[%swap3A_1002, %swap3A_1003, %swap3A_1004], %swap3A_1007 {strides = array<i32>} : memref<2x128x128xf32, #tpu.memory_space<vmem>>, vector<1x1x16xf32>,
        %get3A_1008 = arith.index_cast %and3A_201 : i32 to index
        %get3A_1009 = arith.index_cast %add3A_927 : i32 to index
        %get3A_1010 = arith.constant 96 : index
        %get3A_1011 = tpu.vector_load %arg9[%get3A_1008, %get3A_1009, %get3A_1010] {strides = array<i32>} : memref<2x128x128xf32, #tpu.memory_space<vmem>>, vector<1x1x16xf32>,
        %get3A_1012 = vector.shape_cast %get3A_1011 : vector<1x1x16xf32> to vector<16xf32>
        %mul3A_1013 = vector.broadcast %squeeze3A_929 : f32 to vector<16xf32>
        %mul3A_1014 = arith.mulf %get3A_1012, %mul3A_1013 : vector<16xf32>
        %swap3A_1015 = arith.index_cast %and3A_201 : i32 to index
        %swap3A_1016 = arith.index_cast %add3A_927 : i32 to index
        %swap3A_1017 = arith.constant 96 : index
        %swap3A_1018 = tpu.vector_load %arg9[%swap3A_1015, %swap3A_1016, %swap3A_1017] {strides = array<i32>} : memref<2x128x128xf32, #tpu.memory_space<vmem>>, vector<1x1x16xf32>,
        %swap3A_1019 = vector.shape_cast %swap3A_1018 : vector<1x1x16xf32> to vector<16xf32>
        %swap3A_1020 = vector.shape_cast %mul3A_1014 : vector<16xf32> to vector<1x1x16xf32>
        tpu.vector_store %arg9[%swap3A_1015, %swap3A_1016, %swap3A_1017], %swap3A_1020 {strides = array<i32>} : memref<2x128x128xf32, #tpu.memory_space<vmem>>, vector<1x1x16xf32>,
        %get3A_1021 = arith.index_cast %and3A_201 : i32 to index
        %get3A_1022 = arith.index_cast %add3A_927 : i32 to index
        %get3A_1023 = arith.constant 112 : index
        %get3A_1024 = tpu.vector_load %arg9[%get3A_1021, %get3A_1022, %get3A_1023] {strides = array<i32>} : memref<2x128x128xf32, #tpu.memory_space<vmem>>, vector<1x1x16xf32>,
        %get3A_1025 = vector.shape_cast %get3A_1024 : vector<1x1x16xf32> to vector<16xf32>
        %mul3A_1026 = vector.broadcast %squeeze3A_929 : f32 to vector<16xf32>
        %mul3A_1027 = arith.mulf %get3A_1025, %mul3A_1026 : vector<16xf32>
        %swap3A_1028 = arith.index_cast %and3A_201 : i32 to index
        %swap3A_1029 = arith.index_cast %add3A_927 : i32 to index
        %swap3A_1030 = arith.constant 112 : index
        %swap3A_1031 = tpu.vector_load %arg9[%swap3A_1028, %swap3A_1029, %swap3A_1030] {strides = array<i32>} : memref<2x128x128xf32, #tpu.memory_space<vmem>>, vector<1x1x16xf32>,
        %swap3A_1032 = vector.shape_cast %swap3A_1031 : vector<1x1x16xf32> to vector<16xf32>
        %swap3A_1033 = vector.shape_cast %mul3A_1027 : vector<16xf32> to vector<1x1x16xf32>
        tpu.vector_store %arg9[%swap3A_1028, %swap3A_1029, %swap3A_1030], %swap3A_1033 {strides = array<i32>} : memref<2x128x128xf32, #tpu.memory_space<vmem>>, vector<1x1x16xf32>,
        %mul3A_1034 = arith.constant 16 : i32
        %mul3A_1035 = arith.muli %scan3A_260, %mul3A_1034 : i32
        %add3A_1036 = arith.constant 7 : i32
        %add3A_1037 = arith.addi %mul3A_1035, %add3A_1036 : i32
        %slice3A_1038 = vector.extract_strided_slice %get3A_266 {offsets = [7], sizes = [1], strides = [1]} : vector<16xf32> to vector<1xf32>
        %squeeze3A_1039 = vector.extract %slice3A_1038[0] : f32 from vector<1xf32>
        %get3A_1040 = arith.index_cast %and3A_201 : i32 to index
        %get3A_1041 = arith.index_cast %add3A_1037 : i32 to index
        %get3A_1042 = arith.constant 0 : index
        %get3A_1043 = tpu.vector_load %arg9[%get3A_1040, %get3A_1041, %get3A_1042] {strides = array<i32>} : memref<2x128x128xf32, #tpu.memory_space<vmem>>, vector<1x1x16xf32>,
        %get3A_1044 = vector.shape_cast %get3A_1043 : vector<1x1x16xf32> to vector<16xf32>
        %mul3A_1045 = vector.broadcast %squeeze3A_1039 : f32 to vector<16xf32>
        %mul3A_1046 = arith.mulf %get3A_1044, %mul3A_1045 : vector<16xf32>
        %swap3A_1047 = arith.index_cast %and3A_201 : i32 to index
        %swap3A_1048 = arith.index_cast %add3A_1037 : i32 to index
        %swap3A_1049 = arith.constant 0 : index
        %swap3A_1050 = tpu.vector_load %arg9[%swap3A_1047, %swap3A_1048, %swap3A_1049] {strides = array<i32>} : memref<2x128x128xf32, #tpu.memory_space<vmem>>, vector<1x1x16xf32>,
        %swap3A_1051 = vector.shape_cast %swap3A_1050 : vector<1x1x16xf32> to vector<16xf32>
        %swap3A_1052 = vector.shape_cast %mul3A_1046 : vector<16xf32> to vector<1x1x16xf32>
        tpu.vector_store %arg9[%swap3A_1047, %swap3A_1048, %swap3A_1049], %swap3A_1052 {strides = array<i32>} : memref<2x128x128xf32, #tpu.memory_space<vmem>>, vector<1x1x16xf32>,
        %get3A_1053 = arith.index_cast %and3A_201 : i32 to index
        %get3A_1054 = arith.index_cast %add3A_1037 : i32 to index
        %get3A_1055 = arith.constant 16 : index
        %get3A_1056 = tpu.vector_load %arg9[%get3A_1053, %get3A_1054, %get3A_1055] {strides = array<i32>} : memref<2x128x128xf32, #tpu.memory_space<vmem>>, vector<1x1x16xf32>,
        %get3A_1057 = vector.shape_cast %get3A_1056 : vector<1x1x16xf32> to vector<16xf32>
        %mul3A_1058 = vector.broadcast %squeeze3A_1039 : f32 to vector<16xf32>
        %mul3A_1059 = arith.mulf %get3A_1057, %mul3A_1058 : vector<16xf32>
        %swap3A_1060 = arith.index_cast %and3A_201 : i32 to index
        %swap3A_1061 = arith.index_cast %add3A_1037 : i32 to index
        %swap3A_1062 = arith.constant 16 : index
        %swap3A_1063 = tpu.vector_load %arg9[%swap3A_1060, %swap3A_1061, %swap3A_1062] {strides = array<i32>} : memref<2x128x128xf32, #tpu.memory_space<vmem>>, vector<1x1x16xf32>,
        %swap3A_1064 = vector.shape_cast %swap3A_1063 : vector<1x1x16xf32> to vector<16xf32>
        %swap3A_1065 = vector.shape_cast %mul3A_1059 : vector<16xf32> to vector<1x1x16xf32>
        tpu.vector_store %arg9[%swap3A_1060, %swap3A_1061, %swap3A_1062], %swap3A_1065 {strides = array<i32>} : memref<2x128x128xf32, #tpu.memory_space<vmem>>, vector<1x1x16xf32>,
        %get3A_1066 = arith.index_cast %and3A_201 : i32 to index
        %get3A_1067 = arith.index_cast %add3A_1037 : i32 to index
        %get3A_1068 = arith.constant 32 : index
        %get3A_1069 = tpu.vector_load %arg9[%get3A_1066, %get3A_1067, %get3A_1068] {strides = array<i32>} : memref<2x128x128xf32, #tpu.memory_space<vmem>>, vector<1x1x16xf32>,
        %get3A_1070 = vector.shape_cast %get3A_1069 : vector<1x1x16xf32> to vector<16xf32>
        %mul3A_1071 = vector.broadcast %squeeze3A_1039 : f32 to vector<16xf32>
        %mul3A_1072 = arith.mulf %get3A_1070, %mul3A_1071 : vector<16xf32>
        %swap3A_1073 = arith.index_cast %and3A_201 : i32 to index
        %swap3A_1074 = arith.index_cast %add3A_1037 : i32 to index
        %swap3A_1075 = arith.constant 32 : index
        %swap3A_1076 = tpu.vector_load %arg9[%swap3A_1073, %swap3A_1074, %swap3A_1075] {strides = array<i32>} : memref<2x128x128xf32, #tpu.memory_space<vmem>>, vector<1x1x16xf32>,
        %swap3A_1077 = vector.shape_cast %swap3A_1076 : vector<1x1x16xf32> to vector<16xf32>
        %swap3A_1078 = vector.shape_cast %mul3A_1072 : vector<16xf32> to vector<1x1x16xf32>
        tpu.vector_store %arg9[%swap3A_1073, %swap3A_1074, %swap3A_1075], %swap3A_1078 {strides = array<i32>} : memref<2x128x128xf32, #tpu.memory_space<vmem>>, vector<1x1x16xf32>,
        %get3A_1079 = arith.index_cast %and3A_201 : i32 to index
        %get3A_1080 = arith.index_cast %add3A_1037 : i32 to index
        %get3A_1081 = arith.constant 48 : index
        %get3A_1082 = tpu.vector_load %arg9[%get3A_1079, %get3A_1080, %get3A_1081] {strides = array<i32>} : memref<2x128x128xf32, #tpu.memory_space<vmem>>, vector<1x1x16xf32>,
        %get3A_1083 = vector.shape_cast %get3A_1082 : vector<1x1x16xf32> to vector<16xf32>
        %mul3A_1084 = vector.broadcast %squeeze3A_1039 : f32 to vector<16xf32>
        %mul3A_1085 = arith.mulf %get3A_1083, %mul3A_1084 : vector<16xf32>
        %swap3A_1086 = arith.index_cast %and3A_201 : i32 to index
        %swap3A_1087 = arith.index_cast %add3A_1037 : i32 to index
        %swap3A_1088 = arith.constant 48 : index
        %swap3A_1089 = tpu.vector_load %arg9[%swap3A_1086, %swap3A_1087, %swap3A_1088] {strides = array<i32>} : memref<2x128x128xf32, #tpu.memory_space<vmem>>, vector<1x1x16xf32>,
        %swap3A_1090 = vector.shape_cast %swap3A_1089 : vector<1x1x16xf32> to vector<16xf32>
        %swap3A_1091 = vector.shape_cast %mul3A_1085 : vector<16xf32> to vector<1x1x16xf32>
        tpu.vector_store %arg9[%swap3A_1086, %swap3A_1087, %swap3A_1088], %swap3A_1091 {strides = array<i32>} : memref<2x128x128xf32, #tpu.memory_space<vmem>>, vector<1x1x16xf32>,
        %get3A_1092 = arith.index_cast %and3A_201 : i32 to index
        %get3A_1093 = arith.index_cast %add3A_1037 : i32 to index
        %get3A_1094 = arith.constant 64 : index
        %get3A_1095 = tpu.vector_load %arg9[%get3A_1092, %get3A_1093, %get3A_1094] {strides = array<i32>} : memref<2x128x128xf32, #tpu.memory_space<vmem>>, vector<1x1x16xf32>,
        %get3A_1096 = vector.shape_cast %get3A_1095 : vector<1x1x16xf32> to vector<16xf32>
        %mul3A_1097 = vector.broadcast %squeeze3A_1039 : f32 to vector<16xf32>
        %mul3A_1098 = arith.mulf %get3A_1096, %mul3A_1097 : vector<16xf32>
        %swap3A_1099 = arith.index_cast %and3A_201 : i32 to index
        %swap3A_1100 = arith.index_cast %add3A_1037 : i32 to index
        %swap3A_1101 = arith.constant 64 : index
        %swap3A_1102 = tpu.vector_load %arg9[%swap3A_1099, %swap3A_1100, %swap3A_1101] {strides = array<i32>} : memref<2x128x128xf32, #tpu.memory_space<vmem>>, vector<1x1x16xf32>,
        %swap3A_1103 = vector.shape_cast %swap3A_1102 : vector<1x1x16xf32> to vector<16xf32>
        %swap3A_1104 = vector.shape_cast %mul3A_1098 : vector<16xf32> to vector<1x1x16xf32>
        tpu.vector_store %arg9[%swap3A_1099, %swap3A_1100, %swap3A_1101], %swap3A_1104 {strides = array<i32>} : memref<2x128x128xf32, #tpu.memory_space<vmem>>, vector<1x1x16xf32>,
        %get3A_1105 = arith.index_cast %and3A_201 : i32 to index
        %get3A_1106 = arith.index_cast %add3A_1037 : i32 to index
        %get3A_1107 = arith.constant 80 : index
        %get3A_1108 = tpu.vector_load %arg9[%get3A_1105, %get3A_1106, %get3A_1107] {strides = array<i32>} : memref<2x128x128xf32, #tpu.memory_space<vmem>>, vector<1x1x16xf32>,
        %get3A_1109 = vector.shape_cast %get3A_1108 : vector<1x1x16xf32> to vector<16xf32>
        %mul3A_1110 = vector.broadcast %squeeze3A_1039 : f32 to vector<16xf32>
        %mul3A_1111 = arith.mulf %get3A_1109, %mul3A_1110 : vector<16xf32>
        %swap3A_1112 = arith.index_cast %and3A_201 : i32 to index
        %swap3A_1113 = arith.index_cast %add3A_1037 : i32 to index
        %swap3A_1114 = arith.constant 80 : index
        %swap3A_1115 = tpu.vector_load %arg9[%swap3A_1112, %swap3A_1113, %swap3A_1114] {strides = array<i32>} : memref<2x128x128xf32, #tpu.memory_space<vmem>>, vector<1x1x16xf32>,
        %swap3A_1116 = vector.shape_cast %swap3A_1115 : vector<1x1x16xf32> to vector<16xf32>
        %swap3A_1117 = vector.shape_cast %mul3A_1111 : vector<16xf32> to vector<1x1x16xf32>
        tpu.vector_store %arg9[%swap3A_1112, %swap3A_1113, %swap3A_1114], %swap3A_1117 {strides = array<i32>} : memref<2x128x128xf32, #tpu.memory_space<vmem>>, vector<1x1x16xf32>,
        %get3A_1118 = arith.index_cast %and3A_201 : i32 to index
        %get3A_1119 = arith.index_cast %add3A_1037 : i32 to index
        %get3A_1120 = arith.constant 96 : index
        %get3A_1121 = tpu.vector_load %arg9[%get3A_1118, %get3A_1119, %get3A_1120] {strides = array<i32>} : memref<2x128x128xf32, #tpu.memory_space<vmem>>, vector<1x1x16xf32>,
        %get3A_1122 = vector.shape_cast %get3A_1121 : vector<1x1x16xf32> to vector<16xf32>
        %mul3A_1123 = vector.broadcast %squeeze3A_1039 : f32 to vector<16xf32>
        %mul3A_1124 = arith.mulf %get3A_1122, %mul3A_1123 : vector<16xf32>
        %swap3A_1125 = arith.index_cast %and3A_201 : i32 to index
        %swap3A_1126 = arith.index_cast %add3A_1037 : i32 to index
        %swap3A_1127 = arith.constant 96 : index
        %swap3A_1128 = tpu.vector_load %arg9[%swap3A_1125, %swap3A_1126, %swap3A_1127] {strides = array<i32>} : memref<2x128x128xf32, #tpu.memory_space<vmem>>, vector<1x1x16xf32>,
        %swap3A_1129 = vector.shape_cast %swap3A_1128 : vector<1x1x16xf32> to vector<16xf32>
        %swap3A_1130 = vector.shape_cast %mul3A_1124 : vector<16xf32> to vector<1x1x16xf32>
        tpu.vector_store %arg9[%swap3A_1125, %swap3A_1126, %swap3A_1127], %swap3A_1130 {strides = array<i32>} : memref<2x128x128xf32, #tpu.memory_space<vmem>>, vector<1x1x16xf32>,
        %get3A_1131 = arith.index_cast %and3A_201 : i32 to index
        %get3A_1132 = arith.index_cast %add3A_1037 : i32 to index
        %get3A_1133 = arith.constant 112 : index
        %get3A_1134 = tpu.vector_load %arg9[%get3A_1131, %get3A_1132, %get3A_1133] {strides = array<i32>} : memref<2x128x128xf32, #tpu.memory_space<vmem>>, vector<1x1x16xf32>,
        %get3A_1135 = vector.shape_cast %get3A_1134 : vector<1x1x16xf32> to vector<16xf32>
        %mul3A_1136 = vector.broadcast %squeeze3A_1039 : f32 to vector<16xf32>
        %mul3A_1137 = arith.mulf %get3A_1135, %mul3A_1136 : vector<16xf32>
        %swap3A_1138 = arith.index_cast %and3A_201 : i32 to index
        %swap3A_1139 = arith.index_cast %add3A_1037 : i32 to index
        %swap3A_1140 = arith.constant 112 : index
        %swap3A_1141 = tpu.vector_load %arg9[%swap3A_1138, %swap3A_1139, %swap3A_1140] {strides = array<i32>} : memref<2x128x128xf32, #tpu.memory_space<vmem>>, vector<1x1x16xf32>,
        %swap3A_1142 = vector.shape_cast %swap3A_1141 : vector<1x1x16xf32> to vector<16xf32>
        %swap3A_1143 = vector.shape_cast %mul3A_1137 : vector<16xf32> to vector<1x1x16xf32>
        tpu.vector_store %arg9[%swap3A_1138, %swap3A_1139, %swap3A_1140], %swap3A_1143 {strides = array<i32>} : memref<2x128x128xf32, #tpu.memory_space<vmem>>, vector<1x1x16xf32>,
        %mul3A_1144 = arith.constant 16 : i32
        %mul3A_1145 = arith.muli %scan3A_260, %mul3A_1144 : i32
        %add3A_1146 = arith.constant 8 : i32
        %add3A_1147 = arith.addi %mul3A_1145, %add3A_1146 : i32
        %slice3A_1148 = vector.extract_strided_slice %get3A_266 {offsets = [8], sizes = [1], strides = [1]} : vector<16xf32> to vector<1xf32>
        %squeeze3A_1149 = vector.extract %slice3A_1148[0] : f32 from vector<1xf32>
        %get3A_1150 = arith.index_cast %and3A_201 : i32 to index
        %get3A_1151 = arith.index_cast %add3A_1147 : i32 to index
        %get3A_1152 = arith.constant 0 : index
        %get3A_1153 = tpu.vector_load %arg9[%get3A_1150, %get3A_1151, %get3A_1152] {strides = array<i32>} : memref<2x128x128xf32, #tpu.memory_space<vmem>>, vector<1x1x16xf32>,
        %get3A_1154 = vector.shape_cast %get3A_1153 : vector<1x1x16xf32> to vector<16xf32>
        %mul3A_1155 = vector.broadcast %squeeze3A_1149 : f32 to vector<16xf32>
        %mul3A_1156 = arith.mulf %get3A_1154, %mul3A_1155 : vector<16xf32>
        %swap3A_1157 = arith.index_cast %and3A_201 : i32 to index
        %swap3A_1158 = arith.index_cast %add3A_1147 : i32 to index
        %swap3A_1159 = arith.constant 0 : index
        %swap3A_1160 = tpu.vector_load %arg9[%swap3A_1157, %swap3A_1158, %swap3A_1159] {strides = array<i32>} : memref<2x128x128xf32, #tpu.memory_space<vmem>>, vector<1x1x16xf32>,
        %swap3A_1161 = vector.shape_cast %swap3A_1160 : vector<1x1x16xf32> to vector<16xf32>
        %swap3A_1162 = vector.shape_cast %mul3A_1156 : vector<16xf32> to vector<1x1x16xf32>
        tpu.vector_store %arg9[%swap3A_1157, %swap3A_1158, %swap3A_1159], %swap3A_1162 {strides = array<i32>} : memref<2x128x128xf32, #tpu.memory_space<vmem>>, vector<1x1x16xf32>,
        %get3A_1163 = arith.index_cast %and3A_201 : i32 to index
        %get3A_1164 = arith.index_cast %add3A_1147 : i32 to index
        %get3A_1165 = arith.constant 16 : index
        %get3A_1166 = tpu.vector_load %arg9[%get3A_1163, %get3A_1164, %get3A_1165] {strides = array<i32>} : memref<2x128x128xf32, #tpu.memory_space<vmem>>, vector<1x1x16xf32>,
        %get3A_1167 = vector.shape_cast %get3A_1166 : vector<1x1x16xf32> to vector<16xf32>
        %mul3A_1168 = vector.broadcast %squeeze3A_1149 : f32 to vector<16xf32>
        %mul3A_1169 = arith.mulf %get3A_1167, %mul3A_1168 : vector<16xf32>
        %swap3A_1170 = arith.index_cast %and3A_201 : i32 to index
        %swap3A_1171 = arith.index_cast %add3A_1147 : i32 to index
        %swap3A_1172 = arith.constant 16 : index
        %swap3A_1173 = tpu.vector_load %arg9[%swap3A_1170, %swap3A_1171, %swap3A_1172] {strides = array<i32>} : memref<2x128x128xf32, #tpu.memory_space<vmem>>, vector<1x1x16xf32>,
        %swap3A_1174 = vector.shape_cast %swap3A_1173 : vector<1x1x16xf32> to vector<16xf32>
        %swap3A_1175 = vector.shape_cast %mul3A_1169 : vector<16xf32> to vector<1x1x16xf32>
        tpu.vector_store %arg9[%swap3A_1170, %swap3A_1171, %swap3A_1172], %swap3A_1175 {strides = array<i32>} : memref<2x128x128xf32, #tpu.memory_space<vmem>>, vector<1x1x16xf32>,
        %get3A_1176 = arith.index_cast %and3A_201 : i32 to index
        %get3A_1177 = arith.index_cast %add3A_1147 : i32 to index
        %get3A_1178 = arith.constant 32 : index
        %get3A_1179 = tpu.vector_load %arg9[%get3A_1176, %get3A_1177, %get3A_1178] {strides = array<i32>} : memref<2x128x128xf32, #tpu.memory_space<vmem>>, vector<1x1x16xf32>,
        %get3A_1180 = vector.shape_cast %get3A_1179 : vector<1x1x16xf32> to vector<16xf32>
        %mul3A_1181 = vector.broadcast %squeeze3A_1149 : f32 to vector<16xf32>
        %mul3A_1182 = arith.mulf %get3A_1180, %mul3A_1181 : vector<16xf32>
        %swap3A_1183 = arith.index_cast %and3A_201 : i32 to index
        %swap3A_1184 = arith.index_cast %add3A_1147 : i32 to index
        %swap3A_1185 = arith.constant 32 : index
        %swap3A_1186 = tpu.vector_load %arg9[%swap3A_1183, %swap3A_1184, %swap3A_1185] {strides = array<i32>} : memref<2x128x128xf32, #tpu.memory_space<vmem>>, vector<1x1x16xf32>,
        %swap3A_1187 = vector.shape_cast %swap3A_1186 : vector<1x1x16xf32> to vector<16xf32>
        %swap3A_1188 = vector.shape_cast %mul3A_1182 : vector<16xf32> to vector<1x1x16xf32>
        tpu.vector_store %arg9[%swap3A_1183, %swap3A_1184, %swap3A_1185], %swap3A_1188 {strides = array<i32>} : memref<2x128x128xf32, #tpu.memory_space<vmem>>, vector<1x1x16xf32>,
        %get3A_1189 = arith.index_cast %and3A_201 : i32 to index
        %get3A_1190 = arith.index_cast %add3A_1147 : i32 to index
        %get3A_1191 = arith.constant 48 : index
        %get3A_1192 = tpu.vector_load %arg9[%get3A_1189, %get3A_1190, %get3A_1191] {strides = array<i32>} : memref<2x128x128xf32, #tpu.memory_space<vmem>>, vector<1x1x16xf32>,
        %get3A_1193 = vector.shape_cast %get3A_1192 : vector<1x1x16xf32> to vector<16xf32>
        %mul3A_1194 = vector.broadcast %squeeze3A_1149 : f32 to vector<16xf32>
        %mul3A_1195 = arith.mulf %get3A_1193, %mul3A_1194 : vector<16xf32>
        %swap3A_1196 = arith.index_cast %and3A_201 : i32 to index
        %swap3A_1197 = arith.index_cast %add3A_1147 : i32 to index
        %swap3A_1198 = arith.constant 48 : index
        %swap3A_1199 = tpu.vector_load %arg9[%swap3A_1196, %swap3A_1197, %swap3A_1198] {strides = array<i32>} : memref<2x128x128xf32, #tpu.memory_space<vmem>>, vector<1x1x16xf32>,
        %swap3A_1200 = vector.shape_cast %swap3A_1199 : vector<1x1x16xf32> to vector<16xf32>
        %swap3A_1201 = vector.shape_cast %mul3A_1195 : vector<16xf32> to vector<1x1x16xf32>
        tpu.vector_store %arg9[%swap3A_1196, %swap3A_1197, %swap3A_1198], %swap3A_1201 {strides = array<i32>} : memref<2x128x128xf32, #tpu.memory_space<vmem>>, vector<1x1x16xf32>,
        %get3A_1202 = arith.index_cast %and3A_201 : i32 to index
        %get3A_1203 = arith.index_cast %add3A_1147 : i32 to index
        %get3A_1204 = arith.constant 64 : index
        %get3A_1205 = tpu.vector_load %arg9[%get3A_1202, %get3A_1203, %get3A_1204] {strides = array<i32>} : memref<2x128x128xf32, #tpu.memory_space<vmem>>, vector<1x1x16xf32>,
        %get3A_1206 = vector.shape_cast %get3A_1205 : vector<1x1x16xf32> to vector<16xf32>
        %mul3A_1207 = vector.broadcast %squeeze3A_1149 : f32 to vector<16xf32>
        %mul3A_1208 = arith.mulf %get3A_1206, %mul3A_1207 : vector<16xf32>
        %swap3A_1209 = arith.index_cast %and3A_201 : i32 to index
        %swap3A_1210 = arith.index_cast %add3A_1147 : i32 to index
        %swap3A_1211 = arith.constant 64 : index
        %swap3A_1212 = tpu.vector_load %arg9[%swap3A_1209, %swap3A_1210, %swap3A_1211] {strides = array<i32>} : memref<2x128x128xf32, #tpu.memory_space<vmem>>, vector<1x1x16xf32>,
        %swap3A_1213 = vector.shape_cast %swap3A_1212 : vector<1x1x16xf32> to vector<16xf32>
        %swap3A_1214 = vector.shape_cast %mul3A_1208 : vector<16xf32> to vector<1x1x16xf32>
        tpu.vector_store %arg9[%swap3A_1209, %swap3A_1210, %swap3A_1211], %swap3A_1214 {strides = array<i32>} : memref<2x128x128xf32, #tpu.memory_space<vmem>>, vector<1x1x16xf32>,
        %get3A_1215 = arith.index_cast %and3A_201 : i32 to index
        %get3A_1216 = arith.index_cast %add3A_1147 : i32 to index
        %get3A_1217 = arith.constant 80 : index
        %get3A_1218 = tpu.vector_load %arg9[%get3A_1215, %get3A_1216, %get3A_1217] {strides = array<i32>} : memref<2x128x128xf32, #tpu.memory_space<vmem>>, vector<1x1x16xf32>,
        %get3A_1219 = vector.shape_cast %get3A_1218 : vector<1x1x16xf32> to vector<16xf32>
        %mul3A_1220 = vector.broadcast %squeeze3A_1149 : f32 to vector<16xf32>
        %mul3A_1221 = arith.mulf %get3A_1219, %mul3A_1220 : vector<16xf32>
        %swap3A_1222 = arith.index_cast %and3A_201 : i32 to index
        %swap3A_1223 = arith.index_cast %add3A_1147 : i32 to index
        %swap3A_1224 = arith.constant 80 : index
        %swap3A_1225 = tpu.vector_load %arg9[%swap3A_1222, %swap3A_1223, %swap3A_1224] {strides = array<i32>} : memref<2x128x128xf32, #tpu.memory_space<vmem>>, vector<1x1x16xf32>,
        %swap3A_1226 = vector.shape_cast %swap3A_1225 : vector<1x1x16xf32> to vector<16xf32>
        %swap3A_1227 = vector.shape_cast %mul3A_1221 : vector<16xf32> to vector<1x1x16xf32>
        tpu.vector_store %arg9[%swap3A_1222, %swap3A_1223, %swap3A_1224], %swap3A_1227 {strides = array<i32>} : memref<2x128x128xf32, #tpu.memory_space<vmem>>, vector<1x1x16xf32>,
        %get3A_1228 = arith.index_cast %and3A_201 : i32 to index
        %get3A_1229 = arith.index_cast %add3A_1147 : i32 to index
        %get3A_1230 = arith.constant 96 : index
        %get3A_1231 = tpu.vector_load %arg9[%get3A_1228, %get3A_1229, %get3A_1230] {strides = array<i32>} : memref<2x128x128xf32, #tpu.memory_space<vmem>>, vector<1x1x16xf32>,
        %get3A_1232 = vector.shape_cast %get3A_1231 : vector<1x1x16xf32> to vector<16xf32>
        %mul3A_1233 = vector.broadcast %squeeze3A_1149 : f32 to vector<16xf32>
        %mul3A_1234 = arith.mulf %get3A_1232, %mul3A_1233 : vector<16xf32>
        %swap3A_1235 = arith.index_cast %and3A_201 : i32 to index
        %swap3A_1236 = arith.index_cast %add3A_1147 : i32 to index
        %swap3A_1237 = arith.constant 96 : index
        %swap3A_1238 = tpu.vector_load %arg9[%swap3A_1235, %swap3A_1236, %swap3A_1237] {strides = array<i32>} : memref<2x128x128xf32, #tpu.memory_space<vmem>>, vector<1x1x16xf32>,
        %swap3A_1239 = vector.shape_cast %swap3A_1238 : vector<1x1x16xf32> to vector<16xf32>
        %swap3A_1240 = vector.shape_cast %mul3A_1234 : vector<16xf32> to vector<1x1x16xf32>
        tpu.vector_store %arg9[%swap3A_1235, %swap3A_1236, %swap3A_1237], %swap3A_1240 {strides = array<i32>} : memref<2x128x128xf32, #tpu.memory_space<vmem>>, vector<1x1x16xf32>,
        %get3A_1241 = arith.index_cast %and3A_201 : i32 to index
        %get3A_1242 = arith.index_cast %add3A_1147 : i32 to index
        %get3A_1243 = arith.constant 112 : index
        %get3A_1244 = tpu.vector_load %arg9[%get3A_1241, %get3A_1242, %get3A_1243] {strides = array<i32>} : memref<2x128x128xf32, #tpu.memory_space<vmem>>, vector<1x1x16xf32>,
        %get3A_1245 = vector.shape_cast %get3A_1244 : vector<1x1x16xf32> to vector<16xf32>
        %mul3A_1246 = vector.broadcast %squeeze3A_1149 : f32 to vector<16xf32>
        %mul3A_1247 = arith.mulf %get3A_1245, %mul3A_1246 : vector<16xf32>
        %swap3A_1248 = arith.index_cast %and3A_201 : i32 to index
        %swap3A_1249 = arith.index_cast %add3A_1147 : i32 to index
        %swap3A_1250 = arith.constant 112 : index
        %swap3A_1251 = tpu.vector_load %arg9[%swap3A_1248, %swap3A_1249, %swap3A_1250] {strides = array<i32>} : memref<2x128x128xf32, #tpu.memory_space<vmem>>, vector<1x1x16xf32>,
        %swap3A_1252 = vector.shape_cast %swap3A_1251 : vector<1x1x16xf32> to vector<16xf32>
        %swap3A_1253 = vector.shape_cast %mul3A_1247 : vector<16xf32> to vector<1x1x16xf32>
        tpu.vector_store %arg9[%swap3A_1248, %swap3A_1249, %swap3A_1250], %swap3A_1253 {strides = array<i32>} : memref<2x128x128xf32, #tpu.memory_space<vmem>>, vector<1x1x16xf32>,
        %mul3A_1254 = arith.constant 16 : i32
        %mul3A_1255 = arith.muli %scan3A_260, %mul3A_1254 : i32
        %add3A_1256 = arith.constant 9 : i32
        %add3A_1257 = arith.addi %mul3A_1255, %add3A_1256 : i32
        %slice3A_1258 = vector.extract_strided_slice %get3A_266 {offsets = [9], sizes = [1], strides = [1]} : vector<16xf32> to vector<1xf32>
        %squeeze3A_1259 = vector.extract %slice3A_1258[0] : f32 from vector<1xf32>
        %get3A_1260 = arith.index_cast %and3A_201 : i32 to index
        %get3A_1261 = arith.index_cast %add3A_1257 : i32 to index
        %get3A_1262 = arith.constant 0 : index
        %get3A_1263 = tpu.vector_load %arg9[%get3A_1260, %get3A_1261, %get3A_1262] {strides = array<i32>} : memref<2x128x128xf32, #tpu.memory_space<vmem>>, vector<1x1x16xf32>,
        %get3A_1264 = vector.shape_cast %get3A_1263 : vector<1x1x16xf32> to vector<16xf32>
        %mul3A_1265 = vector.broadcast %squeeze3A_1259 : f32 to vector<16xf32>
        %mul3A_1266 = arith.mulf %get3A_1264, %mul3A_1265 : vector<16xf32>
        %swap3A_1267 = arith.index_cast %and3A_201 : i32 to index
        %swap3A_1268 = arith.index_cast %add3A_1257 : i32 to index
        %swap3A_1269 = arith.constant 0 : index
        %swap3A_1270 = tpu.vector_load %arg9[%swap3A_1267, %swap3A_1268, %swap3A_1269] {strides = array<i32>} : memref<2x128x128xf32, #tpu.memory_space<vmem>>, vector<1x1x16xf32>,
        %swap3A_1271 = vector.shape_cast %swap3A_1270 : vector<1x1x16xf32> to vector<16xf32>
        %swap3A_1272 = vector.shape_cast %mul3A_1266 : vector<16xf32> to vector<1x1x16xf32>
        tpu.vector_store %arg9[%swap3A_1267, %swap3A_1268, %swap3A_1269], %swap3A_1272 {strides = array<i32>} : memref<2x128x128xf32, #tpu.memory_space<vmem>>, vector<1x1x16xf32>,
        %get3A_1273 = arith.index_cast %and3A_201 : i32 to index
        %get3A_1274 = arith.index_cast %add3A_1257 : i32 to index
        %get3A_1275 = arith.constant 16 : index
        %get3A_1276 = tpu.vector_load %arg9[%get3A_1273, %get3A_1274, %get3A_1275] {strides = array<i32>} : memref<2x128x128xf32, #tpu.memory_space<vmem>>, vector<1x1x16xf32>,
        %get3A_1277 = vector.shape_cast %get3A_1276 : vector<1x1x16xf32> to vector<16xf32>
        %mul3A_1278 = vector.broadcast %squeeze3A_1259 : f32 to vector<16xf32>
        %mul3A_1279 = arith.mulf %get3A_1277, %mul3A_1278 : vector<16xf32>
        %swap3A_1280 = arith.index_cast %and3A_201 : i32 to index
        %swap3A_1281 = arith.index_cast %add3A_1257 : i32 to index
        %swap3A_1282 = arith.constant 16 : index
        %swap3A_1283 = tpu.vector_load %arg9[%swap3A_1280, %swap3A_1281, %swap3A_1282] {strides = array<i32>} : memref<2x128x128xf32, #tpu.memory_space<vmem>>, vector<1x1x16xf32>,
        %swap3A_1284 = vector.shape_cast %swap3A_1283 : vector<1x1x16xf32> to vector<16xf32>
        %swap3A_1285 = vector.shape_cast %mul3A_1279 : vector<16xf32> to vector<1x1x16xf32>
        tpu.vector_store %arg9[%swap3A_1280, %swap3A_1281, %swap3A_1282], %swap3A_1285 {strides = array<i32>} : memref<2x128x128xf32, #tpu.memory_space<vmem>>, vector<1x1x16xf32>,
        %get3A_1286 = arith.index_cast %and3A_201 : i32 to index
        %get3A_1287 = arith.index_cast %add3A_1257 : i32 to index
        %get3A_1288 = arith.constant 32 : index
        %get3A_1289 = tpu.vector_load %arg9[%get3A_1286, %get3A_1287, %get3A_1288] {strides = array<i32>} : memref<2x128x128xf32, #tpu.memory_space<vmem>>, vector<1x1x16xf32>,
        %get3A_1290 = vector.shape_cast %get3A_1289 : vector<1x1x16xf32> to vector<16xf32>
        %mul3A_1291 = vector.broadcast %squeeze3A_1259 : f32 to vector<16xf32>
        %mul3A_1292 = arith.mulf %get3A_1290, %mul3A_1291 : vector<16xf32>
        %swap3A_1293 = arith.index_cast %and3A_201 : i32 to index
        %swap3A_1294 = arith.index_cast %add3A_1257 : i32 to index
        %swap3A_1295 = arith.constant 32 : index
        %swap3A_1296 = tpu.vector_load %arg9[%swap3A_1293, %swap3A_1294, %swap3A_1295] {strides = array<i32>} : memref<2x128x128xf32, #tpu.memory_space<vmem>>, vector<1x1x16xf32>,
        %swap3A_1297 = vector.shape_cast %swap3A_1296 : vector<1x1x16xf32> to vector<16xf32>
        %swap3A_1298 = vector.shape_cast %mul3A_1292 : vector<16xf32> to vector<1x1x16xf32>
        tpu.vector_store %arg9[%swap3A_1293, %swap3A_1294, %swap3A_1295], %swap3A_1298 {strides = array<i32>} : memref<2x128x128xf32, #tpu.memory_space<vmem>>, vector<1x1x16xf32>,
        %get3A_1299 = arith.index_cast %and3A_201 : i32 to index
        %get3A_1300 = arith.index_cast %add3A_1257 : i32 to index
        %get3A_1301 = arith.constant 48 : index
        %get3A_1302 = tpu.vector_load %arg9[%get3A_1299, %get3A_1300, %get3A_1301] {strides = array<i32>} : memref<2x128x128xf32, #tpu.memory_space<vmem>>, vector<1x1x16xf32>,
        %get3A_1303 = vector.shape_cast %get3A_1302 : vector<1x1x16xf32> to vector<16xf32>
        %mul3A_1304 = vector.broadcast %squeeze3A_1259 : f32 to vector<16xf32>
        %mul3A_1305 = arith.mulf %get3A_1303, %mul3A_1304 : vector<16xf32>
        %swap3A_1306 = arith.index_cast %and3A_201 : i32 to index
        %swap3A_1307 = arith.index_cast %add3A_1257 : i32 to index
        %swap3A_1308 = arith.constant 48 : index
        %swap3A_1309 = tpu.vector_load %arg9[%swap3A_1306, %swap3A_1307, %swap3A_1308] {strides = array<i32>} : memref<2x128x128xf32, #tpu.memory_space<vmem>>, vector<1x1x16xf32>,
        %swap3A_1310 = vector.shape_cast %swap3A_1309 : vector<1x1x16xf32> to vector<16xf32>
        %swap3A_1311 = vector.shape_cast %mul3A_1305 : vector<16xf32> to vector<1x1x16xf32>
        tpu.vector_store %arg9[%swap3A_1306, %swap3A_1307, %swap3A_1308], %swap3A_1311 {strides = array<i32>} : memref<2x128x128xf32, #tpu.memory_space<vmem>>, vector<1x1x16xf32>,
        %get3A_1312 = arith.index_cast %and3A_201 : i32 to index
        %get3A_1313 = arith.index_cast %add3A_1257 : i32 to index
        %get3A_1314 = arith.constant 64 : index
        %get3A_1315 = tpu.vector_load %arg9[%get3A_1312, %get3A_1313, %get3A_1314] {strides = array<i32>} : memref<2x128x128xf32, #tpu.memory_space<vmem>>, vector<1x1x16xf32>,
        %get3A_1316 = vector.shape_cast %get3A_1315 : vector<1x1x16xf32> to vector<16xf32>
        %mul3A_1317 = vector.broadcast %squeeze3A_1259 : f32 to vector<16xf32>
        %mul3A_1318 = arith.mulf %get3A_1316, %mul3A_1317 : vector<16xf32>
        %swap3A_1319 = arith.index_cast %and3A_201 : i32 to index
        %swap3A_1320 = arith.index_cast %add3A_1257 : i32 to index
        %swap3A_1321 = arith.constant 64 : index
        %swap3A_1322 = tpu.vector_load %arg9[%swap3A_1319, %swap3A_1320, %swap3A_1321] {strides = array<i32>} : memref<2x128x128xf32, #tpu.memory_space<vmem>>, vector<1x1x16xf32>,
        %swap3A_1323 = vector.shape_cast %swap3A_1322 : vector<1x1x16xf32> to vector<16xf32>
        %swap3A_1324 = vector.shape_cast %mul3A_1318 : vector<16xf32> to vector<1x1x16xf32>
        tpu.vector_store %arg9[%swap3A_1319, %swap3A_1320, %swap3A_1321], %swap3A_1324 {strides = array<i32>} : memref<2x128x128xf32, #tpu.memory_space<vmem>>, vector<1x1x16xf32>,
        %get3A_1325 = arith.index_cast %and3A_201 : i32 to index
        %get3A_1326 = arith.index_cast %add3A_1257 : i32 to index
        %get3A_1327 = arith.constant 80 : index
        %get3A_1328 = tpu.vector_load %arg9[%get3A_1325, %get3A_1326, %get3A_1327] {strides = array<i32>} : memref<2x128x128xf32, #tpu.memory_space<vmem>>, vector<1x1x16xf32>,
        %get3A_1329 = vector.shape_cast %get3A_1328 : vector<1x1x16xf32> to vector<16xf32>
        %mul3A_1330 = vector.broadcast %squeeze3A_1259 : f32 to vector<16xf32>
        %mul3A_1331 = arith.mulf %get3A_1329, %mul3A_1330 : vector<16xf32>
        %swap3A_1332 = arith.index_cast %and3A_201 : i32 to index
        %swap3A_1333 = arith.index_cast %add3A_1257 : i32 to index
        %swap3A_1334 = arith.constant 80 : index
        %swap3A_1335 = tpu.vector_load %arg9[%swap3A_1332, %swap3A_1333, %swap3A_1334] {strides = array<i32>} : memref<2x128x128xf32, #tpu.memory_space<vmem>>, vector<1x1x16xf32>,
        %swap3A_1336 = vector.shape_cast %swap3A_1335 : vector<1x1x16xf32> to vector<16xf32>
        %swap3A_1337 = vector.shape_cast %mul3A_1331 : vector<16xf32> to vector<1x1x16xf32>
        tpu.vector_store %arg9[%swap3A_1332, %swap3A_1333, %swap3A_1334], %swap3A_1337 {strides = array<i32>} : memref<2x128x128xf32, #tpu.memory_space<vmem>>, vector<1x1x16xf32>,
        %get3A_1338 = arith.index_cast %and3A_201 : i32 to index
        %get3A_1339 = arith.index_cast %add3A_1257 : i32 to index
        %get3A_1340 = arith.constant 96 : index
        %get3A_1341 = tpu.vector_load %arg9[%get3A_1338, %get3A_1339, %get3A_1340] {strides = array<i32>} : memref<2x128x128xf32, #tpu.memory_space<vmem>>, vector<1x1x16xf32>,
        %get3A_1342 = vector.shape_cast %get3A_1341 : vector<1x1x16xf32> to vector<16xf32>
        %mul3A_1343 = vector.broadcast %squeeze3A_1259 : f32 to vector<16xf32>
        %mul3A_1344 = arith.mulf %get3A_1342, %mul3A_1343 : vector<16xf32>
        %swap3A_1345 = arith.index_cast %and3A_201 : i32 to index
        %swap3A_1346 = arith.index_cast %add3A_1257 : i32 to index
        %swap3A_1347 = arith.constant 96 : index
        %swap3A_1348 = tpu.vector_load %arg9[%swap3A_1345, %swap3A_1346, %swap3A_1347] {strides = array<i32>} : memref<2x128x128xf32, #tpu.memory_space<vmem>>, vector<1x1x16xf32>,
        %swap3A_1349 = vector.shape_cast %swap3A_1348 : vector<1x1x16xf32> to vector<16xf32>
        %swap3A_1350 = vector.shape_cast %mul3A_1344 : vector<16xf32> to vector<1x1x16xf32>
        tpu.vector_store %arg9[%swap3A_1345, %swap3A_1346, %swap3A_1347], %swap3A_1350 {strides = array<i32>} : memref<2x128x128xf32, #tpu.memory_space<vmem>>, vector<1x1x16xf32>,
        %get3A_1351 = arith.index_cast %and3A_201 : i32 to index
        %get3A_1352 = arith.index_cast %add3A_1257 : i32 to index
        %get3A_1353 = arith.constant 112 : index
        %get3A_1354 = tpu.vector_load %arg9[%get3A_1351, %get3A_1352, %get3A_1353] {strides = array<i32>} : memref<2x128x128xf32, #tpu.memory_space<vmem>>, vector<1x1x16xf32>,
        %get3A_1355 = vector.shape_cast %get3A_1354 : vector<1x1x16xf32> to vector<16xf32>
        %mul3A_1356 = vector.broadcast %squeeze3A_1259 : f32 to vector<16xf32>
        %mul3A_1357 = arith.mulf %get3A_1355, %mul3A_1356 : vector<16xf32>
        %swap3A_1358 = arith.index_cast %and3A_201 : i32 to index
        %swap3A_1359 = arith.index_cast %add3A_1257 : i32 to index
        %swap3A_1360 = arith.constant 112 : index
        %swap3A_1361 = tpu.vector_load %arg9[%swap3A_1358, %swap3A_1359, %swap3A_1360] {strides = array<i32>} : memref<2x128x128xf32, #tpu.memory_space<vmem>>, vector<1x1x16xf32>,
        %swap3A_1362 = vector.shape_cast %swap3A_1361 : vector<1x1x16xf32> to vector<16xf32>
        %swap3A_1363 = vector.shape_cast %mul3A_1357 : vector<16xf32> to vector<1x1x16xf32>
        tpu.vector_store %arg9[%swap3A_1358, %swap3A_1359, %swap3A_1360], %swap3A_1363 {strides = array<i32>} : memref<2x128x128xf32, #tpu.memory_space<vmem>>, vector<1x1x16xf32>,
        %mul3A_1364 = arith.constant 16 : i32
        %mul3A_1365 = arith.muli %scan3A_260, %mul3A_1364 : i32
        %add3A_1366 = arith.constant 10 : i32
        %add3A_1367 = arith.addi %mul3A_1365, %add3A_1366 : i32
        %slice3A_1368 = vector.extract_strided_slice %get3A_266 {offsets = [10], sizes = [1], strides = [1]} : vector<16xf32> to vector<1xf32>
        %squeeze3A_1369 = vector.extract %slice3A_1368[0] : f32 from vector<1xf32>
        %get3A_1370 = arith.index_cast %and3A_201 : i32 to index
        %get3A_1371 = arith.index_cast %add3A_1367 : i32 to index
        %get3A_1372 = arith.constant 0 : index
        %get3A_1373 = tpu.vector_load %arg9[%get3A_1370, %get3A_1371, %get3A_1372] {strides = array<i32>} : memref<2x128x128xf32, #tpu.memory_space<vmem>>, vector<1x1x16xf32>,
        %get3A_1374 = vector.shape_cast %get3A_1373 : vector<1x1x16xf32> to vector<16xf32>
        %mul3A_1375 = vector.broadcast %squeeze3A_1369 : f32 to vector<16xf32>
        %mul3A_1376 = arith.mulf %get3A_1374, %mul3A_1375 : vector<16xf32>
        %swap3A_1377 = arith.index_cast %and3A_201 : i32 to index
        %swap3A_1378 = arith.index_cast %add3A_1367 : i32 to index
        %swap3A_1379 = arith.constant 0 : index
        %swap3A_1380 = tpu.vector_load %arg9[%swap3A_1377, %swap3A_1378, %swap3A_1379] {strides = array<i32>} : memref<2x128x128xf32, #tpu.memory_space<vmem>>, vector<1x1x16xf32>,
        %swap3A_1381 = vector.shape_cast %swap3A_1380 : vector<1x1x16xf32> to vector<16xf32>
        %swap3A_1382 = vector.shape_cast %mul3A_1376 : vector<16xf32> to vector<1x1x16xf32>
        tpu.vector_store %arg9[%swap3A_1377, %swap3A_1378, %swap3A_1379], %swap3A_1382 {strides = array<i32>} : memref<2x128x128xf32, #tpu.memory_space<vmem>>, vector<1x1x16xf32>,
        %get3A_1383 = arith.index_cast %and3A_201 : i32 to index
        %get3A_1384 = arith.index_cast %add3A_1367 : i32 to index
        %get3A_1385 = arith.constant 16 : index
        %get3A_1386 = tpu.vector_load %arg9[%get3A_1383, %get3A_1384, %get3A_1385] {strides = array<i32>} : memref<2x128x128xf32, #tpu.memory_space<vmem>>, vector<1x1x16xf32>,
        %get3A_1387 = vector.shape_cast %get3A_1386 : vector<1x1x16xf32> to vector<16xf32>
        %mul3A_1388 = vector.broadcast %squeeze3A_1369 : f32 to vector<16xf32>
        %mul3A_1389 = arith.mulf %get3A_1387, %mul3A_1388 : vector<16xf32>
        %swap3A_1390 = arith.index_cast %and3A_201 : i32 to index
        %swap3A_1391 = arith.index_cast %add3A_1367 : i32 to index
        %swap3A_1392 = arith.constant 16 : index
        %swap3A_1393 = tpu.vector_load %arg9[%swap3A_1390, %swap3A_1391, %swap3A_1392] {strides = array<i32>} : memref<2x128x128xf32, #tpu.memory_space<vmem>>, vector<1x1x16xf32>,
        %swap3A_1394 = vector.shape_cast %swap3A_1393 : vector<1x1x16xf32> to vector<16xf32>
        %swap3A_1395 = vector.shape_cast %mul3A_1389 : vector<16xf32> to vector<1x1x16xf32>
        tpu.vector_store %arg9[%swap3A_1390, %swap3A_1391, %swap3A_1392], %swap3A_1395 {strides = array<i32>} : memref<2x128x128xf32, #tpu.memory_space<vmem>>, vector<1x1x16xf32>,
        %get3A_1396 = arith.index_cast %and3A_201 : i32 to index
        %get3A_1397 = arith.index_cast %add3A_1367 : i32 to index
        %get3A_1398 = arith.constant 32 : index
        %get3A_1399 = tpu.vector_load %arg9[%get3A_1396, %get3A_1397, %get3A_1398] {strides = array<i32>} : memref<2x128x128xf32, #tpu.memory_space<vmem>>, vector<1x1x16xf32>,
        %get3A_1400 = vector.shape_cast %get3A_1399 : vector<1x1x16xf32> to vector<16xf32>
        %mul3A_1401 = vector.broadcast %squeeze3A_1369 : f32 to vector<16xf32>
        %mul3A_1402 = arith.mulf %get3A_1400, %mul3A_1401 : vector<16xf32>
        %swap3A_1403 = arith.index_cast %and3A_201 : i32 to index
        %swap3A_1404 = arith.index_cast %add3A_1367 : i32 to index
        %swap3A_1405 = arith.constant 32 : index
        %swap3A_1406 = tpu.vector_load %arg9[%swap3A_1403, %swap3A_1404, %swap3A_1405] {strides = array<i32>} : memref<2x128x128xf32, #tpu.memory_space<vmem>>, vector<1x1x16xf32>,
        %swap3A_1407 = vector.shape_cast %swap3A_1406 : vector<1x1x16xf32> to vector<16xf32>
        %swap3A_1408 = vector.shape_cast %mul3A_1402 : vector<16xf32> to vector<1x1x16xf32>
        tpu.vector_store %arg9[%swap3A_1403, %swap3A_1404, %swap3A_1405], %swap3A_1408 {strides = array<i32>} : memref<2x128x128xf32, #tpu.memory_space<vmem>>, vector<1x1x16xf32>,
        %get3A_1409 = arith.index_cast %and3A_201 : i32 to index
        %get3A_1410 = arith.index_cast %add3A_1367 : i32 to index
        %get3A_1411 = arith.constant 48 : index
        %get3A_1412 = tpu.vector_load %arg9[%get3A_1409, %get3A_1410, %get3A_1411] {strides = array<i32>} : memref<2x128x128xf32, #tpu.memory_space<vmem>>, vector<1x1x16xf32>,
        %get3A_1413 = vector.shape_cast %get3A_1412 : vector<1x1x16xf32> to vector<16xf32>
        %mul3A_1414 = vector.broadcast %squeeze3A_1369 : f32 to vector<16xf32>
        %mul3A_1415 = arith.mulf %get3A_1413, %mul3A_1414 : vector<16xf32>
        %swap3A_1416 = arith.index_cast %and3A_201 : i32 to index
        %swap3A_1417 = arith.index_cast %add3A_1367 : i32 to index
        %swap3A_1418 = arith.constant 48 : index
        %swap3A_1419 = tpu.vector_load %arg9[%swap3A_1416, %swap3A_1417, %swap3A_1418] {strides = array<i32>} : memref<2x128x128xf32, #tpu.memory_space<vmem>>, vector<1x1x16xf32>,
        %swap3A_1420 = vector.shape_cast %swap3A_1419 : vector<1x1x16xf32> to vector<16xf32>
        %swap3A_1421 = vector.shape_cast %mul3A_1415 : vector<16xf32> to vector<1x1x16xf32>
        tpu.vector_store %arg9[%swap3A_1416, %swap3A_1417, %swap3A_1418], %swap3A_1421 {strides = array<i32>} : memref<2x128x128xf32, #tpu.memory_space<vmem>>, vector<1x1x16xf32>,
        %get3A_1422 = arith.index_cast %and3A_201 : i32 to index
        %get3A_1423 = arith.index_cast %add3A_1367 : i32 to index
        %get3A_1424 = arith.constant 64 : index
        %get3A_1425 = tpu.vector_load %arg9[%get3A_1422, %get3A_1423, %get3A_1424] {strides = array<i32>} : memref<2x128x128xf32, #tpu.memory_space<vmem>>, vector<1x1x16xf32>,
        %get3A_1426 = vector.shape_cast %get3A_1425 : vector<1x1x16xf32> to vector<16xf32>
        %mul3A_1427 = vector.broadcast %squeeze3A_1369 : f32 to vector<16xf32>
        %mul3A_1428 = arith.mulf %get3A_1426, %mul3A_1427 : vector<16xf32>
        %swap3A_1429 = arith.index_cast %and3A_201 : i32 to index
        %swap3A_1430 = arith.index_cast %add3A_1367 : i32 to index
        %swap3A_1431 = arith.constant 64 : index
        %swap3A_1432 = tpu.vector_load %arg9[%swap3A_1429, %swap3A_1430, %swap3A_1431] {strides = array<i32>} : memref<2x128x128xf32, #tpu.memory_space<vmem>>, vector<1x1x16xf32>,
        %swap3A_1433 = vector.shape_cast %swap3A_1432 : vector<1x1x16xf32> to vector<16xf32>
        %swap3A_1434 = vector.shape_cast %mul3A_1428 : vector<16xf32> to vector<1x1x16xf32>
        tpu.vector_store %arg9[%swap3A_1429, %swap3A_1430, %swap3A_1431], %swap3A_1434 {strides = array<i32>} : memref<2x128x128xf32, #tpu.memory_space<vmem>>, vector<1x1x16xf32>,
        %get3A_1435 = arith.index_cast %and3A_201 : i32 to index
        %get3A_1436 = arith.index_cast %add3A_1367 : i32 to index
        %get3A_1437 = arith.constant 80 : index
        %get3A_1438 = tpu.vector_load %arg9[%get3A_1435, %get3A_1436, %get3A_1437] {strides = array<i32>} : memref<2x128x128xf32, #tpu.memory_space<vmem>>, vector<1x1x16xf32>,
        %get3A_1439 = vector.shape_cast %get3A_1438 : vector<1x1x16xf32> to vector<16xf32>
        %mul3A_1440 = vector.broadcast %squeeze3A_1369 : f32 to vector<16xf32>
        %mul3A_1441 = arith.mulf %get3A_1439, %mul3A_1440 : vector<16xf32>
        %swap3A_1442 = arith.index_cast %and3A_201 : i32 to index
        %swap3A_1443 = arith.index_cast %add3A_1367 : i32 to index
        %swap3A_1444 = arith.constant 80 : index
        %swap3A_1445 = tpu.vector_load %arg9[%swap3A_1442, %swap3A_1443, %swap3A_1444] {strides = array<i32>} : memref<2x128x128xf32, #tpu.memory_space<vmem>>, vector<1x1x16xf32>,
        %swap3A_1446 = vector.shape_cast %swap3A_1445 : vector<1x1x16xf32> to vector<16xf32>
        %swap3A_1447 = vector.shape_cast %mul3A_1441 : vector<16xf32> to vector<1x1x16xf32>
        tpu.vector_store %arg9[%swap3A_1442, %swap3A_1443, %swap3A_1444], %swap3A_1447 {strides = array<i32>} : memref<2x128x128xf32, #tpu.memory_space<vmem>>, vector<1x1x16xf32>,
        %get3A_1448 = arith.index_cast %and3A_201 : i32 to index
        %get3A_1449 = arith.index_cast %add3A_1367 : i32 to index
        %get3A_1450 = arith.constant 96 : index
        %get3A_1451 = tpu.vector_load %arg9[%get3A_1448, %get3A_1449, %get3A_1450] {strides = array<i32>} : memref<2x128x128xf32, #tpu.memory_space<vmem>>, vector<1x1x16xf32>,
        %get3A_1452 = vector.shape_cast %get3A_1451 : vector<1x1x16xf32> to vector<16xf32>
        %mul3A_1453 = vector.broadcast %squeeze3A_1369 : f32 to vector<16xf32>
        %mul3A_1454 = arith.mulf %get3A_1452, %mul3A_1453 : vector<16xf32>
        %swap3A_1455 = arith.index_cast %and3A_201 : i32 to index
        %swap3A_1456 = arith.index_cast %add3A_1367 : i32 to index
        %swap3A_1457 = arith.constant 96 : index
        %swap3A_1458 = tpu.vector_load %arg9[%swap3A_1455, %swap3A_1456, %swap3A_1457] {strides = array<i32>} : memref<2x128x128xf32, #tpu.memory_space<vmem>>, vector<1x1x16xf32>,
        %swap3A_1459 = vector.shape_cast %swap3A_1458 : vector<1x1x16xf32> to vector<16xf32>
        %swap3A_1460 = vector.shape_cast %mul3A_1454 : vector<16xf32> to vector<1x1x16xf32>
        tpu.vector_store %arg9[%swap3A_1455, %swap3A_1456, %swap3A_1457], %swap3A_1460 {strides = array<i32>} : memref<2x128x128xf32, #tpu.memory_space<vmem>>, vector<1x1x16xf32>,
        %get3A_1461 = arith.index_cast %and3A_201 : i32 to index
        %get3A_1462 = arith.index_cast %add3A_1367 : i32 to index
        %get3A_1463 = arith.constant 112 : index
        %get3A_1464 = tpu.vector_load %arg9[%get3A_1461, %get3A_1462, %get3A_1463] {strides = array<i32>} : memref<2x128x128xf32, #tpu.memory_space<vmem>>, vector<1x1x16xf32>,
        %get3A_1465 = vector.shape_cast %get3A_1464 : vector<1x1x16xf32> to vector<16xf32>
        %mul3A_1466 = vector.broadcast %squeeze3A_1369 : f32 to vector<16xf32>
        %mul3A_1467 = arith.mulf %get3A_1465, %mul3A_1466 : vector<16xf32>
        %swap3A_1468 = arith.index_cast %and3A_201 : i32 to index
        %swap3A_1469 = arith.index_cast %add3A_1367 : i32 to index
        %swap3A_1470 = arith.constant 112 : index
        %swap3A_1471 = tpu.vector_load %arg9[%swap3A_1468, %swap3A_1469, %swap3A_1470] {strides = array<i32>} : memref<2x128x128xf32, #tpu.memory_space<vmem>>, vector<1x1x16xf32>,
        %swap3A_1472 = vector.shape_cast %swap3A_1471 : vector<1x1x16xf32> to vector<16xf32>
        %swap3A_1473 = vector.shape_cast %mul3A_1467 : vector<16xf32> to vector<1x1x16xf32>
        tpu.vector_store %arg9[%swap3A_1468, %swap3A_1469, %swap3A_1470], %swap3A_1473 {strides = array<i32>} : memref<2x128x128xf32, #tpu.memory_space<vmem>>, vector<1x1x16xf32>,
        %mul3A_1474 = arith.constant 16 : i32
        %mul3A_1475 = arith.muli %scan3A_260, %mul3A_1474 : i32
        %add3A_1476 = arith.constant 11 : i32
        %add3A_1477 = arith.addi %mul3A_1475, %add3A_1476 : i32
        %slice3A_1478 = vector.extract_strided_slice %get3A_266 {offsets = [11], sizes = [1], strides = [1]} : vector<16xf32> to vector<1xf32>
        %squeeze3A_1479 = vector.extract %slice3A_1478[0] : f32 from vector<1xf32>
        %get3A_1480 = arith.index_cast %and3A_201 : i32 to index
        %get3A_1481 = arith.index_cast %add3A_1477 : i32 to index
        %get3A_1482 = arith.constant 0 : index
        %get3A_1483 = tpu.vector_load %arg9[%get3A_1480, %get3A_1481, %get3A_1482] {strides = array<i32>} : memref<2x128x128xf32, #tpu.memory_space<vmem>>, vector<1x1x16xf32>,
        %get3A_1484 = vector.shape_cast %get3A_1483 : vector<1x1x16xf32> to vector<16xf32>
        %mul3A_1485 = vector.broadcast %squeeze3A_1479 : f32 to vector<16xf32>
        %mul3A_1486 = arith.mulf %get3A_1484, %mul3A_1485 : vector<16xf32>
        %swap3A_1487 = arith.index_cast %and3A_201 : i32 to index
        %swap3A_1488 = arith.index_cast %add3A_1477 : i32 to index
        %swap3A_1489 = arith.constant 0 : index
        %swap3A_1490 = tpu.vector_load %arg9[%swap3A_1487, %swap3A_1488, %swap3A_1489] {strides = array<i32>} : memref<2x128x128xf32, #tpu.memory_space<vmem>>, vector<1x1x16xf32>,
        %swap3A_1491 = vector.shape_cast %swap3A_1490 : vector<1x1x16xf32> to vector<16xf32>
        %swap3A_1492 = vector.shape_cast %mul3A_1486 : vector<16xf32> to vector<1x1x16xf32>
        tpu.vector_store %arg9[%swap3A_1487, %swap3A_1488, %swap3A_1489], %swap3A_1492 {strides = array<i32>} : memref<2x128x128xf32, #tpu.memory_space<vmem>>, vector<1x1x16xf32>,
        %get3A_1493 = arith.index_cast %and3A_201 : i32 to index
        %get3A_1494 = arith.index_cast %add3A_1477 : i32 to index
        %get3A_1495 = arith.constant 16 : index
        %get3A_1496 = tpu.vector_load %arg9[%get3A_1493, %get3A_1494, %get3A_1495] {strides = array<i32>} : memref<2x128x128xf32, #tpu.memory_space<vmem>>, vector<1x1x16xf32>,
        %get3A_1497 = vector.shape_cast %get3A_1496 : vector<1x1x16xf32> to vector<16xf32>
        %mul3A_1498 = vector.broadcast %squeeze3A_1479 : f32 to vector<16xf32>
        %mul3A_1499 = arith.mulf %get3A_1497, %mul3A_1498 : vector<16xf32>
        %swap3A_1500 = arith.index_cast %and3A_201 : i32 to index
        %swap3A_1501 = arith.index_cast %add3A_1477 : i32 to index
        %swap3A_1502 = arith.constant 16 : index
        %swap3A_1503 = tpu.vector_load %arg9[%swap3A_1500, %swap3A_1501, %swap3A_1502] {strides = array<i32>} : memref<2x128x128xf32, #tpu.memory_space<vmem>>, vector<1x1x16xf32>,
        %swap3A_1504 = vector.shape_cast %swap3A_1503 : vector<1x1x16xf32> to vector<16xf32>
        %swap3A_1505 = vector.shape_cast %mul3A_1499 : vector<16xf32> to vector<1x1x16xf32>
        tpu.vector_store %arg9[%swap3A_1500, %swap3A_1501, %swap3A_1502], %swap3A_1505 {strides = array<i32>} : memref<2x128x128xf32, #tpu.memory_space<vmem>>, vector<1x1x16xf32>,
        %get3A_1506 = arith.index_cast %and3A_201 : i32 to index
        %get3A_1507 = arith.index_cast %add3A_1477 : i32 to index
        %get3A_1508 = arith.constant 32 : index
        %get3A_1509 = tpu.vector_load %arg9[%get3A_1506, %get3A_1507, %get3A_1508] {strides = array<i32>} : memref<2x128x128xf32, #tpu.memory_space<vmem>>, vector<1x1x16xf32>,
        %get3A_1510 = vector.shape_cast %get3A_1509 : vector<1x1x16xf32> to vector<16xf32>
        %mul3A_1511 = vector.broadcast %squeeze3A_1479 : f32 to vector<16xf32>
        %mul3A_1512 = arith.mulf %get3A_1510, %mul3A_1511 : vector<16xf32>
        %swap3A_1513 = arith.index_cast %and3A_201 : i32 to index
        %swap3A_1514 = arith.index_cast %add3A_1477 : i32 to index
        %swap3A_1515 = arith.constant 32 : index
        %swap3A_1516 = tpu.vector_load %arg9[%swap3A_1513, %swap3A_1514, %swap3A_1515] {strides = array<i32>} : memref<2x128x128xf32, #tpu.memory_space<vmem>>, vector<1x1x16xf32>,
        %swap3A_1517 = vector.shape_cast %swap3A_1516 : vector<1x1x16xf32> to vector<16xf32>
        %swap3A_1518 = vector.shape_cast %mul3A_1512 : vector<16xf32> to vector<1x1x16xf32>
        tpu.vector_store %arg9[%swap3A_1513, %swap3A_1514, %swap3A_1515], %swap3A_1518 {strides = array<i32>} : memref<2x128x128xf32, #tpu.memory_space<vmem>>, vector<1x1x16xf32>,
        %get3A_1519 = arith.index_cast %and3A_201 : i32 to index
        %get3A_1520 = arith.index_cast %add3A_1477 : i32 to index
        %get3A_1521 = arith.constant 48 : index
        %get3A_1522 = tpu.vector_load %arg9[%get3A_1519, %get3A_1520, %get3A_1521] {strides = array<i32>} : memref<2x128x128xf32, #tpu.memory_space<vmem>>, vector<1x1x16xf32>,
        %get3A_1523 = vector.shape_cast %get3A_1522 : vector<1x1x16xf32> to vector<16xf32>
        %mul3A_1524 = vector.broadcast %squeeze3A_1479 : f32 to vector<16xf32>
        %mul3A_1525 = arith.mulf %get3A_1523, %mul3A_1524 : vector<16xf32>
        %swap3A_1526 = arith.index_cast %and3A_201 : i32 to index
        %swap3A_1527 = arith.index_cast %add3A_1477 : i32 to index
        %swap3A_1528 = arith.constant 48 : index
        %swap3A_1529 = tpu.vector_load %arg9[%swap3A_1526, %swap3A_1527, %swap3A_1528] {strides = array<i32>} : memref<2x128x128xf32, #tpu.memory_space<vmem>>, vector<1x1x16xf32>,
        %swap3A_1530 = vector.shape_cast %swap3A_1529 : vector<1x1x16xf32> to vector<16xf32>
        %swap3A_1531 = vector.shape_cast %mul3A_1525 : vector<16xf32> to vector<1x1x16xf32>
        tpu.vector_store %arg9[%swap3A_1526, %swap3A_1527, %swap3A_1528], %swap3A_1531 {strides = array<i32>} : memref<2x128x128xf32, #tpu.memory_space<vmem>>, vector<1x1x16xf32>,
        %get3A_1532 = arith.index_cast %and3A_201 : i32 to index
        %get3A_1533 = arith.index_cast %add3A_1477 : i32 to index
        %get3A_1534 = arith.constant 64 : index
        %get3A_1535 = tpu.vector_load %arg9[%get3A_1532, %get3A_1533, %get3A_1534] {strides = array<i32>} : memref<2x128x128xf32, #tpu.memory_space<vmem>>, vector<1x1x16xf32>,
        %get3A_1536 = vector.shape_cast %get3A_1535 : vector<1x1x16xf32> to vector<16xf32>
        %mul3A_1537 = vector.broadcast %squeeze3A_1479 : f32 to vector<16xf32>
        %mul3A_1538 = arith.mulf %get3A_1536, %mul3A_1537 : vector<16xf32>
        %swap3A_1539 = arith.index_cast %and3A_201 : i32 to index
        %swap3A_1540 = arith.index_cast %add3A_1477 : i32 to index
        %swap3A_1541 = arith.constant 64 : index
        %swap3A_1542 = tpu.vector_load %arg9[%swap3A_1539, %swap3A_1540, %swap3A_1541] {strides = array<i32>} : memref<2x128x128xf32, #tpu.memory_space<vmem>>, vector<1x1x16xf32>,
        %swap3A_1543 = vector.shape_cast %swap3A_1542 : vector<1x1x16xf32> to vector<16xf32>
        %swap3A_1544 = vector.shape_cast %mul3A_1538 : vector<16xf32> to vector<1x1x16xf32>
        tpu.vector_store %arg9[%swap3A_1539, %swap3A_1540, %swap3A_1541], %swap3A_1544 {strides = array<i32>} : memref<2x128x128xf32, #tpu.memory_space<vmem>>, vector<1x1x16xf32>,
        %get3A_1545 = arith.index_cast %and3A_201 : i32 to index
        %get3A_1546 = arith.index_cast %add3A_1477 : i32 to index
        %get3A_1547 = arith.constant 80 : index
        %get3A_1548 = tpu.vector_load %arg9[%get3A_1545, %get3A_1546, %get3A_1547] {strides = array<i32>} : memref<2x128x128xf32, #tpu.memory_space<vmem>>, vector<1x1x16xf32>,
        %get3A_1549 = vector.shape_cast %get3A_1548 : vector<1x1x16xf32> to vector<16xf32>
        %mul3A_1550 = vector.broadcast %squeeze3A_1479 : f32 to vector<16xf32>
        %mul3A_1551 = arith.mulf %get3A_1549, %mul3A_1550 : vector<16xf32>
        %swap3A_1552 = arith.index_cast %and3A_201 : i32 to index
        %swap3A_1553 = arith.index_cast %add3A_1477 : i32 to index
        %swap3A_1554 = arith.constant 80 : index
        %swap3A_1555 = tpu.vector_load %arg9[%swap3A_1552, %swap3A_1553, %swap3A_1554] {strides = array<i32>} : memref<2x128x128xf32, #tpu.memory_space<vmem>>, vector<1x1x16xf32>,
        %swap3A_1556 = vector.shape_cast %swap3A_1555 : vector<1x1x16xf32> to vector<16xf32>
        %swap3A_1557 = vector.shape_cast %mul3A_1551 : vector<16xf32> to vector<1x1x16xf32>
        tpu.vector_store %arg9[%swap3A_1552, %swap3A_1553, %swap3A_1554], %swap3A_1557 {strides = array<i32>} : memref<2x128x128xf32, #tpu.memory_space<vmem>>, vector<1x1x16xf32>,
        %get3A_1558 = arith.index_cast %and3A_201 : i32 to index
        %get3A_1559 = arith.index_cast %add3A_1477 : i32 to index
        %get3A_1560 = arith.constant 96 : index
        %get3A_1561 = tpu.vector_load %arg9[%get3A_1558, %get3A_1559, %get3A_1560] {strides = array<i32>} : memref<2x128x128xf32, #tpu.memory_space<vmem>>, vector<1x1x16xf32>,
        %get3A_1562 = vector.shape_cast %get3A_1561 : vector<1x1x16xf32> to vector<16xf32>
        %mul3A_1563 = vector.broadcast %squeeze3A_1479 : f32 to vector<16xf32>
        %mul3A_1564 = arith.mulf %get3A_1562, %mul3A_1563 : vector<16xf32>
        %swap3A_1565 = arith.index_cast %and3A_201 : i32 to index
        %swap3A_1566 = arith.index_cast %add3A_1477 : i32 to index
        %swap3A_1567 = arith.constant 96 : index
        %swap3A_1568 = tpu.vector_load %arg9[%swap3A_1565, %swap3A_1566, %swap3A_1567] {strides = array<i32>} : memref<2x128x128xf32, #tpu.memory_space<vmem>>, vector<1x1x16xf32>,
        %swap3A_1569 = vector.shape_cast %swap3A_1568 : vector<1x1x16xf32> to vector<16xf32>
        %swap3A_1570 = vector.shape_cast %mul3A_1564 : vector<16xf32> to vector<1x1x16xf32>
        tpu.vector_store %arg9[%swap3A_1565, %swap3A_1566, %swap3A_1567], %swap3A_1570 {strides = array<i32>} : memref<2x128x128xf32, #tpu.memory_space<vmem>>, vector<1x1x16xf32>,
        %get3A_1571 = arith.index_cast %and3A_201 : i32 to index
        %get3A_1572 = arith.index_cast %add3A_1477 : i32 to index
        %get3A_1573 = arith.constant 112 : index
        %get3A_1574 = tpu.vector_load %arg9[%get3A_1571, %get3A_1572, %get3A_1573] {strides = array<i32>} : memref<2x128x128xf32, #tpu.memory_space<vmem>>, vector<1x1x16xf32>,
        %get3A_1575 = vector.shape_cast %get3A_1574 : vector<1x1x16xf32> to vector<16xf32>
        %mul3A_1576 = vector.broadcast %squeeze3A_1479 : f32 to vector<16xf32>
        %mul3A_1577 = arith.mulf %get3A_1575, %mul3A_1576 : vector<16xf32>
        %swap3A_1578 = arith.index_cast %and3A_201 : i32 to index
        %swap3A_1579 = arith.index_cast %add3A_1477 : i32 to index
        %swap3A_1580 = arith.constant 112 : index
        %swap3A_1581 = tpu.vector_load %arg9[%swap3A_1578, %swap3A_1579, %swap3A_1580] {strides = array<i32>} : memref<2x128x128xf32, #tpu.memory_space<vmem>>, vector<1x1x16xf32>,
        %swap3A_1582 = vector.shape_cast %swap3A_1581 : vector<1x1x16xf32> to vector<16xf32>
        %swap3A_1583 = vector.shape_cast %mul3A_1577 : vector<16xf32> to vector<1x1x16xf32>
        tpu.vector_store %arg9[%swap3A_1578, %swap3A_1579, %swap3A_1580], %swap3A_1583 {strides = array<i32>} : memref<2x128x128xf32, #tpu.memory_space<vmem>>, vector<1x1x16xf32>,
        %mul3A_1584 = arith.constant 16 : i32
        %mul3A_1585 = arith.muli %scan3A_260, %mul3A_1584 : i32
        %add3A_1586 = arith.constant 12 : i32
        %add3A_1587 = arith.addi %mul3A_1585, %add3A_1586 : i32
        %slice3A_1588 = vector.extract_strided_slice %get3A_266 {offsets = [12], sizes = [1], strides = [1]} : vector<16xf32> to vector<1xf32>
        %squeeze3A_1589 = vector.extract %slice3A_1588[0] : f32 from vector<1xf32>
        %get3A_1590 = arith.index_cast %and3A_201 : i32 to index
        %get3A_1591 = arith.index_cast %add3A_1587 : i32 to index
        %get3A_1592 = arith.constant 0 : index
        %get3A_1593 = tpu.vector_load %arg9[%get3A_1590, %get3A_1591, %get3A_1592] {strides = array<i32>} : memref<2x128x128xf32, #tpu.memory_space<vmem>>, vector<1x1x16xf32>,
        %get3A_1594 = vector.shape_cast %get3A_1593 : vector<1x1x16xf32> to vector<16xf32>
        %mul3A_1595 = vector.broadcast %squeeze3A_1589 : f32 to vector<16xf32>
        %mul3A_1596 = arith.mulf %get3A_1594, %mul3A_1595 : vector<16xf32>
        %swap3A_1597 = arith.index_cast %and3A_201 : i32 to index
        %swap3A_1598 = arith.index_cast %add3A_1587 : i32 to index
        %swap3A_1599 = arith.constant 0 : index
        %swap3A_1600 = tpu.vector_load %arg9[%swap3A_1597, %swap3A_1598, %swap3A_1599] {strides = array<i32>} : memref<2x128x128xf32, #tpu.memory_space<vmem>>, vector<1x1x16xf32>,
        %swap3A_1601 = vector.shape_cast %swap3A_1600 : vector<1x1x16xf32> to vector<16xf32>
        %swap3A_1602 = vector.shape_cast %mul3A_1596 : vector<16xf32> to vector<1x1x16xf32>
        tpu.vector_store %arg9[%swap3A_1597, %swap3A_1598, %swap3A_1599], %swap3A_1602 {strides = array<i32>} : memref<2x128x128xf32, #tpu.memory_space<vmem>>, vector<1x1x16xf32>,
        %get3A_1603 = arith.index_cast %and3A_201 : i32 to index
        %get3A_1604 = arith.index_cast %add3A_1587 : i32 to index
        %get3A_1605 = arith.constant 16 : index
        %get3A_1606 = tpu.vector_load %arg9[%get3A_1603, %get3A_1604, %get3A_1605] {strides = array<i32>} : memref<2x128x128xf32, #tpu.memory_space<vmem>>, vector<1x1x16xf32>,
        %get3A_1607 = vector.shape_cast %get3A_1606 : vector<1x1x16xf32> to vector<16xf32>
        %mul3A_1608 = vector.broadcast %squeeze3A_1589 : f32 to vector<16xf32>
        %mul3A_1609 = arith.mulf %get3A_1607, %mul3A_1608 : vector<16xf32>
        %swap3A_1610 = arith.index_cast %and3A_201 : i32 to index
        %swap3A_1611 = arith.index_cast %add3A_1587 : i32 to index
        %swap3A_1612 = arith.constant 16 : index
        %swap3A_1613 = tpu.vector_load %arg9[%swap3A_1610, %swap3A_1611, %swap3A_1612] {strides = array<i32>} : memref<2x128x128xf32, #tpu.memory_space<vmem>>, vector<1x1x16xf32>,
        %swap3A_1614 = vector.shape_cast %swap3A_1613 : vector<1x1x16xf32> to vector<16xf32>
        %swap3A_1615 = vector.shape_cast %mul3A_1609 : vector<16xf32> to vector<1x1x16xf32>
        tpu.vector_store %arg9[%swap3A_1610, %swap3A_1611, %swap3A_1612], %swap3A_1615 {strides = array<i32>} : memref<2x128x128xf32, #tpu.memory_space<vmem>>, vector<1x1x16xf32>,
        %get3A_1616 = arith.index_cast %and3A_201 : i32 to index
        %get3A_1617 = arith.index_cast %add3A_1587 : i32 to index
        %get3A_1618 = arith.constant 32 : index
        %get3A_1619 = tpu.vector_load %arg9[%get3A_1616, %get3A_1617, %get3A_1618] {strides = array<i32>} : memref<2x128x128xf32, #tpu.memory_space<vmem>>, vector<1x1x16xf32>,
        %get3A_1620 = vector.shape_cast %get3A_1619 : vector<1x1x16xf32> to vector<16xf32>
        %mul3A_1621 = vector.broadcast %squeeze3A_1589 : f32 to vector<16xf32>
        %mul3A_1622 = arith.mulf %get3A_1620, %mul3A_1621 : vector<16xf32>
        %swap3A_1623 = arith.index_cast %and3A_201 : i32 to index
        %swap3A_1624 = arith.index_cast %add3A_1587 : i32 to index
        %swap3A_1625 = arith.constant 32 : index
        %swap3A_1626 = tpu.vector_load %arg9[%swap3A_1623, %swap3A_1624, %swap3A_1625] {strides = array<i32>} : memref<2x128x128xf32, #tpu.memory_space<vmem>>, vector<1x1x16xf32>,
        %swap3A_1627 = vector.shape_cast %swap3A_1626 : vector<1x1x16xf32> to vector<16xf32>
        %swap3A_1628 = vector.shape_cast %mul3A_1622 : vector<16xf32> to vector<1x1x16xf32>
        tpu.vector_store %arg9[%swap3A_1623, %swap3A_1624, %swap3A_1625], %swap3A_1628 {strides = array<i32>} : memref<2x128x128xf32, #tpu.memory_space<vmem>>, vector<1x1x16xf32>,
        %get3A_1629 = arith.index_cast %and3A_201 : i32 to index
        %get3A_1630 = arith.index_cast %add3A_1587 : i32 to index
        %get3A_1631 = arith.constant 48 : index
        %get3A_1632 = tpu.vector_load %arg9[%get3A_1629, %get3A_1630, %get3A_1631] {strides = array<i32>} : memref<2x128x128xf32, #tpu.memory_space<vmem>>, vector<1x1x16xf32>,
        %get3A_1633 = vector.shape_cast %get3A_1632 : vector<1x1x16xf32> to vector<16xf32>
        %mul3A_1634 = vector.broadcast %squeeze3A_1589 : f32 to vector<16xf32>
        %mul3A_1635 = arith.mulf %get3A_1633, %mul3A_1634 : vector<16xf32>
        %swap3A_1636 = arith.index_cast %and3A_201 : i32 to index
        %swap3A_1637 = arith.index_cast %add3A_1587 : i32 to index
        %swap3A_1638 = arith.constant 48 : index
        %swap3A_1639 = tpu.vector_load %arg9[%swap3A_1636, %swap3A_1637, %swap3A_1638] {strides = array<i32>} : memref<2x128x128xf32, #tpu.memory_space<vmem>>, vector<1x1x16xf32>,
        %swap3A_1640 = vector.shape_cast %swap3A_1639 : vector<1x1x16xf32> to vector<16xf32>
        %swap3A_1641 = vector.shape_cast %mul3A_1635 : vector<16xf32> to vector<1x1x16xf32>
        tpu.vector_store %arg9[%swap3A_1636, %swap3A_1637, %swap3A_1638], %swap3A_1641 {strides = array<i32>} : memref<2x128x128xf32, #tpu.memory_space<vmem>>, vector<1x1x16xf32>,
        %get3A_1642 = arith.index_cast %and3A_201 : i32 to index
        %get3A_1643 = arith.index_cast %add3A_1587 : i32 to index
        %get3A_1644 = arith.constant 64 : index
        %get3A_1645 = tpu.vector_load %arg9[%get3A_1642, %get3A_1643, %get3A_1644] {strides = array<i32>} : memref<2x128x128xf32, #tpu.memory_space<vmem>>, vector<1x1x16xf32>,
        %get3A_1646 = vector.shape_cast %get3A_1645 : vector<1x1x16xf32> to vector<16xf32>
        %mul3A_1647 = vector.broadcast %squeeze3A_1589 : f32 to vector<16xf32>
        %mul3A_1648 = arith.mulf %get3A_1646, %mul3A_1647 : vector<16xf32>
        %swap3A_1649 = arith.index_cast %and3A_201 : i32 to index
        %swap3A_1650 = arith.index_cast %add3A_1587 : i32 to index
        %swap3A_1651 = arith.constant 64 : index
        %swap3A_1652 = tpu.vector_load %arg9[%swap3A_1649, %swap3A_1650, %swap3A_1651] {strides = array<i32>} : memref<2x128x128xf32, #tpu.memory_space<vmem>>, vector<1x1x16xf32>,
        %swap3A_1653 = vector.shape_cast %swap3A_1652 : vector<1x1x16xf32> to vector<16xf32>
        %swap3A_1654 = vector.shape_cast %mul3A_1648 : vector<16xf32> to vector<1x1x16xf32>
        tpu.vector_store %arg9[%swap3A_1649, %swap3A_1650, %swap3A_1651], %swap3A_1654 {strides = array<i32>} : memref<2x128x128xf32, #tpu.memory_space<vmem>>, vector<1x1x16xf32>,
        %get3A_1655 = arith.index_cast %and3A_201 : i32 to index
        %get3A_1656 = arith.index_cast %add3A_1587 : i32 to index
        %get3A_1657 = arith.constant 80 : index
        %get3A_1658 = tpu.vector_load %arg9[%get3A_1655, %get3A_1656, %get3A_1657] {strides = array<i32>} : memref<2x128x128xf32, #tpu.memory_space<vmem>>, vector<1x1x16xf32>,
        %get3A_1659 = vector.shape_cast %get3A_1658 : vector<1x1x16xf32> to vector<16xf32>
        %mul3A_1660 = vector.broadcast %squeeze3A_1589 : f32 to vector<16xf32>
        %mul3A_1661 = arith.mulf %get3A_1659, %mul3A_1660 : vector<16xf32>
        %swap3A_1662 = arith.index_cast %and3A_201 : i32 to index
        %swap3A_1663 = arith.index_cast %add3A_1587 : i32 to index
        %swap3A_1664 = arith.constant 80 : index
        %swap3A_1665 = tpu.vector_load %arg9[%swap3A_1662, %swap3A_1663, %swap3A_1664] {strides = array<i32>} : memref<2x128x128xf32, #tpu.memory_space<vmem>>, vector<1x1x16xf32>,
        %swap3A_1666 = vector.shape_cast %swap3A_1665 : vector<1x1x16xf32> to vector<16xf32>
        %swap3A_1667 = vector.shape_cast %mul3A_1661 : vector<16xf32> to vector<1x1x16xf32>
        tpu.vector_store %arg9[%swap3A_1662, %swap3A_1663, %swap3A_1664], %swap3A_1667 {strides = array<i32>} : memref<2x128x128xf32, #tpu.memory_space<vmem>>, vector<1x1x16xf32>,
        %get3A_1668 = arith.index_cast %and3A_201 : i32 to index
        %get3A_1669 = arith.index_cast %add3A_1587 : i32 to index
        %get3A_1670 = arith.constant 96 : index
        %get3A_1671 = tpu.vector_load %arg9[%get3A_1668, %get3A_1669, %get3A_1670] {strides = array<i32>} : memref<2x128x128xf32, #tpu.memory_space<vmem>>, vector<1x1x16xf32>,
        %get3A_1672 = vector.shape_cast %get3A_1671 : vector<1x1x16xf32> to vector<16xf32>
        %mul3A_1673 = vector.broadcast %squeeze3A_1589 : f32 to vector<16xf32>
        %mul3A_1674 = arith.mulf %get3A_1672, %mul3A_1673 : vector<16xf32>
        %swap3A_1675 = arith.index_cast %and3A_201 : i32 to index
        %swap3A_1676 = arith.index_cast %add3A_1587 : i32 to index
        %swap3A_1677 = arith.constant 96 : index
        %swap3A_1678 = tpu.vector_load %arg9[%swap3A_1675, %swap3A_1676, %swap3A_1677] {strides = array<i32>} : memref<2x128x128xf32, #tpu.memory_space<vmem>>, vector<1x1x16xf32>,
        %swap3A_1679 = vector.shape_cast %swap3A_1678 : vector<1x1x16xf32> to vector<16xf32>
        %swap3A_1680 = vector.shape_cast %mul3A_1674 : vector<16xf32> to vector<1x1x16xf32>
        tpu.vector_store %arg9[%swap3A_1675, %swap3A_1676, %swap3A_1677], %swap3A_1680 {strides = array<i32>} : memref<2x128x128xf32, #tpu.memory_space<vmem>>, vector<1x1x16xf32>,
        %get3A_1681 = arith.index_cast %and3A_201 : i32 to index
        %get3A_1682 = arith.index_cast %add3A_1587 : i32 to index
        %get3A_1683 = arith.constant 112 : index
        %get3A_1684 = tpu.vector_load %arg9[%get3A_1681, %get3A_1682, %get3A_1683] {strides = array<i32>} : memref<2x128x128xf32, #tpu.memory_space<vmem>>, vector<1x1x16xf32>,
        %get3A_1685 = vector.shape_cast %get3A_1684 : vector<1x1x16xf32> to vector<16xf32>
        %mul3A_1686 = vector.broadcast %squeeze3A_1589 : f32 to vector<16xf32>
        %mul3A_1687 = arith.mulf %get3A_1685, %mul3A_1686 : vector<16xf32>
        %swap3A_1688 = arith.index_cast %and3A_201 : i32 to index
        %swap3A_1689 = arith.index_cast %add3A_1587 : i32 to index
        %swap3A_1690 = arith.constant 112 : index
        %swap3A_1691 = tpu.vector_load %arg9[%swap3A_1688, %swap3A_1689, %swap3A_1690] {strides = array<i32>} : memref<2x128x128xf32, #tpu.memory_space<vmem>>, vector<1x1x16xf32>,
        %swap3A_1692 = vector.shape_cast %swap3A_1691 : vector<1x1x16xf32> to vector<16xf32>
        %swap3A_1693 = vector.shape_cast %mul3A_1687 : vector<16xf32> to vector<1x1x16xf32>
        tpu.vector_store %arg9[%swap3A_1688, %swap3A_1689, %swap3A_1690], %swap3A_1693 {strides = array<i32>} : memref<2x128x128xf32, #tpu.memory_space<vmem>>, vector<1x1x16xf32>,
        %mul3A_1694 = arith.constant 16 : i32
        %mul3A_1695 = arith.muli %scan3A_260, %mul3A_1694 : i32
        %add3A_1696 = arith.constant 13 : i32
        %add3A_1697 = arith.addi %mul3A_1695, %add3A_1696 : i32
        %slice3A_1698 = vector.extract_strided_slice %get3A_266 {offsets = [13], sizes = [1], strides = [1]} : vector<16xf32> to vector<1xf32>
        %squeeze3A_1699 = vector.extract %slice3A_1698[0] : f32 from vector<1xf32>
        %get3A_1700 = arith.index_cast %and3A_201 : i32 to index
        %get3A_1701 = arith.index_cast %add3A_1697 : i32 to index
        %get3A_1702 = arith.constant 0 : index
        %get3A_1703 = tpu.vector_load %arg9[%get3A_1700, %get3A_1701, %get3A_1702] {strides = array<i32>} : memref<2x128x128xf32, #tpu.memory_space<vmem>>, vector<1x1x16xf32>,
        %get3A_1704 = vector.shape_cast %get3A_1703 : vector<1x1x16xf32> to vector<16xf32>
        %mul3A_1705 = vector.broadcast %squeeze3A_1699 : f32 to vector<16xf32>
        %mul3A_1706 = arith.mulf %get3A_1704, %mul3A_1705 : vector<16xf32>
        %swap3A_1707 = arith.index_cast %and3A_201 : i32 to index
        %swap3A_1708 = arith.index_cast %add3A_1697 : i32 to index
        %swap3A_1709 = arith.constant 0 : index
        %swap3A_1710 = tpu.vector_load %arg9[%swap3A_1707, %swap3A_1708, %swap3A_1709] {strides = array<i32>} : memref<2x128x128xf32, #tpu.memory_space<vmem>>, vector<1x1x16xf32>,
        %swap3A_1711 = vector.shape_cast %swap3A_1710 : vector<1x1x16xf32> to vector<16xf32>
        %swap3A_1712 = vector.shape_cast %mul3A_1706 : vector<16xf32> to vector<1x1x16xf32>
        tpu.vector_store %arg9[%swap3A_1707, %swap3A_1708, %swap3A_1709], %swap3A_1712 {strides = array<i32>} : memref<2x128x128xf32, #tpu.memory_space<vmem>>, vector<1x1x16xf32>,
        %get3A_1713 = arith.index_cast %and3A_201 : i32 to index
        %get3A_1714 = arith.index_cast %add3A_1697 : i32 to index
        %get3A_1715 = arith.constant 16 : index
        %get3A_1716 = tpu.vector_load %arg9[%get3A_1713, %get3A_1714, %get3A_1715] {strides = array<i32>} : memref<2x128x128xf32, #tpu.memory_space<vmem>>, vector<1x1x16xf32>,
        %get3A_1717 = vector.shape_cast %get3A_1716 : vector<1x1x16xf32> to vector<16xf32>
        %mul3A_1718 = vector.broadcast %squeeze3A_1699 : f32 to vector<16xf32>
        %mul3A_1719 = arith.mulf %get3A_1717, %mul3A_1718 : vector<16xf32>
        %swap3A_1720 = arith.index_cast %and3A_201 : i32 to index
        %swap3A_1721 = arith.index_cast %add3A_1697 : i32 to index
        %swap3A_1722 = arith.constant 16 : index
        %swap3A_1723 = tpu.vector_load %arg9[%swap3A_1720, %swap3A_1721, %swap3A_1722] {strides = array<i32>} : memref<2x128x128xf32, #tpu.memory_space<vmem>>, vector<1x1x16xf32>,
        %swap3A_1724 = vector.shape_cast %swap3A_1723 : vector<1x1x16xf32> to vector<16xf32>
        %swap3A_1725 = vector.shape_cast %mul3A_1719 : vector<16xf32> to vector<1x1x16xf32>
        tpu.vector_store %arg9[%swap3A_1720, %swap3A_1721, %swap3A_1722], %swap3A_1725 {strides = array<i32>} : memref<2x128x128xf32, #tpu.memory_space<vmem>>, vector<1x1x16xf32>,
        %get3A_1726 = arith.index_cast %and3A_201 : i32 to index
        %get3A_1727 = arith.index_cast %add3A_1697 : i32 to index
        %get3A_1728 = arith.constant 32 : index
        %get3A_1729 = tpu.vector_load %arg9[%get3A_1726, %get3A_1727, %get3A_1728] {strides = array<i32>} : memref<2x128x128xf32, #tpu.memory_space<vmem>>, vector<1x1x16xf32>,
        %get3A_1730 = vector.shape_cast %get3A_1729 : vector<1x1x16xf32> to vector<16xf32>
        %mul3A_1731 = vector.broadcast %squeeze3A_1699 : f32 to vector<16xf32>
        %mul3A_1732 = arith.mulf %get3A_1730, %mul3A_1731 : vector<16xf32>
        %swap3A_1733 = arith.index_cast %and3A_201 : i32 to index
        %swap3A_1734 = arith.index_cast %add3A_1697 : i32 to index
        %swap3A_1735 = arith.constant 32 : index
        %swap3A_1736 = tpu.vector_load %arg9[%swap3A_1733, %swap3A_1734, %swap3A_1735] {strides = array<i32>} : memref<2x128x128xf32, #tpu.memory_space<vmem>>, vector<1x1x16xf32>,
        %swap3A_1737 = vector.shape_cast %swap3A_1736 : vector<1x1x16xf32> to vector<16xf32>
        %swap3A_1738 = vector.shape_cast %mul3A_1732 : vector<16xf32> to vector<1x1x16xf32>
        tpu.vector_store %arg9[%swap3A_1733, %swap3A_1734, %swap3A_1735], %swap3A_1738 {strides = array<i32>} : memref<2x128x128xf32, #tpu.memory_space<vmem>>, vector<1x1x16xf32>,
        %get3A_1739 = arith.index_cast %and3A_201 : i32 to index
        %get3A_1740 = arith.index_cast %add3A_1697 : i32 to index
        %get3A_1741 = arith.constant 48 : index
        %get3A_1742 = tpu.vector_load %arg9[%get3A_1739, %get3A_1740, %get3A_1741] {strides = array<i32>} : memref<2x128x128xf32, #tpu.memory_space<vmem>>, vector<1x1x16xf32>,
        %get3A_1743 = vector.shape_cast %get3A_1742 : vector<1x1x16xf32> to vector<16xf32>
        %mul3A_1744 = vector.broadcast %squeeze3A_1699 : f32 to vector<16xf32>
        %mul3A_1745 = arith.mulf %get3A_1743, %mul3A_1744 : vector<16xf32>
        %swap3A_1746 = arith.index_cast %and3A_201 : i32 to index
        %swap3A_1747 = arith.index_cast %add3A_1697 : i32 to index
        %swap3A_1748 = arith.constant 48 : index
        %swap3A_1749 = tpu.vector_load %arg9[%swap3A_1746, %swap3A_1747, %swap3A_1748] {strides = array<i32>} : memref<2x128x128xf32, #tpu.memory_space<vmem>>, vector<1x1x16xf32>,
        %swap3A_1750 = vector.shape_cast %swap3A_1749 : vector<1x1x16xf32> to vector<16xf32>
        %swap3A_1751 = vector.shape_cast %mul3A_1745 : vector<16xf32> to vector<1x1x16xf32>
        tpu.vector_store %arg9[%swap3A_1746, %swap3A_1747, %swap3A_1748], %swap3A_1751 {strides = array<i32>} : memref<2x128x128xf32, #tpu.memory_space<vmem>>, vector<1x1x16xf32>,
        %get3A_1752 = arith.index_cast %and3A_201 : i32 to index
        %get3A_1753 = arith.index_cast %add3A_1697 : i32 to index
        %get3A_1754 = arith.constant 64 : index
        %get3A_1755 = tpu.vector_load %arg9[%get3A_1752, %get3A_1753, %get3A_1754] {strides = array<i32>} : memref<2x128x128xf32, #tpu.memory_space<vmem>>, vector<1x1x16xf32>,
        %get3A_1756 = vector.shape_cast %get3A_1755 : vector<1x1x16xf32> to vector<16xf32>
        %mul3A_1757 = vector.broadcast %squeeze3A_1699 : f32 to vector<16xf32>
        %mul3A_1758 = arith.mulf %get3A_1756, %mul3A_1757 : vector<16xf32>
        %swap3A_1759 = arith.index_cast %and3A_201 : i32 to index
        %swap3A_1760 = arith.index_cast %add3A_1697 : i32 to index
        %swap3A_1761 = arith.constant 64 : index
        %swap3A_1762 = tpu.vector_load %arg9[%swap3A_1759, %swap3A_1760, %swap3A_1761] {strides = array<i32>} : memref<2x128x128xf32, #tpu.memory_space<vmem>>, vector<1x1x16xf32>,
        %swap3A_1763 = vector.shape_cast %swap3A_1762 : vector<1x1x16xf32> to vector<16xf32>
        %swap3A_1764 = vector.shape_cast %mul3A_1758 : vector<16xf32> to vector<1x1x16xf32>
        tpu.vector_store %arg9[%swap3A_1759, %swap3A_1760, %swap3A_1761], %swap3A_1764 {strides = array<i32>} : memref<2x128x128xf32, #tpu.memory_space<vmem>>, vector<1x1x16xf32>,
        %get3A_1765 = arith.index_cast %and3A_201 : i32 to index
        %get3A_1766 = arith.index_cast %add3A_1697 : i32 to index
        %get3A_1767 = arith.constant 80 : index
        %get3A_1768 = tpu.vector_load %arg9[%get3A_1765, %get3A_1766, %get3A_1767] {strides = array<i32>} : memref<2x128x128xf32, #tpu.memory_space<vmem>>, vector<1x1x16xf32>,
        %get3A_1769 = vector.shape_cast %get3A_1768 : vector<1x1x16xf32> to vector<16xf32>
        %mul3A_1770 = vector.broadcast %squeeze3A_1699 : f32 to vector<16xf32>
        %mul3A_1771 = arith.mulf %get3A_1769, %mul3A_1770 : vector<16xf32>
        %swap3A_1772 = arith.index_cast %and3A_201 : i32 to index
        %swap3A_1773 = arith.index_cast %add3A_1697 : i32 to index
        %swap3A_1774 = arith.constant 80 : index
        %swap3A_1775 = tpu.vector_load %arg9[%swap3A_1772, %swap3A_1773, %swap3A_1774] {strides = array<i32>} : memref<2x128x128xf32, #tpu.memory_space<vmem>>, vector<1x1x16xf32>,
        %swap3A_1776 = vector.shape_cast %swap3A_1775 : vector<1x1x16xf32> to vector<16xf32>
        %swap3A_1777 = vector.shape_cast %mul3A_1771 : vector<16xf32> to vector<1x1x16xf32>
        tpu.vector_store %arg9[%swap3A_1772, %swap3A_1773, %swap3A_1774], %swap3A_1777 {strides = array<i32>} : memref<2x128x128xf32, #tpu.memory_space<vmem>>, vector<1x1x16xf32>,
        %get3A_1778 = arith.index_cast %and3A_201 : i32 to index
        %get3A_1779 = arith.index_cast %add3A_1697 : i32 to index
        %get3A_1780 = arith.constant 96 : index
        %get3A_1781 = tpu.vector_load %arg9[%get3A_1778, %get3A_1779, %get3A_1780] {strides = array<i32>} : memref<2x128x128xf32, #tpu.memory_space<vmem>>, vector<1x1x16xf32>,
        %get3A_1782 = vector.shape_cast %get3A_1781 : vector<1x1x16xf32> to vector<16xf32>
        %mul3A_1783 = vector.broadcast %squeeze3A_1699 : f32 to vector<16xf32>
        %mul3A_1784 = arith.mulf %get3A_1782, %mul3A_1783 : vector<16xf32>
        %swap3A_1785 = arith.index_cast %and3A_201 : i32 to index
        %swap3A_1786 = arith.index_cast %add3A_1697 : i32 to index
        %swap3A_1787 = arith.constant 96 : index
        %swap3A_1788 = tpu.vector_load %arg9[%swap3A_1785, %swap3A_1786, %swap3A_1787] {strides = array<i32>} : memref<2x128x128xf32, #tpu.memory_space<vmem>>, vector<1x1x16xf32>,
        %swap3A_1789 = vector.shape_cast %swap3A_1788 : vector<1x1x16xf32> to vector<16xf32>
        %swap3A_1790 = vector.shape_cast %mul3A_1784 : vector<16xf32> to vector<1x1x16xf32>
        tpu.vector_store %arg9[%swap3A_1785, %swap3A_1786, %swap3A_1787], %swap3A_1790 {strides = array<i32>} : memref<2x128x128xf32, #tpu.memory_space<vmem>>, vector<1x1x16xf32>,
        %get3A_1791 = arith.index_cast %and3A_201 : i32 to index
        %get3A_1792 = arith.index_cast %add3A_1697 : i32 to index
        %get3A_1793 = arith.constant 112 : index
        %get3A_1794 = tpu.vector_load %arg9[%get3A_1791, %get3A_1792, %get3A_1793] {strides = array<i32>} : memref<2x128x128xf32, #tpu.memory_space<vmem>>, vector<1x1x16xf32>,
        %get3A_1795 = vector.shape_cast %get3A_1794 : vector<1x1x16xf32> to vector<16xf32>
        %mul3A_1796 = vector.broadcast %squeeze3A_1699 : f32 to vector<16xf32>
        %mul3A_1797 = arith.mulf %get3A_1795, %mul3A_1796 : vector<16xf32>
        %swap3A_1798 = arith.index_cast %and3A_201 : i32 to index
        %swap3A_1799 = arith.index_cast %add3A_1697 : i32 to index
        %swap3A_1800 = arith.constant 112 : index
        %swap3A_1801 = tpu.vector_load %arg9[%swap3A_1798, %swap3A_1799, %swap3A_1800] {strides = array<i32>} : memref<2x128x128xf32, #tpu.memory_space<vmem>>, vector<1x1x16xf32>,
        %swap3A_1802 = vector.shape_cast %swap3A_1801 : vector<1x1x16xf32> to vector<16xf32>
        %swap3A_1803 = vector.shape_cast %mul3A_1797 : vector<16xf32> to vector<1x1x16xf32>
        tpu.vector_store %arg9[%swap3A_1798, %swap3A_1799, %swap3A_1800], %swap3A_1803 {strides = array<i32>} : memref<2x128x128xf32, #tpu.memory_space<vmem>>, vector<1x1x16xf32>,
        %mul3A_1804 = arith.constant 16 : i32
        %mul3A_1805 = arith.muli %scan3A_260, %mul3A_1804 : i32
        %add3A_1806 = arith.constant 14 : i32
        %add3A_1807 = arith.addi %mul3A_1805, %add3A_1806 : i32
        %slice3A_1808 = vector.extract_strided_slice %get3A_266 {offsets = [14], sizes = [1], strides = [1]} : vector<16xf32> to vector<1xf32>
        %squeeze3A_1809 = vector.extract %slice3A_1808[0] : f32 from vector<1xf32>
        %get3A_1810 = arith.index_cast %and3A_201 : i32 to index
        %get3A_1811 = arith.index_cast %add3A_1807 : i32 to index
        %get3A_1812 = arith.constant 0 : index
        %get3A_1813 = tpu.vector_load %arg9[%get3A_1810, %get3A_1811, %get3A_1812] {strides = array<i32>} : memref<2x128x128xf32, #tpu.memory_space<vmem>>, vector<1x1x16xf32>,
        %get3A_1814 = vector.shape_cast %get3A_1813 : vector<1x1x16xf32> to vector<16xf32>
        %mul3A_1815 = vector.broadcast %squeeze3A_1809 : f32 to vector<16xf32>
        %mul3A_1816 = arith.mulf %get3A_1814, %mul3A_1815 : vector<16xf32>
        %swap3A_1817 = arith.index_cast %and3A_201 : i32 to index
        %swap3A_1818 = arith.index_cast %add3A_1807 : i32 to index
        %swap3A_1819 = arith.constant 0 : index
        %swap3A_1820 = tpu.vector_load %arg9[%swap3A_1817, %swap3A_1818, %swap3A_1819] {strides = array<i32>} : memref<2x128x128xf32, #tpu.memory_space<vmem>>, vector<1x1x16xf32>,
        %swap3A_1821 = vector.shape_cast %swap3A_1820 : vector<1x1x16xf32> to vector<16xf32>
        %swap3A_1822 = vector.shape_cast %mul3A_1816 : vector<16xf32> to vector<1x1x16xf32>
        tpu.vector_store %arg9[%swap3A_1817, %swap3A_1818, %swap3A_1819], %swap3A_1822 {strides = array<i32>} : memref<2x128x128xf32, #tpu.memory_space<vmem>>, vector<1x1x16xf32>,
        %get3A_1823 = arith.index_cast %and3A_201 : i32 to index
        %get3A_1824 = arith.index_cast %add3A_1807 : i32 to index
        %get3A_1825 = arith.constant 16 : index
        %get3A_1826 = tpu.vector_load %arg9[%get3A_1823, %get3A_1824, %get3A_1825] {strides = array<i32>} : memref<2x128x128xf32, #tpu.memory_space<vmem>>, vector<1x1x16xf32>,
        %get3A_1827 = vector.shape_cast %get3A_1826 : vector<1x1x16xf32> to vector<16xf32>
        %mul3A_1828 = vector.broadcast %squeeze3A_1809 : f32 to vector<16xf32>
        %mul3A_1829 = arith.mulf %get3A_1827, %mul3A_1828 : vector<16xf32>
        %swap3A_1830 = arith.index_cast %and3A_201 : i32 to index
        %swap3A_1831 = arith.index_cast %add3A_1807 : i32 to index
        %swap3A_1832 = arith.constant 16 : index
        %swap3A_1833 = tpu.vector_load %arg9[%swap3A_1830, %swap3A_1831, %swap3A_1832] {strides = array<i32>} : memref<2x128x128xf32, #tpu.memory_space<vmem>>, vector<1x1x16xf32>,
        %swap3A_1834 = vector.shape_cast %swap3A_1833 : vector<1x1x16xf32> to vector<16xf32>
        %swap3A_1835 = vector.shape_cast %mul3A_1829 : vector<16xf32> to vector<1x1x16xf32>
        tpu.vector_store %arg9[%swap3A_1830, %swap3A_1831, %swap3A_1832], %swap3A_1835 {strides = array<i32>} : memref<2x128x128xf32, #tpu.memory_space<vmem>>, vector<1x1x16xf32>,
        %get3A_1836 = arith.index_cast %and3A_201 : i32 to index
        %get3A_1837 = arith.index_cast %add3A_1807 : i32 to index
        %get3A_1838 = arith.constant 32 : index
        %get3A_1839 = tpu.vector_load %arg9[%get3A_1836, %get3A_1837, %get3A_1838] {strides = array<i32>} : memref<2x128x128xf32, #tpu.memory_space<vmem>>, vector<1x1x16xf32>,
        %get3A_1840 = vector.shape_cast %get3A_1839 : vector<1x1x16xf32> to vector<16xf32>
        %mul3A_1841 = vector.broadcast %squeeze3A_1809 : f32 to vector<16xf32>
        %mul3A_1842 = arith.mulf %get3A_1840, %mul3A_1841 : vector<16xf32>
        %swap3A_1843 = arith.index_cast %and3A_201 : i32 to index
        %swap3A_1844 = arith.index_cast %add3A_1807 : i32 to index
        %swap3A_1845 = arith.constant 32 : index
        %swap3A_1846 = tpu.vector_load %arg9[%swap3A_1843, %swap3A_1844, %swap3A_1845] {strides = array<i32>} : memref<2x128x128xf32, #tpu.memory_space<vmem>>, vector<1x1x16xf32>,
        %swap3A_1847 = vector.shape_cast %swap3A_1846 : vector<1x1x16xf32> to vector<16xf32>
        %swap3A_1848 = vector.shape_cast %mul3A_1842 : vector<16xf32> to vector<1x1x16xf32>
        tpu.vector_store %arg9[%swap3A_1843, %swap3A_1844, %swap3A_1845], %swap3A_1848 {strides = array<i32>} : memref<2x128x128xf32, #tpu.memory_space<vmem>>, vector<1x1x16xf32>,
        %get3A_1849 = arith.index_cast %and3A_201 : i32 to index
        %get3A_1850 = arith.index_cast %add3A_1807 : i32 to index
        %get3A_1851 = arith.constant 48 : index
        %get3A_1852 = tpu.vector_load %arg9[%get3A_1849, %get3A_1850, %get3A_1851] {strides = array<i32>} : memref<2x128x128xf32, #tpu.memory_space<vmem>>, vector<1x1x16xf32>,
        %get3A_1853 = vector.shape_cast %get3A_1852 : vector<1x1x16xf32> to vector<16xf32>
        %mul3A_1854 = vector.broadcast %squeeze3A_1809 : f32 to vector<16xf32>
        %mul3A_1855 = arith.mulf %get3A_1853, %mul3A_1854 : vector<16xf32>
        %swap3A_1856 = arith.index_cast %and3A_201 : i32 to index
        %swap3A_1857 = arith.index_cast %add3A_1807 : i32 to index
        %swap3A_1858 = arith.constant 48 : index
        %swap3A_1859 = tpu.vector_load %arg9[%swap3A_1856, %swap3A_1857, %swap3A_1858] {strides = array<i32>} : memref<2x128x128xf32, #tpu.memory_space<vmem>>, vector<1x1x16xf32>,
        %swap3A_1860 = vector.shape_cast %swap3A_1859 : vector<1x1x16xf32> to vector<16xf32>
        %swap3A_1861 = vector.shape_cast %mul3A_1855 : vector<16xf32> to vector<1x1x16xf32>
        tpu.vector_store %arg9[%swap3A_1856, %swap3A_1857, %swap3A_1858], %swap3A_1861 {strides = array<i32>} : memref<2x128x128xf32, #tpu.memory_space<vmem>>, vector<1x1x16xf32>,
        %get3A_1862 = arith.index_cast %and3A_201 : i32 to index
        %get3A_1863 = arith.index_cast %add3A_1807 : i32 to index
        %get3A_1864 = arith.constant 64 : index
        %get3A_1865 = tpu.vector_load %arg9[%get3A_1862, %get3A_1863, %get3A_1864] {strides = array<i32>} : memref<2x128x128xf32, #tpu.memory_space<vmem>>, vector<1x1x16xf32>,
        %get3A_1866 = vector.shape_cast %get3A_1865 : vector<1x1x16xf32> to vector<16xf32>
        %mul3A_1867 = vector.broadcast %squeeze3A_1809 : f32 to vector<16xf32>
        %mul3A_1868 = arith.mulf %get3A_1866, %mul3A_1867 : vector<16xf32>
        %swap3A_1869 = arith.index_cast %and3A_201 : i32 to index
        %swap3A_1870 = arith.index_cast %add3A_1807 : i32 to index
        %swap3A_1871 = arith.constant 64 : index
        %swap3A_1872 = tpu.vector_load %arg9[%swap3A_1869, %swap3A_1870, %swap3A_1871] {strides = array<i32>} : memref<2x128x128xf32, #tpu.memory_space<vmem>>, vector<1x1x16xf32>,
        %swap3A_1873 = vector.shape_cast %swap3A_1872 : vector<1x1x16xf32> to vector<16xf32>
        %swap3A_1874 = vector.shape_cast %mul3A_1868 : vector<16xf32> to vector<1x1x16xf32>
        tpu.vector_store %arg9[%swap3A_1869, %swap3A_1870, %swap3A_1871], %swap3A_1874 {strides = array<i32>} : memref<2x128x128xf32, #tpu.memory_space<vmem>>, vector<1x1x16xf32>,
        %get3A_1875 = arith.index_cast %and3A_201 : i32 to index
        %get3A_1876 = arith.index_cast %add3A_1807 : i32 to index
        %get3A_1877 = arith.constant 80 : index
        %get3A_1878 = tpu.vector_load %arg9[%get3A_1875, %get3A_1876, %get3A_1877] {strides = array<i32>} : memref<2x128x128xf32, #tpu.memory_space<vmem>>, vector<1x1x16xf32>,
        %get3A_1879 = vector.shape_cast %get3A_1878 : vector<1x1x16xf32> to vector<16xf32>
        %mul3A_1880 = vector.broadcast %squeeze3A_1809 : f32 to vector<16xf32>
        %mul3A_1881 = arith.mulf %get3A_1879, %mul3A_1880 : vector<16xf32>
        %swap3A_1882 = arith.index_cast %and3A_201 : i32 to index
        %swap3A_1883 = arith.index_cast %add3A_1807 : i32 to index
        %swap3A_1884 = arith.constant 80 : index
        %swap3A_1885 = tpu.vector_load %arg9[%swap3A_1882, %swap3A_1883, %swap3A_1884] {strides = array<i32>} : memref<2x128x128xf32, #tpu.memory_space<vmem>>, vector<1x1x16xf32>,
        %swap3A_1886 = vector.shape_cast %swap3A_1885 : vector<1x1x16xf32> to vector<16xf32>
        %swap3A_1887 = vector.shape_cast %mul3A_1881 : vector<16xf32> to vector<1x1x16xf32>
        tpu.vector_store %arg9[%swap3A_1882, %swap3A_1883, %swap3A_1884], %swap3A_1887 {strides = array<i32>} : memref<2x128x128xf32, #tpu.memory_space<vmem>>, vector<1x1x16xf32>,
        %get3A_1888 = arith.index_cast %and3A_201 : i32 to index
        %get3A_1889 = arith.index_cast %add3A_1807 : i32 to index
        %get3A_1890 = arith.constant 96 : index
        %get3A_1891 = tpu.vector_load %arg9[%get3A_1888, %get3A_1889, %get3A_1890] {strides = array<i32>} : memref<2x128x128xf32, #tpu.memory_space<vmem>>, vector<1x1x16xf32>,
        %get3A_1892 = vector.shape_cast %get3A_1891 : vector<1x1x16xf32> to vector<16xf32>
        %mul3A_1893 = vector.broadcast %squeeze3A_1809 : f32 to vector<16xf32>
        %mul3A_1894 = arith.mulf %get3A_1892, %mul3A_1893 : vector<16xf32>
        %swap3A_1895 = arith.index_cast %and3A_201 : i32 to index
        %swap3A_1896 = arith.index_cast %add3A_1807 : i32 to index
        %swap3A_1897 = arith.constant 96 : index
        %swap3A_1898 = tpu.vector_load %arg9[%swap3A_1895, %swap3A_1896, %swap3A_1897] {strides = array<i32>} : memref<2x128x128xf32, #tpu.memory_space<vmem>>, vector<1x1x16xf32>,
        %swap3A_1899 = vector.shape_cast %swap3A_1898 : vector<1x1x16xf32> to vector<16xf32>
        %swap3A_1900 = vector.shape_cast %mul3A_1894 : vector<16xf32> to vector<1x1x16xf32>
        tpu.vector_store %arg9[%swap3A_1895, %swap3A_1896, %swap3A_1897], %swap3A_1900 {strides = array<i32>} : memref<2x128x128xf32, #tpu.memory_space<vmem>>, vector<1x1x16xf32>,
        %get3A_1901 = arith.index_cast %and3A_201 : i32 to index
        %get3A_1902 = arith.index_cast %add3A_1807 : i32 to index
        %get3A_1903 = arith.constant 112 : index
        %get3A_1904 = tpu.vector_load %arg9[%get3A_1901, %get3A_1902, %get3A_1903] {strides = array<i32>} : memref<2x128x128xf32, #tpu.memory_space<vmem>>, vector<1x1x16xf32>,
        %get3A_1905 = vector.shape_cast %get3A_1904 : vector<1x1x16xf32> to vector<16xf32>
        %mul3A_1906 = vector.broadcast %squeeze3A_1809 : f32 to vector<16xf32>
        %mul3A_1907 = arith.mulf %get3A_1905, %mul3A_1906 : vector<16xf32>
        %swap3A_1908 = arith.index_cast %and3A_201 : i32 to index
        %swap3A_1909 = arith.index_cast %add3A_1807 : i32 to index
        %swap3A_1910 = arith.constant 112 : index
        %swap3A_1911 = tpu.vector_load %arg9[%swap3A_1908, %swap3A_1909, %swap3A_1910] {strides = array<i32>} : memref<2x128x128xf32, #tpu.memory_space<vmem>>, vector<1x1x16xf32>,
        %swap3A_1912 = vector.shape_cast %swap3A_1911 : vector<1x1x16xf32> to vector<16xf32>
        %swap3A_1913 = vector.shape_cast %mul3A_1907 : vector<16xf32> to vector<1x1x16xf32>
        tpu.vector_store %arg9[%swap3A_1908, %swap3A_1909, %swap3A_1910], %swap3A_1913 {strides = array<i32>} : memref<2x128x128xf32, #tpu.memory_space<vmem>>, vector<1x1x16xf32>,
        %mul3A_1914 = arith.constant 16 : i32
        %mul3A_1915 = arith.muli %scan3A_260, %mul3A_1914 : i32
        %add3A_1916 = arith.constant 15 : i32
        %add3A_1917 = arith.addi %mul3A_1915, %add3A_1916 : i32
        %slice3A_1918 = vector.extract_strided_slice %get3A_266 {offsets = [15], sizes = [1], strides = [1]} : vector<16xf32> to vector<1xf32>
        %squeeze3A_1919 = vector.extract %slice3A_1918[0] : f32 from vector<1xf32>
        %get3A_1920 = arith.index_cast %and3A_201 : i32 to index
        %get3A_1921 = arith.index_cast %add3A_1917 : i32 to index
        %get3A_1922 = arith.constant 0 : index
        %get3A_1923 = tpu.vector_load %arg9[%get3A_1920, %get3A_1921, %get3A_1922] {strides = array<i32>} : memref<2x128x128xf32, #tpu.memory_space<vmem>>, vector<1x1x16xf32>,
        %get3A_1924 = vector.shape_cast %get3A_1923 : vector<1x1x16xf32> to vector<16xf32>
        %mul3A_1925 = vector.broadcast %squeeze3A_1919 : f32 to vector<16xf32>
        %mul3A_1926 = arith.mulf %get3A_1924, %mul3A_1925 : vector<16xf32>
        %swap3A_1927 = arith.index_cast %and3A_201 : i32 to index
        %swap3A_1928 = arith.index_cast %add3A_1917 : i32 to index
        %swap3A_1929 = arith.constant 0 : index
        %swap3A_1930 = tpu.vector_load %arg9[%swap3A_1927, %swap3A_1928, %swap3A_1929] {strides = array<i32>} : memref<2x128x128xf32, #tpu.memory_space<vmem>>, vector<1x1x16xf32>,
        %swap3A_1931 = vector.shape_cast %swap3A_1930 : vector<1x1x16xf32> to vector<16xf32>
        %swap3A_1932 = vector.shape_cast %mul3A_1926 : vector<16xf32> to vector<1x1x16xf32>
        tpu.vector_store %arg9[%swap3A_1927, %swap3A_1928, %swap3A_1929], %swap3A_1932 {strides = array<i32>} : memref<2x128x128xf32, #tpu.memory_space<vmem>>, vector<1x1x16xf32>,
        %get3A_1933 = arith.index_cast %and3A_201 : i32 to index
        %get3A_1934 = arith.index_cast %add3A_1917 : i32 to index
        %get3A_1935 = arith.constant 16 : index
        %get3A_1936 = tpu.vector_load %arg9[%get3A_1933, %get3A_1934, %get3A_1935] {strides = array<i32>} : memref<2x128x128xf32, #tpu.memory_space<vmem>>, vector<1x1x16xf32>,
        %get3A_1937 = vector.shape_cast %get3A_1936 : vector<1x1x16xf32> to vector<16xf32>
        %mul3A_1938 = vector.broadcast %squeeze3A_1919 : f32 to vector<16xf32>
        %mul3A_1939 = arith.mulf %get3A_1937, %mul3A_1938 : vector<16xf32>
        %swap3A_1940 = arith.index_cast %and3A_201 : i32 to index
        %swap3A_1941 = arith.index_cast %add3A_1917 : i32 to index
        %swap3A_1942 = arith.constant 16 : index
        %swap3A_1943 = tpu.vector_load %arg9[%swap3A_1940, %swap3A_1941, %swap3A_1942] {strides = array<i32>} : memref<2x128x128xf32, #tpu.memory_space<vmem>>, vector<1x1x16xf32>,
        %swap3A_1944 = vector.shape_cast %swap3A_1943 : vector<1x1x16xf32> to vector<16xf32>
        %swap3A_1945 = vector.shape_cast %mul3A_1939 : vector<16xf32> to vector<1x1x16xf32>
        tpu.vector_store %arg9[%swap3A_1940, %swap3A_1941, %swap3A_1942], %swap3A_1945 {strides = array<i32>} : memref<2x128x128xf32, #tpu.memory_space<vmem>>, vector<1x1x16xf32>,
        %get3A_1946 = arith.index_cast %and3A_201 : i32 to index
        %get3A_1947 = arith.index_cast %add3A_1917 : i32 to index
        %get3A_1948 = arith.constant 32 : index
        %get3A_1949 = tpu.vector_load %arg9[%get3A_1946, %get3A_1947, %get3A_1948] {strides = array<i32>} : memref<2x128x128xf32, #tpu.memory_space<vmem>>, vector<1x1x16xf32>,
        %get3A_1950 = vector.shape_cast %get3A_1949 : vector<1x1x16xf32> to vector<16xf32>
        %mul3A_1951 = vector.broadcast %squeeze3A_1919 : f32 to vector<16xf32>
        %mul3A_1952 = arith.mulf %get3A_1950, %mul3A_1951 : vector<16xf32>
        %swap3A_1953 = arith.index_cast %and3A_201 : i32 to index
        %swap3A_1954 = arith.index_cast %add3A_1917 : i32 to index
        %swap3A_1955 = arith.constant 32 : index
        %swap3A_1956 = tpu.vector_load %arg9[%swap3A_1953, %swap3A_1954, %swap3A_1955] {strides = array<i32>} : memref<2x128x128xf32, #tpu.memory_space<vmem>>, vector<1x1x16xf32>,
        %swap3A_1957 = vector.shape_cast %swap3A_1956 : vector<1x1x16xf32> to vector<16xf32>
        %swap3A_1958 = vector.shape_cast %mul3A_1952 : vector<16xf32> to vector<1x1x16xf32>
        tpu.vector_store %arg9[%swap3A_1953, %swap3A_1954, %swap3A_1955], %swap3A_1958 {strides = array<i32>} : memref<2x128x128xf32, #tpu.memory_space<vmem>>, vector<1x1x16xf32>,
        %get3A_1959 = arith.index_cast %and3A_201 : i32 to index
        %get3A_1960 = arith.index_cast %add3A_1917 : i32 to index
        %get3A_1961 = arith.constant 48 : index
        %get3A_1962 = tpu.vector_load %arg9[%get3A_1959, %get3A_1960, %get3A_1961] {strides = array<i32>} : memref<2x128x128xf32, #tpu.memory_space<vmem>>, vector<1x1x16xf32>,
        %get3A_1963 = vector.shape_cast %get3A_1962 : vector<1x1x16xf32> to vector<16xf32>
        %mul3A_1964 = vector.broadcast %squeeze3A_1919 : f32 to vector<16xf32>
        %mul3A_1965 = arith.mulf %get3A_1963, %mul3A_1964 : vector<16xf32>
        %swap3A_1966 = arith.index_cast %and3A_201 : i32 to index
        %swap3A_1967 = arith.index_cast %add3A_1917 : i32 to index
        %swap3A_1968 = arith.constant 48 : index
        %swap3A_1969 = tpu.vector_load %arg9[%swap3A_1966, %swap3A_1967, %swap3A_1968] {strides = array<i32>} : memref<2x128x128xf32, #tpu.memory_space<vmem>>, vector<1x1x16xf32>,
        %swap3A_1970 = vector.shape_cast %swap3A_1969 : vector<1x1x16xf32> to vector<16xf32>
        %swap3A_1971 = vector.shape_cast %mul3A_1965 : vector<16xf32> to vector<1x1x16xf32>
        tpu.vector_store %arg9[%swap3A_1966, %swap3A_1967, %swap3A_1968], %swap3A_1971 {strides = array<i32>} : memref<2x128x128xf32, #tpu.memory_space<vmem>>, vector<1x1x16xf32>,
        %get3A_1972 = arith.index_cast %and3A_201 : i32 to index
        %get3A_1973 = arith.index_cast %add3A_1917 : i32 to index
        %get3A_1974 = arith.constant 64 : index
        %get3A_1975 = tpu.vector_load %arg9[%get3A_1972, %get3A_1973, %get3A_1974] {strides = array<i32>} : memref<2x128x128xf32, #tpu.memory_space<vmem>>, vector<1x1x16xf32>,
        %get3A_1976 = vector.shape_cast %get3A_1975 : vector<1x1x16xf32> to vector<16xf32>
        %mul3A_1977 = vector.broadcast %squeeze3A_1919 : f32 to vector<16xf32>
        %mul3A_1978 = arith.mulf %get3A_1976, %mul3A_1977 : vector<16xf32>
        %swap3A_1979 = arith.index_cast %and3A_201 : i32 to index
        %swap3A_1980 = arith.index_cast %add3A_1917 : i32 to index
        %swap3A_1981 = arith.constant 64 : index
        %swap3A_1982 = tpu.vector_load %arg9[%swap3A_1979, %swap3A_1980, %swap3A_1981] {strides = array<i32>} : memref<2x128x128xf32, #tpu.memory_space<vmem>>, vector<1x1x16xf32>,
        %swap3A_1983 = vector.shape_cast %swap3A_1982 : vector<1x1x16xf32> to vector<16xf32>
        %swap3A_1984 = vector.shape_cast %mul3A_1978 : vector<16xf32> to vector<1x1x16xf32>
        tpu.vector_store %arg9[%swap3A_1979, %swap3A_1980, %swap3A_1981], %swap3A_1984 {strides = array<i32>} : memref<2x128x128xf32, #tpu.memory_space<vmem>>, vector<1x1x16xf32>,
        %get3A_1985 = arith.index_cast %and3A_201 : i32 to index
        %get3A_1986 = arith.index_cast %add3A_1917 : i32 to index
        %get3A_1987 = arith.constant 80 : index
        %get3A_1988 = tpu.vector_load %arg9[%get3A_1985, %get3A_1986, %get3A_1987] {strides = array<i32>} : memref<2x128x128xf32, #tpu.memory_space<vmem>>, vector<1x1x16xf32>,
        %get3A_1989 = vector.shape_cast %get3A_1988 : vector<1x1x16xf32> to vector<16xf32>
        %mul3A_1990 = vector.broadcast %squeeze3A_1919 : f32 to vector<16xf32>
        %mul3A_1991 = arith.mulf %get3A_1989, %mul3A_1990 : vector<16xf32>
        %swap3A_1992 = arith.index_cast %and3A_201 : i32 to index
        %swap3A_1993 = arith.index_cast %add3A_1917 : i32 to index
        %swap3A_1994 = arith.constant 80 : index
        %swap3A_1995 = tpu.vector_load %arg9[%swap3A_1992, %swap3A_1993, %swap3A_1994] {strides = array<i32>} : memref<2x128x128xf32, #tpu.memory_space<vmem>>, vector<1x1x16xf32>,
        %swap3A_1996 = vector.shape_cast %swap3A_1995 : vector<1x1x16xf32> to vector<16xf32>
        %swap3A_1997 = vector.shape_cast %mul3A_1991 : vector<16xf32> to vector<1x1x16xf32>
        tpu.vector_store %arg9[%swap3A_1992, %swap3A_1993, %swap3A_1994], %swap3A_1997 {strides = array<i32>} : memref<2x128x128xf32, #tpu.memory_space<vmem>>, vector<1x1x16xf32>,
        %get3A_1998 = arith.index_cast %and3A_201 : i32 to index
        %get3A_1999 = arith.index_cast %add3A_1917 : i32 to index
        %get3A_2000 = arith.constant 96 : index
        %get3A_2001 = tpu.vector_load %arg9[%get3A_1998, %get3A_1999, %get3A_2000] {strides = array<i32>} : memref<2x128x128xf32, #tpu.memory_space<vmem>>, vector<1x1x16xf32>,
        %get3A_2002 = vector.shape_cast %get3A_2001 : vector<1x1x16xf32> to vector<16xf32>
        %mul3A_2003 = vector.broadcast %squeeze3A_1919 : f32 to vector<16xf32>
        %mul3A_2004 = arith.mulf %get3A_2002, %mul3A_2003 : vector<16xf32>
        %swap3A_2005 = arith.index_cast %and3A_201 : i32 to index
        %swap3A_2006 = arith.index_cast %add3A_1917 : i32 to index
        %swap3A_2007 = arith.constant 96 : index
        %swap3A_2008 = tpu.vector_load %arg9[%swap3A_2005, %swap3A_2006, %swap3A_2007] {strides = array<i32>} : memref<2x128x128xf32, #tpu.memory_space<vmem>>, vector<1x1x16xf32>,
        %swap3A_2009 = vector.shape_cast %swap3A_2008 : vector<1x1x16xf32> to vector<16xf32>
        %swap3A_2010 = vector.shape_cast %mul3A_2004 : vector<16xf32> to vector<1x1x16xf32>
        tpu.vector_store %arg9[%swap3A_2005, %swap3A_2006, %swap3A_2007], %swap3A_2010 {strides = array<i32>} : memref<2x128x128xf32, #tpu.memory_space<vmem>>, vector<1x1x16xf32>,
        %get3A_2011 = arith.index_cast %and3A_201 : i32 to index
        %get3A_2012 = arith.index_cast %add3A_1917 : i32 to index
        %get3A_2013 = arith.constant 112 : index
        %get3A_2014 = tpu.vector_load %arg9[%get3A_2011, %get3A_2012, %get3A_2013] {strides = array<i32>} : memref<2x128x128xf32, #tpu.memory_space<vmem>>, vector<1x1x16xf32>,
        %get3A_2015 = vector.shape_cast %get3A_2014 : vector<1x1x16xf32> to vector<16xf32>
        %mul3A_2016 = vector.broadcast %squeeze3A_1919 : f32 to vector<16xf32>
        %mul3A_2017 = arith.mulf %get3A_2015, %mul3A_2016 : vector<16xf32>
        %swap3A_2018 = arith.index_cast %and3A_201 : i32 to index
        %swap3A_2019 = arith.index_cast %add3A_1917 : i32 to index
        %swap3A_2020 = arith.constant 112 : index
        %swap3A_2021 = tpu.vector_load %arg9[%swap3A_2018, %swap3A_2019, %swap3A_2020] {strides = array<i32>} : memref<2x128x128xf32, #tpu.memory_space<vmem>>, vector<1x1x16xf32>,
        %swap3A_2022 = vector.shape_cast %swap3A_2021 : vector<1x1x16xf32> to vector<16xf32>
        %swap3A_2023 = vector.shape_cast %mul3A_2017 : vector<16xf32> to vector<1x1x16xf32>
        tpu.vector_store %arg9[%swap3A_2018, %swap3A_2019, %swap3A_2020], %swap3A_2023 {strides = array<i32>} : memref<2x128x128xf32, #tpu.memory_space<vmem>>, vector<1x1x16xf32>,
      }
      %scan3A_232 = arith.constant 8 : i32
      %eq3A_233 = arith.constant 0 : i32
      %eq3A_234 = arith.cmpi eq, %and3A_201, %eq3A_233 : i32
      %convert_element_type3A_235 = arith.extui %eq3A_234 : i1 to i32
      %cond3A_236 = arith.constant 0 : i32
      %cond3A_237 = arith.cmpi ne, %convert_element_type3A_235, %cond3A_236 : i32
      scf.if %cond3A_237 {
        %dma_start3A_260 = arith.constant 0 : i32
        %dma_start3A_261 = arith.constant 0 : i32
        %dma_start3A_262 = arith.constant 0 : i32
        %dma_start3A_263 = arith.constant 0 : i32
        %dma_start3A_264 = tpu.memref_slice %arg9[%dma_start3A_260, %dma_start3A_262, %dma_start3A_263] : memref<2x128x128xf32, #tpu.memory_space<vmem>> -> memref<1x128x128xf32, #tpu.memory_space<vmem>>
        %dma_start3A_265 = tpu.memref_squeeze %dma_start3A_264 : memref<1x128x128xf32, #tpu.memory_space<vmem>> -> memref<128x128xf32, #tpu.memory_space<vmem>>
        %dma_start3A_266 = arith.constant 0 : i32
        %dma_start3A_267 = tpu.memref_slice %arg8[%dma_start3A_261, %dma_start3A_266] : memref<2x128xi32, #tpu.memory_space<vmem>> -> memref<1x128xi32, #tpu.memory_space<vmem>>
        %dma_start3A_268 = tpu.memref_squeeze %dma_start3A_267 : memref<1x128xi32, #tpu.memory_space<vmem>> -> memref<128xi32, #tpu.memory_space<vmem>>
        %dma_start3A_269 = arith.constant 0 : i32
        %dma_start3A_270 = arith.constant 0 : i32
        %dma_start3A_271 = tpu.memref_slice %arg10[%dma_start3A_269, %dma_start3A_270] : memref<10000x128xf32, #tpu.memory_space<vmem_shared>> -> memref<10000x128xf32, #tpu.memory_space<vmem_shared>>
        tpu.enqueue_indirect_dma source(%dma_start3A_265 : memref<128x128xf32, #tpu.memory_space<vmem>>) target(%dma_start3A_271 : memref<10000x128xf32, #tpu.memory_space<vmem_shared>>) offsets(%dma_start3A_268 : memref<128xi32, #tpu.memory_space<vmem>>) semaphore(%arg15 : memref<!tpu.dma_semaphore, #tpu.memory_space<semaphore_mem>>) {add = true}
      } else {
      }
      %ne3A_238 = arith.constant 0 : i32
      %ne3A_239 = arith.cmpi ne, %and3A_201, %ne3A_238 : i32
      %convert_element_type3A_240 = arith.extui %ne3A_239 : i1 to i32
      %cond3A_241 = arith.constant 0 : i32
      %cond3A_242 = arith.cmpi ne, %convert_element_type3A_240, %cond3A_241 : i32
      scf.if %cond3A_242 {
        %dma_start3A_260 = arith.constant 1 : i32
        %dma_start3A_261 = arith.constant 1 : i32
        %dma_start3A_262 = arith.constant 0 : i32
        %dma_start3A_263 = arith.constant 0 : i32
        %dma_start3A_264 = tpu.memref_slice %arg9[%dma_start3A_260, %dma_start3A_262, %dma_start3A_263] : memref<2x128x128xf32, #tpu.memory_space<vmem>> -> memref<1x128x128xf32, #tpu.memory_space<vmem>>
        %dma_start3A_265 = tpu.memref_squeeze %dma_start3A_264 : memref<1x128x128xf32, #tpu.memory_space<vmem>> -> memref<128x128xf32, #tpu.memory_space<vmem>>
        %dma_start3A_266 = arith.constant 0 : i32
        %dma_start3A_267 = tpu.memref_slice %arg8[%dma_start3A_261, %dma_start3A_266] : memref<2x128xi32, #tpu.memory_space<vmem>> -> memref<1x128xi32, #tpu.memory_space<vmem>>
        %dma_start3A_268 = tpu.memref_squeeze %dma_start3A_267 : memref<1x128xi32, #tpu.memory_space<vmem>> -> memref<128xi32, #tpu.memory_space<vmem>>
        %dma_start3A_269 = arith.constant 0 : i32
        %dma_start3A_270 = arith.constant 0 : i32
        %dma_start3A_271 = tpu.memref_slice %arg10[%dma_start3A_269, %dma_start3A_270] : memref<10000x128xf32, #tpu.memory_space<vmem_shared>> -> memref<10000x128xf32, #tpu.memory_space<vmem_shared>>
        tpu.enqueue_indirect_dma source(%dma_start3A_265 : memref<128x128xf32, #tpu.memory_space<vmem>>) target(%dma_start3A_271 : memref<10000x128xf32, #tpu.memory_space<vmem_shared>>) offsets(%dma_start3A_268 : memref<128xi32, #tpu.memory_space<vmem>>) semaphore(%arg16 : memref<!tpu.dma_semaphore, #tpu.memory_space<semaphore_mem>>) {add = true}
      } else {
      }
      %eq3A_243 = arith.constant 7 : i32
      %eq3A_244 = arith.cmpi eq, %and3A_196, %eq3A_243 : i32
      %add3A_245 = arith.constant 1 : i32
      %add3A_246 = arith.addi %shift_right_logical3A_197, %add3A_245 : i32
      %lt3A_247 = arith.constant 60 : i32
      %lt3A_248 = arith.cmpi slt, %add3A_246, %lt3A_247 : i32
      %and3A_249 = arith.andi %eq3A_244, %lt3A_248 : i1
      %convert_element_type3A_250 = arith.extui %and3A_249 : i1 to i32
      %cond3A_251 = arith.constant 0 : i32
      %cond3A_252 = arith.cmpi ne, %convert_element_type3A_250, %cond3A_251 : i32
      scf.if %cond3A_252 {
        %eq3A_260 = arith.constant 0 : i32
        %eq3A_261 = arith.cmpi eq, %and3A_199, %eq3A_260 : i32
        %convert_element_type3A_262 = arith.extui %eq3A_261 : i1 to i32
        %cond3A_263 = arith.constant 0 : i32
        %cond3A_264 = arith.cmpi ne, %convert_element_type3A_262, %cond3A_263 : i32
        scf.if %cond3A_264 {
          %dma_wait3A_270 = arith.constant 1 : i32
          %dma_wait3A_271 = arith.constant 0 : i32
          %dma_wait3A_272 = arith.constant 0 : i32
          %dma_wait3A_273 = arith.constant 0 : i32
          %dma_wait3A_274 = tpu.memref_slice %arg6[%dma_wait3A_270, %dma_wait3A_271, %dma_wait3A_272, %dma_wait3A_273] : memref<2x8x2x128xi32, #tpu.memory_space<vmem>> -> memref<1x8x2x128xi32, #tpu.memory_space<vmem>>
          %dma_wait3A_275 = tpu.memref_squeeze %dma_wait3A_274 : memref<1x8x2x128xi32, #tpu.memory_space<vmem>> -> memref<8x2x128xi32, #tpu.memory_space<vmem>>
          %dma_wait3A_276 = arith.constant 0 : i32
          %dma_wait3A_277 = arith.constant 0 : i32
          %dma_wait3A_278 = arith.constant 0 : i32
          %dma_wait3A_279 = tpu.memref_slice %arg3[%dma_wait3A_276, %dma_wait3A_277, %dma_wait3A_278] : memref<15360x2x128xi32, #tpu.memory_space<hbm>> -> memref<8x2x128xi32, #tpu.memory_space<hbm>>
          %dma_wait3A_280 = arith.constant 0 : i32
          %dma_wait3A_281 = arith.constant 0 : i32
          %dma_wait3A_282 = arith.constant 0 : i32
          %dma_wait3A_283 = tpu.memref_slice %arg6[%dma_wait3A_270, %dma_wait3A_280, %dma_wait3A_281, %dma_wait3A_282] : memref<2x8x2x128xi32, #tpu.memory_space<vmem>> -> memref<1x8x2x128xi32, #tpu.memory_space<vmem>>
          %dma_wait3A_284 = tpu.memref_squeeze %dma_wait3A_283 : memref<1x8x2x128xi32, #tpu.memory_space<vmem>> -> memref<8x2x128xi32, #tpu.memory_space<vmem>>
          %dma_wait3A_285 = arith.constant 0 : i32
          %dma_wait3A_286 = arith.constant 0 : i32
          %dma_wait3A_287 = arith.constant 0 : i32
          %dma_wait3A_288 = tpu.memref_slice %arg3[%dma_wait3A_285, %dma_wait3A_286, %dma_wait3A_287] : memref<15360x2x128xi32, #tpu.memory_space<hbm>> -> memref<8x2x128xi32, #tpu.memory_space<hbm>>
          tpu.wait_dma2 semaphore(%arg12 : memref<!tpu.dma_semaphore, #tpu.memory_space<semaphore_mem>>) src(%dma_wait3A_288 : memref<8x2x128xi32, #tpu.memory_space<hbm>>) dst(%dma_wait3A_284 : memref<8x2x128xi32, #tpu.memory_space<vmem>>)
          %dma_wait3A_289 = arith.constant 1 : i32
          %dma_wait3A_290 = arith.constant 0 : i32
          %dma_wait3A_291 = arith.constant 0 : i32
          %dma_wait3A_292 = tpu.memref_slice %arg7[%dma_wait3A_289, %dma_wait3A_290, %dma_wait3A_291] : memref<2x8x128xf32, #tpu.memory_space<vmem>> -> memref<1x8x128xf32, #tpu.memory_space<vmem>>
          %dma_wait3A_293 = tpu.memref_squeeze %dma_wait3A_292 : memref<1x8x128xf32, #tpu.memory_space<vmem>> -> memref<8x128xf32, #tpu.memory_space<vmem>>
          %dma_wait3A_294 = arith.constant 0 : i32
          %dma_wait3A_295 = arith.constant 0 : i32
          %dma_wait3A_296 = tpu.memref_slice %arg4[%dma_wait3A_294, %dma_wait3A_295] : memref<15360x128xf32, #tpu.memory_space<hbm>> -> memref<8x128xf32, #tpu.memory_space<hbm>>
          %dma_wait3A_297 = arith.constant 0 : i32
          %dma_wait3A_298 = arith.constant 0 : i32
          %dma_wait3A_299 = tpu.memref_slice %arg7[%dma_wait3A_289, %dma_wait3A_297, %dma_wait3A_298] : memref<2x8x128xf32, #tpu.memory_space<vmem>> -> memref<1x8x128xf32, #tpu.memory_space<vmem>>
          %dma_wait3A_300 = tpu.memref_squeeze %dma_wait3A_299 : memref<1x8x128xf32, #tpu.memory_space<vmem>> -> memref<8x128xf32, #tpu.memory_space<vmem>>
          %dma_wait3A_301 = arith.constant 0 : i32
          %dma_wait3A_302 = arith.constant 0 : i32
          %dma_wait3A_303 = tpu.memref_slice %arg4[%dma_wait3A_301, %dma_wait3A_302] : memref<15360x128xf32, #tpu.memory_space<hbm>> -> memref<8x128xf32, #tpu.memory_space<hbm>>
          tpu.wait_dma2 semaphore(%arg12 : memref<!tpu.dma_semaphore, #tpu.memory_space<semaphore_mem>>) src(%dma_wait3A_303 : memref<8x128xf32, #tpu.memory_space<hbm>>) dst(%dma_wait3A_300 : memref<8x128xf32, #tpu.memory_space<vmem>>)
        } else {
        }
        %ne3A_265 = arith.constant 0 : i32
        %ne3A_266 = arith.cmpi ne, %and3A_199, %ne3A_265 : i32
        %convert_element_type3A_267 = arith.extui %ne3A_266 : i1 to i32
        %cond3A_268 = arith.constant 0 : i32
        %cond3A_269 = arith.cmpi ne, %convert_element_type3A_267, %cond3A_268 : i32
        scf.if %cond3A_269 {
          %dma_wait3A_270 = arith.constant 0 : i32
          %dma_wait3A_271 = arith.constant 0 : i32
          %dma_wait3A_272 = arith.constant 0 : i32
          %dma_wait3A_273 = arith.constant 0 : i32
          %dma_wait3A_274 = tpu.memref_slice %arg6[%dma_wait3A_270, %dma_wait3A_271, %dma_wait3A_272, %dma_wait3A_273] : memref<2x8x2x128xi32, #tpu.memory_space<vmem>> -> memref<1x8x2x128xi32, #tpu.memory_space<vmem>>
          %dma_wait3A_275 = tpu.memref_squeeze %dma_wait3A_274 : memref<1x8x2x128xi32, #tpu.memory_space<vmem>> -> memref<8x2x128xi32, #tpu.memory_space<vmem>>
          %dma_wait3A_276 = arith.constant 0 : i32
          %dma_wait3A_277 = arith.constant 0 : i32
          %dma_wait3A_278 = arith.constant 0 : i32
          %dma_wait3A_279 = tpu.memref_slice %arg3[%dma_wait3A_276, %dma_wait3A_277, %dma_wait3A_278] : memref<15360x2x128xi32, #tpu.memory_space<hbm>> -> memref<8x2x128xi32, #tpu.memory_space<hbm>>
          %dma_wait3A_280 = arith.constant 0 : i32
          %dma_wait3A_281 = arith.constant 0 : i32
          %dma_wait3A_282 = arith.constant 0 : i32
          %dma_wait3A_283 = tpu.memref_slice %arg6[%dma_wait3A_270, %dma_wait3A_280, %dma_wait3A_281, %dma_wait3A_282] : memref<2x8x2x128xi32, #tpu.memory_space<vmem>> -> memref<1x8x2x128xi32, #tpu.memory_space<vmem>>
          %dma_wait3A_284 = tpu.memref_squeeze %dma_wait3A_283 : memref<1x8x2x128xi32, #tpu.memory_space<vmem>> -> memref<8x2x128xi32, #tpu.memory_space<vmem>>
          %dma_wait3A_285 = arith.constant 0 : i32
          %dma_wait3A_286 = arith.constant 0 : i32
          %dma_wait3A_287 = arith.constant 0 : i32
          %dma_wait3A_288 = tpu.memref_slice %arg3[%dma_wait3A_285, %dma_wait3A_286, %dma_wait3A_287] : memref<15360x2x128xi32, #tpu.memory_space<hbm>> -> memref<8x2x128xi32, #tpu.memory_space<hbm>>
          tpu.wait_dma2 semaphore(%arg11 : memref<!tpu.dma_semaphore, #tpu.memory_space<semaphore_mem>>) src(%dma_wait3A_288 : memref<8x2x128xi32, #tpu.memory_space<hbm>>) dst(%dma_wait3A_284 : memref<8x2x128xi32, #tpu.memory_space<vmem>>)
          %dma_wait3A_289 = arith.constant 0 : i32
          %dma_wait3A_290 = arith.constant 0 : i32
          %dma_wait3A_291 = arith.constant 0 : i32
          %dma_wait3A_292 = tpu.memref_slice %arg7[%dma_wait3A_289, %dma_wait3A_290, %dma_wait3A_291] : memref<2x8x128xf32, #tpu.memory_space<vmem>> -> memref<1x8x128xf32, #tpu.memory_space<vmem>>
          %dma_wait3A_293 = tpu.memref_squeeze %dma_wait3A_292 : memref<1x8x128xf32, #tpu.memory_space<vmem>> -> memref<8x128xf32, #tpu.memory_space<vmem>>
          %dma_wait3A_294 = arith.constant 0 : i32
          %dma_wait3A_295 = arith.constant 0 : i32
          %dma_wait3A_296 = tpu.memref_slice %arg4[%dma_wait3A_294, %dma_wait3A_295] : memref<15360x128xf32, #tpu.memory_space<hbm>> -> memref<8x128xf32, #tpu.memory_space<hbm>>
          %dma_wait3A_297 = arith.constant 0 : i32
          %dma_wait3A_298 = arith.constant 0 : i32
          %dma_wait3A_299 = tpu.memref_slice %arg7[%dma_wait3A_289, %dma_wait3A_297, %dma_wait3A_298] : memref<2x8x128xf32, #tpu.memory_space<vmem>> -> memref<1x8x128xf32, #tpu.memory_space<vmem>>
          %dma_wait3A_300 = tpu.memref_squeeze %dma_wait3A_299 : memref<1x8x128xf32, #tpu.memory_space<vmem>> -> memref<8x128xf32, #tpu.memory_space<vmem>>
          %dma_wait3A_301 = arith.constant 0 : i32
          %dma_wait3A_302 = arith.constant 0 : i32
          %dma_wait3A_303 = tpu.memref_slice %arg4[%dma_wait3A_301, %dma_wait3A_302] : memref<15360x128xf32, #tpu.memory_space<hbm>> -> memref<8x128xf32, #tpu.memory_space<hbm>>
          tpu.wait_dma2 semaphore(%arg11 : memref<!tpu.dma_semaphore, #tpu.memory_space<semaphore_mem>>) src(%dma_wait3A_303 : memref<8x128xf32, #tpu.memory_space<hbm>>) dst(%dma_wait3A_300 : memref<8x128xf32, #tpu.memory_space<vmem>>)
        } else {
        }
      } else {
      }
      %add3A_253 = arith.constant 1 : i32
      %add3A_254 = arith.addi %scan3A_195, %add3A_253 : i32
      %lt3A_255 = arith.constant 480 : i32
      %lt3A_256 = arith.cmpi slt, %add3A_254, %lt3A_255 : i32
      %convert_element_type3A_257 = arith.extui %lt3A_256 : i1 to i32
      %cond3A_258 = arith.constant 0 : i32
      %cond3A_259 = arith.cmpi ne, %convert_element_type3A_257, %cond3A_258 : i32
      scf.if %cond3A_259 {
        %and3A_260 = arith.constant 7 : i32
        %and3A_261 = arith.andi %add3A_254, %and3A_260 : i32
        %shift_right_logical3A_262 = arith.constant 3 : i32
        %shift_right_logical3A_263 = arith.shrui %add3A_254, %shift_right_logical3A_262 : i32
        %and3A_264 = arith.constant 1 : i32
        %and3A_265 = arith.andi %shift_right_logical3A_263, %and3A_264 : i32
        %and3A_266 = arith.constant 1 : i32
        %and3A_267 = arith.andi %add3A_254, %and3A_266 : i32
        %ge3A = arith.constant 2 : i32
        %ge3A_268 = arith.cmpi sge, %add3A_254, %ge3A : i32
        %convert_element_type3A_269 = arith.extui %ge3A_268 : i1 to i32
        %cond3A_270 = arith.constant 0 : i32
        %cond3A_271 = arith.cmpi ne, %convert_element_type3A_269, %cond3A_270 : i32
        scf.if %cond3A_271 {
          %eq3A_282 = arith.constant 0 : i32
          %eq3A_283 = arith.cmpi eq, %and3A_267, %eq3A_282 : i32
          %convert_element_type3A_284 = arith.extui %eq3A_283 : i1 to i32
          %cond3A_285 = arith.constant 0 : i32
          %cond3A_286 = arith.cmpi ne, %convert_element_type3A_284, %cond3A_285 : i32
          scf.if %cond3A_286 {
            %dma_wait3A_292 = arith.constant 0 : i32
            %dma_wait3A_293 = arith.constant 0 : i32
            %dma_wait3A_294 = arith.constant 0 : i32
            %dma_wait3A_295 = arith.constant 0 : i32
            %dma_wait3A_296 = tpu.memref_slice %arg9[%dma_wait3A_292, %dma_wait3A_294, %dma_wait3A_295] : memref<2x128x128xf32, #tpu.memory_space<vmem>> -> memref<1x128x128xf32, #tpu.memory_space<vmem>>
            %dma_wait3A_297 = tpu.memref_squeeze %dma_wait3A_296 : memref<1x128x128xf32, #tpu.memory_space<vmem>> -> memref<128x128xf32, #tpu.memory_space<vmem>>
            %dma_wait3A_298 = arith.constant 0 : i32
            %dma_wait3A_299 = tpu.memref_slice %arg8[%dma_wait3A_293, %dma_wait3A_298] : memref<2x128xi32, #tpu.memory_space<vmem>> -> memref<1x128xi32, #tpu.memory_space<vmem>>
            %dma_wait3A_300 = tpu.memref_squeeze %dma_wait3A_299 : memref<1x128xi32, #tpu.memory_space<vmem>> -> memref<128xi32, #tpu.memory_space<vmem>>
            %dma_wait3A_301 = arith.constant 0 : i32
            %dma_wait3A_302 = arith.constant 0 : i32
            %dma_wait3A_303 = tpu.memref_slice %arg10[%dma_wait3A_301, %dma_wait3A_302] : memref<10000x128xf32, #tpu.memory_space<vmem_shared>> -> memref<10000x128xf32, #tpu.memory_space<vmem_shared>>
            tpu.wait_indirect_dma semaphore(%arg15 : memref<!tpu.dma_semaphore, #tpu.memory_space<semaphore_mem>>) src(%dma_wait3A_297 : memref<128x128xf32, #tpu.memory_space<vmem>>) dst(%dma_wait3A_303 : memref<10000x128xf32, #tpu.memory_space<vmem_shared>>)
          } else {
          }
          %ne3A_287 = arith.constant 0 : i32
          %ne3A_288 = arith.cmpi ne, %and3A_267, %ne3A_287 : i32
          %convert_element_type3A_289 = arith.extui %ne3A_288 : i1 to i32
          %cond3A_290 = arith.constant 0 : i32
          %cond3A_291 = arith.cmpi ne, %convert_element_type3A_289, %cond3A_290 : i32
          scf.if %cond3A_291 {
            %dma_wait3A_292 = arith.constant 1 : i32
            %dma_wait3A_293 = arith.constant 1 : i32
            %dma_wait3A_294 = arith.constant 0 : i32
            %dma_wait3A_295 = arith.constant 0 : i32
            %dma_wait3A_296 = tpu.memref_slice %arg9[%dma_wait3A_292, %dma_wait3A_294, %dma_wait3A_295] : memref<2x128x128xf32, #tpu.memory_space<vmem>> -> memref<1x128x128xf32, #tpu.memory_space<vmem>>
            %dma_wait3A_297 = tpu.memref_squeeze %dma_wait3A_296 : memref<1x128x128xf32, #tpu.memory_space<vmem>> -> memref<128x128xf32, #tpu.memory_space<vmem>>
            %dma_wait3A_298 = arith.constant 0 : i32
            %dma_wait3A_299 = tpu.memref_slice %arg8[%dma_wait3A_293, %dma_wait3A_298] : memref<2x128xi32, #tpu.memory_space<vmem>> -> memref<1x128xi32, #tpu.memory_space<vmem>>
            %dma_wait3A_300 = tpu.memref_squeeze %dma_wait3A_299 : memref<1x128xi32, #tpu.memory_space<vmem>> -> memref<128xi32, #tpu.memory_space<vmem>>
            %dma_wait3A_301 = arith.constant 0 : i32
            %dma_wait3A_302 = arith.constant 0 : i32
            %dma_wait3A_303 = tpu.memref_slice %arg10[%dma_wait3A_301, %dma_wait3A_302] : memref<10000x128xf32, #tpu.memory_space<vmem_shared>> -> memref<10000x128xf32, #tpu.memory_space<vmem_shared>>
            tpu.wait_indirect_dma semaphore(%arg16 : memref<!tpu.dma_semaphore, #tpu.memory_space<semaphore_mem>>) src(%dma_wait3A_297 : memref<128x128xf32, #tpu.memory_space<vmem>>) dst(%dma_wait3A_303 : memref<10000x128xf32, #tpu.memory_space<vmem_shared>>)
          } else {
          }
        } else {
        }
        %eq3A_272 = arith.constant 0 : i32
        %eq3A_273 = arith.cmpi eq, %and3A_265, %eq3A_272 : i32
        %convert_element_type3A_274 = arith.extui %eq3A_273 : i1 to i32
        %cond3A_275 = arith.constant 0 : i32
        %cond3A_276 = arith.cmpi ne, %convert_element_type3A_274, %cond3A_275 : i32
        scf.if %cond3A_276 {
          %eq3A_282 = arith.constant 0 : i32
          %eq3A_283 = arith.cmpi eq, %and3A_267, %eq3A_282 : i32
          %convert_element_type3A_284 = arith.extui %eq3A_283 : i1 to i32
          %cond3A_285 = arith.constant 0 : i32
          %cond3A_286 = arith.cmpi ne, %convert_element_type3A_284, %cond3A_285 : i32
          scf.if %cond3A_286 {
            %dma_start3A_292 = arith.constant 0 : i32
            %dma_start3A_293 = arith.constant 0 : i32
            %dma_start3A_294 = arith.constant 0 : i32
            %dma_start3A_295 = arith.constant 0 : i32
            %dma_start3A_296 = arith.constant 0 : i32
            %dma_start3A_297 = tpu.memref_slice %arg9[%dma_start3A_294, %dma_start3A_295, %dma_start3A_296] : memref<2x128x128xf32, #tpu.memory_space<vmem>> -> memref<1x128x128xf32, #tpu.memory_space<vmem>>
            %dma_start3A_298 = tpu.memref_squeeze %dma_start3A_297 : memref<1x128x128xf32, #tpu.memory_space<vmem>> -> memref<128x128xf32, #tpu.memory_space<vmem>>
            %dma_start3A_299 = arith.constant 0 : i32
            %dma_start3A_300 = tpu.memref_slice %arg6[%dma_start3A_292, %and3A_261, %dma_start3A_293, %dma_start3A_299] : memref<2x8x2x128xi32, #tpu.memory_space<vmem>> -> memref<1x1x1x128xi32, #tpu.memory_space<vmem>>
            %dma_start3A_301 = tpu.memref_squeeze %dma_start3A_300 : memref<1x1x1x128xi32, #tpu.memory_space<vmem>> -> memref<128xi32, #tpu.memory_space<vmem>>
            %dma_start3A_302 = arith.constant 0 : i32
            %dma_start3A_303 = arith.constant 0 : i32
            %dma_start3A_304 = tpu.memref_slice %arg2[%dma_start3A_302, %dma_start3A_303] : memref<30000x128xf32, #tpu.memory_space<hbm>> -> memref<30000x128xf32, #tpu.memory_space<hbm>>
            tpu.enqueue_indirect_dma source(%dma_start3A_304 : memref<30000x128xf32, #tpu.memory_space<hbm>>) target(%dma_start3A_298 : memref<128x128xf32, #tpu.memory_space<vmem>>) offsets(%dma_start3A_301 : memref<128xi32, #tpu.memory_space<vmem>>) semaphore(%arg13 : memref<!tpu.dma_semaphore, #tpu.memory_space<semaphore_mem>>)
          } else {
          }
          %ne3A_287 = arith.constant 0 : i32
          %ne3A_288 = arith.cmpi ne, %and3A_267, %ne3A_287 : i32
          %convert_element_type3A_289 = arith.extui %ne3A_288 : i1 to i32
          %cond3A_290 = arith.constant 0 : i32
          %cond3A_291 = arith.cmpi ne, %convert_element_type3A_289, %cond3A_290 : i32
          scf.if %cond3A_291 {
            %dma_start3A_292 = arith.constant 0 : i32
            %dma_start3A_293 = arith.constant 0 : i32
            %dma_start3A_294 = arith.constant 1 : i32
            %dma_start3A_295 = arith.constant 0 : i32
            %dma_start3A_296 = arith.constant 0 : i32
            %dma_start3A_297 = tpu.memref_slice %arg9[%dma_start3A_294, %dma_start3A_295, %dma_start3A_296] : memref<2x128x128xf32, #tpu.memory_space<vmem>> -> memref<1x128x128xf32, #tpu.memory_space<vmem>>
            %dma_start3A_298 = tpu.memref_squeeze %dma_start3A_297 : memref<1x128x128xf32, #tpu.memory_space<vmem>> -> memref<128x128xf32, #tpu.memory_space<vmem>>
            %dma_start3A_299 = arith.constant 0 : i32
            %dma_start3A_300 = tpu.memref_slice %arg6[%dma_start3A_292, %and3A_261, %dma_start3A_293, %dma_start3A_299] : memref<2x8x2x128xi32, #tpu.memory_space<vmem>> -> memref<1x1x1x128xi32, #tpu.memory_space<vmem>>
            %dma_start3A_301 = tpu.memref_squeeze %dma_start3A_300 : memref<1x1x1x128xi32, #tpu.memory_space<vmem>> -> memref<128xi32, #tpu.memory_space<vmem>>
            %dma_start3A_302 = arith.constant 0 : i32
            %dma_start3A_303 = arith.constant 0 : i32
            %dma_start3A_304 = tpu.memref_slice %arg2[%dma_start3A_302, %dma_start3A_303] : memref<30000x128xf32, #tpu.memory_space<hbm>> -> memref<30000x128xf32, #tpu.memory_space<hbm>>
            tpu.enqueue_indirect_dma source(%dma_start3A_304 : memref<30000x128xf32, #tpu.memory_space<hbm>>) target(%dma_start3A_298 : memref<128x128xf32, #tpu.memory_space<vmem>>) offsets(%dma_start3A_301 : memref<128xi32, #tpu.memory_space<vmem>>) semaphore(%arg14 : memref<!tpu.dma_semaphore, #tpu.memory_space<semaphore_mem>>)
          } else {
          }
        } else {
        }
        %ne3A_277 = arith.constant 0 : i32
        %ne3A_278 = arith.cmpi ne, %and3A_265, %ne3A_277 : i32
        %convert_element_type3A_279 = arith.extui %ne3A_278 : i1 to i32
        %cond3A_280 = arith.constant 0 : i32
        %cond3A_281 = arith.cmpi ne, %convert_element_type3A_279, %cond3A_280 : i32
        scf.if %cond3A_281 {
          %eq3A_282 = arith.constant 0 : i32
          %eq3A_283 = arith.cmpi eq, %and3A_267, %eq3A_282 : i32
          %convert_element_type3A_284 = arith.extui %eq3A_283 : i1 to i32
          %cond3A_285 = arith.constant 0 : i32
          %cond3A_286 = arith.cmpi ne, %convert_element_type3A_284, %cond3A_285 : i32
          scf.if %cond3A_286 {
            %dma_start3A_292 = arith.constant 1 : i32
            %dma_start3A_293 = arith.constant 0 : i32
            %dma_start3A_294 = arith.constant 0 : i32
            %dma_start3A_295 = arith.constant 0 : i32
            %dma_start3A_296 = arith.constant 0 : i32
            %dma_start3A_297 = tpu.memref_slice %arg9[%dma_start3A_294, %dma_start3A_295, %dma_start3A_296] : memref<2x128x128xf32, #tpu.memory_space<vmem>> -> memref<1x128x128xf32, #tpu.memory_space<vmem>>
            %dma_start3A_298 = tpu.memref_squeeze %dma_start3A_297 : memref<1x128x128xf32, #tpu.memory_space<vmem>> -> memref<128x128xf32, #tpu.memory_space<vmem>>
            %dma_start3A_299 = arith.constant 0 : i32
            %dma_start3A_300 = tpu.memref_slice %arg6[%dma_start3A_292, %and3A_261, %dma_start3A_293, %dma_start3A_299] : memref<2x8x2x128xi32, #tpu.memory_space<vmem>> -> memref<1x1x1x128xi32, #tpu.memory_space<vmem>>
            %dma_start3A_301 = tpu.memref_squeeze %dma_start3A_300 : memref<1x1x1x128xi32, #tpu.memory_space<vmem>> -> memref<128xi32, #tpu.memory_space<vmem>>
            %dma_start3A_302 = arith.constant 0 : i32
            %dma_start3A_303 = arith.constant 0 : i32
            %dma_start3A_304 = tpu.memref_slice %arg2[%dma_start3A_302, %dma_start3A_303] : memref<30000x128xf32, #tpu.memory_space<hbm>> -> memref<30000x128xf32, #tpu.memory_space<hbm>>
            tpu.enqueue_indirect_dma source(%dma_start3A_304 : memref<30000x128xf32, #tpu.memory_space<hbm>>) target(%dma_start3A_298 : memref<128x128xf32, #tpu.memory_space<vmem>>) offsets(%dma_start3A_301 : memref<128xi32, #tpu.memory_space<vmem>>) semaphore(%arg13 : memref<!tpu.dma_semaphore, #tpu.memory_space<semaphore_mem>>)
          } else {
          }
          %ne3A_287 = arith.constant 0 : i32
          %ne3A_288 = arith.cmpi ne, %and3A_267, %ne3A_287 : i32
          %convert_element_type3A_289 = arith.extui %ne3A_288 : i1 to i32
          %cond3A_290 = arith.constant 0 : i32
          %cond3A_291 = arith.cmpi ne, %convert_element_type3A_289, %cond3A_290 : i32
          scf.if %cond3A_291 {
            %dma_start3A_292 = arith.constant 1 : i32
            %dma_start3A_293 = arith.constant 0 : i32
            %dma_start3A_294 = arith.constant 1 : i32
            %dma_start3A_295 = arith.constant 0 : i32
            %dma_start3A_296 = arith.constant 0 : i32
            %dma_start3A_297 = tpu.memref_slice %arg9[%dma_start3A_294, %dma_start3A_295, %dma_start3A_296] : memref<2x128x128xf32, #tpu.memory_space<vmem>> -> memref<1x128x128xf32, #tpu.memory_space<vmem>>
            %dma_start3A_298 = tpu.memref_squeeze %dma_start3A_297 : memref<1x128x128xf32, #tpu.memory_space<vmem>> -> memref<128x128xf32, #tpu.memory_space<vmem>>
            %dma_start3A_299 = arith.constant 0 : i32
            %dma_start3A_300 = tpu.memref_slice %arg6[%dma_start3A_292, %and3A_261, %dma_start3A_293, %dma_start3A_299] : memref<2x8x2x128xi32, #tpu.memory_space<vmem>> -> memref<1x1x1x128xi32, #tpu.memory_space<vmem>>
            %dma_start3A_301 = tpu.memref_squeeze %dma_start3A_300 : memref<1x1x1x128xi32, #tpu.memory_space<vmem>> -> memref<128xi32, #tpu.memory_space<vmem>>
            %dma_start3A_302 = arith.constant 0 : i32
            %dma_start3A_303 = arith.constant 0 : i32
            %dma_start3A_304 = tpu.memref_slice %arg2[%dma_start3A_302, %dma_start3A_303] : memref<30000x128xf32, #tpu.memory_space<hbm>> -> memref<30000x128xf32, #tpu.memory_space<hbm>>
            tpu.enqueue_indirect_dma source(%dma_start3A_304 : memref<30000x128xf32, #tpu.memory_space<hbm>>) target(%dma_start3A_298 : memref<128x128xf32, #tpu.memory_space<vmem>>) offsets(%dma_start3A_301 : memref<128xi32, #tpu.memory_space<vmem>>) semaphore(%arg14 : memref<!tpu.dma_semaphore, #tpu.memory_space<semaphore_mem>>)
          } else {
          }
        } else {
        }
      } else {
      }
    }
    %scan3A_129 = arith.constant 480 : i32
    %dma_wait3A_130 = arith.constant 0 : i32
    %dma_wait3A_131 = arith.constant 0 : i32
    %dma_wait3A_132 = arith.constant 0 : i32
    %dma_wait3A_133 = arith.constant 0 : i32
    %dma_wait3A_134 = tpu.memref_slice %arg9[%dma_wait3A_130, %dma_wait3A_132, %dma_wait3A_133] : memref<2x128x128xf32, #tpu.memory_space<vmem>> -> memref<1x128x128xf32, #tpu.memory_space<vmem>>
    %dma_wait3A_135 = tpu.memref_squeeze %dma_wait3A_134 : memref<1x128x128xf32, #tpu.memory_space<vmem>> -> memref<128x128xf32, #tpu.memory_space<vmem>>
    %dma_wait3A_136 = arith.constant 0 : i32
    %dma_wait3A_137 = tpu.memref_slice %arg8[%dma_wait3A_131, %dma_wait3A_136] : memref<2x128xi32, #tpu.memory_space<vmem>> -> memref<1x128xi32, #tpu.memory_space<vmem>>
    %dma_wait3A_138 = tpu.memref_squeeze %dma_wait3A_137 : memref<1x128xi32, #tpu.memory_space<vmem>> -> memref<128xi32, #tpu.memory_space<vmem>>
    %dma_wait3A_139 = arith.constant 0 : i32
    %dma_wait3A_140 = arith.constant 0 : i32
    %dma_wait3A_141 = tpu.memref_slice %arg10[%dma_wait3A_139, %dma_wait3A_140] : memref<10000x128xf32, #tpu.memory_space<vmem_shared>> -> memref<10000x128xf32, #tpu.memory_space<vmem_shared>>
    tpu.wait_indirect_dma semaphore(%arg15 : memref<!tpu.dma_semaphore, #tpu.memory_space<semaphore_mem>>) src(%dma_wait3A_135 : memref<128x128xf32, #tpu.memory_space<vmem>>) dst(%dma_wait3A_141 : memref<10000x128xf32, #tpu.memory_space<vmem_shared>>)
    %dma_wait3A_142 = arith.constant 1 : i32
    %dma_wait3A_143 = arith.constant 1 : i32
    %dma_wait3A_144 = arith.constant 0 : i32
    %dma_wait3A_145 = arith.constant 0 : i32
    %dma_wait3A_146 = tpu.memref_slice %arg9[%dma_wait3A_142, %dma_wait3A_144, %dma_wait3A_145] : memref<2x128x128xf32, #tpu.memory_space<vmem>> -> memref<1x128x128xf32, #tpu.memory_space<vmem>>
    %dma_wait3A_147 = tpu.memref_squeeze %dma_wait3A_146 : memref<1x128x128xf32, #tpu.memory_space<vmem>> -> memref<128x128xf32, #tpu.memory_space<vmem>>
    %dma_wait3A_148 = arith.constant 0 : i32
    %dma_wait3A_149 = tpu.memref_slice %arg8[%dma_wait3A_143, %dma_wait3A_148] : memref<2x128xi32, #tpu.memory_space<vmem>> -> memref<1x128xi32, #tpu.memory_space<vmem>>
    %dma_wait3A_150 = tpu.memref_squeeze %dma_wait3A_149 : memref<1x128xi32, #tpu.memory_space<vmem>> -> memref<128xi32, #tpu.memory_space<vmem>>
    %dma_wait3A_151 = arith.constant 0 : i32
    %dma_wait3A_152 = arith.constant 0 : i32
    %dma_wait3A_153 = tpu.memref_slice %arg10[%dma_wait3A_151, %dma_wait3A_152] : memref<10000x128xf32, #tpu.memory_space<vmem_shared>> -> memref<10000x128xf32, #tpu.memory_space<vmem_shared>>
    tpu.wait_indirect_dma semaphore(%arg16 : memref<!tpu.dma_semaphore, #tpu.memory_space<semaphore_mem>>) src(%dma_wait3A_147 : memref<128x128xf32, #tpu.memory_space<vmem>>) dst(%dma_wait3A_153 : memref<10000x128xf32, #tpu.memory_space<vmem_shared>>)
    %barrier3A_154 = arith.constant 0 : index
    tpu.barrier barrier_id(%barrier3A_154)
    %add3A_155 = arith.constant 0 : i32
    %add3A_156 = arith.addi %arg1, %add3A_155 : i32
    %lt3A_157 = arith.constant 78 : i32
    %lt3A_158 = arith.cmpi slt, %add3A_156, %lt3A_157 : i32
    %convert_element_type3A_159 = arith.extui %lt3A_158 : i1 to i32
    %cond3A_160 = arith.constant 0 : i32
    %cond3A_161 = arith.cmpi ne, %convert_element_type3A_159, %cond3A_160 : i32
    scf.if %cond3A_161 {
      %mul3A_195 = arith.constant 128 : i32
      %mul3A_196 = arith.muli %add3A_156, %mul3A_195 : i32
      %multiple_of3A_197 = tpu.assume_multiple %mul3A_196, 8 : i32
      "tpu.region"() ({
        %run_scoped3A = tpu.sem_alloc : memref<!tpu.dma_semaphore, #tpu.memory_space<semaphore_mem>>
        %dma_start3A_198 = arith.constant 0 : i32
        %dma_start3A_199 = tpu.memref_slice %arg5[%arg0, %multiple_of3A_197, %dma_start3A_198] : memref<2x10000x128xf32, #tpu.memory_space<hbm>> -> memref<1x128x128xf32, #tpu.memory_space<hbm>>
        %dma_start3A_200 = tpu.memref_squeeze %dma_start3A_199 : memref<1x128x128xf32, #tpu.memory_space<hbm>> -> memref<128x128xf32, #tpu.memory_space<hbm>>
        %dma_start3A_201 = arith.constant 0 : i32
        %dma_start3A_202 = tpu.memref_slice %arg10[%multiple_of3A_197, %dma_start3A_201] : memref<10000x128xf32, #tpu.memory_space<vmem_shared>> -> memref<128x128xf32, #tpu.memory_space<vmem_shared>>
        tpu.enqueue_dma source(%dma_start3A_202 : memref<128x128xf32, #tpu.memory_space<vmem_shared>>) target(%dma_start3A_200 : memref<128x128xf32, #tpu.memory_space<hbm>>) target_semaphore(%run_scoped3A : memref<!tpu.dma_semaphore, #tpu.memory_space<semaphore_mem>>)
        %dma_wait3A_203 = arith.constant 0 : i32
        %dma_wait3A_204 = tpu.memref_slice %arg5[%arg0, %multiple_of3A_197, %dma_wait3A_203] : memref<2x10000x128xf32, #tpu.memory_space<hbm>> -> memref<1x128x128xf32, #tpu.memory_space<hbm>>
        %dma_wait3A_205 = tpu.memref_squeeze %dma_wait3A_204 : memref<1x128x128xf32, #tpu.memory_space<hbm>> -> memref<128x128xf32, #tpu.memory_space<hbm>>
        %dma_wait3A_206 = arith.constant 0 : i32
        %dma_wait3A_207 = tpu.memref_slice %arg10[%multiple_of3A_197, %dma_wait3A_206] : memref<10000x128xf32, #tpu.memory_space<vmem_shared>> -> memref<128x128xf32, #tpu.memory_space<vmem_shared>>
        tpu.wait_dma2 semaphore(%run_scoped3A : memref<!tpu.dma_semaphore, #tpu.memory_space<semaphore_mem>>) src(%dma_wait3A_207 : memref<128x128xf32, #tpu.memory_space<vmem_shared>>) dst(%dma_wait3A_205 : memref<128x128xf32, #tpu.memory_space<hbm>>)
        tpu.yield
      }) : () -> ()
    } else {
    }
    %add3A_162 = arith.constant 16 : i32
    %add3A_163 = arith.addi %arg1, %add3A_162 : i32
    %lt3A_164 = arith.constant 78 : i32
    %lt3A_165 = arith.cmpi slt, %add3A_163, %lt3A_164 : i32
    %convert_element_type3A_166 = arith.extui %lt3A_165 : i1 to i32
    %cond3A_167 = arith.constant 0 : i32
    %cond3A_168 = arith.cmpi ne, %convert_element_type3A_166, %cond3A_167 : i32
    scf.if %cond3A_168 {
      %mul3A_195 = arith.constant 128 : i32
      %mul3A_196 = arith.muli %add3A_163, %mul3A_195 : i32
      %multiple_of3A_197 = tpu.assume_multiple %mul3A_196, 8 : i32
      "tpu.region"() ({
        %run_scoped3A = tpu.sem_alloc : memref<!tpu.dma_semaphore, #tpu.memory_space<semaphore_mem>>
        %dma_start3A_198 = arith.constant 0 : i32
        %dma_start3A_199 = tpu.memref_slice %arg5[%arg0, %multiple_of3A_197, %dma_start3A_198] : memref<2x10000x128xf32, #tpu.memory_space<hbm>> -> memref<1x128x128xf32, #tpu.memory_space<hbm>>
        %dma_start3A_200 = tpu.memref_squeeze %dma_start3A_199 : memref<1x128x128xf32, #tpu.memory_space<hbm>> -> memref<128x128xf32, #tpu.memory_space<hbm>>
        %dma_start3A_201 = arith.constant 0 : i32
        %dma_start3A_202 = tpu.memref_slice %arg10[%multiple_of3A_197, %dma_start3A_201] : memref<10000x128xf32, #tpu.memory_space<vmem_shared>> -> memref<128x128xf32, #tpu.memory_space<vmem_shared>>
        tpu.enqueue_dma source(%dma_start3A_202 : memref<128x128xf32, #tpu.memory_space<vmem_shared>>) target(%dma_start3A_200 : memref<128x128xf32, #tpu.memory_space<hbm>>) target_semaphore(%run_scoped3A : memref<!tpu.dma_semaphore, #tpu.memory_space<semaphore_mem>>)
        %dma_wait3A_203 = arith.constant 0 : i32
        %dma_wait3A_204 = tpu.memref_slice %arg5[%arg0, %multiple_of3A_197, %dma_wait3A_203] : memref<2x10000x128xf32, #tpu.memory_space<hbm>> -> memref<1x128x128xf32, #tpu.memory_space<hbm>>
        %dma_wait3A_205 = tpu.memref_squeeze %dma_wait3A_204 : memref<1x128x128xf32, #tpu.memory_space<hbm>> -> memref<128x128xf32, #tpu.memory_space<hbm>>
        %dma_wait3A_206 = arith.constant 0 : i32
        %dma_wait3A_207 = tpu.memref_slice %arg10[%multiple_of3A_197, %dma_wait3A_206] : memref<10000x128xf32, #tpu.memory_space<vmem_shared>> -> memref<128x128xf32, #tpu.memory_space<vmem_shared>>
        tpu.wait_dma2 semaphore(%run_scoped3A : memref<!tpu.dma_semaphore, #tpu.memory_space<semaphore_mem>>) src(%dma_wait3A_207 : memref<128x128xf32, #tpu.memory_space<vmem_shared>>) dst(%dma_wait3A_205 : memref<128x128xf32, #tpu.memory_space<hbm>>)
        tpu.yield
      }) : () -> ()
    } else {
    }
    %add3A_169 = arith.constant 32 : i32
    %add3A_170 = arith.addi %arg1, %add3A_169 : i32
    %lt3A_171 = arith.constant 78 : i32
    %lt3A_172 = arith.cmpi slt, %add3A_170, %lt3A_171 : i32
    %convert_element_type3A_173 = arith.extui %lt3A_172 : i1 to i32
    %cond3A_174 = arith.constant 0 : i32
    %cond3A_175 = arith.cmpi ne, %convert_element_type3A_173, %cond3A_174 : i32
    scf.if %cond3A_175 {
      %mul3A_195 = arith.constant 128 : i32
      %mul3A_196 = arith.muli %add3A_170, %mul3A_195 : i32
      %multiple_of3A_197 = tpu.assume_multiple %mul3A_196, 8 : i32
      "tpu.region"() ({
        %run_scoped3A = tpu.sem_alloc : memref<!tpu.dma_semaphore, #tpu.memory_space<semaphore_mem>>
        %dma_start3A_198 = arith.constant 0 : i32
        %dma_start3A_199 = tpu.memref_slice %arg5[%arg0, %multiple_of3A_197, %dma_start3A_198] : memref<2x10000x128xf32, #tpu.memory_space<hbm>> -> memref<1x128x128xf32, #tpu.memory_space<hbm>>
        %dma_start3A_200 = tpu.memref_squeeze %dma_start3A_199 : memref<1x128x128xf32, #tpu.memory_space<hbm>> -> memref<128x128xf32, #tpu.memory_space<hbm>>
        %dma_start3A_201 = arith.constant 0 : i32
        %dma_start3A_202 = tpu.memref_slice %arg10[%multiple_of3A_197, %dma_start3A_201] : memref<10000x128xf32, #tpu.memory_space<vmem_shared>> -> memref<128x128xf32, #tpu.memory_space<vmem_shared>>
        tpu.enqueue_dma source(%dma_start3A_202 : memref<128x128xf32, #tpu.memory_space<vmem_shared>>) target(%dma_start3A_200 : memref<128x128xf32, #tpu.memory_space<hbm>>) target_semaphore(%run_scoped3A : memref<!tpu.dma_semaphore, #tpu.memory_space<semaphore_mem>>)
        %dma_wait3A_203 = arith.constant 0 : i32
        %dma_wait3A_204 = tpu.memref_slice %arg5[%arg0, %multiple_of3A_197, %dma_wait3A_203] : memref<2x10000x128xf32, #tpu.memory_space<hbm>> -> memref<1x128x128xf32, #tpu.memory_space<hbm>>
        %dma_wait3A_205 = tpu.memref_squeeze %dma_wait3A_204 : memref<1x128x128xf32, #tpu.memory_space<hbm>> -> memref<128x128xf32, #tpu.memory_space<hbm>>
        %dma_wait3A_206 = arith.constant 0 : i32
        %dma_wait3A_207 = tpu.memref_slice %arg10[%multiple_of3A_197, %dma_wait3A_206] : memref<10000x128xf32, #tpu.memory_space<vmem_shared>> -> memref<128x128xf32, #tpu.memory_space<vmem_shared>>
        tpu.wait_dma2 semaphore(%run_scoped3A : memref<!tpu.dma_semaphore, #tpu.memory_space<semaphore_mem>>) src(%dma_wait3A_207 : memref<128x128xf32, #tpu.memory_space<vmem_shared>>) dst(%dma_wait3A_205 : memref<128x128xf32, #tpu.memory_space<hbm>>)
        tpu.yield
      }) : () -> ()
    } else {
    }
    %add3A_176 = arith.constant 48 : i32
    %add3A_177 = arith.addi %arg1, %add3A_176 : i32
    %lt3A_178 = arith.constant 78 : i32
    %lt3A_179 = arith.cmpi slt, %add3A_177, %lt3A_178 : i32
    %convert_element_type3A_180 = arith.extui %lt3A_179 : i1 to i32
    %cond3A_181 = arith.constant 0 : i32
    %cond3A_182 = arith.cmpi ne, %convert_element_type3A_180, %cond3A_181 : i32
    scf.if %cond3A_182 {
      %mul3A_195 = arith.constant 128 : i32
      %mul3A_196 = arith.muli %add3A_177, %mul3A_195 : i32
      %multiple_of3A_197 = tpu.assume_multiple %mul3A_196, 8 : i32
      "tpu.region"() ({
        %run_scoped3A = tpu.sem_alloc : memref<!tpu.dma_semaphore, #tpu.memory_space<semaphore_mem>>
        %dma_start3A_198 = arith.constant 0 : i32
        %dma_start3A_199 = tpu.memref_slice %arg5[%arg0, %multiple_of3A_197, %dma_start3A_198] : memref<2x10000x128xf32, #tpu.memory_space<hbm>> -> memref<1x128x128xf32, #tpu.memory_space<hbm>>
        %dma_start3A_200 = tpu.memref_squeeze %dma_start3A_199 : memref<1x128x128xf32, #tpu.memory_space<hbm>> -> memref<128x128xf32, #tpu.memory_space<hbm>>
        %dma_start3A_201 = arith.constant 0 : i32
        %dma_start3A_202 = tpu.memref_slice %arg10[%multiple_of3A_197, %dma_start3A_201] : memref<10000x128xf32, #tpu.memory_space<vmem_shared>> -> memref<128x128xf32, #tpu.memory_space<vmem_shared>>
        tpu.enqueue_dma source(%dma_start3A_202 : memref<128x128xf32, #tpu.memory_space<vmem_shared>>) target(%dma_start3A_200 : memref<128x128xf32, #tpu.memory_space<hbm>>) target_semaphore(%run_scoped3A : memref<!tpu.dma_semaphore, #tpu.memory_space<semaphore_mem>>)
        %dma_wait3A_203 = arith.constant 0 : i32
        %dma_wait3A_204 = tpu.memref_slice %arg5[%arg0, %multiple_of3A_197, %dma_wait3A_203] : memref<2x10000x128xf32, #tpu.memory_space<hbm>> -> memref<1x128x128xf32, #tpu.memory_space<hbm>>
        %dma_wait3A_205 = tpu.memref_squeeze %dma_wait3A_204 : memref<1x128x128xf32, #tpu.memory_space<hbm>> -> memref<128x128xf32, #tpu.memory_space<hbm>>
        %dma_wait3A_206 = arith.constant 0 : i32
        %dma_wait3A_207 = tpu.memref_slice %arg10[%multiple_of3A_197, %dma_wait3A_206] : memref<10000x128xf32, #tpu.memory_space<vmem_shared>> -> memref<128x128xf32, #tpu.memory_space<vmem_shared>>
        tpu.wait_dma2 semaphore(%run_scoped3A : memref<!tpu.dma_semaphore, #tpu.memory_space<semaphore_mem>>) src(%dma_wait3A_207 : memref<128x128xf32, #tpu.memory_space<vmem_shared>>) dst(%dma_wait3A_205 : memref<128x128xf32, #tpu.memory_space<hbm>>)
        tpu.yield
      }) : () -> ()
    } else {
    }
    %add3A_183 = arith.constant 64 : i32
    %add3A_184 = arith.addi %arg1, %add3A_183 : i32
    %lt3A_185 = arith.constant 78 : i32
    %lt3A_186 = arith.cmpi slt, %add3A_184, %lt3A_185 : i32
    %convert_element_type3A_187 = arith.extui %lt3A_186 : i1 to i32
    %cond3A_188 = arith.constant 0 : i32
    %cond3A_189 = arith.cmpi ne, %convert_element_type3A_187, %cond3A_188 : i32
    scf.if %cond3A_189 {
      %mul3A_195 = arith.constant 128 : i32
      %mul3A_196 = arith.muli %add3A_184, %mul3A_195 : i32
      %multiple_of3A_197 = tpu.assume_multiple %mul3A_196, 8 : i32
      "tpu.region"() ({
        %run_scoped3A = tpu.sem_alloc : memref<!tpu.dma_semaphore, #tpu.memory_space<semaphore_mem>>
        %dma_start3A_198 = arith.constant 0 : i32
        %dma_start3A_199 = tpu.memref_slice %arg5[%arg0, %multiple_of3A_197, %dma_start3A_198] : memref<2x10000x128xf32, #tpu.memory_space<hbm>> -> memref<1x128x128xf32, #tpu.memory_space<hbm>>
        %dma_start3A_200 = tpu.memref_squeeze %dma_start3A_199 : memref<1x128x128xf32, #tpu.memory_space<hbm>> -> memref<128x128xf32, #tpu.memory_space<hbm>>
        %dma_start3A_201 = arith.constant 0 : i32
        %dma_start3A_202 = tpu.memref_slice %arg10[%multiple_of3A_197, %dma_start3A_201] : memref<10000x128xf32, #tpu.memory_space<vmem_shared>> -> memref<128x128xf32, #tpu.memory_space<vmem_shared>>
        tpu.enqueue_dma source(%dma_start3A_202 : memref<128x128xf32, #tpu.memory_space<vmem_shared>>) target(%dma_start3A_200 : memref<128x128xf32, #tpu.memory_space<hbm>>) target_semaphore(%run_scoped3A : memref<!tpu.dma_semaphore, #tpu.memory_space<semaphore_mem>>)
        %dma_wait3A_203 = arith.constant 0 : i32
        %dma_wait3A_204 = tpu.memref_slice %arg5[%arg0, %multiple_of3A_197, %dma_wait3A_203] : memref<2x10000x128xf32, #tpu.memory_space<hbm>> -> memref<1x128x128xf32, #tpu.memory_space<hbm>>
        %dma_wait3A_205 = tpu.memref_squeeze %dma_wait3A_204 : memref<1x128x128xf32, #tpu.memory_space<hbm>> -> memref<128x128xf32, #tpu.memory_space<hbm>>
        %dma_wait3A_206 = arith.constant 0 : i32
        %dma_wait3A_207 = tpu.memref_slice %arg10[%multiple_of3A_197, %dma_wait3A_206] : memref<10000x128xf32, #tpu.memory_space<vmem_shared>> -> memref<128x128xf32, #tpu.memory_space<vmem_shared>>
        tpu.wait_dma2 semaphore(%run_scoped3A : memref<!tpu.dma_semaphore, #tpu.memory_space<semaphore_mem>>) src(%dma_wait3A_207 : memref<128x128xf32, #tpu.memory_space<vmem_shared>>) dst(%dma_wait3A_205 : memref<128x128xf32, #tpu.memory_space<hbm>>)
        tpu.yield
      }) : () -> ()
    } else {
    }
    %eq3A_190 = arith.constant 15 : i32
    %eq3A_191 = arith.cmpi eq, %arg1, %eq3A_190 : i32
    %convert_element_type3A_192 = arith.extui %eq3A_191 : i1 to i32
    %cond3A_193 = arith.constant 0 : i32
    %cond3A_194 = arith.cmpi ne, %convert_element_type3A_192, %cond3A_193 : i32
    scf.if %cond3A_194 {
      "tpu.region"() ({
        %run_scoped3A = tpu.sem_alloc : memref<!tpu.dma_semaphore, #tpu.memory_space<semaphore_mem>>
        %dma_start3A_195 = arith.constant 9984 : i32
        %dma_start3A_196 = arith.constant 0 : i32
        %dma_start3A_197 = tpu.memref_slice %arg5[%arg0, %dma_start3A_195, %dma_start3A_196] : memref<2x10000x128xf32, #tpu.memory_space<hbm>> -> memref<1x16x128xf32, #tpu.memory_space<hbm>>
        %dma_start3A_198 = tpu.memref_squeeze %dma_start3A_197 : memref<1x16x128xf32, #tpu.memory_space<hbm>> -> memref<16x128xf32, #tpu.memory_space<hbm>>
        %dma_start3A_199 = arith.constant 9984 : i32
        %dma_start3A_200 = arith.constant 0 : i32
        %dma_start3A_201 = tpu.memref_slice %arg10[%dma_start3A_199, %dma_start3A_200] : memref<10000x128xf32, #tpu.memory_space<vmem_shared>> -> memref<16x128xf32, #tpu.memory_space<vmem_shared>>
        tpu.enqueue_dma source(%dma_start3A_201 : memref<16x128xf32, #tpu.memory_space<vmem_shared>>) target(%dma_start3A_198 : memref<16x128xf32, #tpu.memory_space<hbm>>) target_semaphore(%run_scoped3A : memref<!tpu.dma_semaphore, #tpu.memory_space<semaphore_mem>>)
        %dma_wait3A_202 = arith.constant 9984 : i32
        %dma_wait3A_203 = arith.constant 0 : i32
        %dma_wait3A_204 = tpu.memref_slice %arg5[%arg0, %dma_wait3A_202, %dma_wait3A_203] : memref<2x10000x128xf32, #tpu.memory_space<hbm>> -> memref<1x16x128xf32, #tpu.memory_space<hbm>>
        %dma_wait3A_205 = tpu.memref_squeeze %dma_wait3A_204 : memref<1x16x128xf32, #tpu.memory_space<hbm>> -> memref<16x128xf32, #tpu.memory_space<hbm>>
        %dma_wait3A_206 = arith.constant 9984 : i32
        %dma_wait3A_207 = arith.constant 0 : i32
        %dma_wait3A_208 = tpu.memref_slice %arg10[%dma_wait3A_206, %dma_wait3A_207] : memref<10000x128xf32, #tpu.memory_space<vmem_shared>> -> memref<16x128xf32, #tpu.memory_space<vmem_shared>>
        tpu.wait_dma2 semaphore(%run_scoped3A : memref<!tpu.dma_semaphore, #tpu.memory_space<semaphore_mem>>) src(%dma_wait3A_208 : memref<16x128xf32, #tpu.memory_space<vmem_shared>>) dst(%dma_wait3A_205 : memref<16x128xf32, #tpu.memory_space<hbm>>)
        tpu.yield
      }) : () -> ()
    } else {
    }
    return
  }
}

module attributes {stable_mosaic.version = 14 : i64} {
  func.func @_matmul_body(%arg0: i32, %arg1: i32, %arg2: memref<2000x128xf32, #tpu.memory_space<vmem>>, %arg3: memref<1x128x128xf32, #tpu.memory_space<vmem>>, %arg4: memref<1x2000x128xf32, #tpu.memory_space<vmem>>) attributes {dimension_semantics = [#tpu.dimension_semantics<arbitrary>, #tpu.dimension_semantics<arbitrary>], iteration_bounds = array<i64: 3, 5>, scalar_prefetch = 0 : i64, scratch_operands = 0 : i64, tpu.core_type = #tpu.core_type<tc>, window_params = [{transform_indices = @transform_0, window_bounds = array<i64: 2000, 128>}, {transform_indices = @transform_1, window_bounds = array<i64: 1, 128, 128>}, {transform_indices = @transform_2, window_bounds = array<i64: 1, 2000, 128>}]} {
    %get3A = arith.constant 0 : index
    %get3A_0 = arith.constant 0 : index
    %get3A_1 = vector.load %arg2[%get3A, %get3A_0] : memref<2000x128xf32, #tpu.memory_space<vmem>>, vector<2000x128xf32>
    %get3A_2 = arith.constant 0 : index
    %get3A_3 = arith.constant 0 : index
    %get3A_4 = arith.constant 0 : index
    %get3A_5 = vector.load %arg3[%get3A_2, %get3A_3, %get3A_4] : memref<1x128x128xf32, #tpu.memory_space<vmem>>, vector<1x128x128xf32>
    %get3A_6 = vector.shape_cast %get3A_5 : vector<1x128x128xf32> to vector<128x128xf32>
    %dot_general3A = arith.constant dense<0.000000e+00> : vector<2000x128xf32>
    %dot_general3A_7 = tpu.matmul %get3A_1, %get3A_6, %dot_general3A {dimension_numbers = #tpu.dot_dimension_numbers<[1], [0], [0], [1], [0, 0, 1, 1], [], []>, transpose_lhs_hint = false} : vector<2000x128xf32>, vector<128x128xf32>, vector<2000x128xf32> -> vector<2000x128xf32>
    %swap3A = arith.constant 0 : index
    %swap3A_8 = arith.constant 0 : index
    %swap3A_9 = arith.constant 0 : index
    %swap3A_10 = vector.load %arg4[%swap3A, %swap3A_8, %swap3A_9] : memref<1x2000x128xf32, #tpu.memory_space<vmem>>, vector<1x2000x128xf32>
    %swap3A_11 = vector.shape_cast %swap3A_10 : vector<1x2000x128xf32> to vector<2000x128xf32>
    %swap3A_12 = vector.shape_cast %dot_general3A_7 : vector<2000x128xf32> to vector<1x2000x128xf32>
    tpu.vector_store %arg4[%swap3A, %swap3A_8, %swap3A_9], %swap3A_12 {strides = array<i32>} : memref<1x2000x128xf32, #tpu.memory_space<vmem>>, vector<1x2000x128xf32>,
    return
  }
  func.func @transform_0(%arg0: i32, %arg1: i32) -> (i32, i32) {
    %c0_i32 = arith.constant 0 : i32
    %c0_i32_0 = arith.constant 0 : i32
    return %arg1, %c0_i32 : i32, i32
  }
  func.func @transform_1(%arg0: i32, %arg1: i32) -> (i32, i32, i32) {
    %c0_i32 = arith.constant 0 : i32
    %c0_i32_0 = arith.constant 0 : i32
    %c0_i32_1 = arith.constant 0 : i32
    return %arg0, %c0_i32, %c0_i32_0 : i32, i32, i32
  }
  func.func @transform_2(%arg0: i32, %arg1: i32) -> (i32, i32, i32) {
    %c0_i32 = arith.constant 0 : i32
    %c0_i32_0 = arith.constant 0 : i32
    return %arg0, %arg1, %c0_i32 : i32, i32, i32
  }
}

module attributes {stable_mosaic.version = 14 : i64} {
  func.func @_combine_body(%arg0: i32, %arg1: memref<2x2000x128xf32, #tpu.memory_space<vmem>>, %arg2: memref<2000x128xf32, #tpu.memory_space<vmem>>) attributes {dimension_semantics = [#tpu.dimension_semantics<arbitrary>], iteration_bounds = array<i64: 5>, scalar_prefetch = 0 : i64, scratch_operands = 0 : i64, tpu.core_type = #tpu.core_type<tc>, window_params = [{transform_indices = @transform_0, window_bounds = array<i64: 2, 2000, 128>}, {transform_indices = @transform_1, window_bounds = array<i64: 2000, 128>}]} {
    %get3A = arith.constant 0 : index
    %get3A_0 = arith.constant 0 : index
    %get3A_1 = arith.constant 0 : index
    %get3A_2 = vector.load %arg1[%get3A, %get3A_0, %get3A_1] : memref<2x2000x128xf32, #tpu.memory_space<vmem>>, vector<1x2000x128xf32>
    %get3A_3 = vector.shape_cast %get3A_2 : vector<1x2000x128xf32> to vector<2000x128xf32>
    %get3A_4 = arith.constant 1 : index
    %get3A_5 = arith.constant 0 : index
    %get3A_6 = arith.constant 0 : index
    %get3A_7 = vector.load %arg1[%get3A_4, %get3A_5, %get3A_6] : memref<2x2000x128xf32, #tpu.memory_space<vmem>>, vector<1x2000x128xf32>
    %get3A_8 = vector.shape_cast %get3A_7 : vector<1x2000x128xf32> to vector<2000x128xf32>
    %add3A = arith.addf %get3A_3, %get3A_8 : vector<2000x128xf32>
    %max3A = arith.constant 0.000000e+00 : f32
    %max3A_9 = vector.broadcast %max3A : f32 to vector<2000x128xf32>
    %max3A_10 = arith.maximumf %add3A, %max3A_9 : vector<2000x128xf32>
    %swap3A = arith.constant 0 : index
    %swap3A_11 = arith.constant 0 : index
    %swap3A_12 = vector.load %arg2[%swap3A, %swap3A_11] : memref<2000x128xf32, #tpu.memory_space<vmem>>, vector<2000x128xf32>
    tpu.vector_store %arg2[%swap3A, %swap3A_11], %max3A_10 {strides = array<i32>} : memref<2000x128xf32, #tpu.memory_space<vmem>>, vector<2000x128xf32>,
    return
  }
  func.func @transform_0(%arg0: i32) -> (i32, i32, i32) {
    %c0_i32 = arith.constant 0 : i32
    %c0_i32_0 = arith.constant 0 : i32
    %c0_i32_1 = arith.constant 0 : i32
    return %c0_i32, %arg0, %c0_i32_0 : i32, i32, i32
  }
  func.func @transform_1(%arg0: i32) -> (i32, i32) {
    %c0_i32 = arith.constant 0 : i32
    %c0_i32_0 = arith.constant 0 : i32
    return %arg0, %c0_i32 : i32, i32
  }
}

</mosaic_0001>

<sc_bundles>
// kernel: kernel.5.cloned.1.call-start
scs
__scs_entry_jumppad:
0x0: {  	(pc) =	sbr.rel $0x88, $3  }
0x1: {  	(tag) =	ssettag $0x0;
	lr =	simm.s32 $0x1  }
0x2: {  	[smem:$0x3F9D] =	sst lr;
	_ =	strace $0xD0000000  }
0x3: {  	_ = 	snop  }
0x4: {  	_ = 	snop  }
0x5: {  	_ = 	snop  }
0x6: {  	_ = 	snop  }
0x7: {  	_ = 	snop  }
__scs_overlays_trampoline_lowered:
0x8: {  	[smem:$0x3FAC] =	sst s0  }
0x9: {  	[smem:$0x3FAD] =	sst s1  }
0xa: {  	[smem:$0x3FAE] =	sst s2  }
0xb: {  	[smem:$0x3FAF] =	sst s3  }
0xc: {  	[smem:$0x3FB0] =	sst s4  }
0xd: {  	[smem:$0x3FB1] =	sst s5  }
0xe: {  	[smem:$0x3FB2] =	sst s6  }
0xf: {  	[smem:$0x3FB3] =	sst s7  }
0x10: {  	[smem:$0x3FB4] =	sst s8  }
0x11: {  	[smem:$0x3FB5] =	sst s9;
	s0 =	simm.s32 @!p0 $0x0  }
0x12: {  	s1 =	sld [smem:$0x3F9B];
	s0 =	simm.s32 @p0 $0x1  }
0x13: {  	[smem:$0x3FB6] =	sst s0;
	s0 =	simm.s32 @!p1 $0x0  }
0x14: {  	s2 =	sld [smem:$0x3F9A];
	s0 =	simm.s32 @p1 $0x1  }
0x15: {  	[smem:$0x3FB7] =	sst s0;
	s0 =	simm.s32 @!p2 $0x0  }
0x16: {  	s3 =	sld [smem:$0x3FDB];
	s0 =	simm.s32 @p2 $0x1  }
0x17: {  	s4 =	simm.s32 $0x1BF5;
	[smem:$0x3FB9] =	sst s0  }
0x18: {  	s0 =	sld [smem:$0x3F9C];
	_ =	swait.ge [sflag:s4], $0x0  }
0x19: {  	s7 =	sld [smem:$0x3F9D]  }
0x1a: {  	s8 =	sadd.s32 $0xFFFFE003, lr  }
0x1b: {  	s9 =	sadd.s32 $0xFFFFFEF7, lr;
	s5 =	simm.s32 $0xFFFFFFFF;
	p2 =	slt.u32 s8, $0xFFFFF086  }
0x1c: {  	p1 =	slt.u32 s9, $0xF7A;
	s5 =	simm.s32 @!p2 $0x0  }
0x1d: {  	s5 =	simm.s32 @p1 $0x1;
	p0 =	seq.s32 s7, s2  }
0x1e: {  	s7 =	smul.u32 @!p0 $0xF7A, s2;
	p2 =	seq.s32 @!p0 s5, $0x0  }
0x1f: {  	s9 =	smul.u32 $0xF7A, s1;
	s8 =	simm.s32 @!p0 $0x1BF5;
	p2 =	por !p2, p0  }
0x20: {  	[sflag:s8] =	ssyncset.s32 @!p0 $0xFFFFF086;
	s6 =	sadd.s32 @!p0 s3, s7;
	s7 =	simm.s32 @!p0 $0x108  }
0x21: {  	s3 =	sadd.s32 s3, s9;
	s6 =	sadd.s32 @!p0 $0x88, s6;
	s7 =	simm.s32 @p2 $0x1082  }
0x22: {  	[simem:s7], [sflag:s8] =	dma.local @!p0 [hbm:s6], $0xF7A  }
0x23: {  	s9 =	sor.u32 $0xD0000000, s2;
	s6 =	simm.s32 $0x108;
	_ =	swait.ge @!p0 [sflag:s8], $0x0  }
0x24: {  	s3 =	sadd.s32 $0x88, s3;
	s6 =	simm.s32 @!p1 $0x1082;
	[sflag:s4] =	ssyncset.s32 $0xFFFFF086  }
0x25: {  	[simem:s6], [sflag:s4] =	dma.local [hbm:s3], $0xF7A  }
0x26: {  	[smem:$0x3F9D] =	sst s1;
	(tag) =	ssettag s2;
	_ =	strace s9  }
0x27: {  	s1 =	sld [smem:$0x3FAD]  }
0x28: {  	s2 =	sld [smem:$0x3FAE]  }
0x29: {  	s4 =	sld [smem:$0x3FB0]  }
0x2a: {  	p0 =	seq.s32 s5, $0x0;
	s5 =	sld [smem:$0x3FB1]  }
0x2b: {  	s6 =	sld [smem:$0x3FB2]  }
0x2c: {  	s7 =	sld [smem:$0x3FB3]  }
0x2d: {  	s3 =	simm.s32 $0x108;
	s8 =	sld [smem:$0x3FB4]  }
0x2e: {  	s3 =	simm.s32 @!p0 $0x1082;
	s9 =	sld [smem:$0x3FB5]  }
0x2f: {  	lr =	sadd.s32 s0, s3;
	s0 =	sld [smem:$0x3FAC]  }
0x30: {  	s3 =	sld [smem:$0x3FAF]  }
0x31: {  	[smem:$0x3FB8] =	sst s10  }
0x32: {  	s10 =	sld [smem:$0x3FB6];
	_ =	sdelay $0x3  }
0x33: {  	p0 =	seq.s32 s10, $0x1;
	s10 =	sld [smem:$0x3FB8];
	_ =	sdelay $0x3  }
0x34: {  	[smem:$0x3FB8] =	sst s10  }
0x35: {  	s10 =	sld [smem:$0x3FB7];
	_ =	sdelay $0x3  }
0x36: {  	p1 =	seq.s32 s10, $0x1;
	s10 =	sld [smem:$0x3FB8];
	_ =	sdelay $0x3  }
0x37: {  	[smem:$0x3FB8] =	sst s10  }
0x38: {  	s10 =	sld [smem:$0x3FB9]  }
0x39: {  	_ = 	snop;
	(pc) =	sbr.ind lr, $3  }
0x3a: {  	_ = 	snop  }
0x3b: {  	_ = 	snop  }
0x3c: {  	p2 =	seq.s32 s10, $0x1;
	s10 =	sld [smem:$0x3FB8]  }
0x3d: {  	_ =	shalt  }
0x3e: {  	_ =	shalt  }
0x3f: {  	_ =	shalt  }
0x40: {  	_ =	shalt  }
0x41: {  	_ =	shalt  }
0x42: {  	_ =	shalt  }
0x43: {  	_ =	shalt  }
0x44: {  	_ =	shalt  }
0x45: {  	_ =	shalt  }
0x46: {  	_ =	shalt  }
0x47: {  	_ =	shalt  }
0x48: {  	_ =	shalt  }
0x49: {  	_ =	shalt  }
0x4a: {  	_ =	shalt  }
0x4b: {  	_ =	shalt  }
0x4c: {  	_ =	shalt  }
0x4d: {  	_ =	shalt  }
0x4e: {  	_ =	shalt  }
0x4f: {  	_ =	shalt  }
0x50: {  	_ =	shalt  }
0x51: {  	_ =	shalt  }
0x52: {  	_ =	shalt  }
0x53: {  	_ =	shalt  }
0x54: {  	_ =	shalt  }
0x55: {  	_ =	shalt  }
0x56: {  	_ =	shalt  }
0x57: {  	_ =	shalt  }
0x58: {  	_ =	shalt  }
0x59: {  	_ =	shalt  }
0x5a: {  	_ =	shalt  }
0x5b: {  	_ =	shalt  }
0x5c: {  	_ =	shalt  }
0x5d: {  	_ =	shalt  }
0x5e: {  	_ =	shalt  }
0x5f: {  	_ =	shalt  }
0x60: {  	_ =	shalt  }
0x61: {  	_ =	shalt  }
0x62: {  	_ =	shalt  }
0x63: {  	_ =	shalt  }
0x64: {  	_ =	shalt  }
0x65: {  	_ =	shalt  }
0x66: {  	_ =	shalt  }
0x67: {  	_ =	shalt  }
0x68: {  	_ =	shalt  }
0x69: {  	_ =	shalt  }
0x6a: {  	_ =	shalt  }
0x6b: {  	_ =	shalt  }
0x6c: {  	_ =	shalt  }
0x6d: {  	_ =	shalt  }
0x6e: {  	_ =	shalt  }
0x6f: {  	_ =	shalt  }
0x70: {  	_ =	shalt  }
0x71: {  	_ =	shalt  }
0x72: {  	_ =	shalt  }
0x73: {  	_ =	shalt  }
0x74: {  	_ =	shalt  }
0x75: {  	_ =	shalt  }
0x76: {  	_ =	shalt  }
0x77: {  	_ =	shalt  }
0x78: {  	_ =	shalt  }
0x79: {  	_ =	shalt  }
0x7a: {  	_ =	shalt  }
0x7b: {  	_ =	shalt  }
0x7c: {  	_ =	shalt  }
0x7d: {  	_ =	shalt  }
0x7e: {  	_ =	shalt  }
0x7f: {  	_ =	shalt  }
0x80: {  	_ =	shalt  }
0x81: {  	_ =	shalt  }
0x82: {  	_ =	shalt  }
0x83: {  	_ =	shalt  }
0x84: {  	_ =	shalt  }
0x85: {  	_ =	shalt  }
0x86: {  	_ =	shalt  }
0x87: {  	_ =	shalt  }
.Lfunc_end0:
.L_simem_size_0:
called_computation_lowered:
.L_overlay_start_0:
0x88: {  	s2 =	sld [smem:$0x3FD9]  }
0x89: {  	s3 =	sld [smem:$0x3FFE];
	_ =	sdelay $0x1  }
0x8a: {  	s1 =	srdreg.scid  }
0x8b: {  	s0 =	sand.u32 $0x1, s1  }
0x8c: {  	s16 =	sshll.u32 s0, $0xA;
	s2 =	sadd.s32 s3, s2  }
0x8d: {  	s2 =	sadd.s32 s2, s16  }
0x8e: {  	[smem:$0x3FC4] =	sst s2  }
0x8f: {  	_ = 	snop  }
0x90: {  	(tm) =	ssettm $0x1  }
0x91: {  	s17 =	sld [smem:$0x3FFB];
	_ =	sdelay $0x3  }
0x92: {  	_ =	strace s17  }
0x93: {  	s2 =	sld [smem:$0x3FFC];
	_ =	sdelay $0x3  }
0x94: {  	_ =	strace s2  }
0x95: {  	s2 =	sld [smem:$0x3FFD];
	_ =	sdelay $0x3  }
0x96: {  	_ =	strace s2  }
0x97: {  	_ =	strace $0x8FFFFFFF  }
0x98: {  	s18 =	sld [smem:$0x3FDB];
	_ =	sdelay $0x1  }
0x99: {  	s19 =	simm.s32 $_scs_section_size  }
0x9a: {  	s4 =	simm.s32 $_size__tile_overlayer_lowered;
	s5 =	simm.s32 $_tile_overlayer_lowered  }
0x9b: {  	s22 =	simm.s32 $0x1BFF;
	s21 =	sshll.u32 s5, $0x1;
	s2 =	sadd.s32 s19, s18  }
0x9c: {  	s6 =	simm.s32 $0x0;
	s20 =	sshll.u32 s4, $0x1;
	s4 =	sadd.s32 s21, s2  }
0x9d: {  	[timem:s6], [sflag:s22] =	dma.local [hbm:s4], s20  }
0x9e: {  	_ =	swait.ge [sflag:s22], s20  }
0x9f: {  	s3 =	ssub.s32 $0x0, s20;
	[sflag:s22] =	ssyncset.done $0x0  }
0xa0: {  	[sflag:s22] =	ssyncadd.s32 s3;
	_ =	sdelay $0x1  }
0xa1: {  	s23 =	simm.s32 $0x1B8B  }
0xa2: {  	_ =	swait.ge [sflag:s23], $0x1  }
0xa3: {  	[sflag:s23] =	ssyncset.done $0x0  }
0xa4: {  	s25 =	simm.s32 $0x1B8E;
	s24 =	sld [smem:$0x3FFE];
	[sflag:s23] =	ssyncadd.s32 $0xFFFFFFFF  }
0xa5: {  	s26 =	simm.s32 $execute0_lowered;
	[smem:$0x3FD2] =	sst s25  }
0xa6: {  	s4 =	sshll.u32 s26, $0x1;
	_ =	strace $0x80000046;
	[dreg:$0x1] =	wrdreg $0xFFFFFFFF  }
0xa7: {  	s28 =	simm.s32 $_size_execute0_lowered;
	s2 =	sadd.s32 s2, s4;
	[dreg:$0x0] =	wrdreg $0x0  }
0xa8: {  	s4 =	sshll.u32 s28, $0x1;
	[dreg:$0x2] =	wrdreg s2  }
0xa9: {  	[dreg:$0x3] =	wrdreg s4  }
0xaa: {  	[dreg:$0x4] =	wrdreg $0xC0  }
0xab: {  	_ =	task [dreg:s6], $0x5FFFF  }
0xac: {  	[dreg:$0x1] =	wrdreg $0xFFFFFFFF  }
0xad: {  	[dreg:$0x0] =	wrdreg $0x60  }
0xae: {  	[dreg:$0x2] =	wrdreg s24  }
0xaf: {  	[dreg:$0x3] =	wrdreg $0x99000  }
0xb0: {  	[dreg:$0x4] =	wrdreg $0x9  }
0xb1: {  	_ =	task.clear_ibuf [dreg:s6], $0x5FFFF;
	_ =	strace $0x90000046  }
0xb2: {  	s29 =	simm.s32 $0x9;
	_ =	strace $0x80000048  }
0xb3: {  	_ =	swait.ge [sflag:s29], $0x1  }
0xb4: {  	[sflag:s29] =	ssyncadd.s32 $0xFFFFFFFF  }
0xb5: {  	_ =	strace $0x90000048  }
0xb6: {  	_ =	sfence  }
0xb7: {  	s30 =	sld [smem:$0x0];
	_ =	sdelay $0x2  }
0xb8: {  	s31 =	sshll.u32 s1, $0xD;
	s1 =	sshrl.u32 s1, $0x2  }
0xb9: {  	s3 =	sand.u32 $0x4000, s31;
	s1 =	sadd.s32 s1, s30  }
0xba: {  	s0 =	sor.u32 s3, s0;
	s1 =	sshll.u32 s1, $0x11  }
0xbb: {  	s0 =	sor.u32 s1, s0  }
0xbc: {  	s0 =	sadd.s32 $0x8F2B, s0  }
0xbd: {  	[sflag:s0] =	ssyncadd.remote.s32 $0x1  }
0xbe: {  	_ =	sfence.sel $0xFFFF  }
0xbf: {  	[dreg:$0x0] =	wrdreg $0xFFFFFFFF;
	(pc) =	sbr.abs _section_cstart, $3  }
0xc0: {  	[dreg:$0x1] =	wrdreg $0xFFFFFFFF  }
0xc1: {  	_ =	task.clear_ibuf [dreg:s6], $0x2FFFF;
	_ =	strace $0x9FFFFFFF  }
0xc2: {  	(tm) =	ssettm $0x7FFFFFFF  }
0xc3: {  	_ =	shalt  }
tec
execute0_lowered:
.L_overlay_start_1:
0x0: {  	(tag) =	ssettag $0x1  }
0x1: {  	s0 =	rddreg [dreg:$0x0]  }
0x2: {  	s1 =	rddreg [dreg:$0x1]  }
0x3: {  	s2 =	simm.s32 $0x0;
	s3 =	srdreg.scid;
	s24 =	stileid.u32  }
0x4: {  	s28 =	simm.s32 $0x80;
	s29 =	simm.s32 $0x5;
	s30 =	simm.s32 $0x6  }
0x5: {  	s31 =	simm.s32 $0x5900;
	[smem:$0x7FF] =	sst s2;
	s4 =	sadd.s32 $0xF0000, s0  }
0x6: {  	s5 =	sadd.s32 $0x78000, s0;
	s3 =	sand.u32 $0x1, s3;
	s6 =	sadd.s32 $0x3C000, s0  }
0x7: {  	s0 =	sadd.s32 $0x165400, s0;
	s9 =	sshll.u32 s24, $0x1;
	s14 =	sshll.u32 s24, $0xE  }
0x8: {  	s11 =	sadd.s32 $0x138000, s1;
	p0 =	sgt.u32 s24, $0xD;
	_ =	strace $0x80000047  }
0x9: {  	s7 =	ssub.s32 $0x2, s3;
	s10 =	sor.u32 s3, s9;
	s16 =	sor.u32 $0x40000, s14  }
0xa: {  	s17 =	sor.u32 $0x80000, s14;
	s19 =	sor.u32 $0xC0000, s14;
	s3 =	smul.u32 $0x138800, s3  }
0xb: {  	s21 =	sor.u32 $0x100000, s14;
	p2 =	sne.s32 @p0 s24, $0xF;
	s15 =	smul.u32 $0x3C, s10  }
0xc: {  	s8 =	sshrl.u32 s7, $0x1;
	s18 =	smul.u32 $0x3C00, s10;
	s9 =	sadd.s32 s17, s1  }
0xd: {  	s20 =	smul.u32 $0x1E00, s10;
	s10 =	sadd.s32 s19, s1;
	p1 =	por p2, !p0  }
0xe: {  	s13 =	ssub.s32 s7, s8;
	s7 =	sadd.s32 s14, s1;
	s8 =	sadd.s32 s16, s1  }
0xf: {  	s14 =	sadd.s32 s14, s3;
	s16 =	sadd.s32 s3, s16;
	s17 =	sadd.s32 s3, s17  }
0x10: {  	s23 =	sadd.s32 s3, s19;
	s25 =	sadd.s32 s3, s21;
	s18 =	sadd.s32 s5, s18  }
0x11: {  	s26 =	sadd.s32 s6, s20;
	s14 =	sshrl.u32 s14, $0x3;
	[dreg:$0x3] =	wrdreg s18  }
0x12: {  	s16 =	sshrl.u32 s16, $0x3;
	[dreg:$0x4] =	wrdreg s26;
	s14 =	sadd.s32 s0, s14  }
0x13: {  	s22 =	sshrl.u32 s17, $0x3;
	s20 =	sadd.s32 s0, s16;
	[dreg:$0x5] =	wrdreg s14  }
0x14: {  	s3 =	sshrl.u32 s3, $0x3;
	[dreg:$0x6] =	wrdreg s20;
	s14 =	sadd.s32 s0, s22  }
0x15: {  	s26 =	sshrl.u32 s25, $0x3;
	[dreg:$0x7] =	wrdreg s14;
	s14 =	sshrl.u32 s23, $0x3  }
0x16: {  	s19 =	sadd.s32 s0, s26;
	s18 =	sadd.s32 s0, s14;
	s0 =	sadd.s32 s0, s3  }
.Ltmp0:
0x17: {  	s20 =	sadd.s32 $0x27000, s0;
	s0 =	simm.s32 @!p1 $0x0;
	(pc) =	sbr.rel .LBB2_1-.Ltmp0, $4  }
0x18: {  	s24 =	simm.s32 $0x7;
	s0 =	simm.s32 @p1 $0x1;
	p1 =	por !p2, !p0  }
0x19: {  	s12 =	sadd.s32 s21, s1;
	[smem:$0x7FC] =	sst s0;
	s0 =	simm.s32 @!p1 $0x0  }
0x1a: {  	s21 =	smax.u32 s13, $0x1;
	s22 =	sor.u32 $0x1, s15;
	s0 =	simm.s32 @p1 $0x1  }
0x1b: {  	v0 =	vimm.f32 $0.0e+00;
	s26 =	simm.s32 $0x1;
	s23 =	simm.s32 $0x1900;
	[smem:$0x7FD] =	sst s0  }
.LBB2_17:
0x1c: {  	_ =	swait.ge [sflag:s29], $0x4000  }
0x1d: {  	[sflag:s29] =	ssyncset.done $0x0  }
0x1e: {  	[sflag:s29] =	ssyncadd.s32 $0xFFFFC000  }
0x1f: {  	_ =	swait.ge [sflag:s30], $0x4000  }
0x20: {  	[sflag:s30] =	ssyncset.done $0x0  }
0x21: {  	s0 =	stileid.u32;
	[sflag:s30] =	ssyncadd.s32 $0xFFFFC000  }
0x22: {  	s0 =	sshll.u32 s0, $0x6;
	[bflag:$0x0] =	sbarrier.arrive $0xFFFF  }
0x23: {  	s3 =	sshrl.u32 s7, $0x3;
	s0 =	sor.u32 $0x1C07, s0;
	s13 =	rddreg [dreg:$0x5]  }
0x24: {  	[hbm:s13], [sflag:s0] =	dma.local [spmem:s3], $0x800  }
0x25: {  	_ =	swait.ge [sflag:s24], $0x800  }
0x26: {  	[sflag:s24] =	ssyncset.done $0x0  }
0x27: {  	s14 =	sshrl.u32 s8, $0x3;
	s15 =	rddreg [dreg:$0x6];
	[sflag:s24] =	ssyncadd.s32 $0xFFFFF800  }
0x28: {  	[hbm:s15], [sflag:s0] =	dma.local [spmem:s14], $0x800  }
0x29: {  	_ =	swait.ge [sflag:s24], $0x800  }
0x2a: {  	[sflag:s24] =	ssyncset.done $0x0  }
0x2b: {  	s16 =	sshrl.u32 s9, $0x3;
	s17 =	rddreg [dreg:$0x7];
	[sflag:s24] =	ssyncadd.s32 $0xFFFFF800  }
0x2c: {  	[hbm:s17], [sflag:s0] =	dma.local [spmem:s16], $0x800  }
0x2d: {  	_ =	swait.ge [sflag:s24], $0x800  }
0x2e: {  	[sflag:s24] =	ssyncset.done $0x0  }
0x2f: {  	s25 =	sshrl.u32 s10, $0x3;
	[sflag:s24] =	ssyncadd.s32 $0xFFFFF800  }
0x30: {  	[hbm:s18], [sflag:s0] =	dma.local [spmem:s25], $0x800  }
0x31: {  	_ =	swait.ge [sflag:s24], $0x800  }
0x32: {  	[sflag:s24] =	ssyncset.done $0x0  }
0x33: {  	s3 =	sshrl.u32 @!p0 s12, $0x3;
	[sflag:s24] =	ssyncadd.s32 $0xFFFFF800  }
0x34: {  	[hbm:s19], [sflag:s0] =	dma.local @!p0 [spmem:s3], $0x800  }
0x35: {  	s3 =	simm.s32 @!p0 $0x7  }
0x36: {  	_ =	swait.ge @!p0 [sflag:s3], $0x800  }
0x37: {  	s2 =	sadd.s32 $0x1, s2;
	[sflag:s3] =	ssyncset.done @!p0 $0x0  }
0x38: {  	p1 =	sne.s32 s2, s21;
	[sflag:s3] =	ssyncadd.s32 @!p0 $0xFFFFF800;
	s3 =	sshrl.u32 @p3 s11, $0x3  }
0x39: {  	[hbm:s20], [sflag:s0] =	dma.local @p3 [spmem:s3], $0x100  }
.Ltmp1:
0x3a: {  	_ = 	snop;
	(pc) =	sbr.rel @!p1 .LBB2_18-.Ltmp1, $4  }
0x3b: {  	s0 =	simm.s32 @p3 $0x7  }
0x3c: {  	_ =	swait.ge @p3 [sflag:s0], $0x100  }
0x3d: {  	[sflag:s0] =	ssyncset.done @p3 $0x0  }
0x3e: {  	[sflag:s0] =	ssyncadd.s32 @p3 $0xFFFFFF00  }
.LBB2_1:
0x3f: {  	s0 =	simm.s32 $0x0;
	s3 =	simm.s32 $0x200  }
.LBB2_2:
0x40: {  	p3 =	sne.s32 s3, $0xFE00;
	[tilespmem:s0+$0x1970] =	vst v0  }
0x41: {  	[tilespmem:s0+$0x1900] =	vst v0  }
0x42: {  	[tilespmem:s0+$0x1910] =	vst v0  }
.Ltmp2:
0x43: {  	[tilespmem:s0+$0x1920] =	vst v0;
	(pc) =	sbr.rel @p3 .LBB2_2-.Ltmp2, $4  }
0x44: {  	[tilespmem:s0+$0x1930] =	vst v0  }
0x45: {  	[tilespmem:s0+$0x1940] =	vst v0  }
0x46: {  	[tilespmem:s0+$0x1950] =	vst v0  }
0x47: {  	[tilespmem:s0+$0x1960] =	vst v0;
	s0 =	sshra.s32 s3, $0x2;
	s3 =	sadd.s32 $0x200, s3  }
0x48: {  	[tilespmem:s0+$0x1970] =	vst v0  }
0x49: {  	[tilespmem:s0+$0x1900] =	vst v0  }
0x4a: {  	[tilespmem:s0+$0x1910] =	vst v0  }
0x4b: {  	[tilespmem:s0+$0x1920] =	vst v0  }
0x4c: {  	[tilespmem:s0+$0x1930] =	vst v0  }
0x4d: {  	[tilespmem:s0+$0x1940] =	vst v0  }
0x4e: {  	[tilespmem:s0+$0x1950] =	vst v0  }
0x4f: {  	[tilespmem:s0+$0x1960] =	vst v0  }
0x50: {  	[spmem:s7] =	stream.linear.scatter [tilespmem:s23], [sflag:$0x7], $0x4000, $0x38;
	[tilespmem:$0x1D180] =	vst v63  }
0x51: {  	_ =	swait.ge [sflag:s24], $0x4000  }
0x52: {  	[sflag:s24] =	ssyncset.done $0x0  }
0x53: {  	[sflag:s24] =	ssyncadd.s32 $0xFFFFC000  }
0x54: {  	[spmem:s8] =	stream.linear.scatter [tilespmem:s23], [sflag:$0x7], $0x4000, $0x38;
	[tilespmem:$0x1D180] =	vst v63  }
0x55: {  	_ =	swait.ge [sflag:s24], $0x4000  }
0x56: {  	[sflag:s24] =	ssyncset.done $0x0  }
0x57: {  	[sflag:s24] =	ssyncadd.s32 $0xFFFFC000  }
0x58: {  	[spmem:s9] =	stream.linear.scatter [tilespmem:s23], [sflag:$0x7], $0x4000, $0x38;
	[tilespmem:$0x1D180] =	vst v63  }
0x59: {  	_ =	swait.ge [sflag:s24], $0x4000  }
0x5a: {  	[sflag:s24] =	ssyncset.done $0x0  }
0x5b: {  	[sflag:s24] =	ssyncadd.s32 $0xFFFFC000  }
0x5c: {  	[spmem:s10] =	stream.linear.scatter [tilespmem:s23], [sflag:$0x7], $0x4000, $0x38;
	[tilespmem:$0x1D180] =	vst v63  }
0x5d: {  	_ =	swait.ge [sflag:s24], $0x4000  }
0x5e: {  	s16 =	sld [smem:$0x7FC];
	_ =	sdelay $0x2  }
0x5f: {  	[sflag:s24] =	ssyncset.done $0x0;
	p1 =	seq.s32 s16, $0x1  }
0x60: {  	[sflag:s24] =	ssyncadd.s32 $0xFFFFC000;
	s0 =	simm.s32 @!p1 $0x1900  }
0x61: {  	[spmem:s11] =	stream.linear.scatter @!p1 [tilespmem:s0], [sflag:$0x7], $0x800, $0x38;
	[tilespmem:$0x1D180] =	vst v63  }
0x62: {  	s0 =	simm.s32 @!p1 $0x7  }
0x63: {  	_ =	swait.ge @!p1 [sflag:s0], $0x800  }
0x64: {  	[sflag:s0] =	ssyncset.done @!p1 $0x0  }
0x65: {  	[sflag:s0] =	ssyncadd.s32 @!p1 $0xFFFFF800;
	s0 =	simm.s32 @!p0 $0x1900  }
0x66: {  	[spmem:s12] =	stream.linear.scatter @!p0 [tilespmem:s0], [sflag:$0x7], $0x4000, $0x38;
	[tilespmem:$0x1D180] =	vst v63  }
0x67: {  	s0 =	simm.s32 @!p0 $0x7  }
0x68: {  	_ =	swait.ge @!p0 [sflag:s0], $0x4000  }
0x69: {  	[sflag:s0] =	ssyncset.done @!p0 $0x0  }
0x6a: {  	[sflag:s0] =	ssyncadd.s32 @!p0 $0xFFFFC000  }
0x6b: {  	[bflag:$0x0] =	sbarrier.arrive $0xFFFF  }
0x6c: {  	s0 =	simm.s32 $0x0;
	s3 =	rddreg [dreg:$0x3]  }
0x6d: {  	[tilespmem:s0], [sflag:$0x1] =	stream.linear.gather [hbm4b:s3+s0], $0x800, $0x38;
	[tilespmem:$0x1D180] =	vst v63  }
0x6e: {  	s13 =	simm.s32 $0x1000;
	s17 =	rddreg [dreg:$0x4]  }
0x6f: {  	[tilespmem:s13], [sflag:$0x1] =	stream.linear.gather [hbm4b:s17+s0], $0x400, $0x38;
	[tilespmem:$0x1D180] =	vst v63  }
0x70: {  	_ =	swait.ge [sflag:s26], $0x800  }
0x71: {  	[sflag:s26] =	ssyncset.done $0x0  }
0x72: {  	[sflag:s26] =	ssyncadd.s32 $0xFFFFF800  }
0x73: {  	_ =	swait.ge [sflag:s26], $0x400  }
0x74: {  	[sflag:s26] =	ssyncset.done $0x0;
	s25 =	sld [smem:$0x7FD]  }
.Ltmp3:
0x75: {  	[sflag:s26] =	ssyncadd.s32 $0xFFFFFC00;
	(pc) =	sbr.rel .LBB2_4-.Ltmp3, $4  }
0x76: {  	[tilespmem:s23], [sflag:$0x3] =	stream.indirect.gather [hbm4b:s4+s28], $0x80, s0, s28, $0xb8;
	[tilespmem:$0x1D180] =	vst v63  }
0x77: {  	p4 =	por @p0 $0x0, $0x0;
	p3 =	por @!p1 $0x1, $0x1;
	p1 =	seq.s32 s25, $0x1  }
0x78: {  	p3 =	por @!p1 p4, p4;
	p4 =	por @!p0 $0x0, $0x0  }
0x79: {  	p3 =	por @!p0 p4, p4  }
.LBB2_7:
0x7a: {  	p1 =	seq.s32 s25, $0x0;
	s3 =	simm.s32 $0x2  }
0x7b: {  	s3 =	simm.s32 @!p1 $0x1  }
0x7c: {  	_ =	swait.ge [sflag:s3], $0x800  }
0x7d: {  	[sflag:s3] =	ssyncset.done $0x0  }
0x7e: {  	[sflag:s3] =	ssyncadd.s32 $0xFFFFF800  }
0x7f: {  	_ =	swait.ge [sflag:s3], $0x400  }
0x80: {  	[sflag:s3] =	ssyncset.done $0x0  }
0x81: {  	s0 =	sadd.s32 $0x1, s0;
	[sflag:s3] =	ssyncadd.s32 $0xFFFFFC00;
	s3 =	simm.s32 $0x0  }
.LBB2_12:
0x82: {  	_ =	swait.ge [sflag:s29], $0x4000;
	s13 =	sand.u32 $0x8, s0  }
0x83: {  	s3 =	sshll.u32 s3, $0x8;
	[sflag:s29] =	ssyncset.done $0x0;
	p1 =	seq.s32 s13, $0x0  }
0x84: {  	[sflag:s29] =	ssyncadd.s32 $0xFFFFC000;
	s13 =	simm.s32 @p1 $0x80;
	s14 =	simm.s32 @p1 $0x1900  }
0x85: {  	[tilespmem:s14], [sflag:$0x3] =	stream.indirect.gather @p1 [hbm4b:s4+s13], $0x80, s3, s13, $0xb8;
	[tilespmem:$0x1D180] =	vst v63  }
0x86: {  	s3 =	sor.u32 @!p1 $0x800, s3;
	s13 =	simm.s32 @!p1 $0x80;
	s14 =	simm.s32 @!p1 $0x1900  }
0x87: {  	[tilespmem:s14], [sflag:$0x3] =	stream.indirect.gather @!p1 [hbm4b:s4+s13], $0x80, s3, s13, $0xb8;
	[tilespmem:$0x1D180] =	vst v63  }
.LBB2_16:
0x88: {  	p1 =	slt.u32 s0, $0x1E0  }
.Ltmp4:
0x89: {  	_ = 	snop;
	(pc) =	sbr.rel @!p1 .LBB2_17-.Ltmp4, $1  }
0x8a: {  	_ =	sdelay $0x3  }
.LBB2_4:
0x8b: {  	s3 =	sand.u32 $0x7, s0;
	p4 =	sgt.u32 s0, $0x1D7  }
0x8c: {  	s13 =	sshrl.u32 s0, $0x3;
	p5 =	sne.s32 @!p4 s3, $0x0  }
0x8d: {  	s25 =	sand.u32 $0x1, s13;
	p6 =	por p5, p4  }
0x8e: {  	p2 =	sne.s32 @!p6 s25, $0x0  }
0x8f: {  	s13 =	sadd.s32 @!p6 s22, s13;
	p1 =	por @!p4 !p2, p5  }
0x90: {  	s14 =	sshll.u32 @!p6 s13, $0x8;
	p1 =	por p1, p4  }
0x91: {  	s15 =	sand.u32 @!p1 $0x1FFFFE00, s14  }
0x92: {  	s13 =	sshll.u32 @!p6 s13, $0x7;
	s16 =	simm.s32 @!p1 $0x0;
	s15 =	sadd.s32 @!p1 s5, s15  }
0x93: {  	[tilespmem:s16], [sflag:$0x1] =	stream.linear.gather @!p1 [hbm4b:s15+s16], $0x800, $0x38;
	[tilespmem:$0x1D180] =	vst v63  }
0x94: {  	s15 =	sand.u32 @!p1 $0x1FFFFF00, s13  }
0x95: {  	s17 =	simm.s32 @!p1 $0x1000;
	s15 =	sadd.s32 @!p1 s6, s15  }
0x96: {  	[tilespmem:s17], [sflag:$0x1] =	stream.linear.gather @!p1 [hbm4b:s15+s16], $0x400, $0x38;
	[tilespmem:$0x1D180] =	vst v63  }
0x97: {  	p1 =	por @!p4 p2, p5  }
0x98: {  	p1 =	por p1, p4  }
0x99: {  	s14 =	sand.u32 @!p1 $0x1FFFFF00, s14  }
0x9a: {  	s15 =	simm.s32 @!p1 $0x0;
	s16 =	simm.s32 @!p1 $0x800;
	s14 =	sadd.s32 @!p1 s5, s14  }
0x9b: {  	[tilespmem:s16], [sflag:$0x2] =	stream.linear.gather @!p1 [hbm4b:s14+s15], $0x800, $0x38;
	[tilespmem:$0x1D180] =	vst v63  }
0x9c: {  	s14 =	sand.u32 @!p1 $0x1FFFFF80, s13  }
0x9d: {  	s13 =	sand.u32 $0x1, s0;
	s16 =	simm.s32 @!p1 $0x1400;
	s14 =	sadd.s32 @!p1 s6, s14  }
0x9e: {  	[tilespmem:s16], [sflag:$0x2] =	stream.linear.gather @!p1 [hbm4b:s14+s15], $0x400, $0x38;
	[tilespmem:$0x1D180] =	vst v63  }
0x9f: {  	p5 =	seq.s32 s13, $0x0;
	s14 =	simm.s32 $0x3  }
0xa0: {  	s14 =	simm.s32 @!p5 $0x4  }
0xa1: {  	_ =	swait.ge [sflag:s14], $0x4000  }
0xa2: {  	s17 =	sshll.u32 s3, $0x8;
	s16 =	sshll.u32 s25, $0xB;
	[sflag:s14] =	ssyncset.done $0x0  }
0xa3: {  	s17 =	sor.u32 s17, s16;
	[sflag:s14] =	ssyncadd.s32 $0xFFFFC000  }
0xa4: {  	v1 =	vld [tilespmem:s17+$0x80];
	_ =	sdelay $0x3  }
0xa5: {  	s15 =	sshll.u32 s13, $0x7  }
0xa6: {  	[tilespmem:s15+$0x1800] =	vst v1  }
0xa7: {  	v1 =	vld [tilespmem:s17+$0x90];
	_ =	sdelay $0x4  }
0xa8: {  	[tilespmem:s15+$0x1810] =	vst v1  }
0xa9: {  	v1 =	vld [tilespmem:s17+$0xA0];
	_ =	sdelay $0x4  }
0xaa: {  	[tilespmem:s15+$0x1820] =	vst v1  }
0xab: {  	v1 =	vld [tilespmem:s17+$0xB0];
	_ =	sdelay $0x4  }
0xac: {  	[tilespmem:s15+$0x1830] =	vst v1  }
0xad: {  	v1 =	vld [tilespmem:s17+$0xC0];
	_ =	sdelay $0x4  }
0xae: {  	[tilespmem:s15+$0x1840] =	vst v1  }
0xaf: {  	v1 =	vld [tilespmem:s17+$0xD0];
	_ =	sdelay $0x4  }
0xb0: {  	[tilespmem:s15+$0x1850] =	vst v1  }
0xb1: {  	v1 =	vld [tilespmem:s17+$0xE0];
	_ =	sdelay $0x4  }
0xb2: {  	[tilespmem:s15+$0x1860] =	vst v1  }
0xb3: {  	v1 =	vld [tilespmem:s17+$0xF0];
	_ =	sdelay $0x1  }
0xb4: {  	s16 =	sshll.u32 s25, $0xA;
	s17 =	sshll.u32 s3, $0x7  }
0xb5: {  	s14 =	sor.u32 s17, s16  }
0xb6: {  	s14 =	sor.u32 $0x1000, s14  }
0xb7: {  	s17 =	sshll.u32 s13, $0xE;
	[tilespmem:s15+$0x1870] =	vst v1;
	v1 =	vmov s14  }
0xb8: {  	s16 =	sor.u32 $0x1900, s17  }
0xb9: {  	v2 =	vmov s16;
	s14 =	simm.s32 $0x0  }
.LBB2_5:
0xba: {  	s15 =	sshll.u32 s14, $0x4  }
0xbb: {  	s15 =	sand.u32 $0x3FFFFFF0, s15  }
0xbc: {  	s17 =	sshll.u32 s14, $0xD;
	v3 =	vld.idx.msk [tilespmem:v1+s15+$0x0 ss:$0x1], $0xffff  }
0xbd: {  	s15 =	sshra.s32 s17, $0x2  }
0xbe: {  	v4 =	vld.idx.msk [tilespmem:v2+s15+$0x0 ss:$0x1], $0xffff;
	_ =	sdelay $0x2  }
0xbf: {  	v5 =	vbroadcast v3, $0x0;
	_ =	sdelay $0x1  }
0xc0: {  	v4 =	vmul.f32 v5, v4;
	_ =	sdelay $0x1  }
0xc1: {  	[tilespmem:v2+s15+$0x0 ss:$0x1] =	vst.idx.msk $0xffff, v4  }
0xc2: {  	v4 =	vld.idx.msk [tilespmem:v2+s15+$0x10 ss:$0x1], $0xffff;
	_ =	sdelay $0x4  }
0xc3: {  	v4 =	vmul.f32 v4, v5;
	_ =	sdelay $0x1  }
0xc4: {  	[tilespmem:v2+s15+$0x10 ss:$0x1] =	vst.idx.msk $0xffff, v4  }
0xc5: {  	v4 =	vld.idx.msk [tilespmem:v2+s15+$0x20 ss:$0x1], $0xffff;
	_ =	sdelay $0x4  }
0xc6: {  	v4 =	vmul.f32 v4, v5;
	_ =	sdelay $0x1  }
0xc7: {  	[tilespmem:v2+s15+$0x20 ss:$0x1] =	vst.idx.msk $0xffff, v4  }
0xc8: {  	v4 =	vld.idx.msk [tilespmem:v2+s15+$0x30 ss:$0x1], $0xffff;
	_ =	sdelay $0x4  }
0xc9: {  	v4 =	vmul.f32 v4, v5;
	_ =	sdelay $0x1  }
0xca: {  	[tilespmem:v2+s15+$0x30 ss:$0x1] =	vst.idx.msk $0xffff, v4  }
0xcb: {  	v4 =	vld.idx.msk [tilespmem:v2+s15+$0x40 ss:$0x1], $0xffff;
	_ =	sdelay $0x4  }
0xcc: {  	v4 =	vmul.f32 v4, v5;
	_ =	sdelay $0x1  }
0xcd: {  	[tilespmem:v2+s15+$0x40 ss:$0x1] =	vst.idx.msk $0xffff, v4  }
0xce: {  	v4 =	vld.idx.msk [tilespmem:v2+s15+$0x50 ss:$0x1], $0xffff;
	_ =	sdelay $0x4  }
0xcf: {  	v4 =	vmul.f32 v4, v5;
	_ =	sdelay $0x1  }
0xd0: {  	[tilespmem:v2+s15+$0x50 ss:$0x1] =	vst.idx.msk $0xffff, v4  }
0xd1: {  	v4 =	vld.idx.msk [tilespmem:v2+s15+$0x60 ss:$0x1], $0xffff;
	_ =	sdelay $0x4  }
0xd2: {  	v4 =	vmul.f32 v4, v5;
	_ =	sdelay $0x1  }
0xd3: {  	[tilespmem:v2+s15+$0x60 ss:$0x1] =	vst.idx.msk $0xffff, v4  }
0xd4: {  	v4 =	vld.idx.msk [tilespmem:v2+s15+$0x70 ss:$0x1], $0xffff;
	_ =	sdelay $0x4  }
0xd5: {  	v4 =	vmul.f32 v4, v5;
	_ =	sdelay $0x1  }
0xd6: {  	[tilespmem:v2+s15+$0x70 ss:$0x1] =	vst.idx.msk $0xffff, v4  }
0xd7: {  	v4 =	vld.idx.msk [tilespmem:v2+s15+$0x80 ss:$0x1], $0xffff;
	_ =	sdelay $0x2  }
0xd8: {  	v50 =	vbroadcast v3, $0x1;
	_ =	sdelay $0x1  }
0xd9: {  	v4 =	vmul.f32 v4, v50;
	_ =	sdelay $0x1  }
0xda: {  	[tilespmem:v2+s15+$0x80 ss:$0x1] =	vst.idx.msk $0xffff, v4  }
0xdb: {  	v4 =	vld.idx.msk [tilespmem:v2+s15+$0x90 ss:$0x1], $0xffff;
	_ =	sdelay $0x4  }
0xdc: {  	v4 =	vmul.f32 v4, v50;
	_ =	sdelay $0x1  }
0xdd: {  	[tilespmem:v2+s15+$0x90 ss:$0x1] =	vst.idx.msk $0xffff, v4  }
0xde: {  	v4 =	vld.idx.msk [tilespmem:v2+s15+$0xA0 ss:$0x1], $0xffff;
	_ =	sdelay $0x4  }
0xdf: {  	v4 =	vmul.f32 v4, v50;
	_ =	sdelay $0x1  }
0xe0: {  	[tilespmem:v2+s15+$0xA0 ss:$0x1] =	vst.idx.msk $0xffff, v4  }
0xe1: {  	v4 =	vld.idx.msk [tilespmem:v2+s15+$0xB0 ss:$0x1], $0xffff;
	_ =	sdelay $0x4  }
0xe2: {  	v4 =	vmul.f32 v4, v50;
	_ =	sdelay $0x1  }
0xe3: {  	[tilespmem:v2+s15+$0xB0 ss:$0x1] =	vst.idx.msk $0xffff, v4  }
0xe4: {  	v4 =	vld.idx.msk [tilespmem:v2+s15+$0xC0 ss:$0x1], $0xffff;
	_ =	sdelay $0x4  }
0xe5: {  	v4 =	vmul.f32 v4, v50;
	_ =	sdelay $0x1  }
0xe6: {  	[tilespmem:v2+s15+$0xC0 ss:$0x1] =	vst.idx.msk $0xffff, v4  }
0xe7: {  	v4 =	vld.idx.msk [tilespmem:v2+s15+$0xD0 ss:$0x1], $0xffff;
	_ =	sdelay $0x4  }
0xe8: {  	v4 =	vmul.f32 v4, v50;
	_ =	sdelay $0x1  }
0xe9: {  	[tilespmem:v2+s15+$0xD0 ss:$0x1] =	vst.idx.msk $0xffff, v4  }
0xea: {  	v4 =	vld.idx.msk [tilespmem:v2+s15+$0xE0 ss:$0x1], $0xffff;
	_ =	sdelay $0x4  }
0xeb: {  	v4 =	vmul.f32 v4, v50;
	_ =	sdelay $0x1  }
0xec: {  	[tilespmem:v2+s15+$0xE0 ss:$0x1] =	vst.idx.msk $0xffff, v4  }
0xed: {  	v4 =	vld.idx.msk [tilespmem:v2+s15+$0xF0 ss:$0x1], $0xffff;
	_ =	sdelay $0x4  }
0xee: {  	v4 =	vmul.f32 v4, v50;
	_ =	sdelay $0x1  }
0xef: {  	[tilespmem:v2+s15+$0xF0 ss:$0x1] =	vst.idx.msk $0xffff, v4  }
0xf0: {  	v4 =	vld.idx.msk [tilespmem:v2+s15+$0x100 ss:$0x1], $0xffff;
	_ =	sdelay $0x2  }
0xf1: {  	v51 =	vbroadcast v3, $0x2;
	_ =	sdelay $0x1  }
0xf2: {  	v4 =	vmul.f32 v4, v51;
	_ =	sdelay $0x1  }
0xf3: {  	[tilespmem:v2+s15+$0x100 ss:$0x1] =	vst.idx.msk $0xffff, v4  }
0xf4: {  	v4 =	vld.idx.msk [tilespmem:v2+s15+$0x110 ss:$0x1], $0xffff;
	_ =	sdelay $0x4  }
0xf5: {  	v4 =	vmul.f32 v4, v51;
	_ =	sdelay $0x1  }
0xf6: {  	[tilespmem:v2+s15+$0x110 ss:$0x1] =	vst.idx.msk $0xffff, v4  }
0xf7: {  	v4 =	vld.idx.msk [tilespmem:v2+s15+$0x120 ss:$0x1], $0xffff;
	_ =	sdelay $0x4  }
0xf8: {  	v4 =	vmul.f32 v4, v51;
	_ =	sdelay $0x1  }
0xf9: {  	[tilespmem:v2+s15+$0x120 ss:$0x1] =	vst.idx.msk $0xffff, v4  }
0xfa: {  	v4 =	vld.idx.msk [tilespmem:v2+s15+$0x130 ss:$0x1], $0xffff;
	_ =	sdelay $0x4  }
0xfb: {  	v4 =	vmul.f32 v4, v51;
	_ =	sdelay $0x1  }
0xfc: {  	[tilespmem:v2+s15+$0x130 ss:$0x1] =	vst.idx.msk $0xffff, v4  }
0xfd: {  	v4 =	vld.idx.msk [tilespmem:v2+s15+$0x140 ss:$0x1], $0xffff;
	_ =	sdelay $0x4  }
0xfe: {  	v4 =	vmul.f32 v4, v51;
	_ =	sdelay $0x1  }
0xff: {  	[tilespmem:v2+s15+$0x140 ss:$0x1] =	vst.idx.msk $0xffff, v4  }
0x100: {  	v4 =	vld.idx.msk [tilespmem:v2+s15+$0x150 ss:$0x1], $0xffff;
	_ =	sdelay $0x4  }
0x101: {  	v4 =	vmul.f32 v4, v51;
	_ =	sdelay $0x1  }
0x102: {  	[tilespmem:v2+s15+$0x150 ss:$0x1] =	vst.idx.msk $0xffff, v4  }
0x103: {  	v4 =	vld.idx.msk [tilespmem:v2+s15+$0x160 ss:$0x1], $0xffff;
	_ =	sdelay $0x4  }
0x104: {  	v4 =	vmul.f32 v4, v51;
	_ =	sdelay $0x1  }
0x105: {  	[tilespmem:v2+s15+$0x160 ss:$0x1] =	vst.idx.msk $0xffff, v4  }
0x106: {  	v4 =	vld.idx.msk [tilespmem:v2+s15+$0x170 ss:$0x1], $0xffff;
	_ =	sdelay $0x4  }
0x107: {  	v4 =	vmul.f32 v4, v51;
	_ =	sdelay $0x1  }
0x108: {  	[tilespmem:v2+s15+$0x170 ss:$0x1] =	vst.idx.msk $0xffff, v4  }
0x109: {  	v4 =	vld.idx.msk [tilespmem:v2+s15+$0x180 ss:$0x1], $0xffff;
	_ =	sdelay $0x2  }
0x10a: {  	v52 =	vbroadcast v3, $0x3;
	_ =	sdelay $0x1  }
0x10b: {  	v4 =	vmul.f32 v4, v52;
	_ =	sdelay $0x1  }
0x10c: {  	[tilespmem:v2+s15+$0x180 ss:$0x1] =	vst.idx.msk $0xffff, v4  }
0x10d: {  	v4 =	vld.idx.msk [tilespmem:v2+s15+$0x190 ss:$0x1], $0xffff;
	_ =	sdelay $0x4  }
0x10e: {  	v4 =	vmul.f32 v4, v52;
	_ =	sdelay $0x1  }
0x10f: {  	[tilespmem:v2+s15+$0x190 ss:$0x1] =	vst.idx.msk $0xffff, v4  }
0x110: {  	v4 =	vld.idx.msk [tilespmem:v2+s15+$0x1A0 ss:$0x1], $0xffff;
	_ =	sdelay $0x4  }
0x111: {  	v4 =	vmul.f32 v4, v52;
	_ =	sdelay $0x1  }
0x112: {  	[tilespmem:v2+s15+$0x1A0 ss:$0x1] =	vst.idx.msk $0xffff, v4  }
0x113: {  	v4 =	vld.idx.msk [tilespmem:v2+s15+$0x1B0 ss:$0x1], $0xffff;
	_ =	sdelay $0x4  }
0x114: {  	v4 =	vmul.f32 v4, v52;
	_ =	sdelay $0x1  }
0x115: {  	[tilespmem:v2+s15+$0x1B0 ss:$0x1] =	vst.idx.msk $0xffff, v4  }
0x116: {  	v4 =	vld.idx.msk [tilespmem:v2+s15+$0x1C0 ss:$0x1], $0xffff;
	_ =	sdelay $0x4  }
0x117: {  	v4 =	vmul.f32 v4, v52;
	_ =	sdelay $0x1  }
0x118: {  	[tilespmem:v2+s15+$0x1C0 ss:$0x1] =	vst.idx.msk $0xffff, v4  }
0x119: {  	v4 =	vld.idx.msk [tilespmem:v2+s15+$0x1D0 ss:$0x1], $0xffff;
	_ =	sdelay $0x4  }
0x11a: {  	v4 =	vmul.f32 v4, v52;
	_ =	sdelay $0x1  }
0x11b: {  	[tilespmem:v2+s15+$0x1D0 ss:$0x1] =	vst.idx.msk $0xffff, v4  }
0x11c: {  	v4 =	vld.idx.msk [tilespmem:v2+s15+$0x1E0 ss:$0x1], $0xffff;
	_ =	sdelay $0x4  }
0x11d: {  	v4 =	vmul.f32 v4, v52;
	_ =	sdelay $0x1  }
0x11e: {  	[tilespmem:v2+s15+$0x1E0 ss:$0x1] =	vst.idx.msk $0xffff, v4  }
0x11f: {  	v4 =	vld.idx.msk [tilespmem:v2+s15+$0x1F0 ss:$0x1], $0xffff;
	_ =	sdelay $0x4  }
0x120: {  	v4 =	vmul.f32 v4, v52;
	_ =	sdelay $0x1  }
0x121: {  	[tilespmem:v2+s15+$0x1F0 ss:$0x1] =	vst.idx.msk $0xffff, v4  }
0x122: {  	v4 =	vld.idx.msk [tilespmem:v2+s15+$0x200 ss:$0x1], $0xffff;
	_ =	sdelay $0x2  }
0x123: {  	v53 =	vbroadcast v3, $0x4;
	_ =	sdelay $0x1  }
0x124: {  	v4 =	vmul.f32 v4, v53;
	_ =	sdelay $0x1  }
0x125: {  	[tilespmem:v2+s15+$0x200 ss:$0x1] =	vst.idx.msk $0xffff, v4  }
0x126: {  	v4 =	vld.idx.msk [tilespmem:v2+s15+$0x210 ss:$0x1], $0xffff;
	_ =	sdelay $0x4  }
0x127: {  	v4 =	vmul.f32 v4, v53;
	_ =	sdelay $0x1  }
0x128: {  	[tilespmem:v2+s15+$0x210 ss:$0x1] =	vst.idx.msk $0xffff, v4  }
0x129: {  	v4 =	vld.idx.msk [tilespmem:v2+s15+$0x220 ss:$0x1], $0xffff;
	_ =	sdelay $0x4  }
0x12a: {  	v4 =	vmul.f32 v4, v53;
	_ =	sdelay $0x1  }
0x12b: {  	[tilespmem:v2+s15+$0x220 ss:$0x1] =	vst.idx.msk $0xffff, v4  }
0x12c: {  	v4 =	vld.idx.msk [tilespmem:v2+s15+$0x230 ss:$0x1], $0xffff;
	_ =	sdelay $0x4  }
0x12d: {  	v4 =	vmul.f32 v4, v53;
	_ =	sdelay $0x1  }
0x12e: {  	[tilespmem:v2+s15+$0x230 ss:$0x1] =	vst.idx.msk $0xffff, v4  }
0x12f: {  	v4 =	vld.idx.msk [tilespmem:v2+s15+$0x240 ss:$0x1], $0xffff;
	_ =	sdelay $0x4  }
0x130: {  	v4 =	vmul.f32 v4, v53;
	_ =	sdelay $0x1  }
0x131: {  	[tilespmem:v2+s15+$0x240 ss:$0x1] =	vst.idx.msk $0xffff, v4  }
0x132: {  	v4 =	vld.idx.msk [tilespmem:v2+s15+$0x250 ss:$0x1], $0xffff;
	_ =	sdelay $0x4  }
0x133: {  	v4 =	vmul.f32 v4, v53;
	_ =	sdelay $0x1  }
0x134: {  	[tilespmem:v2+s15+$0x250 ss:$0x1] =	vst.idx.msk $0xffff, v4  }
0x135: {  	v4 =	vld.idx.msk [tilespmem:v2+s15+$0x260 ss:$0x1], $0xffff;
	_ =	sdelay $0x4  }
0x136: {  	v4 =	vmul.f32 v4, v53;
	_ =	sdelay $0x1  }
0x137: {  	[tilespmem:v2+s15+$0x260 ss:$0x1] =	vst.idx.msk $0xffff, v4  }
0x138: {  	v4 =	vld.idx.msk [tilespmem:v2+s15+$0x270 ss:$0x1], $0xffff;
	_ =	sdelay $0x4  }
0x139: {  	v4 =	vmul.f32 v4, v53;
	_ =	sdelay $0x1  }
0x13a: {  	[tilespmem:v2+s15+$0x270 ss:$0x1] =	vst.idx.msk $0xffff, v4  }
0x13b: {  	v4 =	vld.idx.msk [tilespmem:v2+s15+$0x280 ss:$0x1], $0xffff;
	_ =	sdelay $0x2  }
0x13c: {  	v54 =	vbroadcast v3, $0x5;
	_ =	sdelay $0x1  }
0x13d: {  	v4 =	vmul.f32 v4, v54;
	_ =	sdelay $0x1  }
0x13e: {  	[tilespmem:v2+s15+$0x280 ss:$0x1] =	vst.idx.msk $0xffff, v4  }
0x13f: {  	v4 =	vld.idx.msk [tilespmem:v2+s15+$0x290 ss:$0x1], $0xffff;
	_ =	sdelay $0x4  }
0x140: {  	v4 =	vmul.f32 v4, v54;
	_ =	sdelay $0x1  }
0x141: {  	[tilespmem:v2+s15+$0x290 ss:$0x1] =	vst.idx.msk $0xffff, v4  }
0x142: {  	v4 =	vld.idx.msk [tilespmem:v2+s15+$0x2A0 ss:$0x1], $0xffff;
	_ =	sdelay $0x4  }
0x143: {  	v4 =	vmul.f32 v4, v54;
	_ =	sdelay $0x1  }
0x144: {  	[tilespmem:v2+s15+$0x2A0 ss:$0x1] =	vst.idx.msk $0xffff, v4  }
0x145: {  	v4 =	vld.idx.msk [tilespmem:v2+s15+$0x2B0 ss:$0x1], $0xffff;
	_ =	sdelay $0x4  }
0x146: {  	v4 =	vmul.f32 v4, v54;
	_ =	sdelay $0x1  }
0x147: {  	[tilespmem:v2+s15+$0x2B0 ss:$0x1] =	vst.idx.msk $0xffff, v4  }
0x148: {  	v4 =	vld.idx.msk [tilespmem:v2+s15+$0x2C0 ss:$0x1], $0xffff;
	_ =	sdelay $0x4  }
0x149: {  	v4 =	vmul.f32 v4, v54;
	_ =	sdelay $0x1  }
0x14a: {  	[tilespmem:v2+s15+$0x2C0 ss:$0x1] =	vst.idx.msk $0xffff, v4  }
0x14b: {  	v4 =	vld.idx.msk [tilespmem:v2+s15+$0x2D0 ss:$0x1], $0xffff;
	_ =	sdelay $0x4  }
0x14c: {  	v4 =	vmul.f32 v4, v54;
	_ =	sdelay $0x1  }
0x14d: {  	[tilespmem:v2+s15+$0x2D0 ss:$0x1] =	vst.idx.msk $0xffff, v4  }
0x14e: {  	v4 =	vld.idx.msk [tilespmem:v2+s15+$0x2E0 ss:$0x1], $0xffff;
	_ =	sdelay $0x4  }
0x14f: {  	v4 =	vmul.f32 v4, v54;
	_ =	sdelay $0x1  }
0x150: {  	[tilespmem:v2+s15+$0x2E0 ss:$0x1] =	vst.idx.msk $0xffff, v4  }
0x151: {  	v4 =	vld.idx.msk [tilespmem:v2+s15+$0x2F0 ss:$0x1], $0xffff;
	_ =	sdelay $0x4  }
0x152: {  	v4 =	vmul.f32 v4, v54;
	_ =	sdelay $0x1  }
0x153: {  	[tilespmem:v2+s15+$0x2F0 ss:$0x1] =	vst.idx.msk $0xffff, v4  }
0x154: {  	v4 =	vld.idx.msk [tilespmem:v2+s15+$0x300 ss:$0x1], $0xffff;
	_ =	sdelay $0x2  }
0x155: {  	v55 =	vbroadcast v3, $0x6;
	_ =	sdelay $0x1  }
0x156: {  	v4 =	vmul.f32 v4, v55;
	_ =	sdelay $0x1  }
0x157: {  	[tilespmem:v2+s15+$0x300 ss:$0x1] =	vst.idx.msk $0xffff, v4  }
0x158: {  	v4 =	vld.idx.msk [tilespmem:v2+s15+$0x310 ss:$0x1], $0xffff;
	_ =	sdelay $0x4  }
0x159: {  	v4 =	vmul.f32 v4, v55;
	_ =	sdelay $0x1  }
0x15a: {  	[tilespmem:v2+s15+$0x310 ss:$0x1] =	vst.idx.msk $0xffff, v4  }
0x15b: {  	v4 =	vld.idx.msk [tilespmem:v2+s15+$0x320 ss:$0x1], $0xffff;
	_ =	sdelay $0x4  }
0x15c: {  	v4 =	vmul.f32 v4, v55;
	_ =	sdelay $0x1  }
0x15d: {  	[tilespmem:v2+s15+$0x320 ss:$0x1] =	vst.idx.msk $0xffff, v4  }
0x15e: {  	v4 =	vld.idx.msk [tilespmem:v2+s15+$0x330 ss:$0x1], $0xffff;
	_ =	sdelay $0x4  }
0x15f: {  	v4 =	vmul.f32 v4, v55;
	_ =	sdelay $0x1  }
0x160: {  	[tilespmem:v2+s15+$0x330 ss:$0x1] =	vst.idx.msk $0xffff, v4  }
0x161: {  	v4 =	vld.idx.msk [tilespmem:v2+s15+$0x340 ss:$0x1], $0xffff;
	_ =	sdelay $0x4  }
0x162: {  	v4 =	vmul.f32 v4, v55;
	_ =	sdelay $0x1  }
0x163: {  	[tilespmem:v2+s15+$0x340 ss:$0x1] =	vst.idx.msk $0xffff, v4  }
0x164: {  	v4 =	vld.idx.msk [tilespmem:v2+s15+$0x350 ss:$0x1], $0xffff;
	_ =	sdelay $0x4  }
0x165: {  	v4 =	vmul.f32 v4, v55;
	_ =	sdelay $0x1  }
0x166: {  	[tilespmem:v2+s15+$0x350 ss:$0x1] =	vst.idx.msk $0xffff, v4  }
0x167: {  	v4 =	vld.idx.msk [tilespmem:v2+s15+$0x360 ss:$0x1], $0xffff;
	_ =	sdelay $0x4  }
0x168: {  	v4 =	vmul.f32 v4, v55;
	_ =	sdelay $0x1  }
0x169: {  	[tilespmem:v2+s15+$0x360 ss:$0x1] =	vst.idx.msk $0xffff, v4  }
0x16a: {  	v4 =	vld.idx.msk [tilespmem:v2+s15+$0x370 ss:$0x1], $0xffff;
	_ =	sdelay $0x4  }
0x16b: {  	v4 =	vmul.f32 v4, v55;
	_ =	sdelay $0x1  }
0x16c: {  	[tilespmem:v2+s15+$0x370 ss:$0x1] =	vst.idx.msk $0xffff, v4  }
0x16d: {  	v4 =	vld.idx.msk [tilespmem:v2+s15+$0x380 ss:$0x1], $0xffff;
	_ =	sdelay $0x2  }
0x16e: {  	v56 =	vbroadcast v3, $0x7;
	_ =	sdelay $0x1  }
0x16f: {  	v4 =	vmul.f32 v4, v56;
	_ =	sdelay $0x1  }
0x170: {  	[tilespmem:v2+s15+$0x380 ss:$0x1] =	vst.idx.msk $0xffff, v4  }
0x171: {  	v4 =	vld.idx.msk [tilespmem:v2+s15+$0x390 ss:$0x1], $0xffff;
	_ =	sdelay $0x4  }
0x172: {  	v4 =	vmul.f32 v4, v56;
	_ =	sdelay $0x1  }
0x173: {  	[tilespmem:v2+s15+$0x390 ss:$0x1] =	vst.idx.msk $0xffff, v4  }
0x174: {  	v4 =	vld.idx.msk [tilespmem:v2+s15+$0x3A0 ss:$0x1], $0xffff;
	_ =	sdelay $0x4  }
0x175: {  	v4 =	vmul.f32 v4, v56;
	_ =	sdelay $0x1  }
0x176: {  	[tilespmem:v2+s15+$0x3A0 ss:$0x1] =	vst.idx.msk $0xffff, v4  }
0x177: {  	v4 =	vld.idx.msk [tilespmem:v2+s15+$0x3B0 ss:$0x1], $0xffff;
	_ =	sdelay $0x4  }
0x178: {  	v4 =	vmul.f32 v4, v56;
	_ =	sdelay $0x1  }
0x179: {  	[tilespmem:v2+s15+$0x3B0 ss:$0x1] =	vst.idx.msk $0xffff, v4  }
0x17a: {  	v4 =	vld.idx.msk [tilespmem:v2+s15+$0x3C0 ss:$0x1], $0xffff;
	_ =	sdelay $0x4  }
0x17b: {  	v4 =	vmul.f32 v4, v56;
	_ =	sdelay $0x1  }
0x17c: {  	[tilespmem:v2+s15+$0x3C0 ss:$0x1] =	vst.idx.msk $0xffff, v4  }
0x17d: {  	v4 =	vld.idx.msk [tilespmem:v2+s15+$0x3D0 ss:$0x1], $0xffff;
	_ =	sdelay $0x4  }
0x17e: {  	v4 =	vmul.f32 v4, v56;
	_ =	sdelay $0x1  }
0x17f: {  	[tilespmem:v2+s15+$0x3D0 ss:$0x1] =	vst.idx.msk $0xffff, v4  }
0x180: {  	v4 =	vld.idx.msk [tilespmem:v2+s15+$0x3E0 ss:$0x1], $0xffff;
	_ =	sdelay $0x4  }
0x181: {  	v4 =	vmul.f32 v4, v56;
	_ =	sdelay $0x1  }
0x182: {  	[tilespmem:v2+s15+$0x3E0 ss:$0x1] =	vst.idx.msk $0xffff, v4  }
0x183: {  	v4 =	vld.idx.msk [tilespmem:v2+s15+$0x3F0 ss:$0x1], $0xffff;
	_ =	sdelay $0x4  }
0x184: {  	v4 =	vmul.f32 v4, v56;
	_ =	sdelay $0x1  }
0x185: {  	[tilespmem:v2+s15+$0x3F0 ss:$0x1] =	vst.idx.msk $0xffff, v4  }
0x186: {  	v4 =	vld.idx.msk [tilespmem:v2+s15+$0x400 ss:$0x1], $0xffff;
	_ =	sdelay $0x2  }
0x187: {  	v57 =	vbroadcast v3, $0x8;
	_ =	sdelay $0x1  }
0x188: {  	v4 =	vmul.f32 v4, v57;
	_ =	sdelay $0x1  }
0x189: {  	[tilespmem:v2+s15+$0x400 ss:$0x1] =	vst.idx.msk $0xffff, v4  }
0x18a: {  	v4 =	vld.idx.msk [tilespmem:v2+s15+$0x410 ss:$0x1], $0xffff;
	_ =	sdelay $0x4  }
0x18b: {  	v4 =	vmul.f32 v4, v57;
	_ =	sdelay $0x1  }
0x18c: {  	[tilespmem:v2+s15+$0x410 ss:$0x1] =	vst.idx.msk $0xffff, v4  }
0x18d: {  	v4 =	vld.idx.msk [tilespmem:v2+s15+$0x420 ss:$0x1], $0xffff;
	_ =	sdelay $0x4  }
0x18e: {  	v4 =	vmul.f32 v4, v57;
	_ =	sdelay $0x1  }
0x18f: {  	[tilespmem:v2+s15+$0x420 ss:$0x1] =	vst.idx.msk $0xffff, v4  }
0x190: {  	v4 =	vld.idx.msk [tilespmem:v2+s15+$0x430 ss:$0x1], $0xffff;
	_ =	sdelay $0x4  }
0x191: {  	v4 =	vmul.f32 v4, v57;
	_ =	sdelay $0x1  }
0x192: {  	[tilespmem:v2+s15+$0x430 ss:$0x1] =	vst.idx.msk $0xffff, v4  }
0x193: {  	v4 =	vld.idx.msk [tilespmem:v2+s15+$0x440 ss:$0x1], $0xffff;
	_ =	sdelay $0x4  }
0x194: {  	v4 =	vmul.f32 v4, v57;
	_ =	sdelay $0x1  }
0x195: {  	[tilespmem:v2+s15+$0x440 ss:$0x1] =	vst.idx.msk $0xffff, v4  }
0x196: {  	v4 =	vld.idx.msk [tilespmem:v2+s15+$0x450 ss:$0x1], $0xffff;
	_ =	sdelay $0x4  }
0x197: {  	v4 =	vmul.f32 v4, v57;
	_ =	sdelay $0x1  }
0x198: {  	[tilespmem:v2+s15+$0x450 ss:$0x1] =	vst.idx.msk $0xffff, v4  }
0x199: {  	v4 =	vld.idx.msk [tilespmem:v2+s15+$0x460 ss:$0x1], $0xffff;
	_ =	sdelay $0x4  }
0x19a: {  	v4 =	vmul.f32 v4, v57;
	_ =	sdelay $0x1  }
0x19b: {  	[tilespmem:v2+s15+$0x460 ss:$0x1] =	vst.idx.msk $0xffff, v4  }
0x19c: {  	v4 =	vld.idx.msk [tilespmem:v2+s15+$0x470 ss:$0x1], $0xffff;
	_ =	sdelay $0x4  }
0x19d: {  	v4 =	vmul.f32 v4, v57;
	_ =	sdelay $0x1  }
0x19e: {  	[tilespmem:v2+s15+$0x470 ss:$0x1] =	vst.idx.msk $0xffff, v4  }
0x19f: {  	v4 =	vld.idx.msk [tilespmem:v2+s15+$0x480 ss:$0x1], $0xffff;
	_ =	sdelay $0x2  }
0x1a0: {  	v58 =	vbroadcast v3, $0x9;
	_ =	sdelay $0x1  }
0x1a1: {  	v4 =	vmul.f32 v4, v58;
	_ =	sdelay $0x1  }
0x1a2: {  	[tilespmem:v2+s15+$0x480 ss:$0x1] =	vst.idx.msk $0xffff, v4  }
0x1a3: {  	v4 =	vld.idx.msk [tilespmem:v2+s15+$0x490 ss:$0x1], $0xffff;
	_ =	sdelay $0x4  }
0x1a4: {  	v4 =	vmul.f32 v4, v58;
	_ =	sdelay $0x1  }
0x1a5: {  	[tilespmem:v2+s15+$0x490 ss:$0x1] =	vst.idx.msk $0xffff, v4  }
0x1a6: {  	v4 =	vld.idx.msk [tilespmem:v2+s15+$0x4A0 ss:$0x1], $0xffff;
	_ =	sdelay $0x4  }
0x1a7: {  	v4 =	vmul.f32 v4, v58;
	_ =	sdelay $0x1  }
0x1a8: {  	[tilespmem:v2+s15+$0x4A0 ss:$0x1] =	vst.idx.msk $0xffff, v4  }
0x1a9: {  	v4 =	vld.idx.msk [tilespmem:v2+s15+$0x4B0 ss:$0x1], $0xffff;
	_ =	sdelay $0x4  }
0x1aa: {  	v4 =	vmul.f32 v4, v58;
	_ =	sdelay $0x1  }
0x1ab: {  	[tilespmem:v2+s15+$0x4B0 ss:$0x1] =	vst.idx.msk $0xffff, v4  }
0x1ac: {  	v4 =	vld.idx.msk [tilespmem:v2+s15+$0x4C0 ss:$0x1], $0xffff;
	_ =	sdelay $0x4  }
0x1ad: {  	v4 =	vmul.f32 v4, v58;
	_ =	sdelay $0x1  }
0x1ae: {  	[tilespmem:v2+s15+$0x4C0 ss:$0x1] =	vst.idx.msk $0xffff, v4  }
0x1af: {  	v4 =	vld.idx.msk [tilespmem:v2+s15+$0x4D0 ss:$0x1], $0xffff;
	_ =	sdelay $0x4  }
0x1b0: {  	v4 =	vmul.f32 v4, v58;
	_ =	sdelay $0x1  }
0x1b1: {  	[tilespmem:v2+s15+$0x4D0 ss:$0x1] =	vst.idx.msk $0xffff, v4  }
0x1b2: {  	v4 =	vld.idx.msk [tilespmem:v2+s15+$0x4E0 ss:$0x1], $0xffff;
	_ =	sdelay $0x4  }
0x1b3: {  	v4 =	vmul.f32 v4, v58;
	_ =	sdelay $0x1  }
0x1b4: {  	[tilespmem:v2+s15+$0x4E0 ss:$0x1] =	vst.idx.msk $0xffff, v4  }
0x1b5: {  	v4 =	vld.idx.msk [tilespmem:v2+s15+$0x4F0 ss:$0x1], $0xffff;
	_ =	sdelay $0x4  }
0x1b6: {  	v4 =	vmul.f32 v4, v58;
	_ =	sdelay $0x1  }
0x1b7: {  	[tilespmem:v2+s15+$0x4F0 ss:$0x1] =	vst.idx.msk $0xffff, v4  }
0x1b8: {  	v4 =	vld.idx.msk [tilespmem:v2+s15+$0x500 ss:$0x1], $0xffff;
	_ =	sdelay $0x2  }
0x1b9: {  	v59 =	vbroadcast v3, $0xA;
	_ =	sdelay $0x1  }
0x1ba: {  	v4 =	vmul.f32 v4, v59;
	_ =	sdelay $0x1  }
0x1bb: {  	[tilespmem:v2+s15+$0x500 ss:$0x1] =	vst.idx.msk $0xffff, v4  }
0x1bc: {  	v4 =	vld.idx.msk [tilespmem:v2+s15+$0x510 ss:$0x1], $0xffff;
	_ =	sdelay $0x4  }
0x1bd: {  	v4 =	vmul.f32 v4, v59;
	_ =	sdelay $0x1  }
0x1be: {  	[tilespmem:v2+s15+$0x510 ss:$0x1] =	vst.idx.msk $0xffff, v4  }
0x1bf: {  	v4 =	vld.idx.msk [tilespmem:v2+s15+$0x520 ss:$0x1], $0xffff;
	_ =	sdelay $0x4  }
0x1c0: {  	v4 =	vmul.f32 v4, v59;
	_ =	sdelay $0x1  }
0x1c1: {  	[tilespmem:v2+s15+$0x520 ss:$0x1] =	vst.idx.msk $0xffff, v4  }
0x1c2: {  	v4 =	vld.idx.msk [tilespmem:v2+s15+$0x530 ss:$0x1], $0xffff;
	_ =	sdelay $0x4  }
0x1c3: {  	v4 =	vmul.f32 v4, v59;
	_ =	sdelay $0x1  }
0x1c4: {  	[tilespmem:v2+s15+$0x530 ss:$0x1] =	vst.idx.msk $0xffff, v4  }
0x1c5: {  	v4 =	vld.idx.msk [tilespmem:v2+s15+$0x540 ss:$0x1], $0xffff;
	_ =	sdelay $0x4  }
0x1c6: {  	v4 =	vmul.f32 v4, v59;
	_ =	sdelay $0x1  }
0x1c7: {  	[tilespmem:v2+s15+$0x540 ss:$0x1] =	vst.idx.msk $0xffff, v4  }
0x1c8: {  	v4 =	vld.idx.msk [tilespmem:v2+s15+$0x550 ss:$0x1], $0xffff;
	_ =	sdelay $0x4  }
0x1c9: {  	v4 =	vmul.f32 v4, v59;
	_ =	sdelay $0x1  }
0x1ca: {  	[tilespmem:v2+s15+$0x550 ss:$0x1] =	vst.idx.msk $0xffff, v4  }
0x1cb: {  	v4 =	vld.idx.msk [tilespmem:v2+s15+$0x560 ss:$0x1], $0xffff;
	_ =	sdelay $0x4  }
0x1cc: {  	v4 =	vmul.f32 v4, v59;
	_ =	sdelay $0x1  }
0x1cd: {  	[tilespmem:v2+s15+$0x560 ss:$0x1] =	vst.idx.msk $0xffff, v4  }
0x1ce: {  	v4 =	vld.idx.msk [tilespmem:v2+s15+$0x570 ss:$0x1], $0xffff;
	_ =	sdelay $0x4  }
0x1cf: {  	v4 =	vmul.f32 v4, v59;
	_ =	sdelay $0x1  }
0x1d0: {  	[tilespmem:v2+s15+$0x570 ss:$0x1] =	vst.idx.msk $0xffff, v4  }
0x1d1: {  	v4 =	vld.idx.msk [tilespmem:v2+s15+$0x580 ss:$0x1], $0xffff;
	_ =	sdelay $0x2  }
0x1d2: {  	v60 =	vbroadcast v3, $0xB;
	_ =	sdelay $0x1  }
0x1d3: {  	v4 =	vmul.f32 v4, v60;
	_ =	sdelay $0x1  }
0x1d4: {  	[tilespmem:v2+s15+$0x580 ss:$0x1] =	vst.idx.msk $0xffff, v4  }
0x1d5: {  	v4 =	vld.idx.msk [tilespmem:v2+s15+$0x590 ss:$0x1], $0xffff;
	_ =	sdelay $0x4  }
0x1d6: {  	v4 =	vmul.f32 v4, v60;
	_ =	sdelay $0x1  }
0x1d7: {  	[tilespmem:v2+s15+$0x590 ss:$0x1] =	vst.idx.msk $0xffff, v4  }
0x1d8: {  	v4 =	vld.idx.msk [tilespmem:v2+s15+$0x5A0 ss:$0x1], $0xffff;
	_ =	sdelay $0x4  }
0x1d9: {  	v4 =	vmul.f32 v4, v60;
	_ =	sdelay $0x1  }
0x1da: {  	[tilespmem:v2+s15+$0x5A0 ss:$0x1] =	vst.idx.msk $0xffff, v4  }
0x1db: {  	v4 =	vld.idx.msk [tilespmem:v2+s15+$0x5B0 ss:$0x1], $0xffff;
	_ =	sdelay $0x4  }
0x1dc: {  	v4 =	vmul.f32 v4, v60;
	_ =	sdelay $0x1  }
0x1dd: {  	[tilespmem:v2+s15+$0x5B0 ss:$0x1] =	vst.idx.msk $0xffff, v4  }
0x1de: {  	v4 =	vld.idx.msk [tilespmem:v2+s15+$0x5C0 ss:$0x1], $0xffff;
	_ =	sdelay $0x4  }
0x1df: {  	v4 =	vmul.f32 v4, v60;
	_ =	sdelay $0x1  }
0x1e0: {  	[tilespmem:v2+s15+$0x5C0 ss:$0x1] =	vst.idx.msk $0xffff, v4  }
0x1e1: {  	v4 =	vld.idx.msk [tilespmem:v2+s15+$0x5D0 ss:$0x1], $0xffff;
	_ =	sdelay $0x4  }
0x1e2: {  	v4 =	vmul.f32 v4, v60;
	_ =	sdelay $0x1  }
0x1e3: {  	[tilespmem:v2+s15+$0x5D0 ss:$0x1] =	vst.idx.msk $0xffff, v4  }
0x1e4: {  	v4 =	vld.idx.msk [tilespmem:v2+s15+$0x5E0 ss:$0x1], $0xffff;
	_ =	sdelay $0x4  }
0x1e5: {  	v4 =	vmul.f32 v4, v60;
	_ =	sdelay $0x1  }
0x1e6: {  	[tilespmem:v2+s15+$0x5E0 ss:$0x1] =	vst.idx.msk $0xffff, v4  }
0x1e7: {  	v4 =	vld.idx.msk [tilespmem:v2+s15+$0x5F0 ss:$0x1], $0xffff;
	_ =	sdelay $0x4  }
0x1e8: {  	v4 =	vmul.f32 v4, v60;
	_ =	sdelay $0x1  }
0x1e9: {  	[tilespmem:v2+s15+$0x5F0 ss:$0x1] =	vst.idx.msk $0xffff, v4  }
0x1ea: {  	v4 =	vld.idx.msk [tilespmem:v2+s15+$0x600 ss:$0x1], $0xffff;
	_ =	sdelay $0x2  }
0x1eb: {  	v61 =	vbroadcast v3, $0xC;
	_ =	sdelay $0x1  }
0x1ec: {  	v4 =	vmul.f32 v4, v61;
	_ =	sdelay $0x1  }
0x1ed: {  	[tilespmem:v2+s15+$0x600 ss:$0x1] =	vst.idx.msk $0xffff, v4  }
0x1ee: {  	v4 =	vld.idx.msk [tilespmem:v2+s15+$0x610 ss:$0x1], $0xffff;
	_ =	sdelay $0x4  }
0x1ef: {  	v4 =	vmul.f32 v4, v61;
	_ =	sdelay $0x1  }
0x1f0: {  	[tilespmem:v2+s15+$0x610 ss:$0x1] =	vst.idx.msk $0xffff, v4  }
0x1f1: {  	v4 =	vld.idx.msk [tilespmem:v2+s15+$0x620 ss:$0x1], $0xffff;
	_ =	sdelay $0x4  }
0x1f2: {  	v4 =	vmul.f32 v4, v61;
	_ =	sdelay $0x1  }
0x1f3: {  	[tilespmem:v2+s15+$0x620 ss:$0x1] =	vst.idx.msk $0xffff, v4  }
0x1f4: {  	v4 =	vld.idx.msk [tilespmem:v2+s15+$0x630 ss:$0x1], $0xffff;
	_ =	sdelay $0x4  }
0x1f5: {  	v4 =	vmul.f32 v4, v61;
	_ =	sdelay $0x1  }
0x1f6: {  	[tilespmem:v2+s15+$0x630 ss:$0x1] =	vst.idx.msk $0xffff, v4  }
0x1f7: {  	v4 =	vld.idx.msk [tilespmem:v2+s15+$0x640 ss:$0x1], $0xffff;
	_ =	sdelay $0x4  }
0x1f8: {  	v4 =	vmul.f32 v4, v61;
	_ =	sdelay $0x1  }
0x1f9: {  	[tilespmem:v2+s15+$0x640 ss:$0x1] =	vst.idx.msk $0xffff, v4  }
0x1fa: {  	v4 =	vld.idx.msk [tilespmem:v2+s15+$0x650 ss:$0x1], $0xffff;
	_ =	sdelay $0x4  }
0x1fb: {  	v4 =	vmul.f32 v4, v61;
	_ =	sdelay $0x1  }
0x1fc: {  	[tilespmem:v2+s15+$0x650 ss:$0x1] =	vst.idx.msk $0xffff, v4  }
0x1fd: {  	v4 =	vld.idx.msk [tilespmem:v2+s15+$0x660 ss:$0x1], $0xffff;
	_ =	sdelay $0x4  }
0x1fe: {  	v4 =	vmul.f32 v4, v61;
	_ =	sdelay $0x1  }
0x1ff: {  	[tilespmem:v2+s15+$0x660 ss:$0x1] =	vst.idx.msk $0xffff, v4  }
0x200: {  	v4 =	vld.idx.msk [tilespmem:v2+s15+$0x670 ss:$0x1], $0xffff;
	_ =	sdelay $0x4  }
0x201: {  	v4 =	vmul.f32 v4, v61;
	_ =	sdelay $0x1  }
0x202: {  	[tilespmem:v2+s15+$0x670 ss:$0x1] =	vst.idx.msk $0xffff, v4  }
0x203: {  	v4 =	vld.idx.msk [tilespmem:v2+s15+$0x680 ss:$0x1], $0xffff;
	_ =	sdelay $0x2  }
0x204: {  	v62 =	vbroadcast v3, $0xD;
	_ =	sdelay $0x1  }
0x205: {  	v4 =	vmul.f32 v4, v62;
	_ =	sdelay $0x1  }
0x206: {  	[tilespmem:v2+s15+$0x680 ss:$0x1] =	vst.idx.msk $0xffff, v4  }
0x207: {  	v4 =	vld.idx.msk [tilespmem:v2+s15+$0x690 ss:$0x1], $0xffff;
	_ =	sdelay $0x4  }
0x208: {  	v4 =	vmul.f32 v4, v62;
	_ =	sdelay $0x1  }
0x209: {  	[tilespmem:v2+s15+$0x690 ss:$0x1] =	vst.idx.msk $0xffff, v4  }
0x20a: {  	v4 =	vld.idx.msk [tilespmem:v2+s15+$0x6A0 ss:$0x1], $0xffff;
	_ =	sdelay $0x4  }
0x20b: {  	v4 =	vmul.f32 v4, v62;
	_ =	sdelay $0x1  }
0x20c: {  	[tilespmem:v2+s15+$0x6A0 ss:$0x1] =	vst.idx.msk $0xffff, v4  }
0x20d: {  	v4 =	vld.idx.msk [tilespmem:v2+s15+$0x6B0 ss:$0x1], $0xffff;
	_ =	sdelay $0x4  }
0x20e: {  	v4 =	vmul.f32 v4, v62;
	_ =	sdelay $0x1  }
0x20f: {  	[tilespmem:v2+s15+$0x6B0 ss:$0x1] =	vst.idx.msk $0xffff, v4  }
0x210: {  	v4 =	vld.idx.msk [tilespmem:v2+s15+$0x6C0 ss:$0x1], $0xffff;
	_ =	sdelay $0x4  }
0x211: {  	v4 =	vmul.f32 v4, v62;
	_ =	sdelay $0x1  }
0x212: {  	[tilespmem:v2+s15+$0x6C0 ss:$0x1] =	vst.idx.msk $0xffff, v4  }
0x213: {  	v4 =	vld.idx.msk [tilespmem:v2+s15+$0x6D0 ss:$0x1], $0xffff;
	_ =	sdelay $0x4  }
0x214: {  	v4 =	vmul.f32 v4, v62;
	_ =	sdelay $0x1  }
0x215: {  	[tilespmem:v2+s15+$0x6D0 ss:$0x1] =	vst.idx.msk $0xffff, v4  }
0x216: {  	v4 =	vld.idx.msk [tilespmem:v2+s15+$0x6E0 ss:$0x1], $0xffff;
	_ =	sdelay $0x4  }
0x217: {  	v4 =	vmul.f32 v4, v62;
	_ =	sdelay $0x1  }
0x218: {  	[tilespmem:v2+s15+$0x6E0 ss:$0x1] =	vst.idx.msk $0xffff, v4  }
0x219: {  	v4 =	vld.idx.msk [tilespmem:v2+s15+$0x6F0 ss:$0x1], $0xffff;
	_ =	sdelay $0x4  }
0x21a: {  	v4 =	vmul.f32 v4, v62;
	_ =	sdelay $0x1  }
0x21b: {  	[tilespmem:v2+s15+$0x6F0 ss:$0x1] =	vst.idx.msk $0xffff, v4  }
0x21c: {  	v4 =	vld.idx.msk [tilespmem:v2+s15+$0x700 ss:$0x1], $0xffff;
	_ =	sdelay $0x2  }
0x21d: {  	v63 =	vbroadcast v3, $0xE;
	_ =	sdelay $0x1  }
0x21e: {  	v4 =	vmul.f32 v4, v63;
	_ =	sdelay $0x1  }
0x21f: {  	[tilespmem:v2+s15+$0x700 ss:$0x1] =	vst.idx.msk $0xffff, v4  }
0x220: {  	v4 =	vld.idx.msk [tilespmem:v2+s15+$0x710 ss:$0x1], $0xffff;
	_ =	sdelay $0x4  }
0x221: {  	v4 =	vmul.f32 v4, v63;
	_ =	sdelay $0x1  }
0x222: {  	[tilespmem:v2+s15+$0x710 ss:$0x1] =	vst.idx.msk $0xffff, v4  }
0x223: {  	v4 =	vld.idx.msk [tilespmem:v2+s15+$0x720 ss:$0x1], $0xffff;
	_ =	sdelay $0x4  }
0x224: {  	v4 =	vmul.f32 v4, v63;
	_ =	sdelay $0x1  }
0x225: {  	[tilespmem:v2+s15+$0x720 ss:$0x1] =	vst.idx.msk $0xffff, v4  }
0x226: {  	v4 =	vld.idx.msk [tilespmem:v2+s15+$0x730 ss:$0x1], $0xffff;
	_ =	sdelay $0x4  }
0x227: {  	v4 =	vmul.f32 v4, v63;
	_ =	sdelay $0x1  }
0x228: {  	[tilespmem:v2+s15+$0x730 ss:$0x1] =	vst.idx.msk $0xffff, v4  }
0x229: {  	v4 =	vld.idx.msk [tilespmem:v2+s15+$0x740 ss:$0x1], $0xffff;
	_ =	sdelay $0x4  }
0x22a: {  	v4 =	vmul.f32 v4, v63;
	_ =	sdelay $0x1  }
0x22b: {  	[tilespmem:v2+s15+$0x740 ss:$0x1] =	vst.idx.msk $0xffff, v4  }
0x22c: {  	v4 =	vld.idx.msk [tilespmem:v2+s15+$0x750 ss:$0x1], $0xffff;
	_ =	sdelay $0x4  }
0x22d: {  	v4 =	vmul.f32 v4, v63;
	_ =	sdelay $0x1  }
0x22e: {  	[tilespmem:v2+s15+$0x750 ss:$0x1] =	vst.idx.msk $0xffff, v4  }
0x22f: {  	v4 =	vld.idx.msk [tilespmem:v2+s15+$0x760 ss:$0x1], $0xffff;
	_ =	sdelay $0x4  }
0x230: {  	v4 =	vmul.f32 v4, v63;
	_ =	sdelay $0x1  }
0x231: {  	[tilespmem:v2+s15+$0x760 ss:$0x1] =	vst.idx.msk $0xffff, v4  }
0x232: {  	v4 =	vld.idx.msk [tilespmem:v2+s15+$0x770 ss:$0x1], $0xffff;
	_ =	sdelay $0x4  }
0x233: {  	v4 =	vmul.f32 v4, v63;
	_ =	sdelay $0x1  }
0x234: {  	[tilespmem:v2+s15+$0x770 ss:$0x1] =	vst.idx.msk $0xffff, v4  }
0x235: {  	v4 =	vld.idx.msk [tilespmem:v2+s15+$0x780 ss:$0x1], $0xffff;
	_ =	sdelay $0x2  }
0x236: {  	v3 =	vbroadcast v3, $0xF;
	_ =	sdelay $0x1  }
0x237: {  	v4 =	vmul.f32 v4, v3;
	_ =	sdelay $0x1  }
0x238: {  	[tilespmem:v2+s15+$0x780 ss:$0x1] =	vst.idx.msk $0xffff, v4  }
0x239: {  	v4 =	vld.idx.msk [tilespmem:v2+s15+$0x790 ss:$0x1], $0xffff;
	_ =	sdelay $0x4  }
0x23a: {  	v4 =	vmul.f32 v4, v3;
	_ =	sdelay $0x1  }
0x23b: {  	[tilespmem:v2+s15+$0x790 ss:$0x1] =	vst.idx.msk $0xffff, v4  }
0x23c: {  	v4 =	vld.idx.msk [tilespmem:v2+s15+$0x7A0 ss:$0x1], $0xffff;
	_ =	sdelay $0x4  }
0x23d: {  	v4 =	vmul.f32 v4, v3;
	_ =	sdelay $0x1  }
0x23e: {  	[tilespmem:v2+s15+$0x7A0 ss:$0x1] =	vst.idx.msk $0xffff, v4  }
0x23f: {  	v4 =	vld.idx.msk [tilespmem:v2+s15+$0x7B0 ss:$0x1], $0xffff;
	_ =	sdelay $0x4  }
0x240: {  	v4 =	vmul.f32 v4, v3;
	_ =	sdelay $0x1  }
0x241: {  	[tilespmem:v2+s15+$0x7B0 ss:$0x1] =	vst.idx.msk $0xffff, v4  }
0x242: {  	v4 =	vld.idx.msk [tilespmem:v2+s15+$0x7C0 ss:$0x1], $0xffff;
	_ =	sdelay $0x4  }
0x243: {  	v4 =	vmul.f32 v4, v3;
	_ =	sdelay $0x1  }
0x244: {  	[tilespmem:v2+s15+$0x7C0 ss:$0x1] =	vst.idx.msk $0xffff, v4  }
0x245: {  	v4 =	vld.idx.msk [tilespmem:v2+s15+$0x7D0 ss:$0x1], $0xffff;
	_ =	sdelay $0x4  }
0x246: {  	v4 =	vmul.f32 v4, v3;
	_ =	sdelay $0x1  }
0x247: {  	[tilespmem:v2+s15+$0x7D0 ss:$0x1] =	vst.idx.msk $0xffff, v4  }
0x248: {  	v4 =	vld.idx.msk [tilespmem:v2+s15+$0x7E0 ss:$0x1], $0xffff;
	_ =	sdelay $0x4  }
0x249: {  	v4 =	vmul.f32 v4, v3;
	_ =	sdelay $0x1  }
0x24a: {  	[tilespmem:v2+s15+$0x7E0 ss:$0x1] =	vst.idx.msk $0xffff, v4  }
0x24b: {  	v4 =	vld.idx.msk [tilespmem:v2+s15+$0x7F0 ss:$0x1], $0xffff;
	_ =	sdelay $0x1  }
0x24c: {  	p1 =	sne.s32 s14, $0x7  }
.Ltmp5:
0x24d: {  	_ = 	snop;
	(pc) =	sbr.rel @p1 .LBB2_5-.Ltmp5, $3  }
0x24e: {  	_ = 	snop  }
0x24f: {  	v3 =	vmul.f32 v4, v3;
	_ =	sdelay $0x1  }
0x250: {  	s14 =	sadd.s32 $0x1, s14;
	[tilespmem:v2+s15+$0x7F0 ss:$0x1] =	vst.idx.msk $0xffff, v3  }
0x251: {  	p1 =	sne.s32 s13, $0x0  }
0x252: {  	s13 =	simm.s32 @p1 $0x80;
	s14 =	simm.s32 @p1 $0x1880;
	s15 =	simm.s32 @p1 $0x5900  }
0x253: {  	[spmem:s1] =	stream.indirect.scatter.add.f32 @p1 [tilespmem:s15], [sflag:$0x6], $0x80, s14, s13, $0xb8;
	[tilespmem:$0x1D180] =	vst v63  }
0x254: {  	s13 =	simm.s32 @!p1 $0x80;
	s14 =	simm.s32 @!p1 $0x1800;
	s15 =	simm.s32 @!p1 $0x1900  }
0x255: {  	[spmem:s1] =	stream.indirect.scatter.add.f32 @!p1 [tilespmem:s15], [sflag:$0x5], $0x80, s14, s13, $0xb8;
	[tilespmem:$0x1D180] =	vst v63  }
0x256: {  	p1 =	sne.s32 @!p4 s3, $0x7  }
0x257: {  	p1 =	por p4, p1  }
.Ltmp6:
0x258: {  	_ = 	snop;
	(pc) =	sbr.rel @!p1 .LBB2_7-.Ltmp6, $1  }
0x259: {  	_ =	sdelay $0x3  }
0x25a: {  	p1 =	seq.s32 s0, $0x1DF  }
.Ltmp7:
0x25b: {  	_ = 	snop;
	(pc) =	sbr.rel @p1 .LBB2_17-.Ltmp7, $1  }
0x25c: {  	_ =	sdelay $0x3  }
0x25d: {  	p1 =	seq.s32 s0, $0x0  }
.Ltmp8:
0x25e: {  	_ = 	snop;
	(pc) =	sbr.rel @p1 .LBB2_10-.Ltmp8, $1  }
0x25f: {  	_ =	sdelay $0x3  }
.Ltmp9:
0x260: {  	(pc) =	sbr.rel @!p5 .LBB2_12-.Ltmp9, $3  }
0x261: {  	_ =	sdelay $0x1  }
0x262: {  	s0 =	sadd.s32 $0x1, s0  }
0x263: {  	s3 =	sand.u32 $0x7, s0  }
0x264: {  	s13 =	sand.u32 $0x8, s0  }
0x265: {  	p1 =	seq.s32 s13, $0x0  }
.Ltmp10:
0x266: {  	_ = 	snop;
	(pc) =	sbr.rel @p1 .LBB2_14-.Ltmp10, $4  }
0x267: {  	_ = 	snop  }
0x268: {  	_ =	swait.ge [sflag:s30], $0x4000  }
0x269: {  	[sflag:s30] =	ssyncset.done $0x0  }
0x26a: {  	[sflag:s30] =	ssyncadd.s32 $0xFFFFC000  }
.Ltmp11:
0x26b: {  	(pc) =	sbr.rel .LBB2_16-.Ltmp11, $4  }
0x26c: {  	_ = 	snop  }
0x26d: {  	s3 =	sshll.u32 s3, $0x8  }
0x26e: {  	s3 =	sor.u32 $0x800, s3  }
0x26f: {  	[tilespmem:s31], [sflag:$0x4] =	stream.indirect.gather [hbm4b:s4+s28], $0x80, s3, s28, $0xb8;
	[tilespmem:$0x1D180] =	vst v63  }
.LBB2_10:
0x270: {  	s3 =	simm.s32 $0x1;
	s0 =	simm.s32 $0x1  }
.LBB2_14:
.Ltmp12:
0x271: {  	(pc) =	sbr.rel .LBB2_16-.Ltmp12, $3  }
0x272: {  	_ =	sdelay $0x1  }
0x273: {  	s3 =	sshll.u32 s3, $0x8  }
0x274: {  	[tilespmem:s31], [sflag:$0x4] =	stream.indirect.gather [hbm4b:s4+s28], $0x80, s3, s28, $0xb8;
	[tilespmem:$0x1D180] =	vst v63  }
.LBB2_18:
0x275: {  	_ =	sfence.sel $0x180000  }
0x276: {  	[bflag:$0x0] =	sbarrier.arrive $0xFFFF  }
0x277: {  	_ =	strace $0x90000047  }
0x278: {  	s0 =	stileid.u32;
	[bflag:$0x2] =	sbarrier.arrive $0xFFFF  }
0x279: {  	p0 =	sne.s32 s0, $0x0;
	s0 =	rddreg [dreg:$0x2]  }
0x27a: {  	s0 =	sadd.s32 @!p0 $0x100000, s0  }
0x27b: {  	[sflag:s0] =	ssyncadd.tile.s32 @!p0 $0x1;
	_ =	shalt  }
.Lfunc_end2:
_tile_overlayer_lowered:
.L_overlay_start_2:
0x27c: {  	(tag) =	ssettag $0x2  }
0x27d: {  	s0 =	rddreg [dreg:$0x0];
	s2 =	stileid.u32  }
0x27e: {  	s1 =	rddreg [dreg:$0x1];
	p0 =	sne.s32 s2, $0x0  }
0x27f: {  	s3 =	rddreg [dreg:$0x2];
	[bflag:$0x3] =	sbarrier.arrive $0xFFFF;
	s2 =	simm.s32 @!p0 $0x1C07  }
0x280: {  	[timem:s3], [sflag:s2] =	dma.local @!p0 [hbm:s0], s1  }
0x281: {  	s0 =	simm.s32 @!p0 $0x7  }
0x282: {  	_ =	swait.ge @!p0 [sflag:s0], s1  }
0x283: {  	s1 =	ssub.s32 @!p0 $0x0, s1;
	[sflag:s0] =	ssyncset.done @!p0 $0x0  }
0x284: {  	[sflag:s0] =	ssyncadd.s32 @!p0 s1  }
0x285: {  	[bflag:$0x3] =	sbarrier.arrive $0xFFFF  }
0x286: {  	_ =	shalt  }

</sc_bundles>
